<compile_context>
chip_gen: v7x
topology: tpu7x:2x2x1
jax: 0.10.2.dev20260603
libtpu: 0.0.44.dev20260713+nightly
codegen_flags: <defaults>
</compile_context>

<pallas_src>
import functools

import jax
import jax.numpy as jnp
from jax import lax
from jax.experimental import pallas as pl
from jax.experimental.pallas import tpu as pltpu
from jax.experimental.pallas import tpu_sc as plsc

N_SUB, N_MACH = 10000, 1000
H, EMB = 128, 64
SUB_DIM = H + 2 * EMB
MACH_DIM = EMB
E_DEP, E_USES, E_UB = 160000, 20000, 20000
EPS = 1e-5

NC, NS = 2, 16
NW = NC * NS
CH = 128
CHZ = 128

W1 = H + 8
W2 = H
A_DEP = 10016
A_SM = 1008
STR_DEP = A_DEP // NS
STR_SM = A_SM // NS
DEP_NCH = (E_DEP // NW + CH - 1) // CH
SM_NCH = (E_USES // NW + CH - 1) // CH

BLK = 2000

_PREC = lax.Precision.DEFAULT


def _gln(x, g, b):
    mu = jnp.mean(x)
    sd = jnp.sqrt(jnp.var(x)) + EPS
    return (x - mu) / sd * g + b


def _count_cols(n):
    col = lax.broadcasted_iota(jnp.int32, (n, 8), 1)
    return jnp.where(col == 0, 1.0, 0.0).astype(jnp.float32)


def _tc_project1(x_sub, x_mach, wcat_s, wcat_m):
    def body(xs, xm, ws, wm, t_dep, t_uses, rsub, t_ub, rmach):
        y = jnp.dot(xs[...], ws[...], preferred_element_type=jnp.float32,
                    precision=_PREC)
        pad = _count_cols(BLK)
        t_dep[:, :H] = y[:, :H]
        t_dep[:, H:] = pad
        t_uses[:, :H] = y[:, H:2 * H]
        t_uses[:, H:] = pad
        rsub[...] = y[:, 2 * H:]
        ym = jnp.dot(xm[...], wm[...], preferred_element_type=jnp.float32,
                     precision=_PREC)
        t_ub[:, :H] = ym[:, :H]
        t_ub[:, H:] = _count_cols(N_MACH)
        rmach[...] = ym[:, H:]

    outs = (
        jax.ShapeDtypeStruct((N_SUB, W1), jnp.float32),
        jax.ShapeDtypeStruct((N_SUB, W1), jnp.float32),
        jax.ShapeDtypeStruct((N_SUB, H), jnp.float32),
        jax.ShapeDtypeStruct((N_MACH, W1), jnp.float32),
        jax.ShapeDtypeStruct((N_MACH, H), jnp.float32),
    )
    return pl.pallas_call(
        body,
        grid=(N_SUB // BLK,),
        in_specs=[pl.BlockSpec((BLK, SUB_DIM), lambda i: (i, 0)),
                  pl.BlockSpec((N_MACH, MACH_DIM), lambda i: (0, 0)),
                  pl.BlockSpec((SUB_DIM, 3 * H), lambda i: (0, 0)),
                  pl.BlockSpec((MACH_DIM, 2 * H), lambda i: (0, 0))],
        out_specs=(pl.BlockSpec((BLK, W1), lambda i: (i, 0)),
                   pl.BlockSpec((BLK, W1), lambda i: (i, 0)),
                   pl.BlockSpec((BLK, H), lambda i: (i, 0)),
                   pl.BlockSpec((N_MACH, W1), lambda i: (0, 0)),
                   pl.BlockSpec((N_MACH, H), lambda i: (0, 0))),
        out_shape=outs,
    )(x_sub, x_mach, wcat_s, wcat_m)


def _make_sc_dep(width):
    mesh = plsc.VectorSubcoreMesh(core_axis_name="c", subcore_axis_name="s")
    out_type = jax.ShapeDtypeStruct((NC, A_DEP, width), jnp.float32)
    scratch = [
        pltpu.VMEM_SHARED((A_DEP, width), jnp.float32),
        pltpu.VMEM((CH, width), jnp.float32),
        pltpu.VMEM((CH, width), jnp.float32),
        pltpu.VMEM((DEP_NCH, CH), jnp.int32),
        pltpu.VMEM((DEP_NCH, CH), jnp.int32),
        pltpu.SemaphoreType.DMA,
        pltpu.SemaphoreType.DMA,
    ]

    @functools.partial(pl.kernel, out_type=out_type, mesh=mesh,
                       scratch_types=scratch,
                       compiler_params=pltpu.CompilerParams(
                           use_tc_tiling_on_sc=False))
    def sc_dep(zeros_hbm, t_dep, dep_src, dep_dst, o_dep,
               acc, buf0, buf1, isrc, idst, sem0, sem1):
        c = lax.axis_index("c")
        s = lax.axis_index("s")
        wid = s * NC + c

        base = s * STR_DEP
        rem = STR_DEP - 4 * CHZ

        @pl.loop(0, 4)
        def _(j):
            pltpu.sync_copy(zeros_hbm, acc.at[pl.ds(base + j * CHZ, CHZ)])

        pltpu.sync_copy(zeros_hbm.at[pl.ds(0, rem)],
                        acc.at[pl.ds(base + 4 * CHZ, rem)])
        plsc.subcore_barrier()

        pltpu.sync_copy(dep_src.at[wid], isrc)
        pltpu.sync_copy(dep_dst.at[wid], idst)

        pltpu.async_copy(t_dep.at[isrc.at[0]], buf0, sem0)

        @pl.loop(0, DEP_NCH // 2)
        def _(it):
            j = it * 2
            pltpu.make_async_copy(t_dep.at[isrc.at[j]], buf0, sem0).wait()
            pltpu.async_copy(t_dep.at[isrc.at[j + 1]], buf1, sem1)
            pltpu.sync_copy(buf0, acc.at[idst.at[j]], add=True)
            pltpu.make_async_copy(t_dep.at[isrc.at[j + 1]], buf1, sem1).wait()

            @pl.when(j + 2 < DEP_NCH)
            def _():
                pltpu.async_copy(t_dep.at[isrc.at[j + 2]], buf0, sem0)

            pltpu.sync_copy(buf1, acc.at[idst.at[j + 1]], add=True)

        plsc.subcore_barrier()

        @pl.loop(0, 4)
        def _(j):
            pltpu.sync_copy(acc.at[pl.ds(base + j * CHZ, CHZ)],
                            o_dep.at[c, pl.ds(base + j * CHZ, CHZ)])

        pltpu.sync_copy(acc.at[pl.ds(base + 4 * CHZ, rem)],
                        o_dep.at[c, pl.ds(base + 4 * CHZ, rem)])

    return sc_dep


def _make_sc_small(width):
    mesh = plsc.VectorSubcoreMesh(core_axis_name="c", subcore_axis_name="s")
    out_type = (
        jax.ShapeDtypeStruct((NC, A_SM, width), jnp.float32),
        jax.ShapeDtypeStruct((NC, A_SM, width), jnp.float32),
    )
    scratch = [
        pltpu.VMEM_SHARED((A_SM, width), jnp.float32),
        pltpu.VMEM_SHARED((A_SM, width), jnp.float32),
        pltpu.VMEM((CH, width), jnp.float32),
        pltpu.VMEM((CH, width), jnp.float32),
        pltpu.VMEM((SM_NCH, CH), jnp.int32),
        pltpu.VMEM((SM_NCH, CH), jnp.int32),
        pltpu.VMEM((SM_NCH, CH), jnp.int32),
        pltpu.VMEM((SM_NCH, CH), jnp.int32),
        pltpu.SemaphoreType.DMA,
        pltpu.SemaphoreType.DMA,
    ]

    @functools.partial(pl.kernel, out_type=out_type, mesh=mesh,
                       scratch_types=scratch,
                       compiler_params=pltpu.CompilerParams(
                           use_tc_tiling_on_sc=False))
    def sc_small(zeros_hbm, t_ub, t_uses, ub_src, ub_dst, us_src, us_dst,
                 o_ub, o_uses,
                 acc_ub, acc_uses, buf0, buf1, iu_s, iu_d, is_s, is_d,
                 sem0, sem1):
        c = lax.axis_index("c")
        s = lax.axis_index("s")
        wid = s * NC + c

        sbase = s * STR_SM
        pltpu.sync_copy(zeros_hbm.at[pl.ds(0, STR_SM)],
                        acc_ub.at[pl.ds(sbase, STR_SM)])
        pltpu.sync_copy(zeros_hbm.at[pl.ds(0, STR_SM)],
                        acc_uses.at[pl.ds(sbase, STR_SM)])
        plsc.subcore_barrier()

        pltpu.sync_copy(ub_src.at[wid], iu_s)
        pltpu.sync_copy(ub_dst.at[wid], iu_d)
        pltpu.sync_copy(us_src.at[wid], is_s)
        pltpu.sync_copy(us_dst.at[wid], is_d)

        chunks = ([(t_ub, acc_ub, iu_s, iu_d, k) for k in range(SM_NCH)]
                  + [(t_uses, acc_uses, is_s, is_d, k) for k in range(SM_NCH)])
        bufs = (buf0, buf1)
        sems = (sem0, sem1)

        def g_ref(i):
            tbl, _, isr, _, kk = chunks[i]
            return tbl.at[isr.at[kk]]

        def s_ref(i):
            _, acc_, _, ids, kk = chunks[i]
            return acc_.at[ids.at[kk]]

        pltpu.async_copy(g_ref(0), bufs[0], sems[0])
        for k in range(len(chunks)):
            b = k % 2
            pltpu.make_async_copy(g_ref(k), bufs[b], sems[b]).wait()
            if k + 1 < len(chunks):
                pltpu.async_copy(g_ref(k + 1), bufs[1 - b], sems[1 - b])
            pltpu.sync_copy(bufs[b], s_ref(k), add=True)

        plsc.subcore_barrier()

        pltpu.sync_copy(acc_ub.at[pl.ds(sbase, STR_SM)],
                        o_ub.at[c, pl.ds(sbase, STR_SM)])
        pltpu.sync_copy(acc_uses.at[pl.ds(sbase, STR_SM)],
                        o_uses.at[c, pl.ds(sbase, STR_SM)])

    return sc_small


_sc_dep_l1 = _make_sc_dep(W1)
_sc_dep_l2 = _make_sc_dep(W2)
_sc_small_l1 = _make_sc_small(W1)
_sc_small_l2 = _make_sc_small(W2)


def _tc_combine1(s_dep, s_ub, s_uses, rsub1, rmach1, lnp, bp, w2m):
    def body(sd_, su_, ss_, rs, rm, ln, b, wm2,
             o_sub1, o_machr, o_tub2, o_rmach2, o_cd, o_cu, o_cs):
        sd = sd_[0] + sd_[1]
        su = su_[0] + su_[1]
        ss = ss_[0] + ss_[1]
        cnt_d = jnp.maximum(sd[:N_SUB, H], 1.0)
        cnt_u = jnp.maximum(su[:N_MACH, H], 1.0)
        cnt_s = jnp.maximum(ss[:N_MACH, H], 1.0)
        mean_d = sd[:N_SUB, :H] / cnt_d[:, None]
        mean_u = su[:N_MACH, :H] / cnt_u[:, None]
        mean_s = ss[:N_MACH, :H] / cnt_s[:, None]
        mean_u_pad = jnp.concatenate(
            [mean_u, jnp.zeros((N_SUB - N_MACH, H), jnp.float32)], axis=0)
        o_sub1[...] = mean_d + mean_u_pad + rs[...] + b[0]
        mach1 = mean_s + rm[...] + b[1]
        machr = jax.nn.relu(_gln(mach1, ln[2], ln[3]))
        o_machr[...] = machr
        y2m = jnp.dot(machr, wm2[...], preferred_element_type=jnp.float32,
                      precision=_PREC)
        o_tub2[...] = y2m[:, :H]
        o_rmach2[...] = y2m[:, H:] + b[4]
        o_cd[...] = cnt_d[:, None]
        o_cu[...] = cnt_u[:, None]
        o_cs[...] = cnt_s[:, None]

    outs = (
        jax.ShapeDtypeStruct((N_SUB, H), jnp.float32),
        jax.ShapeDtypeStruct((N_MACH, H), jnp.float32),
        jax.ShapeDtypeStruct((N_MACH, W2), jnp.float32),
        jax.ShapeDtypeStruct((N_MACH, H), jnp.float32),
        jax.ShapeDtypeStruct((N_SUB, 1), jnp.float32),
        jax.ShapeDtypeStruct((N_MACH, 1), jnp.float32),
        jax.ShapeDtypeStruct((N_MACH, 1), jnp.float32),
    )
    return pl.pallas_call(body, out_shape=outs)(
        s_dep, s_ub, s_uses, rsub1, rmach1, lnp, bp, w2m)


def _tc_sub_chain1(sub1, lnp, bp, w_lin1):
    def body(x, ln, b, wl, o):
        suba = jax.nn.relu(_gln(x[...], ln[0], ln[1]))
        lin = jnp.dot(suba, wl[...], preferred_element_type=jnp.float32,
                      precision=_PREC) + b[2]
        o[...] = jax.nn.relu(_gln(lin, ln[4], ln[5]))

    outs = jax.ShapeDtypeStruct((N_SUB, H), jnp.float32)
    return pl.pallas_call(body, out_shape=outs)(sub1, lnp, bp, w_lin1)


def _tc_project2_sub(subr, w2s, bp):
    def body(x, ws, b, t_dep2, t_uses2, rsub2):
        y = jnp.dot(x[...], ws[...], preferred_element_type=jnp.float32,
                    precision=_PREC)
        t_dep2[...] = y[:, :H]
        t_uses2[...] = y[:, H:2 * H]
        rsub2[...] = y[:, 2 * H:] + b[3]

    outs = (
        jax.ShapeDtypeStruct((N_SUB, W2), jnp.float32),
        jax.ShapeDtypeStruct((N_SUB, W2), jnp.float32),
        jax.ShapeDtypeStruct((N_SUB, H), jnp.float32),
    )
    return pl.pallas_call(
        body,
        grid=(N_SUB // BLK,),
        in_specs=[pl.BlockSpec((BLK, H), lambda i: (i, 0)),
                  pl.BlockSpec((H, 3 * H), lambda i: (0, 0)),
                  pl.BlockSpec((5, H), lambda i: (0, 0))],
        out_specs=(pl.BlockSpec((BLK, W2), lambda i: (i, 0)),
                   pl.BlockSpec((BLK, W2), lambda i: (i, 0)),
                   pl.BlockSpec((BLK, H), lambda i: (i, 0))),
        out_shape=outs,
    )(subr, w2s, bp)


def _tc_final(s2d, s2u, s2s, cd, cu, cs, rsub2, rmach2, subres, machres,
              w_lin2, lnp2):
    def body(sd_, su_, ss_, cd_, cu_, cs_, rs2, rm2, srs, mres, wl2, ln,
             o_sub, o_mach):
        mean_d = (sd_[0] + sd_[1])[:N_SUB, :] / cd_[...]
        mean_u = (su_[0] + su_[1])[:N_MACH, :] / cu_[...]
        mean_s = (ss_[0] + ss_[1])[:N_MACH, :] / cs_[...]
        mean_u_pad = jnp.concatenate(
            [mean_u, jnp.zeros((N_SUB - N_MACH, H), jnp.float32)], axis=0)
        sub2 = mean_d + mean_u_pad + rs2[...]
        o_mach[...] = mean_s + rm2[...] + mres[...]
        a = jax.nn.relu(_gln(sub2, ln[0], ln[1]))
        lin = jnp.dot(a, wl2[...], preferred_element_type=jnp.float32,
                      precision=_PREC) + ln[4]
        o_sub[...] = jax.nn.relu(_gln(lin, ln[2], ln[3])) + srs[...]

    outs = (
        jax.ShapeDtypeStruct((N_SUB, H), jnp.float32),
        jax.ShapeDtypeStruct((N_MACH, H), jnp.float32),
    )
    return pl.pallas_call(body, out_shape=outs)(
        s2d, s2u, s2s, cd, cu, cs, rsub2, rmach2, subres, machres,
        w_lin2, lnp2)


def _pad_edges(ei, nch, dummy):
    per = ei.shape[1] // NW
    padded = nch * CH
    src = jnp.pad(ei[0].reshape(NW, per), ((0, 0), (0, padded - per)),
                  constant_values=0)
    dst = jnp.pad(ei[1].reshape(NW, per), ((0, 0), (0, padded - per)),
                  constant_values=dummy)
    return src.reshape(NW, nch, CH), dst.reshape(NW, nch, CH)


def kernel(x_subjob, x_machine, params, edge_index_depends_on,
           edge_index_uses, edge_index_used_by):
    p = params
    wcat_s1 = jnp.concatenate(
        [p["Wl_dep1"], p["Wl_uses1"], p["Wr_dep1"] + p["Wr_ub1"]], axis=1)
    wcat_m1 = jnp.concatenate([p["Wl_ub1"], p["Wr_uses1"]], axis=1)
    w2s = jnp.concatenate(
        [p["Wl_dep2"], p["Wl_uses2"], p["Wr_dep2"] + p["Wr_ub2"]], axis=1)
    w2m = jnp.concatenate([p["Wl_ub2"], p["Wr_uses2"]], axis=1)
    lnp = jnp.stack([p["g_n1_sub"], p["beta_n1_sub"], p["g_n1_mach"],
                     p["beta_n1_mach"], p["g_n4"], p["beta_n4"]])
    bp = jnp.stack([p["bl_dep1"] + p["bl_ub1"], p["bl_uses1"], p["b_lin1"],
                    p["bl_dep2"] + p["bl_ub2"], p["bl_uses2"]])
    lnp2 = jnp.stack([p["g_n2"], p["beta_n2"], p["g_n3"], p["beta_n3"],
                      p["b_lin2"]])

    dep_src, dep_dst = _pad_edges(edge_index_depends_on, DEP_NCH, N_SUB)
    ub_src, ub_dst = _pad_edges(edge_index_used_by, SM_NCH, N_MACH)
    us_src, us_dst = _pad_edges(edge_index_uses, SM_NCH, N_MACH)

    t_dep1, t_uses1, rsub1, t_ub1, rmach1 = _tc_project1(
        x_subjob, x_machine, wcat_s1, wcat_m1)

    z1 = jnp.zeros((CHZ, W1), jnp.float32)
    s_dep = _sc_dep_l1(z1, t_dep1, dep_src, dep_dst)
    s_ub, s_uses = _sc_small_l1(
        z1, t_ub1, t_uses1, ub_src, ub_dst, us_src, us_dst)

    sub1, machres, t_ub2, rmach2, cd, cu, cs = _tc_combine1(
        s_dep, s_ub, s_uses, rsub1, rmach1, lnp, bp, w2m)
    subres = _tc_sub_chain1(sub1, lnp, bp, p["W_lin1"])

    t_dep2, t_uses2, rsub2 = _tc_project2_sub(subres, w2s, bp)

    z2 = jnp.zeros((CHZ, W2), jnp.float32)
    s_dep2 = _sc_dep_l2(z2, t_dep2, dep_src, dep_dst)
    s_ub2, s_uses2 = _sc_small_l2(
        z2, t_ub2, t_uses2, ub_src, ub_dst, us_src, us_dst)

    return _tc_final(s_dep2, s_ub2, s_uses2, cd, cu, cs, rsub2, rmach2,
                     subres, machres, p["W_lin2"], lnp2)

# --- scband reference (transcript-rebuilt; emitter-appended) ---
"""Pipeline reference for scband-custom-gnn-64707977281665 (READ-ONLY COPY).

The authoritative reference and input builder live on the scoring server;
editing this copy changes nothing except your own understanding.
"""

import jax, jax.numpy as jnp
import numpy as np

N_SUB, N_MACH = 10000, 1000
H, EMB = 128, 64
SUB_DIM = H + 2 * EMB
MACH_DIM = EMB
E_DEP, E_USES, E_UB = 160000, 20000, 20000
EPS = 1e-5


def _lin_init(key, fin, fout):
    return jax.random.normal(key, (fin, fout), dtype=jnp.float32) / np.sqrt(fin)


def make_params(key):
    ks = jax.random.split(key, 20)
    i = [0]
    def nx():
        k = ks[i[0]]; i[0] += 1
        return k
    p = {}
    for name, fsrc, fdst in [("dep1", SUB_DIM, SUB_DIM), ("uses1", SUB_DIM, MACH_DIM), ("ub1", MACH_DIM, SUB_DIM), ("dep2", H, H), ("uses2", H, H), ("ub2", H, H)]:
        p["Wl_" + name] = _lin_init(nx(), fsrc, H)
        p["bl_" + name] = jnp.zeros((H,), jnp.float32)
        p["Wr_" + name] = _lin_init(nx(), fdst, H)
    p["W_lin1"] = _lin_init(nx(), H, H); p["b_lin1"] = jnp.zeros((H,), jnp.float32)
    p["W_lin2"] = _lin_init(nx(), H, H); p["b_lin2"] = jnp.zeros((H,), jnp.float32)
    for nm in ["n1_sub", "n1_mach", "n2", "n3", "n4"]:
        p["g_" + nm] = jnp.ones((H,), jnp.float32)
        p["beta_" + nm] = jnp.zeros((H,), jnp.float32)
    return p


def sage(x_src, x_dst, edge_index, Wl, bl, Wr):
    # PyG SAGEConv: mean-aggregate source features at dst, lin_l(aggr) + lin_r(x_dst)
    src, dst = edge_index[0], edge_index[1]
    n_dst = x_dst.shape[0]
    agg = jax.ops.segment_sum(x_src[src], dst, num_segments=n_dst)
    cnt = jax.ops.segment_sum(jnp.ones((src.shape[0],), x_src.dtype), dst, num_segments=n_dst)
    mean = agg / jnp.clip(cnt, 1.0)[:, None]
    return mean @ Wl + bl + x_dst @ Wr


def graph_ln(x, g, b):
    # PyG LayerNorm mode='graph' (single graph): normalize over all nodes and feats
    m = jnp.mean(x)
    s = jnp.sqrt(jnp.var(x))
    return (x - m) / (s + EPS) * g + b


def setup_inputs(seed: int = 0):
    key = jax.random.key(seed)
    k1, k2, k3, k4, k5, kp = jax.random.split(key, 6)
    return {
        "x_subjob": jax.random.normal(k1, (N_SUB, SUB_DIM), dtype=jnp.float32),
        "x_machine": jax.random.normal(k2, (N_MACH, MACH_DIM), dtype=jnp.float32),
        "params": make_params(kp),
        "edge_index_depends_on": jax.random.randint(k3, (2, E_DEP), 0, N_SUB, dtype=jnp.int32),
        "edge_index_uses": jax.random.randint(k4, (2, E_USES), 0, N_MACH, dtype=jnp.int32),
        "edge_index_used_by": jax.random.randint(k5, (2, E_UB), 0, N_MACH, dtype=jnp.int32),
    }


def reference(x_subjob, x_machine, params, edge_index_depends_on, edge_index_uses, edge_index_used_by):
    p = params
    # conv1 (HeteroConv aggr='sum' over edge types sharing dst type)
    sub = sage(x_subjob, x_subjob, edge_index_depends_on, p["Wl_dep1"], p["bl_dep1"], p["Wr_dep1"]) \
        + sage(x_machine, x_subjob, edge_index_used_by, p["Wl_ub1"], p["bl_ub1"], p["Wr_ub1"])
    mach = sage(x_subjob, x_machine, edge_index_uses, p["Wl_uses1"], p["bl_uses1"], p["Wr_uses1"])
    sub = jax.nn.relu(graph_ln(sub, p["g_n1_sub"], p["beta_n1_sub"]))
    mach = jax.nn.relu(graph_ln(mach, p["g_n1_mach"], p["beta_n1_mach"]))
    sub = jax.nn.relu(graph_ln(sub @ p["W_lin1"] + p["b_lin1"], p["g_n4"], p["beta_n4"]))
    sub_res, mach_res = sub, mach
    # conv2
    sub2 = sage(sub, sub, edge_index_depends_on, p["Wl_dep2"], p["bl_dep2"], p["Wr_dep2"]) \
         + sage(mach, sub, edge_index_used_by, p["Wl_ub2"], p["bl_ub2"], p["Wr_ub2"])
    mach2 = sage(sub, mach, edge_index_uses, p["Wl_uses2"], p["bl_uses2"], p["Wr_uses2"])
    sub2 = jax.nn.relu(graph_ln(sub2, p["g_n2"], p["beta_n2"]))
    sub2 = jax.nn.relu(graph_ln(sub2 @ p["W_lin2"] + p["b_lin2"], p["g_n3"], p["beta_n3"]))
    return (sub2 + sub_res, mach2 + mach_res)

if __name__ == "__main__":
    import jax
    _d = setup_inputs()
    print(jax.jit(kernel)(*tuple(_d.values())))

</pallas_src>

<mosaic_0001>
#map = affine_map<(d0, d1) -> (0, 0)>
#map1 = affine_map<(d0, d1) -> (0, 0, 0)>
module attributes {stable_mosaic.version = 14 : i64} {
  func.func @sc_small(%arg0: i32, %arg1: i32, %arg2: memref<128x136xf32, #tpu.memory_space<hbm>>, %arg3: memref<1000x136xf32, #tpu.memory_space<hbm>>, %arg4: memref<10000x136xf32, #tpu.memory_space<hbm>>, %arg5: memref<32x5x128xi32, #tpu.memory_space<hbm>>, %arg6: memref<32x5x128xi32, #tpu.memory_space<hbm>>, %arg7: memref<32x5x128xi32, #tpu.memory_space<hbm>>, %arg8: memref<32x5x128xi32, #tpu.memory_space<hbm>>, %arg9: memref<2x1008x136xf32, #tpu.memory_space<hbm>>, %arg10: memref<2x1008x136xf32, #tpu.memory_space<hbm>>, %arg11: memref<1008x136xf32, #tpu.memory_space<vmem_shared>>, %arg12: memref<1008x136xf32, #tpu.memory_space<vmem_shared>>, %arg13: memref<128x136xf32, #tpu.memory_space<vmem>>, %arg14: memref<128x136xf32, #tpu.memory_space<vmem>>, %arg15: memref<5x128xi32, #tpu.memory_space<vmem>>, %arg16: memref<5x128xi32, #tpu.memory_space<vmem>>, %arg17: memref<5x128xi32, #tpu.memory_space<vmem>>, %arg18: memref<5x128xi32, #tpu.memory_space<vmem>>, %arg19: memref<!tpu.dma_semaphore, #tpu.memory_space<semaphore_mem>>, %arg20: memref<!tpu.dma_semaphore, #tpu.memory_space<semaphore_mem>>) attributes {dimension_semantics = [#tpu.dimension_semantics<core_parallel>, #tpu.dimension_semantics<subcore_parallel>], iteration_bounds = array<i64: 2, 16>, scalar_prefetch = 0 : i64, scratch_operands = 10 : i64, tpu.core_type = #tpu.core_type<sc_vector_subcore>, window_params = [{transform_indices = #map}, {transform_indices = #map}, {transform_indices = #map}, {transform_indices = #map1}, {transform_indices = #map1}, {transform_indices = #map1}, {transform_indices = #map1}, {transform_indices = #map1}, {transform_indices = #map1}]} {
    %mul3A = arith.constant 2 : i32
    %mul3A_0 = arith.muli %arg1, %mul3A : i32
    %add3A = arith.addi %mul3A_0, %arg0 : i32
    %mul3A_1 = arith.constant 63 : i32
    %mul3A_2 = arith.muli %arg1, %mul3A_1 : i32
    "tpu.region"() ({
      %run_scoped3A_151 = tpu.sem_alloc : memref<!tpu.dma_semaphore, #tpu.memory_space<semaphore_mem>>
      %dma_start3A_152 = arith.constant 0 : i32
      %dma_start3A_153 = tpu.memref_slice %arg11[%mul3A_2, %dma_start3A_152] : memref<1008x136xf32, #tpu.memory_space<vmem_shared>> -> memref<63x136xf32, #tpu.memory_space<vmem_shared>>
      %dma_start3A_154 = arith.constant 0 : i32
      %dma_start3A_155 = arith.constant 0 : i32
      %dma_start3A_156 = tpu.memref_slice %arg2[%dma_start3A_154, %dma_start3A_155] : memref<128x136xf32, #tpu.memory_space<hbm>> -> memref<63x136xf32, #tpu.memory_space<hbm>>
      tpu.enqueue_dma source(%dma_start3A_156 : memref<63x136xf32, #tpu.memory_space<hbm>>) target(%dma_start3A_153 : memref<63x136xf32, #tpu.memory_space<vmem_shared>>) target_semaphore(%run_scoped3A_151 : memref<!tpu.dma_semaphore, #tpu.memory_space<semaphore_mem>>)
      %dma_wait3A_157 = arith.constant 0 : i32
      %dma_wait3A_158 = tpu.memref_slice %arg11[%mul3A_2, %dma_wait3A_157] : memref<1008x136xf32, #tpu.memory_space<vmem_shared>> -> memref<63x136xf32, #tpu.memory_space<vmem_shared>>
      %dma_wait3A_159 = arith.constant 0 : i32
      %dma_wait3A_160 = arith.constant 0 : i32
      %dma_wait3A_161 = tpu.memref_slice %arg2[%dma_wait3A_159, %dma_wait3A_160] : memref<128x136xf32, #tpu.memory_space<hbm>> -> memref<63x136xf32, #tpu.memory_space<hbm>>
      tpu.wait_dma2 semaphore(%run_scoped3A_151 : memref<!tpu.dma_semaphore, #tpu.memory_space<semaphore_mem>>) src(%dma_wait3A_161 : memref<63x136xf32, #tpu.memory_space<hbm>>) dst(%dma_wait3A_158 : memref<63x136xf32, #tpu.memory_space<vmem_shared>>)
      tpu.yield
    }) : () -> ()
    "tpu.region"() ({
      %run_scoped3A_151 = tpu.sem_alloc : memref<!tpu.dma_semaphore, #tpu.memory_space<semaphore_mem>>
      %dma_start3A_152 = arith.constant 0 : i32
      %dma_start3A_153 = tpu.memref_slice %arg12[%mul3A_2, %dma_start3A_152] : memref<1008x136xf32, #tpu.memory_space<vmem_shared>> -> memref<63x136xf32, #tpu.memory_space<vmem_shared>>
      %dma_start3A_154 = arith.constant 0 : i32
      %dma_start3A_155 = arith.constant 0 : i32
      %dma_start3A_156 = tpu.memref_slice %arg2[%dma_start3A_154, %dma_start3A_155] : memref<128x136xf32, #tpu.memory_space<hbm>> -> memref<63x136xf32, #tpu.memory_space<hbm>>
      tpu.enqueue_dma source(%dma_start3A_156 : memref<63x136xf32, #tpu.memory_space<hbm>>) target(%dma_start3A_153 : memref<63x136xf32, #tpu.memory_space<vmem_shared>>) target_semaphore(%run_scoped3A_151 : memref<!tpu.dma_semaphore, #tpu.memory_space<semaphore_mem>>)
      %dma_wait3A_157 = arith.constant 0 : i32
      %dma_wait3A_158 = tpu.memref_slice %arg12[%mul3A_2, %dma_wait3A_157] : memref<1008x136xf32, #tpu.memory_space<vmem_shared>> -> memref<63x136xf32, #tpu.memory_space<vmem_shared>>
      %dma_wait3A_159 = arith.constant 0 : i32
      %dma_wait3A_160 = arith.constant 0 : i32
      %dma_wait3A_161 = tpu.memref_slice %arg2[%dma_wait3A_159, %dma_wait3A_160] : memref<128x136xf32, #tpu.memory_space<hbm>> -> memref<63x136xf32, #tpu.memory_space<hbm>>
      tpu.wait_dma2 semaphore(%run_scoped3A_151 : memref<!tpu.dma_semaphore, #tpu.memory_space<semaphore_mem>>) src(%dma_wait3A_161 : memref<63x136xf32, #tpu.memory_space<hbm>>) dst(%dma_wait3A_158 : memref<63x136xf32, #tpu.memory_space<vmem_shared>>)
      tpu.yield
    }) : () -> ()
    %barrier3A = arith.constant 0 : index
    tpu.barrier barrier_id(%barrier3A)
    "tpu.region"() ({
      %run_scoped3A_151 = tpu.sem_alloc : memref<!tpu.dma_semaphore, #tpu.memory_space<semaphore_mem>>
      %dma_start3A_152 = arith.constant 0 : i32
      %dma_start3A_153 = arith.constant 0 : i32
      %dma_start3A_154 = tpu.memref_slice %arg5[%add3A, %dma_start3A_152, %dma_start3A_153] : memref<32x5x128xi32, #tpu.memory_space<hbm>> -> memref<1x5x128xi32, #tpu.memory_space<hbm>>
      %dma_start3A_155 = tpu.memref_squeeze %dma_start3A_154 : memref<1x5x128xi32, #tpu.memory_space<hbm>> -> memref<5x128xi32, #tpu.memory_space<hbm>>
      %dma_start3A_156 = arith.constant 0 : i32
      %dma_start3A_157 = arith.constant 0 : i32
      %dma_start3A_158 = tpu.memref_slice %arg5[%add3A, %dma_start3A_156, %dma_start3A_157] : memref<32x5x128xi32, #tpu.memory_space<hbm>> -> memref<1x5x128xi32, #tpu.memory_space<hbm>>
      %dma_start3A_159 = tpu.memref_squeeze %dma_start3A_158 : memref<1x5x128xi32, #tpu.memory_space<hbm>> -> memref<5x128xi32, #tpu.memory_space<hbm>>
      tpu.enqueue_dma source(%dma_start3A_159 : memref<5x128xi32, #tpu.memory_space<hbm>>) target(%arg15 : memref<5x128xi32, #tpu.memory_space<vmem>>) target_semaphore(%run_scoped3A_151 : memref<!tpu.dma_semaphore, #tpu.memory_space<semaphore_mem>>)
      %dma_wait3A_160 = arith.constant 0 : i32
      %dma_wait3A_161 = arith.constant 0 : i32
      %dma_wait3A_162 = tpu.memref_slice %arg5[%add3A, %dma_wait3A_160, %dma_wait3A_161] : memref<32x5x128xi32, #tpu.memory_space<hbm>> -> memref<1x5x128xi32, #tpu.memory_space<hbm>>
      %dma_wait3A_163 = tpu.memref_squeeze %dma_wait3A_162 : memref<1x5x128xi32, #tpu.memory_space<hbm>> -> memref<5x128xi32, #tpu.memory_space<hbm>>
      %dma_wait3A_164 = arith.constant 0 : i32
      %dma_wait3A_165 = arith.constant 0 : i32
      %dma_wait3A_166 = tpu.memref_slice %arg5[%add3A, %dma_wait3A_164, %dma_wait3A_165] : memref<32x5x128xi32, #tpu.memory_space<hbm>> -> memref<1x5x128xi32, #tpu.memory_space<hbm>>
      %dma_wait3A_167 = tpu.memref_squeeze %dma_wait3A_166 : memref<1x5x128xi32, #tpu.memory_space<hbm>> -> memref<5x128xi32, #tpu.memory_space<hbm>>
      tpu.wait_dma2 semaphore(%run_scoped3A_151 : memref<!tpu.dma_semaphore, #tpu.memory_space<semaphore_mem>>) src(%dma_wait3A_167 : memref<5x128xi32, #tpu.memory_space<hbm>>) dst(%arg15 : memref<5x128xi32, #tpu.memory_space<vmem>>)
      tpu.yield
    }) : () -> ()
    "tpu.region"() ({
      %run_scoped3A_151 = tpu.sem_alloc : memref<!tpu.dma_semaphore, #tpu.memory_space<semaphore_mem>>
      %dma_start3A_152 = arith.constant 0 : i32
      %dma_start3A_153 = arith.constant 0 : i32
      %dma_start3A_154 = tpu.memref_slice %arg6[%add3A, %dma_start3A_152, %dma_start3A_153] : memref<32x5x128xi32, #tpu.memory_space<hbm>> -> memref<1x5x128xi32, #tpu.memory_space<hbm>>
      %dma_start3A_155 = tpu.memref_squeeze %dma_start3A_154 : memref<1x5x128xi32, #tpu.memory_space<hbm>> -> memref<5x128xi32, #tpu.memory_space<hbm>>
      %dma_start3A_156 = arith.constant 0 : i32
      %dma_start3A_157 = arith.constant 0 : i32
      %dma_start3A_158 = tpu.memref_slice %arg6[%add3A, %dma_start3A_156, %dma_start3A_157] : memref<32x5x128xi32, #tpu.memory_space<hbm>> -> memref<1x5x128xi32, #tpu.memory_space<hbm>>
      %dma_start3A_159 = tpu.memref_squeeze %dma_start3A_158 : memref<1x5x128xi32, #tpu.memory_space<hbm>> -> memref<5x128xi32, #tpu.memory_space<hbm>>
      tpu.enqueue_dma source(%dma_start3A_159 : memref<5x128xi32, #tpu.memory_space<hbm>>) target(%arg16 : memref<5x128xi32, #tpu.memory_space<vmem>>) target_semaphore(%run_scoped3A_151 : memref<!tpu.dma_semaphore, #tpu.memory_space<semaphore_mem>>)
      %dma_wait3A_160 = arith.constant 0 : i32
      %dma_wait3A_161 = arith.constant 0 : i32
      %dma_wait3A_162 = tpu.memref_slice %arg6[%add3A, %dma_wait3A_160, %dma_wait3A_161] : memref<32x5x128xi32, #tpu.memory_space<hbm>> -> memref<1x5x128xi32, #tpu.memory_space<hbm>>
      %dma_wait3A_163 = tpu.memref_squeeze %dma_wait3A_162 : memref<1x5x128xi32, #tpu.memory_space<hbm>> -> memref<5x128xi32, #tpu.memory_space<hbm>>
      %dma_wait3A_164 = arith.constant 0 : i32
      %dma_wait3A_165 = arith.constant 0 : i32
      %dma_wait3A_166 = tpu.memref_slice %arg6[%add3A, %dma_wait3A_164, %dma_wait3A_165] : memref<32x5x128xi32, #tpu.memory_space<hbm>> -> memref<1x5x128xi32, #tpu.memory_space<hbm>>
      %dma_wait3A_167 = tpu.memref_squeeze %dma_wait3A_166 : memref<1x5x128xi32, #tpu.memory_space<hbm>> -> memref<5x128xi32, #tpu.memory_space<hbm>>
      tpu.wait_dma2 semaphore(%run_scoped3A_151 : memref<!tpu.dma_semaphore, #tpu.memory_space<semaphore_mem>>) src(%dma_wait3A_167 : memref<5x128xi32, #tpu.memory_space<hbm>>) dst(%arg16 : memref<5x128xi32, #tpu.memory_space<vmem>>)
      tpu.yield
    }) : () -> ()
    "tpu.region"() ({
      %run_scoped3A_151 = tpu.sem_alloc : memref<!tpu.dma_semaphore, #tpu.memory_space<semaphore_mem>>
      %dma_start3A_152 = arith.constant 0 : i32
      %dma_start3A_153 = arith.constant 0 : i32
      %dma_start3A_154 = tpu.memref_slice %arg7[%add3A, %dma_start3A_152, %dma_start3A_153] : memref<32x5x128xi32, #tpu.memory_space<hbm>> -> memref<1x5x128xi32, #tpu.memory_space<hbm>>
      %dma_start3A_155 = tpu.memref_squeeze %dma_start3A_154 : memref<1x5x128xi32, #tpu.memory_space<hbm>> -> memref<5x128xi32, #tpu.memory_space<hbm>>
      %dma_start3A_156 = arith.constant 0 : i32
      %dma_start3A_157 = arith.constant 0 : i32
      %dma_start3A_158 = tpu.memref_slice %arg7[%add3A, %dma_start3A_156, %dma_start3A_157] : memref<32x5x128xi32, #tpu.memory_space<hbm>> -> memref<1x5x128xi32, #tpu.memory_space<hbm>>
      %dma_start3A_159 = tpu.memref_squeeze %dma_start3A_158 : memref<1x5x128xi32, #tpu.memory_space<hbm>> -> memref<5x128xi32, #tpu.memory_space<hbm>>
      tpu.enqueue_dma source(%dma_start3A_159 : memref<5x128xi32, #tpu.memory_space<hbm>>) target(%arg17 : memref<5x128xi32, #tpu.memory_space<vmem>>) target_semaphore(%run_scoped3A_151 : memref<!tpu.dma_semaphore, #tpu.memory_space<semaphore_mem>>)
      %dma_wait3A_160 = arith.constant 0 : i32
      %dma_wait3A_161 = arith.constant 0 : i32
      %dma_wait3A_162 = tpu.memref_slice %arg7[%add3A, %dma_wait3A_160, %dma_wait3A_161] : memref<32x5x128xi32, #tpu.memory_space<hbm>> -> memref<1x5x128xi32, #tpu.memory_space<hbm>>
      %dma_wait3A_163 = tpu.memref_squeeze %dma_wait3A_162 : memref<1x5x128xi32, #tpu.memory_space<hbm>> -> memref<5x128xi32, #tpu.memory_space<hbm>>
      %dma_wait3A_164 = arith.constant 0 : i32
      %dma_wait3A_165 = arith.constant 0 : i32
      %dma_wait3A_166 = tpu.memref_slice %arg7[%add3A, %dma_wait3A_164, %dma_wait3A_165] : memref<32x5x128xi32, #tpu.memory_space<hbm>> -> memref<1x5x128xi32, #tpu.memory_space<hbm>>
      %dma_wait3A_167 = tpu.memref_squeeze %dma_wait3A_166 : memref<1x5x128xi32, #tpu.memory_space<hbm>> -> memref<5x128xi32, #tpu.memory_space<hbm>>
      tpu.wait_dma2 semaphore(%run_scoped3A_151 : memref<!tpu.dma_semaphore, #tpu.memory_space<semaphore_mem>>) src(%dma_wait3A_167 : memref<5x128xi32, #tpu.memory_space<hbm>>) dst(%arg17 : memref<5x128xi32, #tpu.memory_space<vmem>>)
      tpu.yield
    }) : () -> ()
    "tpu.region"() ({
      %run_scoped3A_151 = tpu.sem_alloc : memref<!tpu.dma_semaphore, #tpu.memory_space<semaphore_mem>>
      %dma_start3A_152 = arith.constant 0 : i32
      %dma_start3A_153 = arith.constant 0 : i32
      %dma_start3A_154 = tpu.memref_slice %arg8[%add3A, %dma_start3A_152, %dma_start3A_153] : memref<32x5x128xi32, #tpu.memory_space<hbm>> -> memref<1x5x128xi32, #tpu.memory_space<hbm>>
      %dma_start3A_155 = tpu.memref_squeeze %dma_start3A_154 : memref<1x5x128xi32, #tpu.memory_space<hbm>> -> memref<5x128xi32, #tpu.memory_space<hbm>>
      %dma_start3A_156 = arith.constant 0 : i32
      %dma_start3A_157 = arith.constant 0 : i32
      %dma_start3A_158 = tpu.memref_slice %arg8[%add3A, %dma_start3A_156, %dma_start3A_157] : memref<32x5x128xi32, #tpu.memory_space<hbm>> -> memref<1x5x128xi32, #tpu.memory_space<hbm>>
      %dma_start3A_159 = tpu.memref_squeeze %dma_start3A_158 : memref<1x5x128xi32, #tpu.memory_space<hbm>> -> memref<5x128xi32, #tpu.memory_space<hbm>>
      tpu.enqueue_dma source(%dma_start3A_159 : memref<5x128xi32, #tpu.memory_space<hbm>>) target(%arg18 : memref<5x128xi32, #tpu.memory_space<vmem>>) target_semaphore(%run_scoped3A_151 : memref<!tpu.dma_semaphore, #tpu.memory_space<semaphore_mem>>)
      %dma_wait3A_160 = arith.constant 0 : i32
      %dma_wait3A_161 = arith.constant 0 : i32
      %dma_wait3A_162 = tpu.memref_slice %arg8[%add3A, %dma_wait3A_160, %dma_wait3A_161] : memref<32x5x128xi32, #tpu.memory_space<hbm>> -> memref<1x5x128xi32, #tpu.memory_space<hbm>>
      %dma_wait3A_163 = tpu.memref_squeeze %dma_wait3A_162 : memref<1x5x128xi32, #tpu.memory_space<hbm>> -> memref<5x128xi32, #tpu.memory_space<hbm>>
      %dma_wait3A_164 = arith.constant 0 : i32
      %dma_wait3A_165 = arith.constant 0 : i32
      %dma_wait3A_166 = tpu.memref_slice %arg8[%add3A, %dma_wait3A_164, %dma_wait3A_165] : memref<32x5x128xi32, #tpu.memory_space<hbm>> -> memref<1x5x128xi32, #tpu.memory_space<hbm>>
      %dma_wait3A_167 = tpu.memref_squeeze %dma_wait3A_166 : memref<1x5x128xi32, #tpu.memory_space<hbm>> -> memref<5x128xi32, #tpu.memory_space<hbm>>
      tpu.wait_dma2 semaphore(%run_scoped3A_151 : memref<!tpu.dma_semaphore, #tpu.memory_space<semaphore_mem>>) src(%dma_wait3A_167 : memref<5x128xi32, #tpu.memory_space<hbm>>) dst(%arg18 : memref<5x128xi32, #tpu.memory_space<vmem>>)
      tpu.yield
    }) : () -> ()
    %dma_start3A = arith.constant 0 : i32
    %dma_start3A_3 = arith.constant 0 : i32
    %dma_start3A_4 = tpu.memref_slice %arg15[%dma_start3A, %dma_start3A_3] : memref<5x128xi32, #tpu.memory_space<vmem>> -> memref<1x128xi32, #tpu.memory_space<vmem>>
    %dma_start3A_5 = tpu.memref_squeeze %dma_start3A_4 : memref<1x128xi32, #tpu.memory_space<vmem>> -> memref<128xi32, #tpu.memory_space<vmem>>
    %dma_start3A_6 = arith.constant 0 : i32
    %dma_start3A_7 = arith.constant 0 : i32
    %dma_start3A_8 = tpu.memref_slice %arg3[%dma_start3A_6, %dma_start3A_7] : memref<1000x136xf32, #tpu.memory_space<hbm>> -> memref<1000x136xf32, #tpu.memory_space<hbm>>
    tpu.enqueue_indirect_dma source(%dma_start3A_8 : memref<1000x136xf32, #tpu.memory_space<hbm>>) target(%arg13 : memref<128x136xf32, #tpu.memory_space<vmem>>) offsets(%dma_start3A_5 : memref<128xi32, #tpu.memory_space<vmem>>) semaphore(%arg19 : memref<!tpu.dma_semaphore, #tpu.memory_space<semaphore_mem>>)
    %dma_wait3A = arith.constant 0 : i32
    %dma_wait3A_9 = arith.constant 0 : i32
    %dma_wait3A_10 = tpu.memref_slice %arg15[%dma_wait3A, %dma_wait3A_9] : memref<5x128xi32, #tpu.memory_space<vmem>> -> memref<1x128xi32, #tpu.memory_space<vmem>>
    %dma_wait3A_11 = tpu.memref_squeeze %dma_wait3A_10 : memref<1x128xi32, #tpu.memory_space<vmem>> -> memref<128xi32, #tpu.memory_space<vmem>>
    %dma_wait3A_12 = arith.constant 0 : i32
    %dma_wait3A_13 = arith.constant 0 : i32
    %dma_wait3A_14 = tpu.memref_slice %arg3[%dma_wait3A_12, %dma_wait3A_13] : memref<1000x136xf32, #tpu.memory_space<hbm>> -> memref<1000x136xf32, #tpu.memory_space<hbm>>
    tpu.wait_indirect_dma semaphore(%arg19 : memref<!tpu.dma_semaphore, #tpu.memory_space<semaphore_mem>>) src(%dma_wait3A_14 : memref<1000x136xf32, #tpu.memory_space<hbm>>) dst(%arg13 : memref<128x136xf32, #tpu.memory_space<vmem>>)
    %dma_start3A_15 = arith.constant 1 : i32
    %dma_start3A_16 = arith.constant 0 : i32
    %dma_start3A_17 = tpu.memref_slice %arg15[%dma_start3A_15, %dma_start3A_16] : memref<5x128xi32, #tpu.memory_space<vmem>> -> memref<1x128xi32, #tpu.memory_space<vmem>>
    %dma_start3A_18 = tpu.memref_squeeze %dma_start3A_17 : memref<1x128xi32, #tpu.memory_space<vmem>> -> memref<128xi32, #tpu.memory_space<vmem>>
    %dma_start3A_19 = arith.constant 0 : i32
    %dma_start3A_20 = arith.constant 0 : i32
    %dma_start3A_21 = tpu.memref_slice %arg3[%dma_start3A_19, %dma_start3A_20] : memref<1000x136xf32, #tpu.memory_space<hbm>> -> memref<1000x136xf32, #tpu.memory_space<hbm>>
    tpu.enqueue_indirect_dma source(%dma_start3A_21 : memref<1000x136xf32, #tpu.memory_space<hbm>>) target(%arg14 : memref<128x136xf32, #tpu.memory_space<vmem>>) offsets(%dma_start3A_18 : memref<128xi32, #tpu.memory_space<vmem>>) semaphore(%arg20 : memref<!tpu.dma_semaphore, #tpu.memory_space<semaphore_mem>>)
    %run_scoped3A = arith.constant 0 : i32
    "tpu.region"() ({
      %run_scoped3A_151 = tpu.sem_alloc : memref<!tpu.dma_semaphore, #tpu.memory_space<semaphore_mem>>
      %dma_start3A_152 = arith.constant 0 : i32
      %dma_start3A_153 = tpu.memref_slice %arg16[%run_scoped3A, %dma_start3A_152] : memref<5x128xi32, #tpu.memory_space<vmem>> -> memref<1x128xi32, #tpu.memory_space<vmem>>
      %dma_start3A_154 = tpu.memref_squeeze %dma_start3A_153 : memref<1x128xi32, #tpu.memory_space<vmem>> -> memref<128xi32, #tpu.memory_space<vmem>>
      %dma_start3A_155 = arith.constant 0 : i32
      %dma_start3A_156 = arith.constant 0 : i32
      %dma_start3A_157 = tpu.memref_slice %arg11[%dma_start3A_155, %dma_start3A_156] : memref<1008x136xf32, #tpu.memory_space<vmem_shared>> -> memref<1008x136xf32, #tpu.memory_space<vmem_shared>>
      tpu.enqueue_indirect_dma source(%arg13 : memref<128x136xf32, #tpu.memory_space<vmem>>) target(%dma_start3A_157 : memref<1008x136xf32, #tpu.memory_space<vmem_shared>>) offsets(%dma_start3A_154 : memref<128xi32, #tpu.memory_space<vmem>>) semaphore(%run_scoped3A_151 : memref<!tpu.dma_semaphore, #tpu.memory_space<semaphore_mem>>) {add = true}
      %dma_wait3A_158 = arith.constant 0 : i32
      %dma_wait3A_159 = tpu.memref_slice %arg16[%run_scoped3A, %dma_wait3A_158] : memref<5x128xi32, #tpu.memory_space<vmem>> -> memref<1x128xi32, #tpu.memory_space<vmem>>
      %dma_wait3A_160 = tpu.memref_squeeze %dma_wait3A_159 : memref<1x128xi32, #tpu.memory_space<vmem>> -> memref<128xi32, #tpu.memory_space<vmem>>
      %dma_wait3A_161 = arith.constant 0 : i32
      %dma_wait3A_162 = arith.constant 0 : i32
      %dma_wait3A_163 = tpu.memref_slice %arg11[%dma_wait3A_161, %dma_wait3A_162] : memref<1008x136xf32, #tpu.memory_space<vmem_shared>> -> memref<1008x136xf32, #tpu.memory_space<vmem_shared>>
      tpu.wait_indirect_dma semaphore(%run_scoped3A_151 : memref<!tpu.dma_semaphore, #tpu.memory_space<semaphore_mem>>) src(%arg13 : memref<128x136xf32, #tpu.memory_space<vmem>>) dst(%dma_wait3A_163 : memref<1008x136xf32, #tpu.memory_space<vmem_shared>>)
      tpu.yield
    }) : () -> ()
    %dma_wait3A_22 = arith.constant 1 : i32
    %dma_wait3A_23 = arith.constant 0 : i32
    %dma_wait3A_24 = tpu.memref_slice %arg15[%dma_wait3A_22, %dma_wait3A_23] : memref<5x128xi32, #tpu.memory_space<vmem>> -> memref<1x128xi32, #tpu.memory_space<vmem>>
    %dma_wait3A_25 = tpu.memref_squeeze %dma_wait3A_24 : memref<1x128xi32, #tpu.memory_space<vmem>> -> memref<128xi32, #tpu.memory_space<vmem>>
    %dma_wait3A_26 = arith.constant 0 : i32
    %dma_wait3A_27 = arith.constant 0 : i32
    %dma_wait3A_28 = tpu.memref_slice %arg3[%dma_wait3A_26, %dma_wait3A_27] : memref<1000x136xf32, #tpu.memory_space<hbm>> -> memref<1000x136xf32, #tpu.memory_space<hbm>>
    tpu.wait_indirect_dma semaphore(%arg20 : memref<!tpu.dma_semaphore, #tpu.memory_space<semaphore_mem>>) src(%dma_wait3A_28 : memref<1000x136xf32, #tpu.memory_space<hbm>>) dst(%arg14 : memref<128x136xf32, #tpu.memory_space<vmem>>)
    %dma_start3A_29 = arith.constant 2 : i32
    %dma_start3A_30 = arith.constant 0 : i32
    %dma_start3A_31 = tpu.memref_slice %arg15[%dma_start3A_29, %dma_start3A_30] : memref<5x128xi32, #tpu.memory_space<vmem>> -> memref<1x128xi32, #tpu.memory_space<vmem>>
    %dma_start3A_32 = tpu.memref_squeeze %dma_start3A_31 : memref<1x128xi32, #tpu.memory_space<vmem>> -> memref<128xi32, #tpu.memory_space<vmem>>
    %dma_start3A_33 = arith.constant 0 : i32
    %dma_start3A_34 = arith.constant 0 : i32
    %dma_start3A_35 = tpu.memref_slice %arg3[%dma_start3A_33, %dma_start3A_34] : memref<1000x136xf32, #tpu.memory_space<hbm>> -> memref<1000x136xf32, #tpu.memory_space<hbm>>
    tpu.enqueue_indirect_dma source(%dma_start3A_35 : memref<1000x136xf32, #tpu.memory_space<hbm>>) target(%arg13 : memref<128x136xf32, #tpu.memory_space<vmem>>) offsets(%dma_start3A_32 : memref<128xi32, #tpu.memory_space<vmem>>) semaphore(%arg19 : memref<!tpu.dma_semaphore, #tpu.memory_space<semaphore_mem>>)
    %run_scoped3A_36 = arith.constant 1 : i32
    "tpu.region"() ({
      %run_scoped3A_151 = tpu.sem_alloc : memref<!tpu.dma_semaphore, #tpu.memory_space<semaphore_mem>>
      %dma_start3A_152 = arith.constant 0 : i32
      %dma_start3A_153 = tpu.memref_slice %arg16[%run_scoped3A_36, %dma_start3A_152] : memref<5x128xi32, #tpu.memory_space<vmem>> -> memref<1x128xi32, #tpu.memory_space<vmem>>
      %dma_start3A_154 = tpu.memref_squeeze %dma_start3A_153 : memref<1x128xi32, #tpu.memory_space<vmem>> -> memref<128xi32, #tpu.memory_space<vmem>>
      %dma_start3A_155 = arith.constant 0 : i32
      %dma_start3A_156 = arith.constant 0 : i32
      %dma_start3A_157 = tpu.memref_slice %arg11[%dma_start3A_155, %dma_start3A_156] : memref<1008x136xf32, #tpu.memory_space<vmem_shared>> -> memref<1008x136xf32, #tpu.memory_space<vmem_shared>>
      tpu.enqueue_indirect_dma source(%arg14 : memref<128x136xf32, #tpu.memory_space<vmem>>) target(%dma_start3A_157 : memref<1008x136xf32, #tpu.memory_space<vmem_shared>>) offsets(%dma_start3A_154 : memref<128xi32, #tpu.memory_space<vmem>>) semaphore(%run_scoped3A_151 : memref<!tpu.dma_semaphore, #tpu.memory_space<semaphore_mem>>) {add = true}
      %dma_wait3A_158 = arith.constant 0 : i32
      %dma_wait3A_159 = tpu.memref_slice %arg16[%run_scoped3A_36, %dma_wait3A_158] : memref<5x128xi32, #tpu.memory_space<vmem>> -> memref<1x128xi32, #tpu.memory_space<vmem>>
      %dma_wait3A_160 = tpu.memref_squeeze %dma_wait3A_159 : memref<1x128xi32, #tpu.memory_space<vmem>> -> memref<128xi32, #tpu.memory_space<vmem>>
      %dma_wait3A_161 = arith.constant 0 : i32
      %dma_wait3A_162 = arith.constant 0 : i32
      %dma_wait3A_163 = tpu.memref_slice %arg11[%dma_wait3A_161, %dma_wait3A_162] : memref<1008x136xf32, #tpu.memory_space<vmem_shared>> -> memref<1008x136xf32, #tpu.memory_space<vmem_shared>>
      tpu.wait_indirect_dma semaphore(%run_scoped3A_151 : memref<!tpu.dma_semaphore, #tpu.memory_space<semaphore_mem>>) src(%arg14 : memref<128x136xf32, #tpu.memory_space<vmem>>) dst(%dma_wait3A_163 : memref<1008x136xf32, #tpu.memory_space<vmem_shared>>)
      tpu.yield
    }) : () -> ()
    %dma_wait3A_37 = arith.constant 2 : i32
    %dma_wait3A_38 = arith.constant 0 : i32
    %dma_wait3A_39 = tpu.memref_slice %arg15[%dma_wait3A_37, %dma_wait3A_38] : memref<5x128xi32, #tpu.memory_space<vmem>> -> memref<1x128xi32, #tpu.memory_space<vmem>>
    %dma_wait3A_40 = tpu.memref_squeeze %dma_wait3A_39 : memref<1x128xi32, #tpu.memory_space<vmem>> -> memref<128xi32, #tpu.memory_space<vmem>>
    %dma_wait3A_41 = arith.constant 0 : i32
    %dma_wait3A_42 = arith.constant 0 : i32
    %dma_wait3A_43 = tpu.memref_slice %arg3[%dma_wait3A_41, %dma_wait3A_42] : memref<1000x136xf32, #tpu.memory_space<hbm>> -> memref<1000x136xf32, #tpu.memory_space<hbm>>
    tpu.wait_indirect_dma semaphore(%arg19 : memref<!tpu.dma_semaphore, #tpu.memory_space<semaphore_mem>>) src(%dma_wait3A_43 : memref<1000x136xf32, #tpu.memory_space<hbm>>) dst(%arg13 : memref<128x136xf32, #tpu.memory_space<vmem>>)
    %dma_start3A_44 = arith.constant 3 : i32
    %dma_start3A_45 = arith.constant 0 : i32
    %dma_start3A_46 = tpu.memref_slice %arg15[%dma_start3A_44, %dma_start3A_45] : memref<5x128xi32, #tpu.memory_space<vmem>> -> memref<1x128xi32, #tpu.memory_space<vmem>>
    %dma_start3A_47 = tpu.memref_squeeze %dma_start3A_46 : memref<1x128xi32, #tpu.memory_space<vmem>> -> memref<128xi32, #tpu.memory_space<vmem>>
    %dma_start3A_48 = arith.constant 0 : i32
    %dma_start3A_49 = arith.constant 0 : i32
    %dma_start3A_50 = tpu.memref_slice %arg3[%dma_start3A_48, %dma_start3A_49] : memref<1000x136xf32, #tpu.memory_space<hbm>> -> memref<1000x136xf32, #tpu.memory_space<hbm>>
    tpu.enqueue_indirect_dma source(%dma_start3A_50 : memref<1000x136xf32, #tpu.memory_space<hbm>>) target(%arg14 : memref<128x136xf32, #tpu.memory_space<vmem>>) offsets(%dma_start3A_47 : memref<128xi32, #tpu.memory_space<vmem>>) semaphore(%arg20 : memref<!tpu.dma_semaphore, #tpu.memory_space<semaphore_mem>>)
    %run_scoped3A_51 = arith.constant 2 : i32
    "tpu.region"() ({
      %run_scoped3A_151 = tpu.sem_alloc : memref<!tpu.dma_semaphore, #tpu.memory_space<semaphore_mem>>
      %dma_start3A_152 = arith.constant 0 : i32
      %dma_start3A_153 = tpu.memref_slice %arg16[%run_scoped3A_51, %dma_start3A_152] : memref<5x128xi32, #tpu.memory_space<vmem>> -> memref<1x128xi32, #tpu.memory_space<vmem>>
      %dma_start3A_154 = tpu.memref_squeeze %dma_start3A_153 : memref<1x128xi32, #tpu.memory_space<vmem>> -> memref<128xi32, #tpu.memory_space<vmem>>
      %dma_start3A_155 = arith.constant 0 : i32
      %dma_start3A_156 = arith.constant 0 : i32
      %dma_start3A_157 = tpu.memref_slice %arg11[%dma_start3A_155, %dma_start3A_156] : memref<1008x136xf32, #tpu.memory_space<vmem_shared>> -> memref<1008x136xf32, #tpu.memory_space<vmem_shared>>
      tpu.enqueue_indirect_dma source(%arg13 : memref<128x136xf32, #tpu.memory_space<vmem>>) target(%dma_start3A_157 : memref<1008x136xf32, #tpu.memory_space<vmem_shared>>) offsets(%dma_start3A_154 : memref<128xi32, #tpu.memory_space<vmem>>) semaphore(%run_scoped3A_151 : memref<!tpu.dma_semaphore, #tpu.memory_space<semaphore_mem>>) {add = true}
      %dma_wait3A_158 = arith.constant 0 : i32
      %dma_wait3A_159 = tpu.memref_slice %arg16[%run_scoped3A_51, %dma_wait3A_158] : memref<5x128xi32, #tpu.memory_space<vmem>> -> memref<1x128xi32, #tpu.memory_space<vmem>>
      %dma_wait3A_160 = tpu.memref_squeeze %dma_wait3A_159 : memref<1x128xi32, #tpu.memory_space<vmem>> -> memref<128xi32, #tpu.memory_space<vmem>>
      %dma_wait3A_161 = arith.constant 0 : i32
      %dma_wait3A_162 = arith.constant 0 : i32
      %dma_wait3A_163 = tpu.memref_slice %arg11[%dma_wait3A_161, %dma_wait3A_162] : memref<1008x136xf32, #tpu.memory_space<vmem_shared>> -> memref<1008x136xf32, #tpu.memory_space<vmem_shared>>
      tpu.wait_indirect_dma semaphore(%run_scoped3A_151 : memref<!tpu.dma_semaphore, #tpu.memory_space<semaphore_mem>>) src(%arg13 : memref<128x136xf32, #tpu.memory_space<vmem>>) dst(%dma_wait3A_163 : memref<1008x136xf32, #tpu.memory_space<vmem_shared>>)
      tpu.yield
    }) : () -> ()
    %dma_wait3A_52 = arith.constant 3 : i32
    %dma_wait3A_53 = arith.constant 0 : i32
    %dma_wait3A_54 = tpu.memref_slice %arg15[%dma_wait3A_52, %dma_wait3A_53] : memref<5x128xi32, #tpu.memory_space<vmem>> -> memref<1x128xi32, #tpu.memory_space<vmem>>
    %dma_wait3A_55 = tpu.memref_squeeze %dma_wait3A_54 : memref<1x128xi32, #tpu.memory_space<vmem>> -> memref<128xi32, #tpu.memory_space<vmem>>
    %dma_wait3A_56 = arith.constant 0 : i32
    %dma_wait3A_57 = arith.constant 0 : i32
    %dma_wait3A_58 = tpu.memref_slice %arg3[%dma_wait3A_56, %dma_wait3A_57] : memref<1000x136xf32, #tpu.memory_space<hbm>> -> memref<1000x136xf32, #tpu.memory_space<hbm>>
    tpu.wait_indirect_dma semaphore(%arg20 : memref<!tpu.dma_semaphore, #tpu.memory_space<semaphore_mem>>) src(%dma_wait3A_58 : memref<1000x136xf32, #tpu.memory_space<hbm>>) dst(%arg14 : memref<128x136xf32, #tpu.memory_space<vmem>>)
    %dma_start3A_59 = arith.constant 4 : i32
    %dma_start3A_60 = arith.constant 0 : i32
    %dma_start3A_61 = tpu.memref_slice %arg15[%dma_start3A_59, %dma_start3A_60] : memref<5x128xi32, #tpu.memory_space<vmem>> -> memref<1x128xi32, #tpu.memory_space<vmem>>
    %dma_start3A_62 = tpu.memref_squeeze %dma_start3A_61 : memref<1x128xi32, #tpu.memory_space<vmem>> -> memref<128xi32, #tpu.memory_space<vmem>>
    %dma_start3A_63 = arith.constant 0 : i32
    %dma_start3A_64 = arith.constant 0 : i32
    %dma_start3A_65 = tpu.memref_slice %arg3[%dma_start3A_63, %dma_start3A_64] : memref<1000x136xf32, #tpu.memory_space<hbm>> -> memref<1000x136xf32, #tpu.memory_space<hbm>>
    tpu.enqueue_indirect_dma source(%dma_start3A_65 : memref<1000x136xf32, #tpu.memory_space<hbm>>) target(%arg13 : memref<128x136xf32, #tpu.memory_space<vmem>>) offsets(%dma_start3A_62 : memref<128xi32, #tpu.memory_space<vmem>>) semaphore(%arg19 : memref<!tpu.dma_semaphore, #tpu.memory_space<semaphore_mem>>)
    %run_scoped3A_66 = arith.constant 3 : i32
    "tpu.region"() ({
      %run_scoped3A_151 = tpu.sem_alloc : memref<!tpu.dma_semaphore, #tpu.memory_space<semaphore_mem>>
      %dma_start3A_152 = arith.constant 0 : i32
      %dma_start3A_153 = tpu.memref_slice %arg16[%run_scoped3A_66, %dma_start3A_152] : memref<5x128xi32, #tpu.memory_space<vmem>> -> memref<1x128xi32, #tpu.memory_space<vmem>>
      %dma_start3A_154 = tpu.memref_squeeze %dma_start3A_153 : memref<1x128xi32, #tpu.memory_space<vmem>> -> memref<128xi32, #tpu.memory_space<vmem>>
      %dma_start3A_155 = arith.constant 0 : i32
      %dma_start3A_156 = arith.constant 0 : i32
      %dma_start3A_157 = tpu.memref_slice %arg11[%dma_start3A_155, %dma_start3A_156] : memref<1008x136xf32, #tpu.memory_space<vmem_shared>> -> memref<1008x136xf32, #tpu.memory_space<vmem_shared>>
      tpu.enqueue_indirect_dma source(%arg14 : memref<128x136xf32, #tpu.memory_space<vmem>>) target(%dma_start3A_157 : memref<1008x136xf32, #tpu.memory_space<vmem_shared>>) offsets(%dma_start3A_154 : memref<128xi32, #tpu.memory_space<vmem>>) semaphore(%run_scoped3A_151 : memref<!tpu.dma_semaphore, #tpu.memory_space<semaphore_mem>>) {add = true}
      %dma_wait3A_158 = arith.constant 0 : i32
      %dma_wait3A_159 = tpu.memref_slice %arg16[%run_scoped3A_66, %dma_wait3A_158] : memref<5x128xi32, #tpu.memory_space<vmem>> -> memref<1x128xi32, #tpu.memory_space<vmem>>
      %dma_wait3A_160 = tpu.memref_squeeze %dma_wait3A_159 : memref<1x128xi32, #tpu.memory_space<vmem>> -> memref<128xi32, #tpu.memory_space<vmem>>
      %dma_wait3A_161 = arith.constant 0 : i32
      %dma_wait3A_162 = arith.constant 0 : i32
      %dma_wait3A_163 = tpu.memref_slice %arg11[%dma_wait3A_161, %dma_wait3A_162] : memref<1008x136xf32, #tpu.memory_space<vmem_shared>> -> memref<1008x136xf32, #tpu.memory_space<vmem_shared>>
      tpu.wait_indirect_dma semaphore(%run_scoped3A_151 : memref<!tpu.dma_semaphore, #tpu.memory_space<semaphore_mem>>) src(%arg14 : memref<128x136xf32, #tpu.memory_space<vmem>>) dst(%dma_wait3A_163 : memref<1008x136xf32, #tpu.memory_space<vmem_shared>>)
      tpu.yield
    }) : () -> ()
    %dma_wait3A_67 = arith.constant 4 : i32
    %dma_wait3A_68 = arith.constant 0 : i32
    %dma_wait3A_69 = tpu.memref_slice %arg15[%dma_wait3A_67, %dma_wait3A_68] : memref<5x128xi32, #tpu.memory_space<vmem>> -> memref<1x128xi32, #tpu.memory_space<vmem>>
    %dma_wait3A_70 = tpu.memref_squeeze %dma_wait3A_69 : memref<1x128xi32, #tpu.memory_space<vmem>> -> memref<128xi32, #tpu.memory_space<vmem>>
    %dma_wait3A_71 = arith.constant 0 : i32
    %dma_wait3A_72 = arith.constant 0 : i32
    %dma_wait3A_73 = tpu.memref_slice %arg3[%dma_wait3A_71, %dma_wait3A_72] : memref<1000x136xf32, #tpu.memory_space<hbm>> -> memref<1000x136xf32, #tpu.memory_space<hbm>>
    tpu.wait_indirect_dma semaphore(%arg19 : memref<!tpu.dma_semaphore, #tpu.memory_space<semaphore_mem>>) src(%dma_wait3A_73 : memref<1000x136xf32, #tpu.memory_space<hbm>>) dst(%arg13 : memref<128x136xf32, #tpu.memory_space<vmem>>)
    %dma_start3A_74 = arith.constant 0 : i32
    %dma_start3A_75 = arith.constant 0 : i32
    %dma_start3A_76 = tpu.memref_slice %arg17[%dma_start3A_74, %dma_start3A_75] : memref<5x128xi32, #tpu.memory_space<vmem>> -> memref<1x128xi32, #tpu.memory_space<vmem>>
    %dma_start3A_77 = tpu.memref_squeeze %dma_start3A_76 : memref<1x128xi32, #tpu.memory_space<vmem>> -> memref<128xi32, #tpu.memory_space<vmem>>
    %dma_start3A_78 = arith.constant 0 : i32
    %dma_start3A_79 = arith.constant 0 : i32
    %dma_start3A_80 = tpu.memref_slice %arg4[%dma_start3A_78, %dma_start3A_79] : memref<10000x136xf32, #tpu.memory_space<hbm>> -> memref<10000x136xf32, #tpu.memory_space<hbm>>
    tpu.enqueue_indirect_dma source(%dma_start3A_80 : memref<10000x136xf32, #tpu.memory_space<hbm>>) target(%arg14 : memref<128x136xf32, #tpu.memory_space<vmem>>) offsets(%dma_start3A_77 : memref<128xi32, #tpu.memory_space<vmem>>) semaphore(%arg20 : memref<!tpu.dma_semaphore, #tpu.memory_space<semaphore_mem>>)
    %run_scoped3A_81 = arith.constant 4 : i32
    "tpu.region"() ({
      %run_scoped3A_151 = tpu.sem_alloc : memref<!tpu.dma_semaphore, #tpu.memory_space<semaphore_mem>>
      %dma_start3A_152 = arith.constant 0 : i32
      %dma_start3A_153 = tpu.memref_slice %arg16[%run_scoped3A_81, %dma_start3A_152] : memref<5x128xi32, #tpu.memory_space<vmem>> -> memref<1x128xi32, #tpu.memory_space<vmem>>
      %dma_start3A_154 = tpu.memref_squeeze %dma_start3A_153 : memref<1x128xi32, #tpu.memory_space<vmem>> -> memref<128xi32, #tpu.memory_space<vmem>>
      %dma_start3A_155 = arith.constant 0 : i32
      %dma_start3A_156 = arith.constant 0 : i32
      %dma_start3A_157 = tpu.memref_slice %arg11[%dma_start3A_155, %dma_start3A_156] : memref<1008x136xf32, #tpu.memory_space<vmem_shared>> -> memref<1008x136xf32, #tpu.memory_space<vmem_shared>>
      tpu.enqueue_indirect_dma source(%arg13 : memref<128x136xf32, #tpu.memory_space<vmem>>) target(%dma_start3A_157 : memref<1008x136xf32, #tpu.memory_space<vmem_shared>>) offsets(%dma_start3A_154 : memref<128xi32, #tpu.memory_space<vmem>>) semaphore(%run_scoped3A_151 : memref<!tpu.dma_semaphore, #tpu.memory_space<semaphore_mem>>) {add = true}
      %dma_wait3A_158 = arith.constant 0 : i32
      %dma_wait3A_159 = tpu.memref_slice %arg16[%run_scoped3A_81, %dma_wait3A_158] : memref<5x128xi32, #tpu.memory_space<vmem>> -> memref<1x128xi32, #tpu.memory_space<vmem>>
      %dma_wait3A_160 = tpu.memref_squeeze %dma_wait3A_159 : memref<1x128xi32, #tpu.memory_space<vmem>> -> memref<128xi32, #tpu.memory_space<vmem>>
      %dma_wait3A_161 = arith.constant 0 : i32
      %dma_wait3A_162 = arith.constant 0 : i32
      %dma_wait3A_163 = tpu.memref_slice %arg11[%dma_wait3A_161, %dma_wait3A_162] : memref<1008x136xf32, #tpu.memory_space<vmem_shared>> -> memref<1008x136xf32, #tpu.memory_space<vmem_shared>>
      tpu.wait_indirect_dma semaphore(%run_scoped3A_151 : memref<!tpu.dma_semaphore, #tpu.memory_space<semaphore_mem>>) src(%arg13 : memref<128x136xf32, #tpu.memory_space<vmem>>) dst(%dma_wait3A_163 : memref<1008x136xf32, #tpu.memory_space<vmem_shared>>)
      tpu.yield
    }) : () -> ()
    %dma_wait3A_82 = arith.constant 0 : i32
    %dma_wait3A_83 = arith.constant 0 : i32
    %dma_wait3A_84 = tpu.memref_slice %arg17[%dma_wait3A_82, %dma_wait3A_83] : memref<5x128xi32, #tpu.memory_space<vmem>> -> memref<1x128xi32, #tpu.memory_space<vmem>>
    %dma_wait3A_85 = tpu.memref_squeeze %dma_wait3A_84 : memref<1x128xi32, #tpu.memory_space<vmem>> -> memref<128xi32, #tpu.memory_space<vmem>>
    %dma_wait3A_86 = arith.constant 0 : i32
    %dma_wait3A_87 = arith.constant 0 : i32
    %dma_wait3A_88 = tpu.memref_slice %arg4[%dma_wait3A_86, %dma_wait3A_87] : memref<10000x136xf32, #tpu.memory_space<hbm>> -> memref<10000x136xf32, #tpu.memory_space<hbm>>
    tpu.wait_indirect_dma semaphore(%arg20 : memref<!tpu.dma_semaphore, #tpu.memory_space<semaphore_mem>>) src(%dma_wait3A_88 : memref<10000x136xf32, #tpu.memory_space<hbm>>) dst(%arg14 : memref<128x136xf32, #tpu.memory_space<vmem>>)
    %dma_start3A_89 = arith.constant 1 : i32
    %dma_start3A_90 = arith.constant 0 : i32
    %dma_start3A_91 = tpu.memref_slice %arg17[%dma_start3A_89, %dma_start3A_90] : memref<5x128xi32, #tpu.memory_space<vmem>> -> memref<1x128xi32, #tpu.memory_space<vmem>>
    %dma_start3A_92 = tpu.memref_squeeze %dma_start3A_91 : memref<1x128xi32, #tpu.memory_space<vmem>> -> memref<128xi32, #tpu.memory_space<vmem>>
    %dma_start3A_93 = arith.constant 0 : i32
    %dma_start3A_94 = arith.constant 0 : i32
    %dma_start3A_95 = tpu.memref_slice %arg4[%dma_start3A_93, %dma_start3A_94] : memref<10000x136xf32, #tpu.memory_space<hbm>> -> memref<10000x136xf32, #tpu.memory_space<hbm>>
    tpu.enqueue_indirect_dma source(%dma_start3A_95 : memref<10000x136xf32, #tpu.memory_space<hbm>>) target(%arg13 : memref<128x136xf32, #tpu.memory_space<vmem>>) offsets(%dma_start3A_92 : memref<128xi32, #tpu.memory_space<vmem>>) semaphore(%arg19 : memref<!tpu.dma_semaphore, #tpu.memory_space<semaphore_mem>>)
    %run_scoped3A_96 = arith.constant 0 : i32
    "tpu.region"() ({
      %run_scoped3A_151 = tpu.sem_alloc : memref<!tpu.dma_semaphore, #tpu.memory_space<semaphore_mem>>
      %dma_start3A_152 = arith.constant 0 : i32
      %dma_start3A_153 = tpu.memref_slice %arg18[%run_scoped3A_96, %dma_start3A_152] : memref<5x128xi32, #tpu.memory_space<vmem>> -> memref<1x128xi32, #tpu.memory_space<vmem>>
      %dma_start3A_154 = tpu.memref_squeeze %dma_start3A_153 : memref<1x128xi32, #tpu.memory_space<vmem>> -> memref<128xi32, #tpu.memory_space<vmem>>
      %dma_start3A_155 = arith.constant 0 : i32
      %dma_start3A_156 = arith.constant 0 : i32
      %dma_start3A_157 = tpu.memref_slice %arg12[%dma_start3A_155, %dma_start3A_156] : memref<1008x136xf32, #tpu.memory_space<vmem_shared>> -> memref<1008x136xf32, #tpu.memory_space<vmem_shared>>
      tpu.enqueue_indirect_dma source(%arg14 : memref<128x136xf32, #tpu.memory_space<vmem>>) target(%dma_start3A_157 : memref<1008x136xf32, #tpu.memory_space<vmem_shared>>) offsets(%dma_start3A_154 : memref<128xi32, #tpu.memory_space<vmem>>) semaphore(%run_scoped3A_151 : memref<!tpu.dma_semaphore, #tpu.memory_space<semaphore_mem>>) {add = true}
      %dma_wait3A_158 = arith.constant 0 : i32
      %dma_wait3A_159 = tpu.memref_slice %arg18[%run_scoped3A_96, %dma_wait3A_158] : memref<5x128xi32, #tpu.memory_space<vmem>> -> memref<1x128xi32, #tpu.memory_space<vmem>>
      %dma_wait3A_160 = tpu.memref_squeeze %dma_wait3A_159 : memref<1x128xi32, #tpu.memory_space<vmem>> -> memref<128xi32, #tpu.memory_space<vmem>>
      %dma_wait3A_161 = arith.constant 0 : i32
      %dma_wait3A_162 = arith.constant 0 : i32
      %dma_wait3A_163 = tpu.memref_slice %arg12[%dma_wait3A_161, %dma_wait3A_162] : memref<1008x136xf32, #tpu.memory_space<vmem_shared>> -> memref<1008x136xf32, #tpu.memory_space<vmem_shared>>
      tpu.wait_indirect_dma semaphore(%run_scoped3A_151 : memref<!tpu.dma_semaphore, #tpu.memory_space<semaphore_mem>>) src(%arg14 : memref<128x136xf32, #tpu.memory_space<vmem>>) dst(%dma_wait3A_163 : memref<1008x136xf32, #tpu.memory_space<vmem_shared>>)
      tpu.yield
    }) : () -> ()
    %dma_wait3A_97 = arith.constant 1 : i32
    %dma_wait3A_98 = arith.constant 0 : i32
    %dma_wait3A_99 = tpu.memref_slice %arg17[%dma_wait3A_97, %dma_wait3A_98] : memref<5x128xi32, #tpu.memory_space<vmem>> -> memref<1x128xi32, #tpu.memory_space<vmem>>
    %dma_wait3A_100 = tpu.memref_squeeze %dma_wait3A_99 : memref<1x128xi32, #tpu.memory_space<vmem>> -> memref<128xi32, #tpu.memory_space<vmem>>
    %dma_wait3A_101 = arith.constant 0 : i32
    %dma_wait3A_102 = arith.constant 0 : i32
    %dma_wait3A_103 = tpu.memref_slice %arg4[%dma_wait3A_101, %dma_wait3A_102] : memref<10000x136xf32, #tpu.memory_space<hbm>> -> memref<10000x136xf32, #tpu.memory_space<hbm>>
    tpu.wait_indirect_dma semaphore(%arg19 : memref<!tpu.dma_semaphore, #tpu.memory_space<semaphore_mem>>) src(%dma_wait3A_103 : memref<10000x136xf32, #tpu.memory_space<hbm>>) dst(%arg13 : memref<128x136xf32, #tpu.memory_space<vmem>>)
    %dma_start3A_104 = arith.constant 2 : i32
    %dma_start3A_105 = arith.constant 0 : i32
    %dma_start3A_106 = tpu.memref_slice %arg17[%dma_start3A_104, %dma_start3A_105] : memref<5x128xi32, #tpu.memory_space<vmem>> -> memref<1x128xi32, #tpu.memory_space<vmem>>
    %dma_start3A_107 = tpu.memref_squeeze %dma_start3A_106 : memref<1x128xi32, #tpu.memory_space<vmem>> -> memref<128xi32, #tpu.memory_space<vmem>>
    %dma_start3A_108 = arith.constant 0 : i32
    %dma_start3A_109 = arith.constant 0 : i32
    %dma_start3A_110 = tpu.memref_slice %arg4[%dma_start3A_108, %dma_start3A_109] : memref<10000x136xf32, #tpu.memory_space<hbm>> -> memref<10000x136xf32, #tpu.memory_space<hbm>>
    tpu.enqueue_indirect_dma source(%dma_start3A_110 : memref<10000x136xf32, #tpu.memory_space<hbm>>) target(%arg14 : memref<128x136xf32, #tpu.memory_space<vmem>>) offsets(%dma_start3A_107 : memref<128xi32, #tpu.memory_space<vmem>>) semaphore(%arg20 : memref<!tpu.dma_semaphore, #tpu.memory_space<semaphore_mem>>)
    %run_scoped3A_111 = arith.constant 1 : i32
    "tpu.region"() ({
      %run_scoped3A_151 = tpu.sem_alloc : memref<!tpu.dma_semaphore, #tpu.memory_space<semaphore_mem>>
      %dma_start3A_152 = arith.constant 0 : i32
      %dma_start3A_153 = tpu.memref_slice %arg18[%run_scoped3A_111, %dma_start3A_152] : memref<5x128xi32, #tpu.memory_space<vmem>> -> memref<1x128xi32, #tpu.memory_space<vmem>>
      %dma_start3A_154 = tpu.memref_squeeze %dma_start3A_153 : memref<1x128xi32, #tpu.memory_space<vmem>> -> memref<128xi32, #tpu.memory_space<vmem>>
      %dma_start3A_155 = arith.constant 0 : i32
      %dma_start3A_156 = arith.constant 0 : i32
      %dma_start3A_157 = tpu.memref_slice %arg12[%dma_start3A_155, %dma_start3A_156] : memref<1008x136xf32, #tpu.memory_space<vmem_shared>> -> memref<1008x136xf32, #tpu.memory_space<vmem_shared>>
      tpu.enqueue_indirect_dma source(%arg13 : memref<128x136xf32, #tpu.memory_space<vmem>>) target(%dma_start3A_157 : memref<1008x136xf32, #tpu.memory_space<vmem_shared>>) offsets(%dma_start3A_154 : memref<128xi32, #tpu.memory_space<vmem>>) semaphore(%run_scoped3A_151 : memref<!tpu.dma_semaphore, #tpu.memory_space<semaphore_mem>>) {add = true}
      %dma_wait3A_158 = arith.constant 0 : i32
      %dma_wait3A_159 = tpu.memref_slice %arg18[%run_scoped3A_111, %dma_wait3A_158] : memref<5x128xi32, #tpu.memory_space<vmem>> -> memref<1x128xi32, #tpu.memory_space<vmem>>
      %dma_wait3A_160 = tpu.memref_squeeze %dma_wait3A_159 : memref<1x128xi32, #tpu.memory_space<vmem>> -> memref<128xi32, #tpu.memory_space<vmem>>
      %dma_wait3A_161 = arith.constant 0 : i32
      %dma_wait3A_162 = arith.constant 0 : i32
      %dma_wait3A_163 = tpu.memref_slice %arg12[%dma_wait3A_161, %dma_wait3A_162] : memref<1008x136xf32, #tpu.memory_space<vmem_shared>> -> memref<1008x136xf32, #tpu.memory_space<vmem_shared>>
      tpu.wait_indirect_dma semaphore(%run_scoped3A_151 : memref<!tpu.dma_semaphore, #tpu.memory_space<semaphore_mem>>) src(%arg13 : memref<128x136xf32, #tpu.memory_space<vmem>>) dst(%dma_wait3A_163 : memref<1008x136xf32, #tpu.memory_space<vmem_shared>>)
      tpu.yield
    }) : () -> ()
    %dma_wait3A_112 = arith.constant 2 : i32
    %dma_wait3A_113 = arith.constant 0 : i32
    %dma_wait3A_114 = tpu.memref_slice %arg17[%dma_wait3A_112, %dma_wait3A_113] : memref<5x128xi32, #tpu.memory_space<vmem>> -> memref<1x128xi32, #tpu.memory_space<vmem>>
    %dma_wait3A_115 = tpu.memref_squeeze %dma_wait3A_114 : memref<1x128xi32, #tpu.memory_space<vmem>> -> memref<128xi32, #tpu.memory_space<vmem>>
    %dma_wait3A_116 = arith.constant 0 : i32
    %dma_wait3A_117 = arith.constant 0 : i32
    %dma_wait3A_118 = tpu.memref_slice %arg4[%dma_wait3A_116, %dma_wait3A_117] : memref<10000x136xf32, #tpu.memory_space<hbm>> -> memref<10000x136xf32, #tpu.memory_space<hbm>>
    tpu.wait_indirect_dma semaphore(%arg20 : memref<!tpu.dma_semaphore, #tpu.memory_space<semaphore_mem>>) src(%dma_wait3A_118 : memref<10000x136xf32, #tpu.memory_space<hbm>>) dst(%arg14 : memref<128x136xf32, #tpu.memory_space<vmem>>)
    %dma_start3A_119 = arith.constant 3 : i32
    %dma_start3A_120 = arith.constant 0 : i32
    %dma_start3A_121 = tpu.memref_slice %arg17[%dma_start3A_119, %dma_start3A_120] : memref<5x128xi32, #tpu.memory_space<vmem>> -> memref<1x128xi32, #tpu.memory_space<vmem>>
    %dma_start3A_122 = tpu.memref_squeeze %dma_start3A_121 : memref<1x128xi32, #tpu.memory_space<vmem>> -> memref<128xi32, #tpu.memory_space<vmem>>
    %dma_start3A_123 = arith.constant 0 : i32
    %dma_start3A_124 = arith.constant 0 : i32
    %dma_start3A_125 = tpu.memref_slice %arg4[%dma_start3A_123, %dma_start3A_124] : memref<10000x136xf32, #tpu.memory_space<hbm>> -> memref<10000x136xf32, #tpu.memory_space<hbm>>
    tpu.enqueue_indirect_dma source(%dma_start3A_125 : memref<10000x136xf32, #tpu.memory_space<hbm>>) target(%arg13 : memref<128x136xf32, #tpu.memory_space<vmem>>) offsets(%dma_start3A_122 : memref<128xi32, #tpu.memory_space<vmem>>) semaphore(%arg19 : memref<!tpu.dma_semaphore, #tpu.memory_space<semaphore_mem>>)
    %run_scoped3A_126 = arith.constant 2 : i32
    "tpu.region"() ({
      %run_scoped3A_151 = tpu.sem_alloc : memref<!tpu.dma_semaphore, #tpu.memory_space<semaphore_mem>>
      %dma_start3A_152 = arith.constant 0 : i32
      %dma_start3A_153 = tpu.memref_slice %arg18[%run_scoped3A_126, %dma_start3A_152] : memref<5x128xi32, #tpu.memory_space<vmem>> -> memref<1x128xi32, #tpu.memory_space<vmem>>
      %dma_start3A_154 = tpu.memref_squeeze %dma_start3A_153 : memref<1x128xi32, #tpu.memory_space<vmem>> -> memref<128xi32, #tpu.memory_space<vmem>>
      %dma_start3A_155 = arith.constant 0 : i32
      %dma_start3A_156 = arith.constant 0 : i32
      %dma_start3A_157 = tpu.memref_slice %arg12[%dma_start3A_155, %dma_start3A_156] : memref<1008x136xf32, #tpu.memory_space<vmem_shared>> -> memref<1008x136xf32, #tpu.memory_space<vmem_shared>>
      tpu.enqueue_indirect_dma source(%arg14 : memref<128x136xf32, #tpu.memory_space<vmem>>) target(%dma_start3A_157 : memref<1008x136xf32, #tpu.memory_space<vmem_shared>>) offsets(%dma_start3A_154 : memref<128xi32, #tpu.memory_space<vmem>>) semaphore(%run_scoped3A_151 : memref<!tpu.dma_semaphore, #tpu.memory_space<semaphore_mem>>) {add = true}
      %dma_wait3A_158 = arith.constant 0 : i32
      %dma_wait3A_159 = tpu.memref_slice %arg18[%run_scoped3A_126, %dma_wait3A_158] : memref<5x128xi32, #tpu.memory_space<vmem>> -> memref<1x128xi32, #tpu.memory_space<vmem>>
      %dma_wait3A_160 = tpu.memref_squeeze %dma_wait3A_159 : memref<1x128xi32, #tpu.memory_space<vmem>> -> memref<128xi32, #tpu.memory_space<vmem>>
      %dma_wait3A_161 = arith.constant 0 : i32
      %dma_wait3A_162 = arith.constant 0 : i32
      %dma_wait3A_163 = tpu.memref_slice %arg12[%dma_wait3A_161, %dma_wait3A_162] : memref<1008x136xf32, #tpu.memory_space<vmem_shared>> -> memref<1008x136xf32, #tpu.memory_space<vmem_shared>>
      tpu.wait_indirect_dma semaphore(%run_scoped3A_151 : memref<!tpu.dma_semaphore, #tpu.memory_space<semaphore_mem>>) src(%arg14 : memref<128x136xf32, #tpu.memory_space<vmem>>) dst(%dma_wait3A_163 : memref<1008x136xf32, #tpu.memory_space<vmem_shared>>)
      tpu.yield
    }) : () -> ()
    %dma_wait3A_127 = arith.constant 3 : i32
    %dma_wait3A_128 = arith.constant 0 : i32
    %dma_wait3A_129 = tpu.memref_slice %arg17[%dma_wait3A_127, %dma_wait3A_128] : memref<5x128xi32, #tpu.memory_space<vmem>> -> memref<1x128xi32, #tpu.memory_space<vmem>>
    %dma_wait3A_130 = tpu.memref_squeeze %dma_wait3A_129 : memref<1x128xi32, #tpu.memory_space<vmem>> -> memref<128xi32, #tpu.memory_space<vmem>>
    %dma_wait3A_131 = arith.constant 0 : i32
    %dma_wait3A_132 = arith.constant 0 : i32
    %dma_wait3A_133 = tpu.memref_slice %arg4[%dma_wait3A_131, %dma_wait3A_132] : memref<10000x136xf32, #tpu.memory_space<hbm>> -> memref<10000x136xf32, #tpu.memory_space<hbm>>
    tpu.wait_indirect_dma semaphore(%arg19 : memref<!tpu.dma_semaphore, #tpu.memory_space<semaphore_mem>>) src(%dma_wait3A_133 : memref<10000x136xf32, #tpu.memory_space<hbm>>) dst(%arg13 : memref<128x136xf32, #tpu.memory_space<vmem>>)
    %dma_start3A_134 = arith.constant 4 : i32
    %dma_start3A_135 = arith.constant 0 : i32
    %dma_start3A_136 = tpu.memref_slice %arg17[%dma_start3A_134, %dma_start3A_135] : memref<5x128xi32, #tpu.memory_space<vmem>> -> memref<1x128xi32, #tpu.memory_space<vmem>>
    %dma_start3A_137 = tpu.memref_squeeze %dma_start3A_136 : memref<1x128xi32, #tpu.memory_space<vmem>> -> memref<128xi32, #tpu.memory_space<vmem>>
    %dma_start3A_138 = arith.constant 0 : i32
    %dma_start3A_139 = arith.constant 0 : i32
    %dma_start3A_140 = tpu.memref_slice %arg4[%dma_start3A_138, %dma_start3A_139] : memref<10000x136xf32, #tpu.memory_space<hbm>> -> memref<10000x136xf32, #tpu.memory_space<hbm>>
    tpu.enqueue_indirect_dma source(%dma_start3A_140 : memref<10000x136xf32, #tpu.memory_space<hbm>>) target(%arg14 : memref<128x136xf32, #tpu.memory_space<vmem>>) offsets(%dma_start3A_137 : memref<128xi32, #tpu.memory_space<vmem>>) semaphore(%arg20 : memref<!tpu.dma_semaphore, #tpu.memory_space<semaphore_mem>>)
    %run_scoped3A_141 = arith.constant 3 : i32
    "tpu.region"() ({
      %run_scoped3A_151 = tpu.sem_alloc : memref<!tpu.dma_semaphore, #tpu.memory_space<semaphore_mem>>
      %dma_start3A_152 = arith.constant 0 : i32
      %dma_start3A_153 = tpu.memref_slice %arg18[%run_scoped3A_141, %dma_start3A_152] : memref<5x128xi32, #tpu.memory_space<vmem>> -> memref<1x128xi32, #tpu.memory_space<vmem>>
      %dma_start3A_154 = tpu.memref_squeeze %dma_start3A_153 : memref<1x128xi32, #tpu.memory_space<vmem>> -> memref<128xi32, #tpu.memory_space<vmem>>
      %dma_start3A_155 = arith.constant 0 : i32
      %dma_start3A_156 = arith.constant 0 : i32
      %dma_start3A_157 = tpu.memref_slice %arg12[%dma_start3A_155, %dma_start3A_156] : memref<1008x136xf32, #tpu.memory_space<vmem_shared>> -> memref<1008x136xf32, #tpu.memory_space<vmem_shared>>
      tpu.enqueue_indirect_dma source(%arg13 : memref<128x136xf32, #tpu.memory_space<vmem>>) target(%dma_start3A_157 : memref<1008x136xf32, #tpu.memory_space<vmem_shared>>) offsets(%dma_start3A_154 : memref<128xi32, #tpu.memory_space<vmem>>) semaphore(%run_scoped3A_151 : memref<!tpu.dma_semaphore, #tpu.memory_space<semaphore_mem>>) {add = true}
      %dma_wait3A_158 = arith.constant 0 : i32
      %dma_wait3A_159 = tpu.memref_slice %arg18[%run_scoped3A_141, %dma_wait3A_158] : memref<5x128xi32, #tpu.memory_space<vmem>> -> memref<1x128xi32, #tpu.memory_space<vmem>>
      %dma_wait3A_160 = tpu.memref_squeeze %dma_wait3A_159 : memref<1x128xi32, #tpu.memory_space<vmem>> -> memref<128xi32, #tpu.memory_space<vmem>>
      %dma_wait3A_161 = arith.constant 0 : i32
      %dma_wait3A_162 = arith.constant 0 : i32
      %dma_wait3A_163 = tpu.memref_slice %arg12[%dma_wait3A_161, %dma_wait3A_162] : memref<1008x136xf32, #tpu.memory_space<vmem_shared>> -> memref<1008x136xf32, #tpu.memory_space<vmem_shared>>
      tpu.wait_indirect_dma semaphore(%run_scoped3A_151 : memref<!tpu.dma_semaphore, #tpu.memory_space<semaphore_mem>>) src(%arg13 : memref<128x136xf32, #tpu.memory_space<vmem>>) dst(%dma_wait3A_163 : memref<1008x136xf32, #tpu.memory_space<vmem_shared>>)
      tpu.yield
    }) : () -> ()
    %dma_wait3A_142 = arith.constant 4 : i32
    %dma_wait3A_143 = arith.constant 0 : i32
    %dma_wait3A_144 = tpu.memref_slice %arg17[%dma_wait3A_142, %dma_wait3A_143] : memref<5x128xi32, #tpu.memory_space<vmem>> -> memref<1x128xi32, #tpu.memory_space<vmem>>
    %dma_wait3A_145 = tpu.memref_squeeze %dma_wait3A_144 : memref<1x128xi32, #tpu.memory_space<vmem>> -> memref<128xi32, #tpu.memory_space<vmem>>
    %dma_wait3A_146 = arith.constant 0 : i32
    %dma_wait3A_147 = arith.constant 0 : i32
    %dma_wait3A_148 = tpu.memref_slice %arg4[%dma_wait3A_146, %dma_wait3A_147] : memref<10000x136xf32, #tpu.memory_space<hbm>> -> memref<10000x136xf32, #tpu.memory_space<hbm>>
    tpu.wait_indirect_dma semaphore(%arg20 : memref<!tpu.dma_semaphore, #tpu.memory_space<semaphore_mem>>) src(%dma_wait3A_148 : memref<10000x136xf32, #tpu.memory_space<hbm>>) dst(%arg14 : memref<128x136xf32, #tpu.memory_space<vmem>>)
    %run_scoped3A_149 = arith.constant 4 : i32
    "tpu.region"() ({
      %run_scoped3A_151 = tpu.sem_alloc : memref<!tpu.dma_semaphore, #tpu.memory_space<semaphore_mem>>
      %dma_start3A_152 = arith.constant 0 : i32
      %dma_start3A_153 = tpu.memref_slice %arg18[%run_scoped3A_149, %dma_start3A_152] : memref<5x128xi32, #tpu.memory_space<vmem>> -> memref<1x128xi32, #tpu.memory_space<vmem>>
      %dma_start3A_154 = tpu.memref_squeeze %dma_start3A_153 : memref<1x128xi32, #tpu.memory_space<vmem>> -> memref<128xi32, #tpu.memory_space<vmem>>
      %dma_start3A_155 = arith.constant 0 : i32
      %dma_start3A_156 = arith.constant 0 : i32
      %dma_start3A_157 = tpu.memref_slice %arg12[%dma_start3A_155, %dma_start3A_156] : memref<1008x136xf32, #tpu.memory_space<vmem_shared>> -> memref<1008x136xf32, #tpu.memory_space<vmem_shared>>
      tpu.enqueue_indirect_dma source(%arg14 : memref<128x136xf32, #tpu.memory_space<vmem>>) target(%dma_start3A_157 : memref<1008x136xf32, #tpu.memory_space<vmem_shared>>) offsets(%dma_start3A_154 : memref<128xi32, #tpu.memory_space<vmem>>) semaphore(%run_scoped3A_151 : memref<!tpu.dma_semaphore, #tpu.memory_space<semaphore_mem>>) {add = true}
      %dma_wait3A_158 = arith.constant 0 : i32
      %dma_wait3A_159 = tpu.memref_slice %arg18[%run_scoped3A_149, %dma_wait3A_158] : memref<5x128xi32, #tpu.memory_space<vmem>> -> memref<1x128xi32, #tpu.memory_space<vmem>>
      %dma_wait3A_160 = tpu.memref_squeeze %dma_wait3A_159 : memref<1x128xi32, #tpu.memory_space<vmem>> -> memref<128xi32, #tpu.memory_space<vmem>>
      %dma_wait3A_161 = arith.constant 0 : i32
      %dma_wait3A_162 = arith.constant 0 : i32
      %dma_wait3A_163 = tpu.memref_slice %arg12[%dma_wait3A_161, %dma_wait3A_162] : memref<1008x136xf32, #tpu.memory_space<vmem_shared>> -> memref<1008x136xf32, #tpu.memory_space<vmem_shared>>
      tpu.wait_indirect_dma semaphore(%run_scoped3A_151 : memref<!tpu.dma_semaphore, #tpu.memory_space<semaphore_mem>>) src(%arg14 : memref<128x136xf32, #tpu.memory_space<vmem>>) dst(%dma_wait3A_163 : memref<1008x136xf32, #tpu.memory_space<vmem_shared>>)
      tpu.yield
    }) : () -> ()
    %barrier3A_150 = arith.constant 0 : index
    tpu.barrier barrier_id(%barrier3A_150)
    "tpu.region"() ({
      %run_scoped3A_151 = tpu.sem_alloc : memref<!tpu.dma_semaphore, #tpu.memory_space<semaphore_mem>>
      %dma_start3A_152 = arith.constant 0 : i32
      %dma_start3A_153 = tpu.memref_slice %arg9[%arg0, %mul3A_2, %dma_start3A_152] : memref<2x1008x136xf32, #tpu.memory_space<hbm>> -> memref<1x63x136xf32, #tpu.memory_space<hbm>>
      %dma_start3A_154 = tpu.memref_squeeze %dma_start3A_153 : memref<1x63x136xf32, #tpu.memory_space<hbm>> -> memref<63x136xf32, #tpu.memory_space<hbm>>
      %dma_start3A_155 = arith.constant 0 : i32
      %dma_start3A_156 = tpu.memref_slice %arg11[%mul3A_2, %dma_start3A_155] : memref<1008x136xf32, #tpu.memory_space<vmem_shared>> -> memref<63x136xf32, #tpu.memory_space<vmem_shared>>
      tpu.enqueue_dma source(%dma_start3A_156 : memref<63x136xf32, #tpu.memory_space<vmem_shared>>) target(%dma_start3A_154 : memref<63x136xf32, #tpu.memory_space<hbm>>) target_semaphore(%run_scoped3A_151 : memref<!tpu.dma_semaphore, #tpu.memory_space<semaphore_mem>>)
      %dma_wait3A_157 = arith.constant 0 : i32
      %dma_wait3A_158 = tpu.memref_slice %arg9[%arg0, %mul3A_2, %dma_wait3A_157] : memref<2x1008x136xf32, #tpu.memory_space<hbm>> -> memref<1x63x136xf32, #tpu.memory_space<hbm>>
      %dma_wait3A_159 = tpu.memref_squeeze %dma_wait3A_158 : memref<1x63x136xf32, #tpu.memory_space<hbm>> -> memref<63x136xf32, #tpu.memory_space<hbm>>
      %dma_wait3A_160 = arith.constant 0 : i32
      %dma_wait3A_161 = tpu.memref_slice %arg11[%mul3A_2, %dma_wait3A_160] : memref<1008x136xf32, #tpu.memory_space<vmem_shared>> -> memref<63x136xf32, #tpu.memory_space<vmem_shared>>
      tpu.wait_dma2 semaphore(%run_scoped3A_151 : memref<!tpu.dma_semaphore, #tpu.memory_space<semaphore_mem>>) src(%dma_wait3A_161 : memref<63x136xf32, #tpu.memory_space<vmem_shared>>) dst(%dma_wait3A_159 : memref<63x136xf32, #tpu.memory_space<hbm>>)
      tpu.yield
    }) : () -> ()
    "tpu.region"() ({
      %run_scoped3A_151 = tpu.sem_alloc : memref<!tpu.dma_semaphore, #tpu.memory_space<semaphore_mem>>
      %dma_start3A_152 = arith.constant 0 : i32
      %dma_start3A_153 = tpu.memref_slice %arg10[%arg0, %mul3A_2, %dma_start3A_152] : memref<2x1008x136xf32, #tpu.memory_space<hbm>> -> memref<1x63x136xf32, #tpu.memory_space<hbm>>
      %dma_start3A_154 = tpu.memref_squeeze %dma_start3A_153 : memref<1x63x136xf32, #tpu.memory_space<hbm>> -> memref<63x136xf32, #tpu.memory_space<hbm>>
      %dma_start3A_155 = arith.constant 0 : i32
      %dma_start3A_156 = tpu.memref_slice %arg12[%mul3A_2, %dma_start3A_155] : memref<1008x136xf32, #tpu.memory_space<vmem_shared>> -> memref<63x136xf32, #tpu.memory_space<vmem_shared>>
      tpu.enqueue_dma source(%dma_start3A_156 : memref<63x136xf32, #tpu.memory_space<vmem_shared>>) target(%dma_start3A_154 : memref<63x136xf32, #tpu.memory_space<hbm>>) target_semaphore(%run_scoped3A_151 : memref<!tpu.dma_semaphore, #tpu.memory_space<semaphore_mem>>)
      %dma_wait3A_157 = arith.constant 0 : i32
      %dma_wait3A_158 = tpu.memref_slice %arg10[%arg0, %mul3A_2, %dma_wait3A_157] : memref<2x1008x136xf32, #tpu.memory_space<hbm>> -> memref<1x63x136xf32, #tpu.memory_space<hbm>>
      %dma_wait3A_159 = tpu.memref_squeeze %dma_wait3A_158 : memref<1x63x136xf32, #tpu.memory_space<hbm>> -> memref<63x136xf32, #tpu.memory_space<hbm>>
      %dma_wait3A_160 = arith.constant 0 : i32
      %dma_wait3A_161 = tpu.memref_slice %arg12[%mul3A_2, %dma_wait3A_160] : memref<1008x136xf32, #tpu.memory_space<vmem_shared>> -> memref<63x136xf32, #tpu.memory_space<vmem_shared>>
      tpu.wait_dma2 semaphore(%run_scoped3A_151 : memref<!tpu.dma_semaphore, #tpu.memory_space<semaphore_mem>>) src(%dma_wait3A_161 : memref<63x136xf32, #tpu.memory_space<vmem_shared>>) dst(%dma_wait3A_159 : memref<63x136xf32, #tpu.memory_space<hbm>>)
      tpu.yield
    }) : () -> ()
    return
  }
}

#map = affine_map<(d0, d1) -> (0, 0)>
#map1 = affine_map<(d0, d1) -> (0, 0, 0)>
module attributes {stable_mosaic.version = 14 : i64} {
  func.func @sc_dep(%arg0: i32, %arg1: i32, %arg2: memref<128x128xf32, #tpu.memory_space<hbm>>, %arg3: memref<10000x128xf32, #tpu.memory_space<hbm>>, %arg4: memref<32x40x128xi32, #tpu.memory_space<hbm>>, %arg5: memref<32x40x128xi32, #tpu.memory_space<hbm>>, %arg6: memref<2x10016x128xf32, #tpu.memory_space<hbm>>, %arg7: memref<10016x128xf32, #tpu.memory_space<vmem_shared>>, %arg8: memref<128x128xf32, #tpu.memory_space<vmem>>, %arg9: memref<128x128xf32, #tpu.memory_space<vmem>>, %arg10: memref<40x128xi32, #tpu.memory_space<vmem>>, %arg11: memref<40x128xi32, #tpu.memory_space<vmem>>, %arg12: memref<!tpu.dma_semaphore, #tpu.memory_space<semaphore_mem>>, %arg13: memref<!tpu.dma_semaphore, #tpu.memory_space<semaphore_mem>>) attributes {dimension_semantics = [#tpu.dimension_semantics<core_parallel>, #tpu.dimension_semantics<subcore_parallel>], iteration_bounds = array<i64: 2, 16>, scalar_prefetch = 0 : i64, scratch_operands = 7 : i64, tpu.core_type = #tpu.core_type<sc_vector_subcore>, window_params = [{transform_indices = #map}, {transform_indices = #map}, {transform_indices = #map1}, {transform_indices = #map1}, {transform_indices = #map1}]} {
    %mul3A = arith.constant 2 : i32
    %mul3A_0 = arith.muli %arg1, %mul3A : i32
    %add3A = arith.addi %mul3A_0, %arg0 : i32
    %mul3A_1 = arith.constant 626 : i32
    %mul3A_2 = arith.muli %arg1, %mul3A_1 : i32
    %scan3A = arith.constant 0 : i32
    %scan3A_3 = arith.constant 4 : i32
    %scan3A_4 = arith.addi %scan3A, %scan3A_3 : i32
    %scan3A_5 = arith.constant 1 : i32
    scf.for %scan3A_30 = %scan3A to %scan3A_4 step %scan3A_5  : i32 {
      %mul3A_31 = arith.constant 1 : i32
      %mul3A_32 = arith.muli %scan3A_30, %mul3A_31 : i32
      %add3A_33 = arith.constant 0 : i32
      %add3A_34 = arith.addi %add3A_33, %mul3A_32 : i32
      %mul3A_35 = arith.constant 128 : i32
      %mul3A_36 = arith.muli %add3A_34, %mul3A_35 : i32
      %add3A_37 = arith.addi %mul3A_2, %mul3A_36 : i32
      "tpu.region"() ({
        %run_scoped3A = tpu.sem_alloc : memref<!tpu.dma_semaphore, #tpu.memory_space<semaphore_mem>>
        %dma_start3A_38 = arith.constant 0 : i32
        %dma_start3A_39 = tpu.memref_slice %arg7[%add3A_37, %dma_start3A_38] : memref<10016x128xf32, #tpu.memory_space<vmem_shared>> -> memref<128x128xf32, #tpu.memory_space<vmem_shared>>
        tpu.enqueue_dma source(%arg2 : memref<128x128xf32, #tpu.memory_space<hbm>>) target(%dma_start3A_39 : memref<128x128xf32, #tpu.memory_space<vmem_shared>>) target_semaphore(%run_scoped3A : memref<!tpu.dma_semaphore, #tpu.memory_space<semaphore_mem>>)
        %dma_wait3A = arith.constant 0 : i32
        %dma_wait3A_40 = tpu.memref_slice %arg7[%add3A_37, %dma_wait3A] : memref<10016x128xf32, #tpu.memory_space<vmem_shared>> -> memref<128x128xf32, #tpu.memory_space<vmem_shared>>
        tpu.wait_dma2 semaphore(%run_scoped3A : memref<!tpu.dma_semaphore, #tpu.memory_space<semaphore_mem>>) src(%arg2 : memref<128x128xf32, #tpu.memory_space<hbm>>) dst(%dma_wait3A_40 : memref<128x128xf32, #tpu.memory_space<vmem_shared>>)
        tpu.yield
      }) : () -> ()
    }
    %scan3A_6 = arith.constant 4 : i32
    %add3A_7 = arith.constant 512 : i32
    %add3A_8 = arith.addi %mul3A_2, %add3A_7 : i32
    "tpu.region"() ({
      %run_scoped3A = tpu.sem_alloc : memref<!tpu.dma_semaphore, #tpu.memory_space<semaphore_mem>>
      %dma_start3A_30 = arith.constant 0 : i32
      %dma_start3A_31 = tpu.memref_slice %arg7[%add3A_8, %dma_start3A_30] : memref<10016x128xf32, #tpu.memory_space<vmem_shared>> -> memref<114x128xf32, #tpu.memory_space<vmem_shared>>
      %dma_start3A_32 = arith.constant 0 : i32
      %dma_start3A_33 = arith.constant 0 : i32
      %dma_start3A_34 = tpu.memref_slice %arg2[%dma_start3A_32, %dma_start3A_33] : memref<128x128xf32, #tpu.memory_space<hbm>> -> memref<114x128xf32, #tpu.memory_space<hbm>>
      tpu.enqueue_dma source(%dma_start3A_34 : memref<114x128xf32, #tpu.memory_space<hbm>>) target(%dma_start3A_31 : memref<114x128xf32, #tpu.memory_space<vmem_shared>>) target_semaphore(%run_scoped3A : memref<!tpu.dma_semaphore, #tpu.memory_space<semaphore_mem>>)
      %dma_wait3A = arith.constant 0 : i32
      %dma_wait3A_35 = tpu.memref_slice %arg7[%add3A_8, %dma_wait3A] : memref<10016x128xf32, #tpu.memory_space<vmem_shared>> -> memref<114x128xf32, #tpu.memory_space<vmem_shared>>
      %dma_wait3A_36 = arith.constant 0 : i32
      %dma_wait3A_37 = arith.constant 0 : i32
      %dma_wait3A_38 = tpu.memref_slice %arg2[%dma_wait3A_36, %dma_wait3A_37] : memref<128x128xf32, #tpu.memory_space<hbm>> -> memref<114x128xf32, #tpu.memory_space<hbm>>
      tpu.wait_dma2 semaphore(%run_scoped3A : memref<!tpu.dma_semaphore, #tpu.memory_space<semaphore_mem>>) src(%dma_wait3A_38 : memref<114x128xf32, #tpu.memory_space<hbm>>) dst(%dma_wait3A_35 : memref<114x128xf32, #tpu.memory_space<vmem_shared>>)
      tpu.yield
    }) : () -> ()
    %barrier3A = arith.constant 0 : index
    tpu.barrier barrier_id(%barrier3A)
    "tpu.region"() ({
      %run_scoped3A = tpu.sem_alloc : memref<!tpu.dma_semaphore, #tpu.memory_space<semaphore_mem>>
      %dma_start3A_30 = arith.constant 0 : i32
      %dma_start3A_31 = arith.constant 0 : i32
      %dma_start3A_32 = tpu.memref_slice %arg4[%add3A, %dma_start3A_30, %dma_start3A_31] : memref<32x40x128xi32, #tpu.memory_space<hbm>> -> memref<1x40x128xi32, #tpu.memory_space<hbm>>
      %dma_start3A_33 = tpu.memref_squeeze %dma_start3A_32 : memref<1x40x128xi32, #tpu.memory_space<hbm>> -> memref<40x128xi32, #tpu.memory_space<hbm>>
      %dma_start3A_34 = arith.constant 0 : i32
      %dma_start3A_35 = arith.constant 0 : i32
      %dma_start3A_36 = tpu.memref_slice %arg4[%add3A, %dma_start3A_34, %dma_start3A_35] : memref<32x40x128xi32, #tpu.memory_space<hbm>> -> memref<1x40x128xi32, #tpu.memory_space<hbm>>
      %dma_start3A_37 = tpu.memref_squeeze %dma_start3A_36 : memref<1x40x128xi32, #tpu.memory_space<hbm>> -> memref<40x128xi32, #tpu.memory_space<hbm>>
      tpu.enqueue_dma source(%dma_start3A_37 : memref<40x128xi32, #tpu.memory_space<hbm>>) target(%arg10 : memref<40x128xi32, #tpu.memory_space<vmem>>) target_semaphore(%run_scoped3A : memref<!tpu.dma_semaphore, #tpu.memory_space<semaphore_mem>>)
      %dma_wait3A = arith.constant 0 : i32
      %dma_wait3A_38 = arith.constant 0 : i32
      %dma_wait3A_39 = tpu.memref_slice %arg4[%add3A, %dma_wait3A, %dma_wait3A_38] : memref<32x40x128xi32, #tpu.memory_space<hbm>> -> memref<1x40x128xi32, #tpu.memory_space<hbm>>
      %dma_wait3A_40 = tpu.memref_squeeze %dma_wait3A_39 : memref<1x40x128xi32, #tpu.memory_space<hbm>> -> memref<40x128xi32, #tpu.memory_space<hbm>>
      %dma_wait3A_41 = arith.constant 0 : i32
      %dma_wait3A_42 = arith.constant 0 : i32
      %dma_wait3A_43 = tpu.memref_slice %arg4[%add3A, %dma_wait3A_41, %dma_wait3A_42] : memref<32x40x128xi32, #tpu.memory_space<hbm>> -> memref<1x40x128xi32, #tpu.memory_space<hbm>>
      %dma_wait3A_44 = tpu.memref_squeeze %dma_wait3A_43 : memref<1x40x128xi32, #tpu.memory_space<hbm>> -> memref<40x128xi32, #tpu.memory_space<hbm>>
      tpu.wait_dma2 semaphore(%run_scoped3A : memref<!tpu.dma_semaphore, #tpu.memory_space<semaphore_mem>>) src(%dma_wait3A_44 : memref<40x128xi32, #tpu.memory_space<hbm>>) dst(%arg10 : memref<40x128xi32, #tpu.memory_space<vmem>>)
      tpu.yield
    }) : () -> ()
    "tpu.region"() ({
      %run_scoped3A = tpu.sem_alloc : memref<!tpu.dma_semaphore, #tpu.memory_space<semaphore_mem>>
      %dma_start3A_30 = arith.constant 0 : i32
      %dma_start3A_31 = arith.constant 0 : i32
      %dma_start3A_32 = tpu.memref_slice %arg5[%add3A, %dma_start3A_30, %dma_start3A_31] : memref<32x40x128xi32, #tpu.memory_space<hbm>> -> memref<1x40x128xi32, #tpu.memory_space<hbm>>
      %dma_start3A_33 = tpu.memref_squeeze %dma_start3A_32 : memref<1x40x128xi32, #tpu.memory_space<hbm>> -> memref<40x128xi32, #tpu.memory_space<hbm>>
      %dma_start3A_34 = arith.constant 0 : i32
      %dma_start3A_35 = arith.constant 0 : i32
      %dma_start3A_36 = tpu.memref_slice %arg5[%add3A, %dma_start3A_34, %dma_start3A_35] : memref<32x40x128xi32, #tpu.memory_space<hbm>> -> memref<1x40x128xi32, #tpu.memory_space<hbm>>
      %dma_start3A_37 = tpu.memref_squeeze %dma_start3A_36 : memref<1x40x128xi32, #tpu.memory_space<hbm>> -> memref<40x128xi32, #tpu.memory_space<hbm>>
      tpu.enqueue_dma source(%dma_start3A_37 : memref<40x128xi32, #tpu.memory_space<hbm>>) target(%arg11 : memref<40x128xi32, #tpu.memory_space<vmem>>) target_semaphore(%run_scoped3A : memref<!tpu.dma_semaphore, #tpu.memory_space<semaphore_mem>>)
      %dma_wait3A = arith.constant 0 : i32
      %dma_wait3A_38 = arith.constant 0 : i32
      %dma_wait3A_39 = tpu.memref_slice %arg5[%add3A, %dma_wait3A, %dma_wait3A_38] : memref<32x40x128xi32, #tpu.memory_space<hbm>> -> memref<1x40x128xi32, #tpu.memory_space<hbm>>
      %dma_wait3A_40 = tpu.memref_squeeze %dma_wait3A_39 : memref<1x40x128xi32, #tpu.memory_space<hbm>> -> memref<40x128xi32, #tpu.memory_space<hbm>>
      %dma_wait3A_41 = arith.constant 0 : i32
      %dma_wait3A_42 = arith.constant 0 : i32
      %dma_wait3A_43 = tpu.memref_slice %arg5[%add3A, %dma_wait3A_41, %dma_wait3A_42] : memref<32x40x128xi32, #tpu.memory_space<hbm>> -> memref<1x40x128xi32, #tpu.memory_space<hbm>>
      %dma_wait3A_44 = tpu.memref_squeeze %dma_wait3A_43 : memref<1x40x128xi32, #tpu.memory_space<hbm>> -> memref<40x128xi32, #tpu.memory_space<hbm>>
      tpu.wait_dma2 semaphore(%run_scoped3A : memref<!tpu.dma_semaphore, #tpu.memory_space<semaphore_mem>>) src(%dma_wait3A_44 : memref<40x128xi32, #tpu.memory_space<hbm>>) dst(%arg11 : memref<40x128xi32, #tpu.memory_space<vmem>>)
      tpu.yield
    }) : () -> ()
    %dma_start3A = arith.constant 0 : i32
    %dma_start3A_9 = arith.constant 0 : i32
    %dma_start3A_10 = tpu.memref_slice %arg10[%dma_start3A, %dma_start3A_9] : memref<40x128xi32, #tpu.memory_space<vmem>> -> memref<1x128xi32, #tpu.memory_space<vmem>>
    %dma_start3A_11 = tpu.memref_squeeze %dma_start3A_10 : memref<1x128xi32, #tpu.memory_space<vmem>> -> memref<128xi32, #tpu.memory_space<vmem>>
    %dma_start3A_12 = arith.constant 0 : i32
    %dma_start3A_13 = arith.constant 0 : i32
    %dma_start3A_14 = tpu.memref_slice %arg3[%dma_start3A_12, %dma_start3A_13] : memref<10000x128xf32, #tpu.memory_space<hbm>> -> memref<10000x128xf32, #tpu.memory_space<hbm>>
    tpu.enqueue_indirect_dma source(%dma_start3A_14 : memref<10000x128xf32, #tpu.memory_space<hbm>>) target(%arg8 : memref<128x128xf32, #tpu.memory_space<vmem>>) offsets(%dma_start3A_11 : memref<128xi32, #tpu.memory_space<vmem>>) semaphore(%arg12 : memref<!tpu.dma_semaphore, #tpu.memory_space<semaphore_mem>>)
    %scan3A_15 = arith.constant 0 : i32
    %scan3A_16 = arith.constant 20 : i32
    %scan3A_17 = arith.addi %scan3A_15, %scan3A_16 : i32
    %scan3A_18 = arith.constant 1 : i32
    scf.for %scan3A_30 = %scan3A_15 to %scan3A_17 step %scan3A_18  : i32 {
      %mul3A_31 = arith.constant 1 : i32
      %mul3A_32 = arith.muli %scan3A_30, %mul3A_31 : i32
      %add3A_33 = arith.constant 0 : i32
      %add3A_34 = arith.addi %add3A_33, %mul3A_32 : i32
      %mul3A_35 = arith.constant 2 : i32
      %mul3A_36 = arith.muli %add3A_34, %mul3A_35 : i32
      %dma_wait3A = arith.constant 0 : i32
      %dma_wait3A_37 = tpu.memref_slice %arg10[%mul3A_36, %dma_wait3A] : memref<40x128xi32, #tpu.memory_space<vmem>> -> memref<1x128xi32, #tpu.memory_space<vmem>>
      %dma_wait3A_38 = tpu.memref_squeeze %dma_wait3A_37 : memref<1x128xi32, #tpu.memory_space<vmem>> -> memref<128xi32, #tpu.memory_space<vmem>>
      %dma_wait3A_39 = arith.constant 0 : i32
      %dma_wait3A_40 = arith.constant 0 : i32
      %dma_wait3A_41 = tpu.memref_slice %arg3[%dma_wait3A_39, %dma_wait3A_40] : memref<10000x128xf32, #tpu.memory_space<hbm>> -> memref<10000x128xf32, #tpu.memory_space<hbm>>
      tpu.wait_indirect_dma semaphore(%arg12 : memref<!tpu.dma_semaphore, #tpu.memory_space<semaphore_mem>>) src(%dma_wait3A_41 : memref<10000x128xf32, #tpu.memory_space<hbm>>) dst(%arg8 : memref<128x128xf32, #tpu.memory_space<vmem>>)
      %add3A_42 = arith.constant 1 : i32
      %add3A_43 = arith.addi %mul3A_36, %add3A_42 : i32
      %dma_start3A_44 = arith.constant 0 : i32
      %dma_start3A_45 = tpu.memref_slice %arg10[%add3A_43, %dma_start3A_44] : memref<40x128xi32, #tpu.memory_space<vmem>> -> memref<1x128xi32, #tpu.memory_space<vmem>>
      %dma_start3A_46 = tpu.memref_squeeze %dma_start3A_45 : memref<1x128xi32, #tpu.memory_space<vmem>> -> memref<128xi32, #tpu.memory_space<vmem>>
      %dma_start3A_47 = arith.constant 0 : i32
      %dma_start3A_48 = arith.constant 0 : i32
      %dma_start3A_49 = tpu.memref_slice %arg3[%dma_start3A_47, %dma_start3A_48] : memref<10000x128xf32, #tpu.memory_space<hbm>> -> memref<10000x128xf32, #tpu.memory_space<hbm>>
      tpu.enqueue_indirect_dma source(%dma_start3A_49 : memref<10000x128xf32, #tpu.memory_space<hbm>>) target(%arg9 : memref<128x128xf32, #tpu.memory_space<vmem>>) offsets(%dma_start3A_46 : memref<128xi32, #tpu.memory_space<vmem>>) semaphore(%arg13 : memref<!tpu.dma_semaphore, #tpu.memory_space<semaphore_mem>>)
      "tpu.region"() ({
        %run_scoped3A = tpu.sem_alloc : memref<!tpu.dma_semaphore, #tpu.memory_space<semaphore_mem>>
        %dma_start3A_64 = arith.constant 0 : i32
        %dma_start3A_65 = tpu.memref_slice %arg11[%mul3A_36, %dma_start3A_64] : memref<40x128xi32, #tpu.memory_space<vmem>> -> memref<1x128xi32, #tpu.memory_space<vmem>>
        %dma_start3A_66 = tpu.memref_squeeze %dma_start3A_65 : memref<1x128xi32, #tpu.memory_space<vmem>> -> memref<128xi32, #tpu.memory_space<vmem>>
        %dma_start3A_67 = arith.constant 0 : i32
        %dma_start3A_68 = arith.constant 0 : i32
        %dma_start3A_69 = tpu.memref_slice %arg7[%dma_start3A_67, %dma_start3A_68] : memref<10016x128xf32, #tpu.memory_space<vmem_shared>> -> memref<10016x128xf32, #tpu.memory_space<vmem_shared>>
        tpu.enqueue_indirect_dma source(%arg8 : memref<128x128xf32, #tpu.memory_space<vmem>>) target(%dma_start3A_69 : memref<10016x128xf32, #tpu.memory_space<vmem_shared>>) offsets(%dma_start3A_66 : memref<128xi32, #tpu.memory_space<vmem>>) semaphore(%run_scoped3A : memref<!tpu.dma_semaphore, #tpu.memory_space<semaphore_mem>>) {add = true}
        %dma_wait3A_70 = arith.constant 0 : i32
        %dma_wait3A_71 = tpu.memref_slice %arg11[%mul3A_36, %dma_wait3A_70] : memref<40x128xi32, #tpu.memory_space<vmem>> -> memref<1x128xi32, #tpu.memory_space<vmem>>
        %dma_wait3A_72 = tpu.memref_squeeze %dma_wait3A_71 : memref<1x128xi32, #tpu.memory_space<vmem>> -> memref<128xi32, #tpu.memory_space<vmem>>
        %dma_wait3A_73 = arith.constant 0 : i32
        %dma_wait3A_74 = arith.constant 0 : i32
        %dma_wait3A_75 = tpu.memref_slice %arg7[%dma_wait3A_73, %dma_wait3A_74] : memref<10016x128xf32, #tpu.memory_space<vmem_shared>> -> memref<10016x128xf32, #tpu.memory_space<vmem_shared>>
        tpu.wait_indirect_dma semaphore(%run_scoped3A : memref<!tpu.dma_semaphore, #tpu.memory_space<semaphore_mem>>) src(%arg8 : memref<128x128xf32, #tpu.memory_space<vmem>>) dst(%dma_wait3A_75 : memref<10016x128xf32, #tpu.memory_space<vmem_shared>>)
        tpu.yield
      }) : () -> ()
      %add3A_50 = arith.constant 1 : i32
      %add3A_51 = arith.addi %mul3A_36, %add3A_50 : i32
      %dma_wait3A_52 = arith.constant 0 : i32
      %dma_wait3A_53 = tpu.memref_slice %arg10[%add3A_51, %dma_wait3A_52] : memref<40x128xi32, #tpu.memory_space<vmem>> -> memref<1x128xi32, #tpu.memory_space<vmem>>
      %dma_wait3A_54 = tpu.memref_squeeze %dma_wait3A_53 : memref<1x128xi32, #tpu.memory_space<vmem>> -> memref<128xi32, #tpu.memory_space<vmem>>
      %dma_wait3A_55 = arith.constant 0 : i32
      %dma_wait3A_56 = arith.constant 0 : i32
      %dma_wait3A_57 = tpu.memref_slice %arg3[%dma_wait3A_55, %dma_wait3A_56] : memref<10000x128xf32, #tpu.memory_space<hbm>> -> memref<10000x128xf32, #tpu.memory_space<hbm>>
      tpu.wait_indirect_dma semaphore(%arg13 : memref<!tpu.dma_semaphore, #tpu.memory_space<semaphore_mem>>) src(%dma_wait3A_57 : memref<10000x128xf32, #tpu.memory_space<hbm>>) dst(%arg9 : memref<128x128xf32, #tpu.memory_space<vmem>>)
      %add3A_58 = arith.constant 2 : i32
      %add3A_59 = arith.addi %mul3A_36, %add3A_58 : i32
      %lt3A = arith.constant 40 : i32
      %lt3A_60 = arith.cmpi slt, %add3A_59, %lt3A : i32
      %convert_element_type3A = arith.extui %lt3A_60 : i1 to i32
      %cond3A = arith.constant 0 : i32
      %cond3A_61 = arith.cmpi ne, %convert_element_type3A, %cond3A : i32
      scf.if %cond3A_61 {
        %add3A_64 = arith.constant 2 : i32
        %add3A_65 = arith.addi %mul3A_36, %add3A_64 : i32
        %dma_start3A_66 = arith.constant 0 : i32
        %dma_start3A_67 = tpu.memref_slice %arg10[%add3A_65, %dma_start3A_66] : memref<40x128xi32, #tpu.memory_space<vmem>> -> memref<1x128xi32, #tpu.memory_space<vmem>>
        %dma_start3A_68 = tpu.memref_squeeze %dma_start3A_67 : memref<1x128xi32, #tpu.memory_space<vmem>> -> memref<128xi32, #tpu.memory_space<vmem>>
        %dma_start3A_69 = arith.constant 0 : i32
        %dma_start3A_70 = arith.constant 0 : i32
        %dma_start3A_71 = tpu.memref_slice %arg3[%dma_start3A_69, %dma_start3A_70] : memref<10000x128xf32, #tpu.memory_space<hbm>> -> memref<10000x128xf32, #tpu.memory_space<hbm>>
        tpu.enqueue_indirect_dma source(%dma_start3A_71 : memref<10000x128xf32, #tpu.memory_space<hbm>>) target(%arg8 : memref<128x128xf32, #tpu.memory_space<vmem>>) offsets(%dma_start3A_68 : memref<128xi32, #tpu.memory_space<vmem>>) semaphore(%arg12 : memref<!tpu.dma_semaphore, #tpu.memory_space<semaphore_mem>>)
      } else {
      }
      %add3A_62 = arith.constant 1 : i32
      %add3A_63 = arith.addi %mul3A_36, %add3A_62 : i32
      "tpu.region"() ({
        %run_scoped3A = tpu.sem_alloc : memref<!tpu.dma_semaphore, #tpu.memory_space<semaphore_mem>>
        %dma_start3A_64 = arith.constant 0 : i32
        %dma_start3A_65 = tpu.memref_slice %arg11[%add3A_63, %dma_start3A_64] : memref<40x128xi32, #tpu.memory_space<vmem>> -> memref<1x128xi32, #tpu.memory_space<vmem>>
        %dma_start3A_66 = tpu.memref_squeeze %dma_start3A_65 : memref<1x128xi32, #tpu.memory_space<vmem>> -> memref<128xi32, #tpu.memory_space<vmem>>
        %dma_start3A_67 = arith.constant 0 : i32
        %dma_start3A_68 = arith.constant 0 : i32
        %dma_start3A_69 = tpu.memref_slice %arg7[%dma_start3A_67, %dma_start3A_68] : memref<10016x128xf32, #tpu.memory_space<vmem_shared>> -> memref<10016x128xf32, #tpu.memory_space<vmem_shared>>
        tpu.enqueue_indirect_dma source(%arg9 : memref<128x128xf32, #tpu.memory_space<vmem>>) target(%dma_start3A_69 : memref<10016x128xf32, #tpu.memory_space<vmem_shared>>) offsets(%dma_start3A_66 : memref<128xi32, #tpu.memory_space<vmem>>) semaphore(%run_scoped3A : memref<!tpu.dma_semaphore, #tpu.memory_space<semaphore_mem>>) {add = true}
        %dma_wait3A_70 = arith.constant 0 : i32
        %dma_wait3A_71 = tpu.memref_slice %arg11[%add3A_63, %dma_wait3A_70] : memref<40x128xi32, #tpu.memory_space<vmem>> -> memref<1x128xi32, #tpu.memory_space<vmem>>
        %dma_wait3A_72 = tpu.memref_squeeze %dma_wait3A_71 : memref<1x128xi32, #tpu.memory_space<vmem>> -> memref<128xi32, #tpu.memory_space<vmem>>
        %dma_wait3A_73 = arith.constant 0 : i32
        %dma_wait3A_74 = arith.constant 0 : i32
        %dma_wait3A_75 = tpu.memref_slice %arg7[%dma_wait3A_73, %dma_wait3A_74] : memref<10016x128xf32, #tpu.memory_space<vmem_shared>> -> memref<10016x128xf32, #tpu.memory_space<vmem_shared>>
        tpu.wait_indirect_dma semaphore(%run_scoped3A : memref<!tpu.dma_semaphore, #tpu.memory_space<semaphore_mem>>) src(%arg9 : memref<128x128xf32, #tpu.memory_space<vmem>>) dst(%dma_wait3A_75 : memref<10016x128xf32, #tpu.memory_space<vmem_shared>>)
        tpu.yield
      }) : () -> ()
    }
    %scan3A_19 = arith.constant 20 : i32
    %barrier3A_20 = arith.constant 0 : index
    tpu.barrier barrier_id(%barrier3A_20)
    %scan3A_21 = arith.constant 0 : i32
    %scan3A_22 = arith.constant 4 : i32
    %scan3A_23 = arith.addi %scan3A_21, %scan3A_22 : i32
    %scan3A_24 = arith.constant 1 : i32
    scf.for %scan3A_30 = %scan3A_21 to %scan3A_23 step %scan3A_24  : i32 {
      %mul3A_31 = arith.constant 1 : i32
      %mul3A_32 = arith.muli %scan3A_30, %mul3A_31 : i32
      %add3A_33 = arith.constant 0 : i32
      %add3A_34 = arith.addi %add3A_33, %mul3A_32 : i32
      %mul3A_35 = arith.constant 128 : i32
      %mul3A_36 = arith.muli %add3A_34, %mul3A_35 : i32
      %add3A_37 = arith.addi %mul3A_2, %mul3A_36 : i32
      %mul3A_38 = arith.constant 128 : i32
      %mul3A_39 = arith.muli %add3A_34, %mul3A_38 : i32
      %add3A_40 = arith.addi %mul3A_2, %mul3A_39 : i32
      "tpu.region"() ({
        %run_scoped3A = tpu.sem_alloc : memref<!tpu.dma_semaphore, #tpu.memory_space<semaphore_mem>>
        %dma_start3A_41 = arith.constant 0 : i32
        %dma_start3A_42 = tpu.memref_slice %arg6[%arg0, %add3A_40, %dma_start3A_41] : memref<2x10016x128xf32, #tpu.memory_space<hbm>> -> memref<1x128x128xf32, #tpu.memory_space<hbm>>
        %dma_start3A_43 = tpu.memref_squeeze %dma_start3A_42 : memref<1x128x128xf32, #tpu.memory_space<hbm>> -> memref<128x128xf32, #tpu.memory_space<hbm>>
        %dma_start3A_44 = arith.constant 0 : i32
        %dma_start3A_45 = tpu.memref_slice %arg7[%add3A_37, %dma_start3A_44] : memref<10016x128xf32, #tpu.memory_space<vmem_shared>> -> memref<128x128xf32, #tpu.memory_space<vmem_shared>>
        tpu.enqueue_dma source(%dma_start3A_45 : memref<128x128xf32, #tpu.memory_space<vmem_shared>>) target(%dma_start3A_43 : memref<128x128xf32, #tpu.memory_space<hbm>>) target_semaphore(%run_scoped3A : memref<!tpu.dma_semaphore, #tpu.memory_space<semaphore_mem>>)
        %dma_wait3A = arith.constant 0 : i32
        %dma_wait3A_46 = tpu.memref_slice %arg6[%arg0, %add3A_40, %dma_wait3A] : memref<2x10016x128xf32, #tpu.memory_space<hbm>> -> memref<1x128x128xf32, #tpu.memory_space<hbm>>
        %dma_wait3A_47 = tpu.memref_squeeze %dma_wait3A_46 : memref<1x128x128xf32, #tpu.memory_space<hbm>> -> memref<128x128xf32, #tpu.memory_space<hbm>>
        %dma_wait3A_48 = arith.constant 0 : i32
        %dma_wait3A_49 = tpu.memref_slice %arg7[%add3A_37, %dma_wait3A_48] : memref<10016x128xf32, #tpu.memory_space<vmem_shared>> -> memref<128x128xf32, #tpu.memory_space<vmem_shared>>
        tpu.wait_dma2 semaphore(%run_scoped3A : memref<!tpu.dma_semaphore, #tpu.memory_space<semaphore_mem>>) src(%dma_wait3A_49 : memref<128x128xf32, #tpu.memory_space<vmem_shared>>) dst(%dma_wait3A_47 : memref<128x128xf32, #tpu.memory_space<hbm>>)
        tpu.yield
      }) : () -> ()
    }
    %scan3A_25 = arith.constant 4 : i32
    %add3A_26 = arith.constant 512 : i32
    %add3A_27 = arith.addi %mul3A_2, %add3A_26 : i32
    %add3A_28 = arith.constant 512 : i32
    %add3A_29 = arith.addi %mul3A_2, %add3A_28 : i32
    "tpu.region"() ({
      %run_scoped3A = tpu.sem_alloc : memref<!tpu.dma_semaphore, #tpu.memory_space<semaphore_mem>>
      %dma_start3A_30 = arith.constant 0 : i32
      %dma_start3A_31 = tpu.memref_slice %arg6[%arg0, %add3A_29, %dma_start3A_30] : memref<2x10016x128xf32, #tpu.memory_space<hbm>> -> memref<1x114x128xf32, #tpu.memory_space<hbm>>
      %dma_start3A_32 = tpu.memref_squeeze %dma_start3A_31 : memref<1x114x128xf32, #tpu.memory_space<hbm>> -> memref<114x128xf32, #tpu.memory_space<hbm>>
      %dma_start3A_33 = arith.constant 0 : i32
      %dma_start3A_34 = tpu.memref_slice %arg7[%add3A_27, %dma_start3A_33] : memref<10016x128xf32, #tpu.memory_space<vmem_shared>> -> memref<114x128xf32, #tpu.memory_space<vmem_shared>>
      tpu.enqueue_dma source(%dma_start3A_34 : memref<114x128xf32, #tpu.memory_space<vmem_shared>>) target(%dma_start3A_32 : memref<114x128xf32, #tpu.memory_space<hbm>>) target_semaphore(%run_scoped3A : memref<!tpu.dma_semaphore, #tpu.memory_space<semaphore_mem>>)
      %dma_wait3A = arith.constant 0 : i32
      %dma_wait3A_35 = tpu.memref_slice %arg6[%arg0, %add3A_29, %dma_wait3A] : memref<2x10016x128xf32, #tpu.memory_space<hbm>> -> memref<1x114x128xf32, #tpu.memory_space<hbm>>
      %dma_wait3A_36 = tpu.memref_squeeze %dma_wait3A_35 : memref<1x114x128xf32, #tpu.memory_space<hbm>> -> memref<114x128xf32, #tpu.memory_space<hbm>>
      %dma_wait3A_37 = arith.constant 0 : i32
      %dma_wait3A_38 = tpu.memref_slice %arg7[%add3A_27, %dma_wait3A_37] : memref<10016x128xf32, #tpu.memory_space<vmem_shared>> -> memref<114x128xf32, #tpu.memory_space<vmem_shared>>
      tpu.wait_dma2 semaphore(%run_scoped3A : memref<!tpu.dma_semaphore, #tpu.memory_space<semaphore_mem>>) src(%dma_wait3A_38 : memref<114x128xf32, #tpu.memory_space<vmem_shared>>) dst(%dma_wait3A_36 : memref<114x128xf32, #tpu.memory_space<hbm>>)
      tpu.yield
    }) : () -> ()
    return
  }
}

#map = affine_map<(d0, d1) -> (0, 0)>
#map1 = affine_map<(d0, d1) -> (0, 0, 0)>
module attributes {stable_mosaic.version = 14 : i64} {
  func.func @sc_dep(%arg0: i32, %arg1: i32, %arg2: memref<128x136xf32, #tpu.memory_space<hbm>>, %arg3: memref<10000x136xf32, #tpu.memory_space<hbm>>, %arg4: memref<32x40x128xi32, #tpu.memory_space<hbm>>, %arg5: memref<32x40x128xi32, #tpu.memory_space<hbm>>, %arg6: memref<2x10016x136xf32, #tpu.memory_space<hbm>>, %arg7: memref<10016x136xf32, #tpu.memory_space<vmem_shared>>, %arg8: memref<128x136xf32, #tpu.memory_space<vmem>>, %arg9: memref<128x136xf32, #tpu.memory_space<vmem>>, %arg10: memref<40x128xi32, #tpu.memory_space<vmem>>, %arg11: memref<40x128xi32, #tpu.memory_space<vmem>>, %arg12: memref<!tpu.dma_semaphore, #tpu.memory_space<semaphore_mem>>, %arg13: memref<!tpu.dma_semaphore, #tpu.memory_space<semaphore_mem>>) attributes {dimension_semantics = [#tpu.dimension_semantics<core_parallel>, #tpu.dimension_semantics<subcore_parallel>], iteration_bounds = array<i64: 2, 16>, scalar_prefetch = 0 : i64, scratch_operands = 7 : i64, tpu.core_type = #tpu.core_type<sc_vector_subcore>, window_params = [{transform_indices = #map}, {transform_indices = #map}, {transform_indices = #map1}, {transform_indices = #map1}, {transform_indices = #map1}]} {
    %mul3A = arith.constant 2 : i32
    %mul3A_0 = arith.muli %arg1, %mul3A : i32
    %add3A = arith.addi %mul3A_0, %arg0 : i32
    %mul3A_1 = arith.constant 626 : i32
    %mul3A_2 = arith.muli %arg1, %mul3A_1 : i32
    %scan3A = arith.constant 0 : i32
    %scan3A_3 = arith.constant 4 : i32
    %scan3A_4 = arith.addi %scan3A, %scan3A_3 : i32
    %scan3A_5 = arith.constant 1 : i32
    scf.for %scan3A_30 = %scan3A to %scan3A_4 step %scan3A_5  : i32 {
      %mul3A_31 = arith.constant 1 : i32
      %mul3A_32 = arith.muli %scan3A_30, %mul3A_31 : i32
      %add3A_33 = arith.constant 0 : i32
      %add3A_34 = arith.addi %add3A_33, %mul3A_32 : i32
      %mul3A_35 = arith.constant 128 : i32
      %mul3A_36 = arith.muli %add3A_34, %mul3A_35 : i32
      %add3A_37 = arith.addi %mul3A_2, %mul3A_36 : i32
      "tpu.region"() ({
        %run_scoped3A = tpu.sem_alloc : memref<!tpu.dma_semaphore, #tpu.memory_space<semaphore_mem>>
        %dma_start3A_38 = arith.constant 0 : i32
        %dma_start3A_39 = tpu.memref_slice %arg7[%add3A_37, %dma_start3A_38] : memref<10016x136xf32, #tpu.memory_space<vmem_shared>> -> memref<128x136xf32, #tpu.memory_space<vmem_shared>>
        tpu.enqueue_dma source(%arg2 : memref<128x136xf32, #tpu.memory_space<hbm>>) target(%dma_start3A_39 : memref<128x136xf32, #tpu.memory_space<vmem_shared>>) target_semaphore(%run_scoped3A : memref<!tpu.dma_semaphore, #tpu.memory_space<semaphore_mem>>)
        %dma_wait3A = arith.constant 0 : i32
        %dma_wait3A_40 = tpu.memref_slice %arg7[%add3A_37, %dma_wait3A] : memref<10016x136xf32, #tpu.memory_space<vmem_shared>> -> memref<128x136xf32, #tpu.memory_space<vmem_shared>>
        tpu.wait_dma2 semaphore(%run_scoped3A : memref<!tpu.dma_semaphore, #tpu.memory_space<semaphore_mem>>) src(%arg2 : memref<128x136xf32, #tpu.memory_space<hbm>>) dst(%dma_wait3A_40 : memref<128x136xf32, #tpu.memory_space<vmem_shared>>)
        tpu.yield
      }) : () -> ()
    }
    %scan3A_6 = arith.constant 4 : i32
    %add3A_7 = arith.constant 512 : i32
    %add3A_8 = arith.addi %mul3A_2, %add3A_7 : i32
    "tpu.region"() ({
      %run_scoped3A = tpu.sem_alloc : memref<!tpu.dma_semaphore, #tpu.memory_space<semaphore_mem>>
      %dma_start3A_30 = arith.constant 0 : i32
      %dma_start3A_31 = tpu.memref_slice %arg7[%add3A_8, %dma_start3A_30] : memref<10016x136xf32, #tpu.memory_space<vmem_shared>> -> memref<114x136xf32, #tpu.memory_space<vmem_shared>>
      %dma_start3A_32 = arith.constant 0 : i32
      %dma_start3A_33 = arith.constant 0 : i32
      %dma_start3A_34 = tpu.memref_slice %arg2[%dma_start3A_32, %dma_start3A_33] : memref<128x136xf32, #tpu.memory_space<hbm>> -> memref<114x136xf32, #tpu.memory_space<hbm>>
      tpu.enqueue_dma source(%dma_start3A_34 : memref<114x136xf32, #tpu.memory_space<hbm>>) target(%dma_start3A_31 : memref<114x136xf32, #tpu.memory_space<vmem_shared>>) target_semaphore(%run_scoped3A : memref<!tpu.dma_semaphore, #tpu.memory_space<semaphore_mem>>)
      %dma_wait3A = arith.constant 0 : i32
      %dma_wait3A_35 = tpu.memref_slice %arg7[%add3A_8, %dma_wait3A] : memref<10016x136xf32, #tpu.memory_space<vmem_shared>> -> memref<114x136xf32, #tpu.memory_space<vmem_shared>>
      %dma_wait3A_36 = arith.constant 0 : i32
      %dma_wait3A_37 = arith.constant 0 : i32
      %dma_wait3A_38 = tpu.memref_slice %arg2[%dma_wait3A_36, %dma_wait3A_37] : memref<128x136xf32, #tpu.memory_space<hbm>> -> memref<114x136xf32, #tpu.memory_space<hbm>>
      tpu.wait_dma2 semaphore(%run_scoped3A : memref<!tpu.dma_semaphore, #tpu.memory_space<semaphore_mem>>) src(%dma_wait3A_38 : memref<114x136xf32, #tpu.memory_space<hbm>>) dst(%dma_wait3A_35 : memref<114x136xf32, #tpu.memory_space<vmem_shared>>)
      tpu.yield
    }) : () -> ()
    %barrier3A = arith.constant 0 : index
    tpu.barrier barrier_id(%barrier3A)
    "tpu.region"() ({
      %run_scoped3A = tpu.sem_alloc : memref<!tpu.dma_semaphore, #tpu.memory_space<semaphore_mem>>
      %dma_start3A_30 = arith.constant 0 : i32
      %dma_start3A_31 = arith.constant 0 : i32
      %dma_start3A_32 = tpu.memref_slice %arg4[%add3A, %dma_start3A_30, %dma_start3A_31] : memref<32x40x128xi32, #tpu.memory_space<hbm>> -> memref<1x40x128xi32, #tpu.memory_space<hbm>>
      %dma_start3A_33 = tpu.memref_squeeze %dma_start3A_32 : memref<1x40x128xi32, #tpu.memory_space<hbm>> -> memref<40x128xi32, #tpu.memory_space<hbm>>
      %dma_start3A_34 = arith.constant 0 : i32
      %dma_start3A_35 = arith.constant 0 : i32
      %dma_start3A_36 = tpu.memref_slice %arg4[%add3A, %dma_start3A_34, %dma_start3A_35] : memref<32x40x128xi32, #tpu.memory_space<hbm>> -> memref<1x40x128xi32, #tpu.memory_space<hbm>>
      %dma_start3A_37 = tpu.memref_squeeze %dma_start3A_36 : memref<1x40x128xi32, #tpu.memory_space<hbm>> -> memref<40x128xi32, #tpu.memory_space<hbm>>
      tpu.enqueue_dma source(%dma_start3A_37 : memref<40x128xi32, #tpu.memory_space<hbm>>) target(%arg10 : memref<40x128xi32, #tpu.memory_space<vmem>>) target_semaphore(%run_scoped3A : memref<!tpu.dma_semaphore, #tpu.memory_space<semaphore_mem>>)
      %dma_wait3A = arith.constant 0 : i32
      %dma_wait3A_38 = arith.constant 0 : i32
      %dma_wait3A_39 = tpu.memref_slice %arg4[%add3A, %dma_wait3A, %dma_wait3A_38] : memref<32x40x128xi32, #tpu.memory_space<hbm>> -> memref<1x40x128xi32, #tpu.memory_space<hbm>>
      %dma_wait3A_40 = tpu.memref_squeeze %dma_wait3A_39 : memref<1x40x128xi32, #tpu.memory_space<hbm>> -> memref<40x128xi32, #tpu.memory_space<hbm>>
      %dma_wait3A_41 = arith.constant 0 : i32
      %dma_wait3A_42 = arith.constant 0 : i32
      %dma_wait3A_43 = tpu.memref_slice %arg4[%add3A, %dma_wait3A_41, %dma_wait3A_42] : memref<32x40x128xi32, #tpu.memory_space<hbm>> -> memref<1x40x128xi32, #tpu.memory_space<hbm>>
      %dma_wait3A_44 = tpu.memref_squeeze %dma_wait3A_43 : memref<1x40x128xi32, #tpu.memory_space<hbm>> -> memref<40x128xi32, #tpu.memory_space<hbm>>
      tpu.wait_dma2 semaphore(%run_scoped3A : memref<!tpu.dma_semaphore, #tpu.memory_space<semaphore_mem>>) src(%dma_wait3A_44 : memref<40x128xi32, #tpu.memory_space<hbm>>) dst(%arg10 : memref<40x128xi32, #tpu.memory_space<vmem>>)
      tpu.yield
    }) : () -> ()
    "tpu.region"() ({
      %run_scoped3A = tpu.sem_alloc : memref<!tpu.dma_semaphore, #tpu.memory_space<semaphore_mem>>
      %dma_start3A_30 = arith.constant 0 : i32
      %dma_start3A_31 = arith.constant 0 : i32
      %dma_start3A_32 = tpu.memref_slice %arg5[%add3A, %dma_start3A_30, %dma_start3A_31] : memref<32x40x128xi32, #tpu.memory_space<hbm>> -> memref<1x40x128xi32, #tpu.memory_space<hbm>>
      %dma_start3A_33 = tpu.memref_squeeze %dma_start3A_32 : memref<1x40x128xi32, #tpu.memory_space<hbm>> -> memref<40x128xi32, #tpu.memory_space<hbm>>
      %dma_start3A_34 = arith.constant 0 : i32
      %dma_start3A_35 = arith.constant 0 : i32
      %dma_start3A_36 = tpu.memref_slice %arg5[%add3A, %dma_start3A_34, %dma_start3A_35] : memref<32x40x128xi32, #tpu.memory_space<hbm>> -> memref<1x40x128xi32, #tpu.memory_space<hbm>>
      %dma_start3A_37 = tpu.memref_squeeze %dma_start3A_36 : memref<1x40x128xi32, #tpu.memory_space<hbm>> -> memref<40x128xi32, #tpu.memory_space<hbm>>
      tpu.enqueue_dma source(%dma_start3A_37 : memref<40x128xi32, #tpu.memory_space<hbm>>) target(%arg11 : memref<40x128xi32, #tpu.memory_space<vmem>>) target_semaphore(%run_scoped3A : memref<!tpu.dma_semaphore, #tpu.memory_space<semaphore_mem>>)
      %dma_wait3A = arith.constant 0 : i32
      %dma_wait3A_38 = arith.constant 0 : i32
      %dma_wait3A_39 = tpu.memref_slice %arg5[%add3A, %dma_wait3A, %dma_wait3A_38] : memref<32x40x128xi32, #tpu.memory_space<hbm>> -> memref<1x40x128xi32, #tpu.memory_space<hbm>>
      %dma_wait3A_40 = tpu.memref_squeeze %dma_wait3A_39 : memref<1x40x128xi32, #tpu.memory_space<hbm>> -> memref<40x128xi32, #tpu.memory_space<hbm>>
      %dma_wait3A_41 = arith.constant 0 : i32
      %dma_wait3A_42 = arith.constant 0 : i32
      %dma_wait3A_43 = tpu.memref_slice %arg5[%add3A, %dma_wait3A_41, %dma_wait3A_42] : memref<32x40x128xi32, #tpu.memory_space<hbm>> -> memref<1x40x128xi32, #tpu.memory_space<hbm>>
      %dma_wait3A_44 = tpu.memref_squeeze %dma_wait3A_43 : memref<1x40x128xi32, #tpu.memory_space<hbm>> -> memref<40x128xi32, #tpu.memory_space<hbm>>
      tpu.wait_dma2 semaphore(%run_scoped3A : memref<!tpu.dma_semaphore, #tpu.memory_space<semaphore_mem>>) src(%dma_wait3A_44 : memref<40x128xi32, #tpu.memory_space<hbm>>) dst(%arg11 : memref<40x128xi32, #tpu.memory_space<vmem>>)
      tpu.yield
    }) : () -> ()
    %dma_start3A = arith.constant 0 : i32
    %dma_start3A_9 = arith.constant 0 : i32
    %dma_start3A_10 = tpu.memref_slice %arg10[%dma_start3A, %dma_start3A_9] : memref<40x128xi32, #tpu.memory_space<vmem>> -> memref<1x128xi32, #tpu.memory_space<vmem>>
    %dma_start3A_11 = tpu.memref_squeeze %dma_start3A_10 : memref<1x128xi32, #tpu.memory_space<vmem>> -> memref<128xi32, #tpu.memory_space<vmem>>
    %dma_start3A_12 = arith.constant 0 : i32
    %dma_start3A_13 = arith.constant 0 : i32
    %dma_start3A_14 = tpu.memref_slice %arg3[%dma_start3A_12, %dma_start3A_13] : memref<10000x136xf32, #tpu.memory_space<hbm>> -> memref<10000x136xf32, #tpu.memory_space<hbm>>
    tpu.enqueue_indirect_dma source(%dma_start3A_14 : memref<10000x136xf32, #tpu.memory_space<hbm>>) target(%arg8 : memref<128x136xf32, #tpu.memory_space<vmem>>) offsets(%dma_start3A_11 : memref<128xi32, #tpu.memory_space<vmem>>) semaphore(%arg12 : memref<!tpu.dma_semaphore, #tpu.memory_space<semaphore_mem>>)
    %scan3A_15 = arith.constant 0 : i32
    %scan3A_16 = arith.constant 20 : i32
    %scan3A_17 = arith.addi %scan3A_15, %scan3A_16 : i32
    %scan3A_18 = arith.constant 1 : i32
    scf.for %scan3A_30 = %scan3A_15 to %scan3A_17 step %scan3A_18  : i32 {
      %mul3A_31 = arith.constant 1 : i32
      %mul3A_32 = arith.muli %scan3A_30, %mul3A_31 : i32
      %add3A_33 = arith.constant 0 : i32
      %add3A_34 = arith.addi %add3A_33, %mul3A_32 : i32
      %mul3A_35 = arith.constant 2 : i32
      %mul3A_36 = arith.muli %add3A_34, %mul3A_35 : i32
      %dma_wait3A = arith.constant 0 : i32
      %dma_wait3A_37 = tpu.memref_slice %arg10[%mul3A_36, %dma_wait3A] : memref<40x128xi32, #tpu.memory_space<vmem>> -> memref<1x128xi32, #tpu.memory_space<vmem>>
      %dma_wait3A_38 = tpu.memref_squeeze %dma_wait3A_37 : memref<1x128xi32, #tpu.memory_space<vmem>> -> memref<128xi32, #tpu.memory_space<vmem>>
      %dma_wait3A_39 = arith.constant 0 : i32
      %dma_wait3A_40 = arith.constant 0 : i32
      %dma_wait3A_41 = tpu.memref_slice %arg3[%dma_wait3A_39, %dma_wait3A_40] : memref<10000x136xf32, #tpu.memory_space<hbm>> -> memref<10000x136xf32, #tpu.memory_space<hbm>>
      tpu.wait_indirect_dma semaphore(%arg12 : memref<!tpu.dma_semaphore, #tpu.memory_space<semaphore_mem>>) src(%dma_wait3A_41 : memref<10000x136xf32, #tpu.memory_space<hbm>>) dst(%arg8 : memref<128x136xf32, #tpu.memory_space<vmem>>)
      %add3A_42 = arith.constant 1 : i32
      %add3A_43 = arith.addi %mul3A_36, %add3A_42 : i32
      %dma_start3A_44 = arith.constant 0 : i32
      %dma_start3A_45 = tpu.memref_slice %arg10[%add3A_43, %dma_start3A_44] : memref<40x128xi32, #tpu.memory_space<vmem>> -> memref<1x128xi32, #tpu.memory_space<vmem>>
      %dma_start3A_46 = tpu.memref_squeeze %dma_start3A_45 : memref<1x128xi32, #tpu.memory_space<vmem>> -> memref<128xi32, #tpu.memory_space<vmem>>
      %dma_start3A_47 = arith.constant 0 : i32
      %dma_start3A_48 = arith.constant 0 : i32
      %dma_start3A_49 = tpu.memref_slice %arg3[%dma_start3A_47, %dma_start3A_48] : memref<10000x136xf32, #tpu.memory_space<hbm>> -> memref<10000x136xf32, #tpu.memory_space<hbm>>
      tpu.enqueue_indirect_dma source(%dma_start3A_49 : memref<10000x136xf32, #tpu.memory_space<hbm>>) target(%arg9 : memref<128x136xf32, #tpu.memory_space<vmem>>) offsets(%dma_start3A_46 : memref<128xi32, #tpu.memory_space<vmem>>) semaphore(%arg13 : memref<!tpu.dma_semaphore, #tpu.memory_space<semaphore_mem>>)
      "tpu.region"() ({
        %run_scoped3A = tpu.sem_alloc : memref<!tpu.dma_semaphore, #tpu.memory_space<semaphore_mem>>
        %dma_start3A_64 = arith.constant 0 : i32
        %dma_start3A_65 = tpu.memref_slice %arg11[%mul3A_36, %dma_start3A_64] : memref<40x128xi32, #tpu.memory_space<vmem>> -> memref<1x128xi32, #tpu.memory_space<vmem>>
        %dma_start3A_66 = tpu.memref_squeeze %dma_start3A_65 : memref<1x128xi32, #tpu.memory_space<vmem>> -> memref<128xi32, #tpu.memory_space<vmem>>
        %dma_start3A_67 = arith.constant 0 : i32
        %dma_start3A_68 = arith.constant 0 : i32
        %dma_start3A_69 = tpu.memref_slice %arg7[%dma_start3A_67, %dma_start3A_68] : memref<10016x136xf32, #tpu.memory_space<vmem_shared>> -> memref<10016x136xf32, #tpu.memory_space<vmem_shared>>
        tpu.enqueue_indirect_dma source(%arg8 : memref<128x136xf32, #tpu.memory_space<vmem>>) target(%dma_start3A_69 : memref<10016x136xf32, #tpu.memory_space<vmem_shared>>) offsets(%dma_start3A_66 : memref<128xi32, #tpu.memory_space<vmem>>) semaphore(%run_scoped3A : memref<!tpu.dma_semaphore, #tpu.memory_space<semaphore_mem>>) {add = true}
        %dma_wait3A_70 = arith.constant 0 : i32
        %dma_wait3A_71 = tpu.memref_slice %arg11[%mul3A_36, %dma_wait3A_70] : memref<40x128xi32, #tpu.memory_space<vmem>> -> memref<1x128xi32, #tpu.memory_space<vmem>>
        %dma_wait3A_72 = tpu.memref_squeeze %dma_wait3A_71 : memref<1x128xi32, #tpu.memory_space<vmem>> -> memref<128xi32, #tpu.memory_space<vmem>>
        %dma_wait3A_73 = arith.constant 0 : i32
        %dma_wait3A_74 = arith.constant 0 : i32
        %dma_wait3A_75 = tpu.memref_slice %arg7[%dma_wait3A_73, %dma_wait3A_74] : memref<10016x136xf32, #tpu.memory_space<vmem_shared>> -> memref<10016x136xf32, #tpu.memory_space<vmem_shared>>
        tpu.wait_indirect_dma semaphore(%run_scoped3A : memref<!tpu.dma_semaphore, #tpu.memory_space<semaphore_mem>>) src(%arg8 : memref<128x136xf32, #tpu.memory_space<vmem>>) dst(%dma_wait3A_75 : memref<10016x136xf32, #tpu.memory_space<vmem_shared>>)
        tpu.yield
      }) : () -> ()
      %add3A_50 = arith.constant 1 : i32
      %add3A_51 = arith.addi %mul3A_36, %add3A_50 : i32
      %dma_wait3A_52 = arith.constant 0 : i32
      %dma_wait3A_53 = tpu.memref_slice %arg10[%add3A_51, %dma_wait3A_52] : memref<40x128xi32, #tpu.memory_space<vmem>> -> memref<1x128xi32, #tpu.memory_space<vmem>>
      %dma_wait3A_54 = tpu.memref_squeeze %dma_wait3A_53 : memref<1x128xi32, #tpu.memory_space<vmem>> -> memref<128xi32, #tpu.memory_space<vmem>>
      %dma_wait3A_55 = arith.constant 0 : i32
      %dma_wait3A_56 = arith.constant 0 : i32
      %dma_wait3A_57 = tpu.memref_slice %arg3[%dma_wait3A_55, %dma_wait3A_56] : memref<10000x136xf32, #tpu.memory_space<hbm>> -> memref<10000x136xf32, #tpu.memory_space<hbm>>
      tpu.wait_indirect_dma semaphore(%arg13 : memref<!tpu.dma_semaphore, #tpu.memory_space<semaphore_mem>>) src(%dma_wait3A_57 : memref<10000x136xf32, #tpu.memory_space<hbm>>) dst(%arg9 : memref<128x136xf32, #tpu.memory_space<vmem>>)
      %add3A_58 = arith.constant 2 : i32
      %add3A_59 = arith.addi %mul3A_36, %add3A_58 : i32
      %lt3A = arith.constant 40 : i32
      %lt3A_60 = arith.cmpi slt, %add3A_59, %lt3A : i32
      %convert_element_type3A = arith.extui %lt3A_60 : i1 to i32
      %cond3A = arith.constant 0 : i32
      %cond3A_61 = arith.cmpi ne, %convert_element_type3A, %cond3A : i32
      scf.if %cond3A_61 {
        %add3A_64 = arith.constant 2 : i32
        %add3A_65 = arith.addi %mul3A_36, %add3A_64 : i32
        %dma_start3A_66 = arith.constant 0 : i32
        %dma_start3A_67 = tpu.memref_slice %arg10[%add3A_65, %dma_start3A_66] : memref<40x128xi32, #tpu.memory_space<vmem>> -> memref<1x128xi32, #tpu.memory_space<vmem>>
        %dma_start3A_68 = tpu.memref_squeeze %dma_start3A_67 : memref<1x128xi32, #tpu.memory_space<vmem>> -> memref<128xi32, #tpu.memory_space<vmem>>
        %dma_start3A_69 = arith.constant 0 : i32
        %dma_start3A_70 = arith.constant 0 : i32
        %dma_start3A_71 = tpu.memref_slice %arg3[%dma_start3A_69, %dma_start3A_70] : memref<10000x136xf32, #tpu.memory_space<hbm>> -> memref<10000x136xf32, #tpu.memory_space<hbm>>
        tpu.enqueue_indirect_dma source(%dma_start3A_71 : memref<10000x136xf32, #tpu.memory_space<hbm>>) target(%arg8 : memref<128x136xf32, #tpu.memory_space<vmem>>) offsets(%dma_start3A_68 : memref<128xi32, #tpu.memory_space<vmem>>) semaphore(%arg12 : memref<!tpu.dma_semaphore, #tpu.memory_space<semaphore_mem>>)
      } else {
      }
      %add3A_62 = arith.constant 1 : i32
      %add3A_63 = arith.addi %mul3A_36, %add3A_62 : i32
      "tpu.region"() ({
        %run_scoped3A = tpu.sem_alloc : memref<!tpu.dma_semaphore, #tpu.memory_space<semaphore_mem>>
        %dma_start3A_64 = arith.constant 0 : i32
        %dma_start3A_65 = tpu.memref_slice %arg11[%add3A_63, %dma_start3A_64] : memref<40x128xi32, #tpu.memory_space<vmem>> -> memref<1x128xi32, #tpu.memory_space<vmem>>
        %dma_start3A_66 = tpu.memref_squeeze %dma_start3A_65 : memref<1x128xi32, #tpu.memory_space<vmem>> -> memref<128xi32, #tpu.memory_space<vmem>>
        %dma_start3A_67 = arith.constant 0 : i32
        %dma_start3A_68 = arith.constant 0 : i32
        %dma_start3A_69 = tpu.memref_slice %arg7[%dma_start3A_67, %dma_start3A_68] : memref<10016x136xf32, #tpu.memory_space<vmem_shared>> -> memref<10016x136xf32, #tpu.memory_space<vmem_shared>>
        tpu.enqueue_indirect_dma source(%arg9 : memref<128x136xf32, #tpu.memory_space<vmem>>) target(%dma_start3A_69 : memref<10016x136xf32, #tpu.memory_space<vmem_shared>>) offsets(%dma_start3A_66 : memref<128xi32, #tpu.memory_space<vmem>>) semaphore(%run_scoped3A : memref<!tpu.dma_semaphore, #tpu.memory_space<semaphore_mem>>) {add = true}
        %dma_wait3A_70 = arith.constant 0 : i32
        %dma_wait3A_71 = tpu.memref_slice %arg11[%add3A_63, %dma_wait3A_70] : memref<40x128xi32, #tpu.memory_space<vmem>> -> memref<1x128xi32, #tpu.memory_space<vmem>>
        %dma_wait3A_72 = tpu.memref_squeeze %dma_wait3A_71 : memref<1x128xi32, #tpu.memory_space<vmem>> -> memref<128xi32, #tpu.memory_space<vmem>>
        %dma_wait3A_73 = arith.constant 0 : i32
        %dma_wait3A_74 = arith.constant 0 : i32
        %dma_wait3A_75 = tpu.memref_slice %arg7[%dma_wait3A_73, %dma_wait3A_74] : memref<10016x136xf32, #tpu.memory_space<vmem_shared>> -> memref<10016x136xf32, #tpu.memory_space<vmem_shared>>
        tpu.wait_indirect_dma semaphore(%run_scoped3A : memref<!tpu.dma_semaphore, #tpu.memory_space<semaphore_mem>>) src(%arg9 : memref<128x136xf32, #tpu.memory_space<vmem>>) dst(%dma_wait3A_75 : memref<10016x136xf32, #tpu.memory_space<vmem_shared>>)
        tpu.yield
      }) : () -> ()
    }
    %scan3A_19 = arith.constant 20 : i32
    %barrier3A_20 = arith.constant 0 : index
    tpu.barrier barrier_id(%barrier3A_20)
    %scan3A_21 = arith.constant 0 : i32
    %scan3A_22 = arith.constant 4 : i32
    %scan3A_23 = arith.addi %scan3A_21, %scan3A_22 : i32
    %scan3A_24 = arith.constant 1 : i32
    scf.for %scan3A_30 = %scan3A_21 to %scan3A_23 step %scan3A_24  : i32 {
      %mul3A_31 = arith.constant 1 : i32
      %mul3A_32 = arith.muli %scan3A_30, %mul3A_31 : i32
      %add3A_33 = arith.constant 0 : i32
      %add3A_34 = arith.addi %add3A_33, %mul3A_32 : i32
      %mul3A_35 = arith.constant 128 : i32
      %mul3A_36 = arith.muli %add3A_34, %mul3A_35 : i32
      %add3A_37 = arith.addi %mul3A_2, %mul3A_36 : i32
      %mul3A_38 = arith.constant 128 : i32
      %mul3A_39 = arith.muli %add3A_34, %mul3A_38 : i32
      %add3A_40 = arith.addi %mul3A_2, %mul3A_39 : i32
      "tpu.region"() ({
        %run_scoped3A = tpu.sem_alloc : memref<!tpu.dma_semaphore, #tpu.memory_space<semaphore_mem>>
        %dma_start3A_41 = arith.constant 0 : i32
        %dma_start3A_42 = tpu.memref_slice %arg6[%arg0, %add3A_40, %dma_start3A_41] : memref<2x10016x136xf32, #tpu.memory_space<hbm>> -> memref<1x128x136xf32, #tpu.memory_space<hbm>>
        %dma_start3A_43 = tpu.memref_squeeze %dma_start3A_42 : memref<1x128x136xf32, #tpu.memory_space<hbm>> -> memref<128x136xf32, #tpu.memory_space<hbm>>
        %dma_start3A_44 = arith.constant 0 : i32
        %dma_start3A_45 = tpu.memref_slice %arg7[%add3A_37, %dma_start3A_44] : memref<10016x136xf32, #tpu.memory_space<vmem_shared>> -> memref<128x136xf32, #tpu.memory_space<vmem_shared>>
        tpu.enqueue_dma source(%dma_start3A_45 : memref<128x136xf32, #tpu.memory_space<vmem_shared>>) target(%dma_start3A_43 : memref<128x136xf32, #tpu.memory_space<hbm>>) target_semaphore(%run_scoped3A : memref<!tpu.dma_semaphore, #tpu.memory_space<semaphore_mem>>)
        %dma_wait3A = arith.constant 0 : i32
        %dma_wait3A_46 = tpu.memref_slice %arg6[%arg0, %add3A_40, %dma_wait3A] : memref<2x10016x136xf32, #tpu.memory_space<hbm>> -> memref<1x128x136xf32, #tpu.memory_space<hbm>>
        %dma_wait3A_47 = tpu.memref_squeeze %dma_wait3A_46 : memref<1x128x136xf32, #tpu.memory_space<hbm>> -> memref<128x136xf32, #tpu.memory_space<hbm>>
        %dma_wait3A_48 = arith.constant 0 : i32
        %dma_wait3A_49 = tpu.memref_slice %arg7[%add3A_37, %dma_wait3A_48] : memref<10016x136xf32, #tpu.memory_space<vmem_shared>> -> memref<128x136xf32, #tpu.memory_space<vmem_shared>>
        tpu.wait_dma2 semaphore(%run_scoped3A : memref<!tpu.dma_semaphore, #tpu.memory_space<semaphore_mem>>) src(%dma_wait3A_49 : memref<128x136xf32, #tpu.memory_space<vmem_shared>>) dst(%dma_wait3A_47 : memref<128x136xf32, #tpu.memory_space<hbm>>)
        tpu.yield
      }) : () -> ()
    }
    %scan3A_25 = arith.constant 4 : i32
    %add3A_26 = arith.constant 512 : i32
    %add3A_27 = arith.addi %mul3A_2, %add3A_26 : i32
    %add3A_28 = arith.constant 512 : i32
    %add3A_29 = arith.addi %mul3A_2, %add3A_28 : i32
    "tpu.region"() ({
      %run_scoped3A = tpu.sem_alloc : memref<!tpu.dma_semaphore, #tpu.memory_space<semaphore_mem>>
      %dma_start3A_30 = arith.constant 0 : i32
      %dma_start3A_31 = tpu.memref_slice %arg6[%arg0, %add3A_29, %dma_start3A_30] : memref<2x10016x136xf32, #tpu.memory_space<hbm>> -> memref<1x114x136xf32, #tpu.memory_space<hbm>>
      %dma_start3A_32 = tpu.memref_squeeze %dma_start3A_31 : memref<1x114x136xf32, #tpu.memory_space<hbm>> -> memref<114x136xf32, #tpu.memory_space<hbm>>
      %dma_start3A_33 = arith.constant 0 : i32
      %dma_start3A_34 = tpu.memref_slice %arg7[%add3A_27, %dma_start3A_33] : memref<10016x136xf32, #tpu.memory_space<vmem_shared>> -> memref<114x136xf32, #tpu.memory_space<vmem_shared>>
      tpu.enqueue_dma source(%dma_start3A_34 : memref<114x136xf32, #tpu.memory_space<vmem_shared>>) target(%dma_start3A_32 : memref<114x136xf32, #tpu.memory_space<hbm>>) target_semaphore(%run_scoped3A : memref<!tpu.dma_semaphore, #tpu.memory_space<semaphore_mem>>)
      %dma_wait3A = arith.constant 0 : i32
      %dma_wait3A_35 = tpu.memref_slice %arg6[%arg0, %add3A_29, %dma_wait3A] : memref<2x10016x136xf32, #tpu.memory_space<hbm>> -> memref<1x114x136xf32, #tpu.memory_space<hbm>>
      %dma_wait3A_36 = tpu.memref_squeeze %dma_wait3A_35 : memref<1x114x136xf32, #tpu.memory_space<hbm>> -> memref<114x136xf32, #tpu.memory_space<hbm>>
      %dma_wait3A_37 = arith.constant 0 : i32
      %dma_wait3A_38 = tpu.memref_slice %arg7[%add3A_27, %dma_wait3A_37] : memref<10016x136xf32, #tpu.memory_space<vmem_shared>> -> memref<114x136xf32, #tpu.memory_space<vmem_shared>>
      tpu.wait_dma2 semaphore(%run_scoped3A : memref<!tpu.dma_semaphore, #tpu.memory_space<semaphore_mem>>) src(%dma_wait3A_38 : memref<114x136xf32, #tpu.memory_space<vmem_shared>>) dst(%dma_wait3A_36 : memref<114x136xf32, #tpu.memory_space<hbm>>)
      tpu.yield
    }) : () -> ()
    return
  }
}

#map = affine_map<(d0, d1) -> (0, 0)>
#map1 = affine_map<(d0, d1) -> (0, 0, 0)>
module attributes {stable_mosaic.version = 14 : i64} {
  func.func @sc_small(%arg0: i32, %arg1: i32, %arg2: memref<128x128xf32, #tpu.memory_space<hbm>>, %arg3: memref<1000x128xf32, #tpu.memory_space<hbm>>, %arg4: memref<10000x128xf32, #tpu.memory_space<hbm>>, %arg5: memref<32x5x128xi32, #tpu.memory_space<hbm>>, %arg6: memref<32x5x128xi32, #tpu.memory_space<hbm>>, %arg7: memref<32x5x128xi32, #tpu.memory_space<hbm>>, %arg8: memref<32x5x128xi32, #tpu.memory_space<hbm>>, %arg9: memref<2x1008x128xf32, #tpu.memory_space<hbm>>, %arg10: memref<2x1008x128xf32, #tpu.memory_space<hbm>>, %arg11: memref<1008x128xf32, #tpu.memory_space<vmem_shared>>, %arg12: memref<1008x128xf32, #tpu.memory_space<vmem_shared>>, %arg13: memref<128x128xf32, #tpu.memory_space<vmem>>, %arg14: memref<128x128xf32, #tpu.memory_space<vmem>>, %arg15: memref<5x128xi32, #tpu.memory_space<vmem>>, %arg16: memref<5x128xi32, #tpu.memory_space<vmem>>, %arg17: memref<5x128xi32, #tpu.memory_space<vmem>>, %arg18: memref<5x128xi32, #tpu.memory_space<vmem>>, %arg19: memref<!tpu.dma_semaphore, #tpu.memory_space<semaphore_mem>>, %arg20: memref<!tpu.dma_semaphore, #tpu.memory_space<semaphore_mem>>) attributes {dimension_semantics = [#tpu.dimension_semantics<core_parallel>, #tpu.dimension_semantics<subcore_parallel>], iteration_bounds = array<i64: 2, 16>, scalar_prefetch = 0 : i64, scratch_operands = 10 : i64, tpu.core_type = #tpu.core_type<sc_vector_subcore>, window_params = [{transform_indices = #map}, {transform_indices = #map}, {transform_indices = #map}, {transform_indices = #map1}, {transform_indices = #map1}, {transform_indices = #map1}, {transform_indices = #map1}, {transform_indices = #map1}, {transform_indices = #map1}]} {
    %mul3A = arith.constant 2 : i32
    %mul3A_0 = arith.muli %arg1, %mul3A : i32
    %add3A = arith.addi %mul3A_0, %arg0 : i32
    %mul3A_1 = arith.constant 63 : i32
    %mul3A_2 = arith.muli %arg1, %mul3A_1 : i32
    "tpu.region"() ({
      %run_scoped3A_151 = tpu.sem_alloc : memref<!tpu.dma_semaphore, #tpu.memory_space<semaphore_mem>>
      %dma_start3A_152 = arith.constant 0 : i32
      %dma_start3A_153 = tpu.memref_slice %arg11[%mul3A_2, %dma_start3A_152] : memref<1008x128xf32, #tpu.memory_space<vmem_shared>> -> memref<63x128xf32, #tpu.memory_space<vmem_shared>>
      %dma_start3A_154 = arith.constant 0 : i32
      %dma_start3A_155 = arith.constant 0 : i32
      %dma_start3A_156 = tpu.memref_slice %arg2[%dma_start3A_154, %dma_start3A_155] : memref<128x128xf32, #tpu.memory_space<hbm>> -> memref<63x128xf32, #tpu.memory_space<hbm>>
      tpu.enqueue_dma source(%dma_start3A_156 : memref<63x128xf32, #tpu.memory_space<hbm>>) target(%dma_start3A_153 : memref<63x128xf32, #tpu.memory_space<vmem_shared>>) target_semaphore(%run_scoped3A_151 : memref<!tpu.dma_semaphore, #tpu.memory_space<semaphore_mem>>)
      %dma_wait3A_157 = arith.constant 0 : i32
      %dma_wait3A_158 = tpu.memref_slice %arg11[%mul3A_2, %dma_wait3A_157] : memref<1008x128xf32, #tpu.memory_space<vmem_shared>> -> memref<63x128xf32, #tpu.memory_space<vmem_shared>>
      %dma_wait3A_159 = arith.constant 0 : i32
      %dma_wait3A_160 = arith.constant 0 : i32
      %dma_wait3A_161 = tpu.memref_slice %arg2[%dma_wait3A_159, %dma_wait3A_160] : memref<128x128xf32, #tpu.memory_space<hbm>> -> memref<63x128xf32, #tpu.memory_space<hbm>>
      tpu.wait_dma2 semaphore(%run_scoped3A_151 : memref<!tpu.dma_semaphore, #tpu.memory_space<semaphore_mem>>) src(%dma_wait3A_161 : memref<63x128xf32, #tpu.memory_space<hbm>>) dst(%dma_wait3A_158 : memref<63x128xf32, #tpu.memory_space<vmem_shared>>)
      tpu.yield
    }) : () -> ()
    "tpu.region"() ({
      %run_scoped3A_151 = tpu.sem_alloc : memref<!tpu.dma_semaphore, #tpu.memory_space<semaphore_mem>>
      %dma_start3A_152 = arith.constant 0 : i32
      %dma_start3A_153 = tpu.memref_slice %arg12[%mul3A_2, %dma_start3A_152] : memref<1008x128xf32, #tpu.memory_space<vmem_shared>> -> memref<63x128xf32, #tpu.memory_space<vmem_shared>>
      %dma_start3A_154 = arith.constant 0 : i32
      %dma_start3A_155 = arith.constant 0 : i32
      %dma_start3A_156 = tpu.memref_slice %arg2[%dma_start3A_154, %dma_start3A_155] : memref<128x128xf32, #tpu.memory_space<hbm>> -> memref<63x128xf32, #tpu.memory_space<hbm>>
      tpu.enqueue_dma source(%dma_start3A_156 : memref<63x128xf32, #tpu.memory_space<hbm>>) target(%dma_start3A_153 : memref<63x128xf32, #tpu.memory_space<vmem_shared>>) target_semaphore(%run_scoped3A_151 : memref<!tpu.dma_semaphore, #tpu.memory_space<semaphore_mem>>)
      %dma_wait3A_157 = arith.constant 0 : i32
      %dma_wait3A_158 = tpu.memref_slice %arg12[%mul3A_2, %dma_wait3A_157] : memref<1008x128xf32, #tpu.memory_space<vmem_shared>> -> memref<63x128xf32, #tpu.memory_space<vmem_shared>>
      %dma_wait3A_159 = arith.constant 0 : i32
      %dma_wait3A_160 = arith.constant 0 : i32
      %dma_wait3A_161 = tpu.memref_slice %arg2[%dma_wait3A_159, %dma_wait3A_160] : memref<128x128xf32, #tpu.memory_space<hbm>> -> memref<63x128xf32, #tpu.memory_space<hbm>>
      tpu.wait_dma2 semaphore(%run_scoped3A_151 : memref<!tpu.dma_semaphore, #tpu.memory_space<semaphore_mem>>) src(%dma_wait3A_161 : memref<63x128xf32, #tpu.memory_space<hbm>>) dst(%dma_wait3A_158 : memref<63x128xf32, #tpu.memory_space<vmem_shared>>)
      tpu.yield
    }) : () -> ()
    %barrier3A = arith.constant 0 : index
    tpu.barrier barrier_id(%barrier3A)
    "tpu.region"() ({
      %run_scoped3A_151 = tpu.sem_alloc : memref<!tpu.dma_semaphore, #tpu.memory_space<semaphore_mem>>
      %dma_start3A_152 = arith.constant 0 : i32
      %dma_start3A_153 = arith.constant 0 : i32
      %dma_start3A_154 = tpu.memref_slice %arg5[%add3A, %dma_start3A_152, %dma_start3A_153] : memref<32x5x128xi32, #tpu.memory_space<hbm>> -> memref<1x5x128xi32, #tpu.memory_space<hbm>>
      %dma_start3A_155 = tpu.memref_squeeze %dma_start3A_154 : memref<1x5x128xi32, #tpu.memory_space<hbm>> -> memref<5x128xi32, #tpu.memory_space<hbm>>
      %dma_start3A_156 = arith.constant 0 : i32
      %dma_start3A_157 = arith.constant 0 : i32
      %dma_start3A_158 = tpu.memref_slice %arg5[%add3A, %dma_start3A_156, %dma_start3A_157] : memref<32x5x128xi32, #tpu.memory_space<hbm>> -> memref<1x5x128xi32, #tpu.memory_space<hbm>>
      %dma_start3A_159 = tpu.memref_squeeze %dma_start3A_158 : memref<1x5x128xi32, #tpu.memory_space<hbm>> -> memref<5x128xi32, #tpu.memory_space<hbm>>
      tpu.enqueue_dma source(%dma_start3A_159 : memref<5x128xi32, #tpu.memory_space<hbm>>) target(%arg15 : memref<5x128xi32, #tpu.memory_space<vmem>>) target_semaphore(%run_scoped3A_151 : memref<!tpu.dma_semaphore, #tpu.memory_space<semaphore_mem>>)
      %dma_wait3A_160 = arith.constant 0 : i32
      %dma_wait3A_161 = arith.constant 0 : i32
      %dma_wait3A_162 = tpu.memref_slice %arg5[%add3A, %dma_wait3A_160, %dma_wait3A_161] : memref<32x5x128xi32, #tpu.memory_space<hbm>> -> memref<1x5x128xi32, #tpu.memory_space<hbm>>
      %dma_wait3A_163 = tpu.memref_squeeze %dma_wait3A_162 : memref<1x5x128xi32, #tpu.memory_space<hbm>> -> memref<5x128xi32, #tpu.memory_space<hbm>>
      %dma_wait3A_164 = arith.constant 0 : i32
      %dma_wait3A_165 = arith.constant 0 : i32
      %dma_wait3A_166 = tpu.memref_slice %arg5[%add3A, %dma_wait3A_164, %dma_wait3A_165] : memref<32x5x128xi32, #tpu.memory_space<hbm>> -> memref<1x5x128xi32, #tpu.memory_space<hbm>>
      %dma_wait3A_167 = tpu.memref_squeeze %dma_wait3A_166 : memref<1x5x128xi32, #tpu.memory_space<hbm>> -> memref<5x128xi32, #tpu.memory_space<hbm>>
      tpu.wait_dma2 semaphore(%run_scoped3A_151 : memref<!tpu.dma_semaphore, #tpu.memory_space<semaphore_mem>>) src(%dma_wait3A_167 : memref<5x128xi32, #tpu.memory_space<hbm>>) dst(%arg15 : memref<5x128xi32, #tpu.memory_space<vmem>>)
      tpu.yield
    }) : () -> ()
    "tpu.region"() ({
      %run_scoped3A_151 = tpu.sem_alloc : memref<!tpu.dma_semaphore, #tpu.memory_space<semaphore_mem>>
      %dma_start3A_152 = arith.constant 0 : i32
      %dma_start3A_153 = arith.constant 0 : i32
      %dma_start3A_154 = tpu.memref_slice %arg6[%add3A, %dma_start3A_152, %dma_start3A_153] : memref<32x5x128xi32, #tpu.memory_space<hbm>> -> memref<1x5x128xi32, #tpu.memory_space<hbm>>
      %dma_start3A_155 = tpu.memref_squeeze %dma_start3A_154 : memref<1x5x128xi32, #tpu.memory_space<hbm>> -> memref<5x128xi32, #tpu.memory_space<hbm>>
      %dma_start3A_156 = arith.constant 0 : i32
      %dma_start3A_157 = arith.constant 0 : i32
      %dma_start3A_158 = tpu.memref_slice %arg6[%add3A, %dma_start3A_156, %dma_start3A_157] : memref<32x5x128xi32, #tpu.memory_space<hbm>> -> memref<1x5x128xi32, #tpu.memory_space<hbm>>
      %dma_start3A_159 = tpu.memref_squeeze %dma_start3A_158 : memref<1x5x128xi32, #tpu.memory_space<hbm>> -> memref<5x128xi32, #tpu.memory_space<hbm>>
      tpu.enqueue_dma source(%dma_start3A_159 : memref<5x128xi32, #tpu.memory_space<hbm>>) target(%arg16 : memref<5x128xi32, #tpu.memory_space<vmem>>) target_semaphore(%run_scoped3A_151 : memref<!tpu.dma_semaphore, #tpu.memory_space<semaphore_mem>>)
      %dma_wait3A_160 = arith.constant 0 : i32
      %dma_wait3A_161 = arith.constant 0 : i32
      %dma_wait3A_162 = tpu.memref_slice %arg6[%add3A, %dma_wait3A_160, %dma_wait3A_161] : memref<32x5x128xi32, #tpu.memory_space<hbm>> -> memref<1x5x128xi32, #tpu.memory_space<hbm>>
      %dma_wait3A_163 = tpu.memref_squeeze %dma_wait3A_162 : memref<1x5x128xi32, #tpu.memory_space<hbm>> -> memref<5x128xi32, #tpu.memory_space<hbm>>
      %dma_wait3A_164 = arith.constant 0 : i32
      %dma_wait3A_165 = arith.constant 0 : i32
      %dma_wait3A_166 = tpu.memref_slice %arg6[%add3A, %dma_wait3A_164, %dma_wait3A_165] : memref<32x5x128xi32, #tpu.memory_space<hbm>> -> memref<1x5x128xi32, #tpu.memory_space<hbm>>
      %dma_wait3A_167 = tpu.memref_squeeze %dma_wait3A_166 : memref<1x5x128xi32, #tpu.memory_space<hbm>> -> memref<5x128xi32, #tpu.memory_space<hbm>>
      tpu.wait_dma2 semaphore(%run_scoped3A_151 : memref<!tpu.dma_semaphore, #tpu.memory_space<semaphore_mem>>) src(%dma_wait3A_167 : memref<5x128xi32, #tpu.memory_space<hbm>>) dst(%arg16 : memref<5x128xi32, #tpu.memory_space<vmem>>)
      tpu.yield
    }) : () -> ()
    "tpu.region"() ({
      %run_scoped3A_151 = tpu.sem_alloc : memref<!tpu.dma_semaphore, #tpu.memory_space<semaphore_mem>>
      %dma_start3A_152 = arith.constant 0 : i32
      %dma_start3A_153 = arith.constant 0 : i32
      %dma_start3A_154 = tpu.memref_slice %arg7[%add3A, %dma_start3A_152, %dma_start3A_153] : memref<32x5x128xi32, #tpu.memory_space<hbm>> -> memref<1x5x128xi32, #tpu.memory_space<hbm>>
      %dma_start3A_155 = tpu.memref_squeeze %dma_start3A_154 : memref<1x5x128xi32, #tpu.memory_space<hbm>> -> memref<5x128xi32, #tpu.memory_space<hbm>>
      %dma_start3A_156 = arith.constant 0 : i32
      %dma_start3A_157 = arith.constant 0 : i32
      %dma_start3A_158 = tpu.memref_slice %arg7[%add3A, %dma_start3A_156, %dma_start3A_157] : memref<32x5x128xi32, #tpu.memory_space<hbm>> -> memref<1x5x128xi32, #tpu.memory_space<hbm>>
      %dma_start3A_159 = tpu.memref_squeeze %dma_start3A_158 : memref<1x5x128xi32, #tpu.memory_space<hbm>> -> memref<5x128xi32, #tpu.memory_space<hbm>>
      tpu.enqueue_dma source(%dma_start3A_159 : memref<5x128xi32, #tpu.memory_space<hbm>>) target(%arg17 : memref<5x128xi32, #tpu.memory_space<vmem>>) target_semaphore(%run_scoped3A_151 : memref<!tpu.dma_semaphore, #tpu.memory_space<semaphore_mem>>)
      %dma_wait3A_160 = arith.constant 0 : i32
      %dma_wait3A_161 = arith.constant 0 : i32
      %dma_wait3A_162 = tpu.memref_slice %arg7[%add3A, %dma_wait3A_160, %dma_wait3A_161] : memref<32x5x128xi32, #tpu.memory_space<hbm>> -> memref<1x5x128xi32, #tpu.memory_space<hbm>>
      %dma_wait3A_163 = tpu.memref_squeeze %dma_wait3A_162 : memref<1x5x128xi32, #tpu.memory_space<hbm>> -> memref<5x128xi32, #tpu.memory_space<hbm>>
      %dma_wait3A_164 = arith.constant 0 : i32
      %dma_wait3A_165 = arith.constant 0 : i32
      %dma_wait3A_166 = tpu.memref_slice %arg7[%add3A, %dma_wait3A_164, %dma_wait3A_165] : memref<32x5x128xi32, #tpu.memory_space<hbm>> -> memref<1x5x128xi32, #tpu.memory_space<hbm>>
      %dma_wait3A_167 = tpu.memref_squeeze %dma_wait3A_166 : memref<1x5x128xi32, #tpu.memory_space<hbm>> -> memref<5x128xi32, #tpu.memory_space<hbm>>
      tpu.wait_dma2 semaphore(%run_scoped3A_151 : memref<!tpu.dma_semaphore, #tpu.memory_space<semaphore_mem>>) src(%dma_wait3A_167 : memref<5x128xi32, #tpu.memory_space<hbm>>) dst(%arg17 : memref<5x128xi32, #tpu.memory_space<vmem>>)
      tpu.yield
    }) : () -> ()
    "tpu.region"() ({
      %run_scoped3A_151 = tpu.sem_alloc : memref<!tpu.dma_semaphore, #tpu.memory_space<semaphore_mem>>
      %dma_start3A_152 = arith.constant 0 : i32
      %dma_start3A_153 = arith.constant 0 : i32
      %dma_start3A_154 = tpu.memref_slice %arg8[%add3A, %dma_start3A_152, %dma_start3A_153] : memref<32x5x128xi32, #tpu.memory_space<hbm>> -> memref<1x5x128xi32, #tpu.memory_space<hbm>>
      %dma_start3A_155 = tpu.memref_squeeze %dma_start3A_154 : memref<1x5x128xi32, #tpu.memory_space<hbm>> -> memref<5x128xi32, #tpu.memory_space<hbm>>
      %dma_start3A_156 = arith.constant 0 : i32
      %dma_start3A_157 = arith.constant 0 : i32
      %dma_start3A_158 = tpu.memref_slice %arg8[%add3A, %dma_start3A_156, %dma_start3A_157] : memref<32x5x128xi32, #tpu.memory_space<hbm>> -> memref<1x5x128xi32, #tpu.memory_space<hbm>>
      %dma_start3A_159 = tpu.memref_squeeze %dma_start3A_158 : memref<1x5x128xi32, #tpu.memory_space<hbm>> -> memref<5x128xi32, #tpu.memory_space<hbm>>
      tpu.enqueue_dma source(%dma_start3A_159 : memref<5x128xi32, #tpu.memory_space<hbm>>) target(%arg18 : memref<5x128xi32, #tpu.memory_space<vmem>>) target_semaphore(%run_scoped3A_151 : memref<!tpu.dma_semaphore, #tpu.memory_space<semaphore_mem>>)
      %dma_wait3A_160 = arith.constant 0 : i32
      %dma_wait3A_161 = arith.constant 0 : i32
      %dma_wait3A_162 = tpu.memref_slice %arg8[%add3A, %dma_wait3A_160, %dma_wait3A_161] : memref<32x5x128xi32, #tpu.memory_space<hbm>> -> memref<1x5x128xi32, #tpu.memory_space<hbm>>
      %dma_wait3A_163 = tpu.memref_squeeze %dma_wait3A_162 : memref<1x5x128xi32, #tpu.memory_space<hbm>> -> memref<5x128xi32, #tpu.memory_space<hbm>>
      %dma_wait3A_164 = arith.constant 0 : i32
      %dma_wait3A_165 = arith.constant 0 : i32
      %dma_wait3A_166 = tpu.memref_slice %arg8[%add3A, %dma_wait3A_164, %dma_wait3A_165] : memref<32x5x128xi32, #tpu.memory_space<hbm>> -> memref<1x5x128xi32, #tpu.memory_space<hbm>>
      %dma_wait3A_167 = tpu.memref_squeeze %dma_wait3A_166 : memref<1x5x128xi32, #tpu.memory_space<hbm>> -> memref<5x128xi32, #tpu.memory_space<hbm>>
      tpu.wait_dma2 semaphore(%run_scoped3A_151 : memref<!tpu.dma_semaphore, #tpu.memory_space<semaphore_mem>>) src(%dma_wait3A_167 : memref<5x128xi32, #tpu.memory_space<hbm>>) dst(%arg18 : memref<5x128xi32, #tpu.memory_space<vmem>>)
      tpu.yield
    }) : () -> ()
    %dma_start3A = arith.constant 0 : i32
    %dma_start3A_3 = arith.constant 0 : i32
    %dma_start3A_4 = tpu.memref_slice %arg15[%dma_start3A, %dma_start3A_3] : memref<5x128xi32, #tpu.memory_space<vmem>> -> memref<1x128xi32, #tpu.memory_space<vmem>>
    %dma_start3A_5 = tpu.memref_squeeze %dma_start3A_4 : memref<1x128xi32, #tpu.memory_space<vmem>> -> memref<128xi32, #tpu.memory_space<vmem>>
    %dma_start3A_6 = arith.constant 0 : i32
    %dma_start3A_7 = arith.constant 0 : i32
    %dma_start3A_8 = tpu.memref_slice %arg3[%dma_start3A_6, %dma_start3A_7] : memref<1000x128xf32, #tpu.memory_space<hbm>> -> memref<1000x128xf32, #tpu.memory_space<hbm>>
    tpu.enqueue_indirect_dma source(%dma_start3A_8 : memref<1000x128xf32, #tpu.memory_space<hbm>>) target(%arg13 : memref<128x128xf32, #tpu.memory_space<vmem>>) offsets(%dma_start3A_5 : memref<128xi32, #tpu.memory_space<vmem>>) semaphore(%arg19 : memref<!tpu.dma_semaphore, #tpu.memory_space<semaphore_mem>>)
    %dma_wait3A = arith.constant 0 : i32
    %dma_wait3A_9 = arith.constant 0 : i32
    %dma_wait3A_10 = tpu.memref_slice %arg15[%dma_wait3A, %dma_wait3A_9] : memref<5x128xi32, #tpu.memory_space<vmem>> -> memref<1x128xi32, #tpu.memory_space<vmem>>
    %dma_wait3A_11 = tpu.memref_squeeze %dma_wait3A_10 : memref<1x128xi32, #tpu.memory_space<vmem>> -> memref<128xi32, #tpu.memory_space<vmem>>
    %dma_wait3A_12 = arith.constant 0 : i32
    %dma_wait3A_13 = arith.constant 0 : i32
    %dma_wait3A_14 = tpu.memref_slice %arg3[%dma_wait3A_12, %dma_wait3A_13] : memref<1000x128xf32, #tpu.memory_space<hbm>> -> memref<1000x128xf32, #tpu.memory_space<hbm>>
    tpu.wait_indirect_dma semaphore(%arg19 : memref<!tpu.dma_semaphore, #tpu.memory_space<semaphore_mem>>) src(%dma_wait3A_14 : memref<1000x128xf32, #tpu.memory_space<hbm>>) dst(%arg13 : memref<128x128xf32, #tpu.memory_space<vmem>>)
    %dma_start3A_15 = arith.constant 1 : i32
    %dma_start3A_16 = arith.constant 0 : i32
    %dma_start3A_17 = tpu.memref_slice %arg15[%dma_start3A_15, %dma_start3A_16] : memref<5x128xi32, #tpu.memory_space<vmem>> -> memref<1x128xi32, #tpu.memory_space<vmem>>
    %dma_start3A_18 = tpu.memref_squeeze %dma_start3A_17 : memref<1x128xi32, #tpu.memory_space<vmem>> -> memref<128xi32, #tpu.memory_space<vmem>>
    %dma_start3A_19 = arith.constant 0 : i32
    %dma_start3A_20 = arith.constant 0 : i32
    %dma_start3A_21 = tpu.memref_slice %arg3[%dma_start3A_19, %dma_start3A_20] : memref<1000x128xf32, #tpu.memory_space<hbm>> -> memref<1000x128xf32, #tpu.memory_space<hbm>>
    tpu.enqueue_indirect_dma source(%dma_start3A_21 : memref<1000x128xf32, #tpu.memory_space<hbm>>) target(%arg14 : memref<128x128xf32, #tpu.memory_space<vmem>>) offsets(%dma_start3A_18 : memref<128xi32, #tpu.memory_space<vmem>>) semaphore(%arg20 : memref<!tpu.dma_semaphore, #tpu.memory_space<semaphore_mem>>)
    %run_scoped3A = arith.constant 0 : i32
    "tpu.region"() ({
      %run_scoped3A_151 = tpu.sem_alloc : memref<!tpu.dma_semaphore, #tpu.memory_space<semaphore_mem>>
      %dma_start3A_152 = arith.constant 0 : i32
      %dma_start3A_153 = tpu.memref_slice %arg16[%run_scoped3A, %dma_start3A_152] : memref<5x128xi32, #tpu.memory_space<vmem>> -> memref<1x128xi32, #tpu.memory_space<vmem>>
      %dma_start3A_154 = tpu.memref_squeeze %dma_start3A_153 : memref<1x128xi32, #tpu.memory_space<vmem>> -> memref<128xi32, #tpu.memory_space<vmem>>
      %dma_start3A_155 = arith.constant 0 : i32
      %dma_start3A_156 = arith.constant 0 : i32
      %dma_start3A_157 = tpu.memref_slice %arg11[%dma_start3A_155, %dma_start3A_156] : memref<1008x128xf32, #tpu.memory_space<vmem_shared>> -> memref<1008x128xf32, #tpu.memory_space<vmem_shared>>
      tpu.enqueue_indirect_dma source(%arg13 : memref<128x128xf32, #tpu.memory_space<vmem>>) target(%dma_start3A_157 : memref<1008x128xf32, #tpu.memory_space<vmem_shared>>) offsets(%dma_start3A_154 : memref<128xi32, #tpu.memory_space<vmem>>) semaphore(%run_scoped3A_151 : memref<!tpu.dma_semaphore, #tpu.memory_space<semaphore_mem>>) {add = true}
      %dma_wait3A_158 = arith.constant 0 : i32
      %dma_wait3A_159 = tpu.memref_slice %arg16[%run_scoped3A, %dma_wait3A_158] : memref<5x128xi32, #tpu.memory_space<vmem>> -> memref<1x128xi32, #tpu.memory_space<vmem>>
      %dma_wait3A_160 = tpu.memref_squeeze %dma_wait3A_159 : memref<1x128xi32, #tpu.memory_space<vmem>> -> memref<128xi32, #tpu.memory_space<vmem>>
      %dma_wait3A_161 = arith.constant 0 : i32
      %dma_wait3A_162 = arith.constant 0 : i32
      %dma_wait3A_163 = tpu.memref_slice %arg11[%dma_wait3A_161, %dma_wait3A_162] : memref<1008x128xf32, #tpu.memory_space<vmem_shared>> -> memref<1008x128xf32, #tpu.memory_space<vmem_shared>>
      tpu.wait_indirect_dma semaphore(%run_scoped3A_151 : memref<!tpu.dma_semaphore, #tpu.memory_space<semaphore_mem>>) src(%arg13 : memref<128x128xf32, #tpu.memory_space<vmem>>) dst(%dma_wait3A_163 : memref<1008x128xf32, #tpu.memory_space<vmem_shared>>)
      tpu.yield
    }) : () -> ()
    %dma_wait3A_22 = arith.constant 1 : i32
    %dma_wait3A_23 = arith.constant 0 : i32
    %dma_wait3A_24 = tpu.memref_slice %arg15[%dma_wait3A_22, %dma_wait3A_23] : memref<5x128xi32, #tpu.memory_space<vmem>> -> memref<1x128xi32, #tpu.memory_space<vmem>>
    %dma_wait3A_25 = tpu.memref_squeeze %dma_wait3A_24 : memref<1x128xi32, #tpu.memory_space<vmem>> -> memref<128xi32, #tpu.memory_space<vmem>>
    %dma_wait3A_26 = arith.constant 0 : i32
    %dma_wait3A_27 = arith.constant 0 : i32
    %dma_wait3A_28 = tpu.memref_slice %arg3[%dma_wait3A_26, %dma_wait3A_27] : memref<1000x128xf32, #tpu.memory_space<hbm>> -> memref<1000x128xf32, #tpu.memory_space<hbm>>
    tpu.wait_indirect_dma semaphore(%arg20 : memref<!tpu.dma_semaphore, #tpu.memory_space<semaphore_mem>>) src(%dma_wait3A_28 : memref<1000x128xf32, #tpu.memory_space<hbm>>) dst(%arg14 : memref<128x128xf32, #tpu.memory_space<vmem>>)
    %dma_start3A_29 = arith.constant 2 : i32
    %dma_start3A_30 = arith.constant 0 : i32
    %dma_start3A_31 = tpu.memref_slice %arg15[%dma_start3A_29, %dma_start3A_30] : memref<5x128xi32, #tpu.memory_space<vmem>> -> memref<1x128xi32, #tpu.memory_space<vmem>>
    %dma_start3A_32 = tpu.memref_squeeze %dma_start3A_31 : memref<1x128xi32, #tpu.memory_space<vmem>> -> memref<128xi32, #tpu.memory_space<vmem>>
    %dma_start3A_33 = arith.constant 0 : i32
    %dma_start3A_34 = arith.constant 0 : i32
    %dma_start3A_35 = tpu.memref_slice %arg3[%dma_start3A_33, %dma_start3A_34] : memref<1000x128xf32, #tpu.memory_space<hbm>> -> memref<1000x128xf32, #tpu.memory_space<hbm>>
    tpu.enqueue_indirect_dma source(%dma_start3A_35 : memref<1000x128xf32, #tpu.memory_space<hbm>>) target(%arg13 : memref<128x128xf32, #tpu.memory_space<vmem>>) offsets(%dma_start3A_32 : memref<128xi32, #tpu.memory_space<vmem>>) semaphore(%arg19 : memref<!tpu.dma_semaphore, #tpu.memory_space<semaphore_mem>>)
    %run_scoped3A_36 = arith.constant 1 : i32
    "tpu.region"() ({
      %run_scoped3A_151 = tpu.sem_alloc : memref<!tpu.dma_semaphore, #tpu.memory_space<semaphore_mem>>
      %dma_start3A_152 = arith.constant 0 : i32
      %dma_start3A_153 = tpu.memref_slice %arg16[%run_scoped3A_36, %dma_start3A_152] : memref<5x128xi32, #tpu.memory_space<vmem>> -> memref<1x128xi32, #tpu.memory_space<vmem>>
      %dma_start3A_154 = tpu.memref_squeeze %dma_start3A_153 : memref<1x128xi32, #tpu.memory_space<vmem>> -> memref<128xi32, #tpu.memory_space<vmem>>
      %dma_start3A_155 = arith.constant 0 : i32
      %dma_start3A_156 = arith.constant 0 : i32
      %dma_start3A_157 = tpu.memref_slice %arg11[%dma_start3A_155, %dma_start3A_156] : memref<1008x128xf32, #tpu.memory_space<vmem_shared>> -> memref<1008x128xf32, #tpu.memory_space<vmem_shared>>
      tpu.enqueue_indirect_dma source(%arg14 : memref<128x128xf32, #tpu.memory_space<vmem>>) target(%dma_start3A_157 : memref<1008x128xf32, #tpu.memory_space<vmem_shared>>) offsets(%dma_start3A_154 : memref<128xi32, #tpu.memory_space<vmem>>) semaphore(%run_scoped3A_151 : memref<!tpu.dma_semaphore, #tpu.memory_space<semaphore_mem>>) {add = true}
      %dma_wait3A_158 = arith.constant 0 : i32
      %dma_wait3A_159 = tpu.memref_slice %arg16[%run_scoped3A_36, %dma_wait3A_158] : memref<5x128xi32, #tpu.memory_space<vmem>> -> memref<1x128xi32, #tpu.memory_space<vmem>>
      %dma_wait3A_160 = tpu.memref_squeeze %dma_wait3A_159 : memref<1x128xi32, #tpu.memory_space<vmem>> -> memref<128xi32, #tpu.memory_space<vmem>>
      %dma_wait3A_161 = arith.constant 0 : i32
      %dma_wait3A_162 = arith.constant 0 : i32
      %dma_wait3A_163 = tpu.memref_slice %arg11[%dma_wait3A_161, %dma_wait3A_162] : memref<1008x128xf32, #tpu.memory_space<vmem_shared>> -> memref<1008x128xf32, #tpu.memory_space<vmem_shared>>
      tpu.wait_indirect_dma semaphore(%run_scoped3A_151 : memref<!tpu.dma_semaphore, #tpu.memory_space<semaphore_mem>>) src(%arg14 : memref<128x128xf32, #tpu.memory_space<vmem>>) dst(%dma_wait3A_163 : memref<1008x128xf32, #tpu.memory_space<vmem_shared>>)
      tpu.yield
    }) : () -> ()
    %dma_wait3A_37 = arith.constant 2 : i32
    %dma_wait3A_38 = arith.constant 0 : i32
    %dma_wait3A_39 = tpu.memref_slice %arg15[%dma_wait3A_37, %dma_wait3A_38] : memref<5x128xi32, #tpu.memory_space<vmem>> -> memref<1x128xi32, #tpu.memory_space<vmem>>
    %dma_wait3A_40 = tpu.memref_squeeze %dma_wait3A_39 : memref<1x128xi32, #tpu.memory_space<vmem>> -> memref<128xi32, #tpu.memory_space<vmem>>
    %dma_wait3A_41 = arith.constant 0 : i32
    %dma_wait3A_42 = arith.constant 0 : i32
    %dma_wait3A_43 = tpu.memref_slice %arg3[%dma_wait3A_41, %dma_wait3A_42] : memref<1000x128xf32, #tpu.memory_space<hbm>> -> memref<1000x128xf32, #tpu.memory_space<hbm>>
    tpu.wait_indirect_dma semaphore(%arg19 : memref<!tpu.dma_semaphore, #tpu.memory_space<semaphore_mem>>) src(%dma_wait3A_43 : memref<1000x128xf32, #tpu.memory_space<hbm>>) dst(%arg13 : memref<128x128xf32, #tpu.memory_space<vmem>>)
    %dma_start3A_44 = arith.constant 3 : i32
    %dma_start3A_45 = arith.constant 0 : i32
    %dma_start3A_46 = tpu.memref_slice %arg15[%dma_start3A_44, %dma_start3A_45] : memref<5x128xi32, #tpu.memory_space<vmem>> -> memref<1x128xi32, #tpu.memory_space<vmem>>
    %dma_start3A_47 = tpu.memref_squeeze %dma_start3A_46 : memref<1x128xi32, #tpu.memory_space<vmem>> -> memref<128xi32, #tpu.memory_space<vmem>>
    %dma_start3A_48 = arith.constant 0 : i32
    %dma_start3A_49 = arith.constant 0 : i32
    %dma_start3A_50 = tpu.memref_slice %arg3[%dma_start3A_48, %dma_start3A_49] : memref<1000x128xf32, #tpu.memory_space<hbm>> -> memref<1000x128xf32, #tpu.memory_space<hbm>>
    tpu.enqueue_indirect_dma source(%dma_start3A_50 : memref<1000x128xf32, #tpu.memory_space<hbm>>) target(%arg14 : memref<128x128xf32, #tpu.memory_space<vmem>>) offsets(%dma_start3A_47 : memref<128xi32, #tpu.memory_space<vmem>>) semaphore(%arg20 : memref<!tpu.dma_semaphore, #tpu.memory_space<semaphore_mem>>)
    %run_scoped3A_51 = arith.constant 2 : i32
    "tpu.region"() ({
      %run_scoped3A_151 = tpu.sem_alloc : memref<!tpu.dma_semaphore, #tpu.memory_space<semaphore_mem>>
      %dma_start3A_152 = arith.constant 0 : i32
      %dma_start3A_153 = tpu.memref_slice %arg16[%run_scoped3A_51, %dma_start3A_152] : memref<5x128xi32, #tpu.memory_space<vmem>> -> memref<1x128xi32, #tpu.memory_space<vmem>>
      %dma_start3A_154 = tpu.memref_squeeze %dma_start3A_153 : memref<1x128xi32, #tpu.memory_space<vmem>> -> memref<128xi32, #tpu.memory_space<vmem>>
      %dma_start3A_155 = arith.constant 0 : i32
      %dma_start3A_156 = arith.constant 0 : i32
      %dma_start3A_157 = tpu.memref_slice %arg11[%dma_start3A_155, %dma_start3A_156] : memref<1008x128xf32, #tpu.memory_space<vmem_shared>> -> memref<1008x128xf32, #tpu.memory_space<vmem_shared>>
      tpu.enqueue_indirect_dma source(%arg13 : memref<128x128xf32, #tpu.memory_space<vmem>>) target(%dma_start3A_157 : memref<1008x128xf32, #tpu.memory_space<vmem_shared>>) offsets(%dma_start3A_154 : memref<128xi32, #tpu.memory_space<vmem>>) semaphore(%run_scoped3A_151 : memref<!tpu.dma_semaphore, #tpu.memory_space<semaphore_mem>>) {add = true}
      %dma_wait3A_158 = arith.constant 0 : i32
      %dma_wait3A_159 = tpu.memref_slice %arg16[%run_scoped3A_51, %dma_wait3A_158] : memref<5x128xi32, #tpu.memory_space<vmem>> -> memref<1x128xi32, #tpu.memory_space<vmem>>
      %dma_wait3A_160 = tpu.memref_squeeze %dma_wait3A_159 : memref<1x128xi32, #tpu.memory_space<vmem>> -> memref<128xi32, #tpu.memory_space<vmem>>
      %dma_wait3A_161 = arith.constant 0 : i32
      %dma_wait3A_162 = arith.constant 0 : i32
      %dma_wait3A_163 = tpu.memref_slice %arg11[%dma_wait3A_161, %dma_wait3A_162] : memref<1008x128xf32, #tpu.memory_space<vmem_shared>> -> memref<1008x128xf32, #tpu.memory_space<vmem_shared>>
      tpu.wait_indirect_dma semaphore(%run_scoped3A_151 : memref<!tpu.dma_semaphore, #tpu.memory_space<semaphore_mem>>) src(%arg13 : memref<128x128xf32, #tpu.memory_space<vmem>>) dst(%dma_wait3A_163 : memref<1008x128xf32, #tpu.memory_space<vmem_shared>>)
      tpu.yield
    }) : () -> ()
    %dma_wait3A_52 = arith.constant 3 : i32
    %dma_wait3A_53 = arith.constant 0 : i32
    %dma_wait3A_54 = tpu.memref_slice %arg15[%dma_wait3A_52, %dma_wait3A_53] : memref<5x128xi32, #tpu.memory_space<vmem>> -> memref<1x128xi32, #tpu.memory_space<vmem>>
    %dma_wait3A_55 = tpu.memref_squeeze %dma_wait3A_54 : memref<1x128xi32, #tpu.memory_space<vmem>> -> memref<128xi32, #tpu.memory_space<vmem>>
    %dma_wait3A_56 = arith.constant 0 : i32
    %dma_wait3A_57 = arith.constant 0 : i32
    %dma_wait3A_58 = tpu.memref_slice %arg3[%dma_wait3A_56, %dma_wait3A_57] : memref<1000x128xf32, #tpu.memory_space<hbm>> -> memref<1000x128xf32, #tpu.memory_space<hbm>>
    tpu.wait_indirect_dma semaphore(%arg20 : memref<!tpu.dma_semaphore, #tpu.memory_space<semaphore_mem>>) src(%dma_wait3A_58 : memref<1000x128xf32, #tpu.memory_space<hbm>>) dst(%arg14 : memref<128x128xf32, #tpu.memory_space<vmem>>)
    %dma_start3A_59 = arith.constant 4 : i32
    %dma_start3A_60 = arith.constant 0 : i32
    %dma_start3A_61 = tpu.memref_slice %arg15[%dma_start3A_59, %dma_start3A_60] : memref<5x128xi32, #tpu.memory_space<vmem>> -> memref<1x128xi32, #tpu.memory_space<vmem>>
    %dma_start3A_62 = tpu.memref_squeeze %dma_start3A_61 : memref<1x128xi32, #tpu.memory_space<vmem>> -> memref<128xi32, #tpu.memory_space<vmem>>
    %dma_start3A_63 = arith.constant 0 : i32
    %dma_start3A_64 = arith.constant 0 : i32
    %dma_start3A_65 = tpu.memref_slice %arg3[%dma_start3A_63, %dma_start3A_64] : memref<1000x128xf32, #tpu.memory_space<hbm>> -> memref<1000x128xf32, #tpu.memory_space<hbm>>
    tpu.enqueue_indirect_dma source(%dma_start3A_65 : memref<1000x128xf32, #tpu.memory_space<hbm>>) target(%arg13 : memref<128x128xf32, #tpu.memory_space<vmem>>) offsets(%dma_start3A_62 : memref<128xi32, #tpu.memory_space<vmem>>) semaphore(%arg19 : memref<!tpu.dma_semaphore, #tpu.memory_space<semaphore_mem>>)
    %run_scoped3A_66 = arith.constant 3 : i32
    "tpu.region"() ({
      %run_scoped3A_151 = tpu.sem_alloc : memref<!tpu.dma_semaphore, #tpu.memory_space<semaphore_mem>>
      %dma_start3A_152 = arith.constant 0 : i32
      %dma_start3A_153 = tpu.memref_slice %arg16[%run_scoped3A_66, %dma_start3A_152] : memref<5x128xi32, #tpu.memory_space<vmem>> -> memref<1x128xi32, #tpu.memory_space<vmem>>
      %dma_start3A_154 = tpu.memref_squeeze %dma_start3A_153 : memref<1x128xi32, #tpu.memory_space<vmem>> -> memref<128xi32, #tpu.memory_space<vmem>>
      %dma_start3A_155 = arith.constant 0 : i32
      %dma_start3A_156 = arith.constant 0 : i32
      %dma_start3A_157 = tpu.memref_slice %arg11[%dma_start3A_155, %dma_start3A_156] : memref<1008x128xf32, #tpu.memory_space<vmem_shared>> -> memref<1008x128xf32, #tpu.memory_space<vmem_shared>>
      tpu.enqueue_indirect_dma source(%arg14 : memref<128x128xf32, #tpu.memory_space<vmem>>) target(%dma_start3A_157 : memref<1008x128xf32, #tpu.memory_space<vmem_shared>>) offsets(%dma_start3A_154 : memref<128xi32, #tpu.memory_space<vmem>>) semaphore(%run_scoped3A_151 : memref<!tpu.dma_semaphore, #tpu.memory_space<semaphore_mem>>) {add = true}
      %dma_wait3A_158 = arith.constant 0 : i32
      %dma_wait3A_159 = tpu.memref_slice %arg16[%run_scoped3A_66, %dma_wait3A_158] : memref<5x128xi32, #tpu.memory_space<vmem>> -> memref<1x128xi32, #tpu.memory_space<vmem>>
      %dma_wait3A_160 = tpu.memref_squeeze %dma_wait3A_159 : memref<1x128xi32, #tpu.memory_space<vmem>> -> memref<128xi32, #tpu.memory_space<vmem>>
      %dma_wait3A_161 = arith.constant 0 : i32
      %dma_wait3A_162 = arith.constant 0 : i32
      %dma_wait3A_163 = tpu.memref_slice %arg11[%dma_wait3A_161, %dma_wait3A_162] : memref<1008x128xf32, #tpu.memory_space<vmem_shared>> -> memref<1008x128xf32, #tpu.memory_space<vmem_shared>>
      tpu.wait_indirect_dma semaphore(%run_scoped3A_151 : memref<!tpu.dma_semaphore, #tpu.memory_space<semaphore_mem>>) src(%arg14 : memref<128x128xf32, #tpu.memory_space<vmem>>) dst(%dma_wait3A_163 : memref<1008x128xf32, #tpu.memory_space<vmem_shared>>)
      tpu.yield
    }) : () -> ()
    %dma_wait3A_67 = arith.constant 4 : i32
    %dma_wait3A_68 = arith.constant 0 : i32
    %dma_wait3A_69 = tpu.memref_slice %arg15[%dma_wait3A_67, %dma_wait3A_68] : memref<5x128xi32, #tpu.memory_space<vmem>> -> memref<1x128xi32, #tpu.memory_space<vmem>>
    %dma_wait3A_70 = tpu.memref_squeeze %dma_wait3A_69 : memref<1x128xi32, #tpu.memory_space<vmem>> -> memref<128xi32, #tpu.memory_space<vmem>>
    %dma_wait3A_71 = arith.constant 0 : i32
    %dma_wait3A_72 = arith.constant 0 : i32
    %dma_wait3A_73 = tpu.memref_slice %arg3[%dma_wait3A_71, %dma_wait3A_72] : memref<1000x128xf32, #tpu.memory_space<hbm>> -> memref<1000x128xf32, #tpu.memory_space<hbm>>
    tpu.wait_indirect_dma semaphore(%arg19 : memref<!tpu.dma_semaphore, #tpu.memory_space<semaphore_mem>>) src(%dma_wait3A_73 : memref<1000x128xf32, #tpu.memory_space<hbm>>) dst(%arg13 : memref<128x128xf32, #tpu.memory_space<vmem>>)
    %dma_start3A_74 = arith.constant 0 : i32
    %dma_start3A_75 = arith.constant 0 : i32
    %dma_start3A_76 = tpu.memref_slice %arg17[%dma_start3A_74, %dma_start3A_75] : memref<5x128xi32, #tpu.memory_space<vmem>> -> memref<1x128xi32, #tpu.memory_space<vmem>>
    %dma_start3A_77 = tpu.memref_squeeze %dma_start3A_76 : memref<1x128xi32, #tpu.memory_space<vmem>> -> memref<128xi32, #tpu.memory_space<vmem>>
    %dma_start3A_78 = arith.constant 0 : i32
    %dma_start3A_79 = arith.constant 0 : i32
    %dma_start3A_80 = tpu.memref_slice %arg4[%dma_start3A_78, %dma_start3A_79] : memref<10000x128xf32, #tpu.memory_space<hbm>> -> memref<10000x128xf32, #tpu.memory_space<hbm>>
    tpu.enqueue_indirect_dma source(%dma_start3A_80 : memref<10000x128xf32, #tpu.memory_space<hbm>>) target(%arg14 : memref<128x128xf32, #tpu.memory_space<vmem>>) offsets(%dma_start3A_77 : memref<128xi32, #tpu.memory_space<vmem>>) semaphore(%arg20 : memref<!tpu.dma_semaphore, #tpu.memory_space<semaphore_mem>>)
    %run_scoped3A_81 = arith.constant 4 : i32
    "tpu.region"() ({
      %run_scoped3A_151 = tpu.sem_alloc : memref<!tpu.dma_semaphore, #tpu.memory_space<semaphore_mem>>
      %dma_start3A_152 = arith.constant 0 : i32
      %dma_start3A_153 = tpu.memref_slice %arg16[%run_scoped3A_81, %dma_start3A_152] : memref<5x128xi32, #tpu.memory_space<vmem>> -> memref<1x128xi32, #tpu.memory_space<vmem>>
      %dma_start3A_154 = tpu.memref_squeeze %dma_start3A_153 : memref<1x128xi32, #tpu.memory_space<vmem>> -> memref<128xi32, #tpu.memory_space<vmem>>
      %dma_start3A_155 = arith.constant 0 : i32
      %dma_start3A_156 = arith.constant 0 : i32
      %dma_start3A_157 = tpu.memref_slice %arg11[%dma_start3A_155, %dma_start3A_156] : memref<1008x128xf32, #tpu.memory_space<vmem_shared>> -> memref<1008x128xf32, #tpu.memory_space<vmem_shared>>
      tpu.enqueue_indirect_dma source(%arg13 : memref<128x128xf32, #tpu.memory_space<vmem>>) target(%dma_start3A_157 : memref<1008x128xf32, #tpu.memory_space<vmem_shared>>) offsets(%dma_start3A_154 : memref<128xi32, #tpu.memory_space<vmem>>) semaphore(%run_scoped3A_151 : memref<!tpu.dma_semaphore, #tpu.memory_space<semaphore_mem>>) {add = true}
      %dma_wait3A_158 = arith.constant 0 : i32
      %dma_wait3A_159 = tpu.memref_slice %arg16[%run_scoped3A_81, %dma_wait3A_158] : memref<5x128xi32, #tpu.memory_space<vmem>> -> memref<1x128xi32, #tpu.memory_space<vmem>>
      %dma_wait3A_160 = tpu.memref_squeeze %dma_wait3A_159 : memref<1x128xi32, #tpu.memory_space<vmem>> -> memref<128xi32, #tpu.memory_space<vmem>>
      %dma_wait3A_161 = arith.constant 0 : i32
      %dma_wait3A_162 = arith.constant 0 : i32
      %dma_wait3A_163 = tpu.memref_slice %arg11[%dma_wait3A_161, %dma_wait3A_162] : memref<1008x128xf32, #tpu.memory_space<vmem_shared>> -> memref<1008x128xf32, #tpu.memory_space<vmem_shared>>
      tpu.wait_indirect_dma semaphore(%run_scoped3A_151 : memref<!tpu.dma_semaphore, #tpu.memory_space<semaphore_mem>>) src(%arg13 : memref<128x128xf32, #tpu.memory_space<vmem>>) dst(%dma_wait3A_163 : memref<1008x128xf32, #tpu.memory_space<vmem_shared>>)
      tpu.yield
    }) : () -> ()
    %dma_wait3A_82 = arith.constant 0 : i32
    %dma_wait3A_83 = arith.constant 0 : i32
    %dma_wait3A_84 = tpu.memref_slice %arg17[%dma_wait3A_82, %dma_wait3A_83] : memref<5x128xi32, #tpu.memory_space<vmem>> -> memref<1x128xi32, #tpu.memory_space<vmem>>
    %dma_wait3A_85 = tpu.memref_squeeze %dma_wait3A_84 : memref<1x128xi32, #tpu.memory_space<vmem>> -> memref<128xi32, #tpu.memory_space<vmem>>
    %dma_wait3A_86 = arith.constant 0 : i32
    %dma_wait3A_87 = arith.constant 0 : i32
    %dma_wait3A_88 = tpu.memref_slice %arg4[%dma_wait3A_86, %dma_wait3A_87] : memref<10000x128xf32, #tpu.memory_space<hbm>> -> memref<10000x128xf32, #tpu.memory_space<hbm>>
    tpu.wait_indirect_dma semaphore(%arg20 : memref<!tpu.dma_semaphore, #tpu.memory_space<semaphore_mem>>) src(%dma_wait3A_88 : memref<10000x128xf32, #tpu.memory_space<hbm>>) dst(%arg14 : memref<128x128xf32, #tpu.memory_space<vmem>>)
    %dma_start3A_89 = arith.constant 1 : i32
    %dma_start3A_90 = arith.constant 0 : i32
    %dma_start3A_91 = tpu.memref_slice %arg17[%dma_start3A_89, %dma_start3A_90] : memref<5x128xi32, #tpu.memory_space<vmem>> -> memref<1x128xi32, #tpu.memory_space<vmem>>
    %dma_start3A_92 = tpu.memref_squeeze %dma_start3A_91 : memref<1x128xi32, #tpu.memory_space<vmem>> -> memref<128xi32, #tpu.memory_space<vmem>>
    %dma_start3A_93 = arith.constant 0 : i32
    %dma_start3A_94 = arith.constant 0 : i32
    %dma_start3A_95 = tpu.memref_slice %arg4[%dma_start3A_93, %dma_start3A_94] : memref<10000x128xf32, #tpu.memory_space<hbm>> -> memref<10000x128xf32, #tpu.memory_space<hbm>>
    tpu.enqueue_indirect_dma source(%dma_start3A_95 : memref<10000x128xf32, #tpu.memory_space<hbm>>) target(%arg13 : memref<128x128xf32, #tpu.memory_space<vmem>>) offsets(%dma_start3A_92 : memref<128xi32, #tpu.memory_space<vmem>>) semaphore(%arg19 : memref<!tpu.dma_semaphore, #tpu.memory_space<semaphore_mem>>)
    %run_scoped3A_96 = arith.constant 0 : i32
    "tpu.region"() ({
      %run_scoped3A_151 = tpu.sem_alloc : memref<!tpu.dma_semaphore, #tpu.memory_space<semaphore_mem>>
      %dma_start3A_152 = arith.constant 0 : i32
      %dma_start3A_153 = tpu.memref_slice %arg18[%run_scoped3A_96, %dma_start3A_152] : memref<5x128xi32, #tpu.memory_space<vmem>> -> memref<1x128xi32, #tpu.memory_space<vmem>>
      %dma_start3A_154 = tpu.memref_squeeze %dma_start3A_153 : memref<1x128xi32, #tpu.memory_space<vmem>> -> memref<128xi32, #tpu.memory_space<vmem>>
      %dma_start3A_155 = arith.constant 0 : i32
      %dma_start3A_156 = arith.constant 0 : i32
      %dma_start3A_157 = tpu.memref_slice %arg12[%dma_start3A_155, %dma_start3A_156] : memref<1008x128xf32, #tpu.memory_space<vmem_shared>> -> memref<1008x128xf32, #tpu.memory_space<vmem_shared>>
      tpu.enqueue_indirect_dma source(%arg14 : memref<128x128xf32, #tpu.memory_space<vmem>>) target(%dma_start3A_157 : memref<1008x128xf32, #tpu.memory_space<vmem_shared>>) offsets(%dma_start3A_154 : memref<128xi32, #tpu.memory_space<vmem>>) semaphore(%run_scoped3A_151 : memref<!tpu.dma_semaphore, #tpu.memory_space<semaphore_mem>>) {add = true}
      %dma_wait3A_158 = arith.constant 0 : i32
      %dma_wait3A_159 = tpu.memref_slice %arg18[%run_scoped3A_96, %dma_wait3A_158] : memref<5x128xi32, #tpu.memory_space<vmem>> -> memref<1x128xi32, #tpu.memory_space<vmem>>
      %dma_wait3A_160 = tpu.memref_squeeze %dma_wait3A_159 : memref<1x128xi32, #tpu.memory_space<vmem>> -> memref<128xi32, #tpu.memory_space<vmem>>
      %dma_wait3A_161 = arith.constant 0 : i32
      %dma_wait3A_162 = arith.constant 0 : i32
      %dma_wait3A_163 = tpu.memref_slice %arg12[%dma_wait3A_161, %dma_wait3A_162] : memref<1008x128xf32, #tpu.memory_space<vmem_shared>> -> memref<1008x128xf32, #tpu.memory_space<vmem_shared>>
      tpu.wait_indirect_dma semaphore(%run_scoped3A_151 : memref<!tpu.dma_semaphore, #tpu.memory_space<semaphore_mem>>) src(%arg14 : memref<128x128xf32, #tpu.memory_space<vmem>>) dst(%dma_wait3A_163 : memref<1008x128xf32, #tpu.memory_space<vmem_shared>>)
      tpu.yield
    }) : () -> ()
    %dma_wait3A_97 = arith.constant 1 : i32
    %dma_wait3A_98 = arith.constant 0 : i32
    %dma_wait3A_99 = tpu.memref_slice %arg17[%dma_wait3A_97, %dma_wait3A_98] : memref<5x128xi32, #tpu.memory_space<vmem>> -> memref<1x128xi32, #tpu.memory_space<vmem>>
    %dma_wait3A_100 = tpu.memref_squeeze %dma_wait3A_99 : memref<1x128xi32, #tpu.memory_space<vmem>> -> memref<128xi32, #tpu.memory_space<vmem>>
    %dma_wait3A_101 = arith.constant 0 : i32
    %dma_wait3A_102 = arith.constant 0 : i32
    %dma_wait3A_103 = tpu.memref_slice %arg4[%dma_wait3A_101, %dma_wait3A_102] : memref<10000x128xf32, #tpu.memory_space<hbm>> -> memref<10000x128xf32, #tpu.memory_space<hbm>>
    tpu.wait_indirect_dma semaphore(%arg19 : memref<!tpu.dma_semaphore, #tpu.memory_space<semaphore_mem>>) src(%dma_wait3A_103 : memref<10000x128xf32, #tpu.memory_space<hbm>>) dst(%arg13 : memref<128x128xf32, #tpu.memory_space<vmem>>)
    %dma_start3A_104 = arith.constant 2 : i32
    %dma_start3A_105 = arith.constant 0 : i32
    %dma_start3A_106 = tpu.memref_slice %arg17[%dma_start3A_104, %dma_start3A_105] : memref<5x128xi32, #tpu.memory_space<vmem>> -> memref<1x128xi32, #tpu.memory_space<vmem>>
    %dma_start3A_107 = tpu.memref_squeeze %dma_start3A_106 : memref<1x128xi32, #tpu.memory_space<vmem>> -> memref<128xi32, #tpu.memory_space<vmem>>
    %dma_start3A_108 = arith.constant 0 : i32
    %dma_start3A_109 = arith.constant 0 : i32
    %dma_start3A_110 = tpu.memref_slice %arg4[%dma_start3A_108, %dma_start3A_109] : memref<10000x128xf32, #tpu.memory_space<hbm>> -> memref<10000x128xf32, #tpu.memory_space<hbm>>
    tpu.enqueue_indirect_dma source(%dma_start3A_110 : memref<10000x128xf32, #tpu.memory_space<hbm>>) target(%arg14 : memref<128x128xf32, #tpu.memory_space<vmem>>) offsets(%dma_start3A_107 : memref<128xi32, #tpu.memory_space<vmem>>) semaphore(%arg20 : memref<!tpu.dma_semaphore, #tpu.memory_space<semaphore_mem>>)
    %run_scoped3A_111 = arith.constant 1 : i32
    "tpu.region"() ({
      %run_scoped3A_151 = tpu.sem_alloc : memref<!tpu.dma_semaphore, #tpu.memory_space<semaphore_mem>>
      %dma_start3A_152 = arith.constant 0 : i32
      %dma_start3A_153 = tpu.memref_slice %arg18[%run_scoped3A_111, %dma_start3A_152] : memref<5x128xi32, #tpu.memory_space<vmem>> -> memref<1x128xi32, #tpu.memory_space<vmem>>
      %dma_start3A_154 = tpu.memref_squeeze %dma_start3A_153 : memref<1x128xi32, #tpu.memory_space<vmem>> -> memref<128xi32, #tpu.memory_space<vmem>>
      %dma_start3A_155 = arith.constant 0 : i32
      %dma_start3A_156 = arith.constant 0 : i32
      %dma_start3A_157 = tpu.memref_slice %arg12[%dma_start3A_155, %dma_start3A_156] : memref<1008x128xf32, #tpu.memory_space<vmem_shared>> -> memref<1008x128xf32, #tpu.memory_space<vmem_shared>>
      tpu.enqueue_indirect_dma source(%arg13 : memref<128x128xf32, #tpu.memory_space<vmem>>) target(%dma_start3A_157 : memref<1008x128xf32, #tpu.memory_space<vmem_shared>>) offsets(%dma_start3A_154 : memref<128xi32, #tpu.memory_space<vmem>>) semaphore(%run_scoped3A_151 : memref<!tpu.dma_semaphore, #tpu.memory_space<semaphore_mem>>) {add = true}
      %dma_wait3A_158 = arith.constant 0 : i32
      %dma_wait3A_159 = tpu.memref_slice %arg18[%run_scoped3A_111, %dma_wait3A_158] : memref<5x128xi32, #tpu.memory_space<vmem>> -> memref<1x128xi32, #tpu.memory_space<vmem>>
      %dma_wait3A_160 = tpu.memref_squeeze %dma_wait3A_159 : memref<1x128xi32, #tpu.memory_space<vmem>> -> memref<128xi32, #tpu.memory_space<vmem>>
      %dma_wait3A_161 = arith.constant 0 : i32
      %dma_wait3A_162 = arith.constant 0 : i32
      %dma_wait3A_163 = tpu.memref_slice %arg12[%dma_wait3A_161, %dma_wait3A_162] : memref<1008x128xf32, #tpu.memory_space<vmem_shared>> -> memref<1008x128xf32, #tpu.memory_space<vmem_shared>>
      tpu.wait_indirect_dma semaphore(%run_scoped3A_151 : memref<!tpu.dma_semaphore, #tpu.memory_space<semaphore_mem>>) src(%arg13 : memref<128x128xf32, #tpu.memory_space<vmem>>) dst(%dma_wait3A_163 : memref<1008x128xf32, #tpu.memory_space<vmem_shared>>)
      tpu.yield
    }) : () -> ()
    %dma_wait3A_112 = arith.constant 2 : i32
    %dma_wait3A_113 = arith.constant 0 : i32
    %dma_wait3A_114 = tpu.memref_slice %arg17[%dma_wait3A_112, %dma_wait3A_113] : memref<5x128xi32, #tpu.memory_space<vmem>> -> memref<1x128xi32, #tpu.memory_space<vmem>>
    %dma_wait3A_115 = tpu.memref_squeeze %dma_wait3A_114 : memref<1x128xi32, #tpu.memory_space<vmem>> -> memref<128xi32, #tpu.memory_space<vmem>>
    %dma_wait3A_116 = arith.constant 0 : i32
    %dma_wait3A_117 = arith.constant 0 : i32
    %dma_wait3A_118 = tpu.memref_slice %arg4[%dma_wait3A_116, %dma_wait3A_117] : memref<10000x128xf32, #tpu.memory_space<hbm>> -> memref<10000x128xf32, #tpu.memory_space<hbm>>
    tpu.wait_indirect_dma semaphore(%arg20 : memref<!tpu.dma_semaphore, #tpu.memory_space<semaphore_mem>>) src(%dma_wait3A_118 : memref<10000x128xf32, #tpu.memory_space<hbm>>) dst(%arg14 : memref<128x128xf32, #tpu.memory_space<vmem>>)
    %dma_start3A_119 = arith.constant 3 : i32
    %dma_start3A_120 = arith.constant 0 : i32
    %dma_start3A_121 = tpu.memref_slice %arg17[%dma_start3A_119, %dma_start3A_120] : memref<5x128xi32, #tpu.memory_space<vmem>> -> memref<1x128xi32, #tpu.memory_space<vmem>>
    %dma_start3A_122 = tpu.memref_squeeze %dma_start3A_121 : memref<1x128xi32, #tpu.memory_space<vmem>> -> memref<128xi32, #tpu.memory_space<vmem>>
    %dma_start3A_123 = arith.constant 0 : i32
    %dma_start3A_124 = arith.constant 0 : i32
    %dma_start3A_125 = tpu.memref_slice %arg4[%dma_start3A_123, %dma_start3A_124] : memref<10000x128xf32, #tpu.memory_space<hbm>> -> memref<10000x128xf32, #tpu.memory_space<hbm>>
    tpu.enqueue_indirect_dma source(%dma_start3A_125 : memref<10000x128xf32, #tpu.memory_space<hbm>>) target(%arg13 : memref<128x128xf32, #tpu.memory_space<vmem>>) offsets(%dma_start3A_122 : memref<128xi32, #tpu.memory_space<vmem>>) semaphore(%arg19 : memref<!tpu.dma_semaphore, #tpu.memory_space<semaphore_mem>>)
    %run_scoped3A_126 = arith.constant 2 : i32
    "tpu.region"() ({
      %run_scoped3A_151 = tpu.sem_alloc : memref<!tpu.dma_semaphore, #tpu.memory_space<semaphore_mem>>
      %dma_start3A_152 = arith.constant 0 : i32
      %dma_start3A_153 = tpu.memref_slice %arg18[%run_scoped3A_126, %dma_start3A_152] : memref<5x128xi32, #tpu.memory_space<vmem>> -> memref<1x128xi32, #tpu.memory_space<vmem>>
      %dma_start3A_154 = tpu.memref_squeeze %dma_start3A_153 : memref<1x128xi32, #tpu.memory_space<vmem>> -> memref<128xi32, #tpu.memory_space<vmem>>
      %dma_start3A_155 = arith.constant 0 : i32
      %dma_start3A_156 = arith.constant 0 : i32
      %dma_start3A_157 = tpu.memref_slice %arg12[%dma_start3A_155, %dma_start3A_156] : memref<1008x128xf32, #tpu.memory_space<vmem_shared>> -> memref<1008x128xf32, #tpu.memory_space<vmem_shared>>
      tpu.enqueue_indirect_dma source(%arg14 : memref<128x128xf32, #tpu.memory_space<vmem>>) target(%dma_start3A_157 : memref<1008x128xf32, #tpu.memory_space<vmem_shared>>) offsets(%dma_start3A_154 : memref<128xi32, #tpu.memory_space<vmem>>) semaphore(%run_scoped3A_151 : memref<!tpu.dma_semaphore, #tpu.memory_space<semaphore_mem>>) {add = true}
      %dma_wait3A_158 = arith.constant 0 : i32
      %dma_wait3A_159 = tpu.memref_slice %arg18[%run_scoped3A_126, %dma_wait3A_158] : memref<5x128xi32, #tpu.memory_space<vmem>> -> memref<1x128xi32, #tpu.memory_space<vmem>>
      %dma_wait3A_160 = tpu.memref_squeeze %dma_wait3A_159 : memref<1x128xi32, #tpu.memory_space<vmem>> -> memref<128xi32, #tpu.memory_space<vmem>>
      %dma_wait3A_161 = arith.constant 0 : i32
      %dma_wait3A_162 = arith.constant 0 : i32
      %dma_wait3A_163 = tpu.memref_slice %arg12[%dma_wait3A_161, %dma_wait3A_162] : memref<1008x128xf32, #tpu.memory_space<vmem_shared>> -> memref<1008x128xf32, #tpu.memory_space<vmem_shared>>
      tpu.wait_indirect_dma semaphore(%run_scoped3A_151 : memref<!tpu.dma_semaphore, #tpu.memory_space<semaphore_mem>>) src(%arg14 : memref<128x128xf32, #tpu.memory_space<vmem>>) dst(%dma_wait3A_163 : memref<1008x128xf32, #tpu.memory_space<vmem_shared>>)
      tpu.yield
    }) : () -> ()
    %dma_wait3A_127 = arith.constant 3 : i32
    %dma_wait3A_128 = arith.constant 0 : i32
    %dma_wait3A_129 = tpu.memref_slice %arg17[%dma_wait3A_127, %dma_wait3A_128] : memref<5x128xi32, #tpu.memory_space<vmem>> -> memref<1x128xi32, #tpu.memory_space<vmem>>
    %dma_wait3A_130 = tpu.memref_squeeze %dma_wait3A_129 : memref<1x128xi32, #tpu.memory_space<vmem>> -> memref<128xi32, #tpu.memory_space<vmem>>
    %dma_wait3A_131 = arith.constant 0 : i32
    %dma_wait3A_132 = arith.constant 0 : i32
    %dma_wait3A_133 = tpu.memref_slice %arg4[%dma_wait3A_131, %dma_wait3A_132] : memref<10000x128xf32, #tpu.memory_space<hbm>> -> memref<10000x128xf32, #tpu.memory_space<hbm>>
    tpu.wait_indirect_dma semaphore(%arg19 : memref<!tpu.dma_semaphore, #tpu.memory_space<semaphore_mem>>) src(%dma_wait3A_133 : memref<10000x128xf32, #tpu.memory_space<hbm>>) dst(%arg13 : memref<128x128xf32, #tpu.memory_space<vmem>>)
    %dma_start3A_134 = arith.constant 4 : i32
    %dma_start3A_135 = arith.constant 0 : i32
    %dma_start3A_136 = tpu.memref_slice %arg17[%dma_start3A_134, %dma_start3A_135] : memref<5x128xi32, #tpu.memory_space<vmem>> -> memref<1x128xi32, #tpu.memory_space<vmem>>
    %dma_start3A_137 = tpu.memref_squeeze %dma_start3A_136 : memref<1x128xi32, #tpu.memory_space<vmem>> -> memref<128xi32, #tpu.memory_space<vmem>>
    %dma_start3A_138 = arith.constant 0 : i32
    %dma_start3A_139 = arith.constant 0 : i32
    %dma_start3A_140 = tpu.memref_slice %arg4[%dma_start3A_138, %dma_start3A_139] : memref<10000x128xf32, #tpu.memory_space<hbm>> -> memref<10000x128xf32, #tpu.memory_space<hbm>>
    tpu.enqueue_indirect_dma source(%dma_start3A_140 : memref<10000x128xf32, #tpu.memory_space<hbm>>) target(%arg14 : memref<128x128xf32, #tpu.memory_space<vmem>>) offsets(%dma_start3A_137 : memref<128xi32, #tpu.memory_space<vmem>>) semaphore(%arg20 : memref<!tpu.dma_semaphore, #tpu.memory_space<semaphore_mem>>)
    %run_scoped3A_141 = arith.constant 3 : i32
    "tpu.region"() ({
      %run_scoped3A_151 = tpu.sem_alloc : memref<!tpu.dma_semaphore, #tpu.memory_space<semaphore_mem>>
      %dma_start3A_152 = arith.constant 0 : i32
      %dma_start3A_153 = tpu.memref_slice %arg18[%run_scoped3A_141, %dma_start3A_152] : memref<5x128xi32, #tpu.memory_space<vmem>> -> memref<1x128xi32, #tpu.memory_space<vmem>>
      %dma_start3A_154 = tpu.memref_squeeze %dma_start3A_153 : memref<1x128xi32, #tpu.memory_space<vmem>> -> memref<128xi32, #tpu.memory_space<vmem>>
      %dma_start3A_155 = arith.constant 0 : i32
      %dma_start3A_156 = arith.constant 0 : i32
      %dma_start3A_157 = tpu.memref_slice %arg12[%dma_start3A_155, %dma_start3A_156] : memref<1008x128xf32, #tpu.memory_space<vmem_shared>> -> memref<1008x128xf32, #tpu.memory_space<vmem_shared>>
      tpu.enqueue_indirect_dma source(%arg13 : memref<128x128xf32, #tpu.memory_space<vmem>>) target(%dma_start3A_157 : memref<1008x128xf32, #tpu.memory_space<vmem_shared>>) offsets(%dma_start3A_154 : memref<128xi32, #tpu.memory_space<vmem>>) semaphore(%run_scoped3A_151 : memref<!tpu.dma_semaphore, #tpu.memory_space<semaphore_mem>>) {add = true}
      %dma_wait3A_158 = arith.constant 0 : i32
      %dma_wait3A_159 = tpu.memref_slice %arg18[%run_scoped3A_141, %dma_wait3A_158] : memref<5x128xi32, #tpu.memory_space<vmem>> -> memref<1x128xi32, #tpu.memory_space<vmem>>
      %dma_wait3A_160 = tpu.memref_squeeze %dma_wait3A_159 : memref<1x128xi32, #tpu.memory_space<vmem>> -> memref<128xi32, #tpu.memory_space<vmem>>
      %dma_wait3A_161 = arith.constant 0 : i32
      %dma_wait3A_162 = arith.constant 0 : i32
      %dma_wait3A_163 = tpu.memref_slice %arg12[%dma_wait3A_161, %dma_wait3A_162] : memref<1008x128xf32, #tpu.memory_space<vmem_shared>> -> memref<1008x128xf32, #tpu.memory_space<vmem_shared>>
      tpu.wait_indirect_dma semaphore(%run_scoped3A_151 : memref<!tpu.dma_semaphore, #tpu.memory_space<semaphore_mem>>) src(%arg13 : memref<128x128xf32, #tpu.memory_space<vmem>>) dst(%dma_wait3A_163 : memref<1008x128xf32, #tpu.memory_space<vmem_shared>>)
      tpu.yield
    }) : () -> ()
    %dma_wait3A_142 = arith.constant 4 : i32
    %dma_wait3A_143 = arith.constant 0 : i32
    %dma_wait3A_144 = tpu.memref_slice %arg17[%dma_wait3A_142, %dma_wait3A_143] : memref<5x128xi32, #tpu.memory_space<vmem>> -> memref<1x128xi32, #tpu.memory_space<vmem>>
    %dma_wait3A_145 = tpu.memref_squeeze %dma_wait3A_144 : memref<1x128xi32, #tpu.memory_space<vmem>> -> memref<128xi32, #tpu.memory_space<vmem>>
    %dma_wait3A_146 = arith.constant 0 : i32
    %dma_wait3A_147 = arith.constant 0 : i32
    %dma_wait3A_148 = tpu.memref_slice %arg4[%dma_wait3A_146, %dma_wait3A_147] : memref<10000x128xf32, #tpu.memory_space<hbm>> -> memref<10000x128xf32, #tpu.memory_space<hbm>>
    tpu.wait_indirect_dma semaphore(%arg20 : memref<!tpu.dma_semaphore, #tpu.memory_space<semaphore_mem>>) src(%dma_wait3A_148 : memref<10000x128xf32, #tpu.memory_space<hbm>>) dst(%arg14 : memref<128x128xf32, #tpu.memory_space<vmem>>)
    %run_scoped3A_149 = arith.constant 4 : i32
    "tpu.region"() ({
      %run_scoped3A_151 = tpu.sem_alloc : memref<!tpu.dma_semaphore, #tpu.memory_space<semaphore_mem>>
      %dma_start3A_152 = arith.constant 0 : i32
      %dma_start3A_153 = tpu.memref_slice %arg18[%run_scoped3A_149, %dma_start3A_152] : memref<5x128xi32, #tpu.memory_space<vmem>> -> memref<1x128xi32, #tpu.memory_space<vmem>>
      %dma_start3A_154 = tpu.memref_squeeze %dma_start3A_153 : memref<1x128xi32, #tpu.memory_space<vmem>> -> memref<128xi32, #tpu.memory_space<vmem>>
      %dma_start3A_155 = arith.constant 0 : i32
      %dma_start3A_156 = arith.constant 0 : i32
      %dma_start3A_157 = tpu.memref_slice %arg12[%dma_start3A_155, %dma_start3A_156] : memref<1008x128xf32, #tpu.memory_space<vmem_shared>> -> memref<1008x128xf32, #tpu.memory_space<vmem_shared>>
      tpu.enqueue_indirect_dma source(%arg14 : memref<128x128xf32, #tpu.memory_space<vmem>>) target(%dma_start3A_157 : memref<1008x128xf32, #tpu.memory_space<vmem_shared>>) offsets(%dma_start3A_154 : memref<128xi32, #tpu.memory_space<vmem>>) semaphore(%run_scoped3A_151 : memref<!tpu.dma_semaphore, #tpu.memory_space<semaphore_mem>>) {add = true}
      %dma_wait3A_158 = arith.constant 0 : i32
      %dma_wait3A_159 = tpu.memref_slice %arg18[%run_scoped3A_149, %dma_wait3A_158] : memref<5x128xi32, #tpu.memory_space<vmem>> -> memref<1x128xi32, #tpu.memory_space<vmem>>
      %dma_wait3A_160 = tpu.memref_squeeze %dma_wait3A_159 : memref<1x128xi32, #tpu.memory_space<vmem>> -> memref<128xi32, #tpu.memory_space<vmem>>
      %dma_wait3A_161 = arith.constant 0 : i32
      %dma_wait3A_162 = arith.constant 0 : i32
      %dma_wait3A_163 = tpu.memref_slice %arg12[%dma_wait3A_161, %dma_wait3A_162] : memref<1008x128xf32, #tpu.memory_space<vmem_shared>> -> memref<1008x128xf32, #tpu.memory_space<vmem_shared>>
      tpu.wait_indirect_dma semaphore(%run_scoped3A_151 : memref<!tpu.dma_semaphore, #tpu.memory_space<semaphore_mem>>) src(%arg14 : memref<128x128xf32, #tpu.memory_space<vmem>>) dst(%dma_wait3A_163 : memref<1008x128xf32, #tpu.memory_space<vmem_shared>>)
      tpu.yield
    }) : () -> ()
    %barrier3A_150 = arith.constant 0 : index
    tpu.barrier barrier_id(%barrier3A_150)
    "tpu.region"() ({
      %run_scoped3A_151 = tpu.sem_alloc : memref<!tpu.dma_semaphore, #tpu.memory_space<semaphore_mem>>
      %dma_start3A_152 = arith.constant 0 : i32
      %dma_start3A_153 = tpu.memref_slice %arg9[%arg0, %mul3A_2, %dma_start3A_152] : memref<2x1008x128xf32, #tpu.memory_space<hbm>> -> memref<1x63x128xf32, #tpu.memory_space<hbm>>
      %dma_start3A_154 = tpu.memref_squeeze %dma_start3A_153 : memref<1x63x128xf32, #tpu.memory_space<hbm>> -> memref<63x128xf32, #tpu.memory_space<hbm>>
      %dma_start3A_155 = arith.constant 0 : i32
      %dma_start3A_156 = tpu.memref_slice %arg11[%mul3A_2, %dma_start3A_155] : memref<1008x128xf32, #tpu.memory_space<vmem_shared>> -> memref<63x128xf32, #tpu.memory_space<vmem_shared>>
      tpu.enqueue_dma source(%dma_start3A_156 : memref<63x128xf32, #tpu.memory_space<vmem_shared>>) target(%dma_start3A_154 : memref<63x128xf32, #tpu.memory_space<hbm>>) target_semaphore(%run_scoped3A_151 : memref<!tpu.dma_semaphore, #tpu.memory_space<semaphore_mem>>)
      %dma_wait3A_157 = arith.constant 0 : i32
      %dma_wait3A_158 = tpu.memref_slice %arg9[%arg0, %mul3A_2, %dma_wait3A_157] : memref<2x1008x128xf32, #tpu.memory_space<hbm>> -> memref<1x63x128xf32, #tpu.memory_space<hbm>>
      %dma_wait3A_159 = tpu.memref_squeeze %dma_wait3A_158 : memref<1x63x128xf32, #tpu.memory_space<hbm>> -> memref<63x128xf32, #tpu.memory_space<hbm>>
      %dma_wait3A_160 = arith.constant 0 : i32
      %dma_wait3A_161 = tpu.memref_slice %arg11[%mul3A_2, %dma_wait3A_160] : memref<1008x128xf32, #tpu.memory_space<vmem_shared>> -> memref<63x128xf32, #tpu.memory_space<vmem_shared>>
      tpu.wait_dma2 semaphore(%run_scoped3A_151 : memref<!tpu.dma_semaphore, #tpu.memory_space<semaphore_mem>>) src(%dma_wait3A_161 : memref<63x128xf32, #tpu.memory_space<vmem_shared>>) dst(%dma_wait3A_159 : memref<63x128xf32, #tpu.memory_space<hbm>>)
      tpu.yield
    }) : () -> ()
    "tpu.region"() ({
      %run_scoped3A_151 = tpu.sem_alloc : memref<!tpu.dma_semaphore, #tpu.memory_space<semaphore_mem>>
      %dma_start3A_152 = arith.constant 0 : i32
      %dma_start3A_153 = tpu.memref_slice %arg10[%arg0, %mul3A_2, %dma_start3A_152] : memref<2x1008x128xf32, #tpu.memory_space<hbm>> -> memref<1x63x128xf32, #tpu.memory_space<hbm>>
      %dma_start3A_154 = tpu.memref_squeeze %dma_start3A_153 : memref<1x63x128xf32, #tpu.memory_space<hbm>> -> memref<63x128xf32, #tpu.memory_space<hbm>>
      %dma_start3A_155 = arith.constant 0 : i32
      %dma_start3A_156 = tpu.memref_slice %arg12[%mul3A_2, %dma_start3A_155] : memref<1008x128xf32, #tpu.memory_space<vmem_shared>> -> memref<63x128xf32, #tpu.memory_space<vmem_shared>>
      tpu.enqueue_dma source(%dma_start3A_156 : memref<63x128xf32, #tpu.memory_space<vmem_shared>>) target(%dma_start3A_154 : memref<63x128xf32, #tpu.memory_space<hbm>>) target_semaphore(%run_scoped3A_151 : memref<!tpu.dma_semaphore, #tpu.memory_space<semaphore_mem>>)
      %dma_wait3A_157 = arith.constant 0 : i32
      %dma_wait3A_158 = tpu.memref_slice %arg10[%arg0, %mul3A_2, %dma_wait3A_157] : memref<2x1008x128xf32, #tpu.memory_space<hbm>> -> memref<1x63x128xf32, #tpu.memory_space<hbm>>
      %dma_wait3A_159 = tpu.memref_squeeze %dma_wait3A_158 : memref<1x63x128xf32, #tpu.memory_space<hbm>> -> memref<63x128xf32, #tpu.memory_space<hbm>>
      %dma_wait3A_160 = arith.constant 0 : i32
      %dma_wait3A_161 = tpu.memref_slice %arg12[%mul3A_2, %dma_wait3A_160] : memref<1008x128xf32, #tpu.memory_space<vmem_shared>> -> memref<63x128xf32, #tpu.memory_space<vmem_shared>>
      tpu.wait_dma2 semaphore(%run_scoped3A_151 : memref<!tpu.dma_semaphore, #tpu.memory_space<semaphore_mem>>) src(%dma_wait3A_161 : memref<63x128xf32, #tpu.memory_space<vmem_shared>>) dst(%dma_wait3A_159 : memref<63x128xf32, #tpu.memory_space<hbm>>)
      tpu.yield
    }) : () -> ()
    return
  }
}

module attributes {stable_mosaic.version = 14 : i64} {
  func.func @body(%arg0: i32, %arg1: memref<2000x256xf32, #tpu.memory_space<vmem>>, %arg2: memref<1000x64xf32, #tpu.memory_space<vmem>>, %arg3: memref<256x384xf32, #tpu.memory_space<vmem>>, %arg4: memref<64x256xf32, #tpu.memory_space<vmem>>, %arg5: memref<2000x136xf32, #tpu.memory_space<vmem>>, %arg6: memref<2000x136xf32, #tpu.memory_space<vmem>>, %arg7: memref<2000x128xf32, #tpu.memory_space<vmem>>, %arg8: memref<1000x136xf32, #tpu.memory_space<vmem>>, %arg9: memref<1000x128xf32, #tpu.memory_space<vmem>>) attributes {dimension_semantics = [#tpu.dimension_semantics<arbitrary>], iteration_bounds = array<i64: 5>, scalar_prefetch = 0 : i64, scratch_operands = 0 : i64, tpu.core_type = #tpu.core_type<tc>, window_params = [{transform_indices = @transform_0, window_bounds = array<i64: 2000, 256>}, {pipeline_mode = #tpu.pipeline_mode<synchronous>, transform_indices = @transform_1, window_bounds = array<i64: 1000, 64>}, {pipeline_mode = #tpu.pipeline_mode<synchronous>, transform_indices = @transform_2, window_bounds = array<i64: 256, 384>}, {pipeline_mode = #tpu.pipeline_mode<synchronous>, transform_indices = @transform_3, window_bounds = array<i64: 64, 256>}, {transform_indices = @transform_4, window_bounds = array<i64: 2000, 136>}, {transform_indices = @transform_5, window_bounds = array<i64: 2000, 136>}, {transform_indices = @transform_6, window_bounds = array<i64: 2000, 128>}, {pipeline_mode = #tpu.pipeline_mode<synchronous>, transform_indices = @transform_7, window_bounds = array<i64: 1000, 136>}, {pipeline_mode = #tpu.pipeline_mode<synchronous>, transform_indices = @transform_8, window_bounds = array<i64: 1000, 128>}]} {
    %get3A = arith.constant 0 : index
    %get3A_0 = arith.constant 0 : index
    %get3A_1 = vector.load %arg1[%get3A, %get3A_0] : memref<2000x256xf32, #tpu.memory_space<vmem>>, vector<2000x256xf32>
    %get3A_2 = arith.constant 0 : index
    %get3A_3 = arith.constant 0 : index
    %get3A_4 = vector.load %arg3[%get3A_2, %get3A_3] : memref<256x384xf32, #tpu.memory_space<vmem>>, vector<256x384xf32>
    %dot_general3A = arith.constant dense<0.000000e+00> : vector<2000x384xf32>
    %dot_general3A_5 = tpu.matmul %get3A_1, %get3A_4, %dot_general3A {dimension_numbers = #tpu.dot_dimension_numbers<[1], [0], [0], [1], [0, 0, 1, 1], [], []>, transpose_lhs_hint = false} : vector<2000x256xf32>, vector<256x384xf32>, vector<2000x384xf32> -> vector<2000x384xf32>
    %iota3A = tpu.iota {dimensions = array<i32: 1>} : vector<2000x8xi32>
    %eq3A = arith.constant 0 : i32
    %eq3A_6 = vector.broadcast %eq3A : i32 to vector<2000x8xi32>
    %eq3A_7 = arith.cmpi eq, %iota3A, %eq3A_6 : vector<2000x8xi32>
    %jit3A = arith.constant 1.000000e+00 : f32
    %jit3A_8 = arith.constant 0.000000e+00 : f32
    %broadcast_in_dim3A = vector.broadcast %jit3A : f32 to vector<2000x8xf32>
    %broadcast_in_dim3A_9 = vector.broadcast %jit3A_8 : f32 to vector<2000x8xf32>
    %select_n3A = arith.select %eq3A_7, %broadcast_in_dim3A, %broadcast_in_dim3A_9 : vector<2000x8xi1>, vector<2000x8xf32>
    %slice3A = vector.extract_strided_slice %dot_general3A_5 {offsets = [0, 0], sizes = [2000, 128], strides = [1, 1]} : vector<2000x384xf32> to vector<2000x128xf32>
    %swap3A = arith.constant 0 : index
    %swap3A_10 = arith.constant 0 : index
    %swap3A_11 = vector.load %arg5[%swap3A, %swap3A_10] : memref<2000x136xf32, #tpu.memory_space<vmem>>, vector<2000x128xf32>
    tpu.vector_store %arg5[%swap3A, %swap3A_10], %slice3A {strides = array<i32>} : memref<2000x136xf32, #tpu.memory_space<vmem>>, vector<2000x128xf32>,
    %swap3A_12 = arith.constant 0 : index
    %swap3A_13 = arith.constant 128 : index
    %swap3A_14 = vector.load %arg5[%swap3A_12, %swap3A_13] : memref<2000x136xf32, #tpu.memory_space<vmem>>, vector<2000x8xf32>
    tpu.vector_store %arg5[%swap3A_12, %swap3A_13], %select_n3A {strides = array<i32>} : memref<2000x136xf32, #tpu.memory_space<vmem>>, vector<2000x8xf32>,
    %slice3A_15 = vector.extract_strided_slice %dot_general3A_5 {offsets = [0, 128], sizes = [2000, 128], strides = [1, 1]} : vector<2000x384xf32> to vector<2000x128xf32>
    %swap3A_16 = arith.constant 0 : index
    %swap3A_17 = arith.constant 0 : index
    %swap3A_18 = vector.load %arg6[%swap3A_16, %swap3A_17] : memref<2000x136xf32, #tpu.memory_space<vmem>>, vector<2000x128xf32>
    tpu.vector_store %arg6[%swap3A_16, %swap3A_17], %slice3A_15 {strides = array<i32>} : memref<2000x136xf32, #tpu.memory_space<vmem>>, vector<2000x128xf32>,
    %swap3A_19 = arith.constant 0 : index
    %swap3A_20 = arith.constant 128 : index
    %swap3A_21 = vector.load %arg6[%swap3A_19, %swap3A_20] : memref<2000x136xf32, #tpu.memory_space<vmem>>, vector<2000x8xf32>
    tpu.vector_store %arg6[%swap3A_19, %swap3A_20], %select_n3A {strides = array<i32>} : memref<2000x136xf32, #tpu.memory_space<vmem>>, vector<2000x8xf32>,
    %slice3A_22 = vector.extract_strided_slice %dot_general3A_5 {offsets = [0, 256], sizes = [2000, 128], strides = [1, 1]} : vector<2000x384xf32> to vector<2000x128xf32>
    %swap3A_23 = arith.constant 0 : index
    %swap3A_24 = arith.constant 0 : index
    %swap3A_25 = vector.load %arg7[%swap3A_23, %swap3A_24] : memref<2000x128xf32, #tpu.memory_space<vmem>>, vector<2000x128xf32>
    tpu.vector_store %arg7[%swap3A_23, %swap3A_24], %slice3A_22 {strides = array<i32>} : memref<2000x128xf32, #tpu.memory_space<vmem>>, vector<2000x128xf32>,
    %get3A_26 = arith.constant 0 : index
    %get3A_27 = arith.constant 0 : index
    %get3A_28 = vector.load %arg2[%get3A_26, %get3A_27] : memref<1000x64xf32, #tpu.memory_space<vmem>>, vector<1000x64xf32>
    %get3A_29 = arith.constant 0 : index
    %get3A_30 = arith.constant 0 : index
    %get3A_31 = vector.load %arg4[%get3A_29, %get3A_30] : memref<64x256xf32, #tpu.memory_space<vmem>>, vector<64x256xf32>
    %dot_general3A_32 = arith.constant dense<0.000000e+00> : vector<1000x256xf32>
    %dot_general3A_33 = tpu.matmul %get3A_28, %get3A_31, %dot_general3A_32 {dimension_numbers = #tpu.dot_dimension_numbers<[1], [0], [0], [1], [0, 0, 1, 1], [], []>, transpose_lhs_hint = false} : vector<1000x64xf32>, vector<64x256xf32>, vector<1000x256xf32> -> vector<1000x256xf32>
    %slice3A_34 = vector.extract_strided_slice %dot_general3A_33 {offsets = [0, 0], sizes = [1000, 128], strides = [1, 1]} : vector<1000x256xf32> to vector<1000x128xf32>
    %swap3A_35 = arith.constant 0 : index
    %swap3A_36 = arith.constant 0 : index
    %swap3A_37 = vector.load %arg8[%swap3A_35, %swap3A_36] : memref<1000x136xf32, #tpu.memory_space<vmem>>, vector<1000x128xf32>
    tpu.vector_store %arg8[%swap3A_35, %swap3A_36], %slice3A_34 {strides = array<i32>} : memref<1000x136xf32, #tpu.memory_space<vmem>>, vector<1000x128xf32>,
    %iota3A_38 = tpu.iota {dimensions = array<i32: 1>} : vector<1000x8xi32>
    %eq3A_39 = arith.constant 0 : i32
    %eq3A_40 = vector.broadcast %eq3A_39 : i32 to vector<1000x8xi32>
    %eq3A_41 = arith.cmpi eq, %iota3A_38, %eq3A_40 : vector<1000x8xi32>
    %jit3A_42 = arith.constant 1.000000e+00 : f32
    %jit3A_43 = arith.constant 0.000000e+00 : f32
    %broadcast_in_dim3A_44 = vector.broadcast %jit3A_42 : f32 to vector<1000x8xf32>
    %broadcast_in_dim3A_45 = vector.broadcast %jit3A_43 : f32 to vector<1000x8xf32>
    %select_n3A_46 = arith.select %eq3A_41, %broadcast_in_dim3A_44, %broadcast_in_dim3A_45 : vector<1000x8xi1>, vector<1000x8xf32>
    %swap3A_47 = arith.constant 0 : index
    %swap3A_48 = arith.constant 128 : index
    %swap3A_49 = vector.load %arg8[%swap3A_47, %swap3A_48] : memref<1000x136xf32, #tpu.memory_space<vmem>>, vector<1000x8xf32>
    tpu.vector_store %arg8[%swap3A_47, %swap3A_48], %select_n3A_46 {strides = array<i32>} : memref<1000x136xf32, #tpu.memory_space<vmem>>, vector<1000x8xf32>,
    %slice3A_50 = vector.extract_strided_slice %dot_general3A_33 {offsets = [0, 128], sizes = [1000, 128], strides = [1, 1]} : vector<1000x256xf32> to vector<1000x128xf32>
    %swap3A_51 = arith.constant 0 : index
    %swap3A_52 = arith.constant 0 : index
    %swap3A_53 = vector.load %arg9[%swap3A_51, %swap3A_52] : memref<1000x128xf32, #tpu.memory_space<vmem>>, vector<1000x128xf32>
    tpu.vector_store %arg9[%swap3A_51, %swap3A_52], %slice3A_50 {strides = array<i32>} : memref<1000x128xf32, #tpu.memory_space<vmem>>, vector<1000x128xf32>,
    return
  }
  func.func @transform_0(%arg0: i32) -> (i32, i32) {
    %c0_i32 = arith.constant 0 : i32
    %c0_i32_0 = arith.constant 0 : i32
    return %arg0, %c0_i32 : i32, i32
  }
  func.func @transform_1(%arg0: i32) -> (i32, i32) {
    %c0_i32 = arith.constant 0 : i32
    %c0_i32_0 = arith.constant 0 : i32
    %c0_i32_1 = arith.constant 0 : i32
    return %c0_i32, %c0_i32_0 : i32, i32
  }
  func.func @transform_2(%arg0: i32) -> (i32, i32) {
    %c0_i32 = arith.constant 0 : i32
    %c0_i32_0 = arith.constant 0 : i32
    %c0_i32_1 = arith.constant 0 : i32
    return %c0_i32, %c0_i32_0 : i32, i32
  }
  func.func @transform_3(%arg0: i32) -> (i32, i32) {
    %c0_i32 = arith.constant 0 : i32
    %c0_i32_0 = arith.constant 0 : i32
    %c0_i32_1 = arith.constant 0 : i32
    return %c0_i32, %c0_i32_0 : i32, i32
  }
  func.func @transform_4(%arg0: i32) -> (i32, i32) {
    %c0_i32 = arith.constant 0 : i32
    %c0_i32_0 = arith.constant 0 : i32
    return %arg0, %c0_i32 : i32, i32
  }
  func.func @transform_5(%arg0: i32) -> (i32, i32) {
    %c0_i32 = arith.constant 0 : i32
    %c0_i32_0 = arith.constant 0 : i32
    return %arg0, %c0_i32 : i32, i32
  }
  func.func @transform_6(%arg0: i32) -> (i32, i32) {
    %c0_i32 = arith.constant 0 : i32
    %c0_i32_0 = arith.constant 0 : i32
    return %arg0, %c0_i32 : i32, i32
  }
  func.func @transform_7(%arg0: i32) -> (i32, i32) {
    %c0_i32 = arith.constant 0 : i32
    %c0_i32_0 = arith.constant 0 : i32
    %c0_i32_1 = arith.constant 0 : i32
    return %c0_i32, %c0_i32_0 : i32, i32
  }
  func.func @transform_8(%arg0: i32) -> (i32, i32) {
    %c0_i32 = arith.constant 0 : i32
    %c0_i32_0 = arith.constant 0 : i32
    %c0_i32_1 = arith.constant 0 : i32
    return %c0_i32, %c0_i32_0 : i32, i32
  }
}

module attributes {stable_mosaic.version = 14 : i64} {
  func.func @body(%arg0: memref<2x10016x136xf32, #tpu.memory_space<vmem>>, %arg1: memref<2x1008x136xf32, #tpu.memory_space<vmem>>, %arg2: memref<2x1008x136xf32, #tpu.memory_space<vmem>>, %arg3: memref<10000x128xf32, #tpu.memory_space<vmem>>, %arg4: memref<1000x128xf32, #tpu.memory_space<vmem>>, %arg5: memref<6x128xf32, #tpu.memory_space<vmem>>, %arg6: memref<5x128xf32, #tpu.memory_space<vmem>>, %arg7: memref<128x256xf32, #tpu.memory_space<vmem>>, %arg8: memref<10000x128xf32, #tpu.memory_space<vmem>>, %arg9: memref<1000x128xf32, #tpu.memory_space<vmem>>, %arg10: memref<1000x128xf32, #tpu.memory_space<vmem>>, %arg11: memref<1000x128xf32, #tpu.memory_space<vmem>>, %arg12: memref<10000x1xf32, #tpu.memory_space<vmem>>, %arg13: memref<1000x1xf32, #tpu.memory_space<vmem>>, %arg14: memref<1000x1xf32, #tpu.memory_space<vmem>>) attributes {dimension_semantics = [], scalar_prefetch = 0 : i64, scratch_operands = 0 : i64, tpu.core_type = #tpu.core_type<tc>} {
    %get3A = arith.constant 0 : index
    %get3A_0 = arith.constant 0 : index
    %get3A_1 = arith.constant 0 : index
    %get3A_2 = vector.load %arg0[%get3A, %get3A_0, %get3A_1] : memref<2x10016x136xf32, #tpu.memory_space<vmem>>, vector<1x10016x136xf32>
    %get3A_3 = vector.shape_cast %get3A_2 : vector<1x10016x136xf32> to vector<10016x136xf32>
    %get3A_4 = arith.constant 1 : index
    %get3A_5 = arith.constant 0 : index
    %get3A_6 = arith.constant 0 : index
    %get3A_7 = vector.load %arg0[%get3A_4, %get3A_5, %get3A_6] : memref<2x10016x136xf32, #tpu.memory_space<vmem>>, vector<1x10016x136xf32>
    %get3A_8 = vector.shape_cast %get3A_7 : vector<1x10016x136xf32> to vector<10016x136xf32>
    %add3A = arith.addf %get3A_3, %get3A_8 : vector<10016x136xf32>
    %get3A_9 = arith.constant 0 : index
    %get3A_10 = arith.constant 0 : index
    %get3A_11 = arith.constant 0 : index
    %get3A_12 = vector.load %arg1[%get3A_9, %get3A_10, %get3A_11] : memref<2x1008x136xf32, #tpu.memory_space<vmem>>, vector<1x1008x136xf32>
    %get3A_13 = vector.shape_cast %get3A_12 : vector<1x1008x136xf32> to vector<1008x136xf32>
    %get3A_14 = arith.constant 1 : index
    %get3A_15 = arith.constant 0 : index
    %get3A_16 = arith.constant 0 : index
    %get3A_17 = vector.load %arg1[%get3A_14, %get3A_15, %get3A_16] : memref<2x1008x136xf32, #tpu.memory_space<vmem>>, vector<1x1008x136xf32>
    %get3A_18 = vector.shape_cast %get3A_17 : vector<1x1008x136xf32> to vector<1008x136xf32>
    %add3A_19 = arith.addf %get3A_13, %get3A_18 : vector<1008x136xf32>
    %get3A_20 = arith.constant 0 : index
    %get3A_21 = arith.constant 0 : index
    %get3A_22 = arith.constant 0 : index
    %get3A_23 = vector.load %arg2[%get3A_20, %get3A_21, %get3A_22] : memref<2x1008x136xf32, #tpu.memory_space<vmem>>, vector<1x1008x136xf32>
    %get3A_24 = vector.shape_cast %get3A_23 : vector<1x1008x136xf32> to vector<1008x136xf32>
    %get3A_25 = arith.constant 1 : index
    %get3A_26 = arith.constant 0 : index
    %get3A_27 = arith.constant 0 : index
    %get3A_28 = vector.load %arg2[%get3A_25, %get3A_26, %get3A_27] : memref<2x1008x136xf32, #tpu.memory_space<vmem>>, vector<1x1008x136xf32>
    %get3A_29 = vector.shape_cast %get3A_28 : vector<1x1008x136xf32> to vector<1008x136xf32>
    %add3A_30 = arith.addf %get3A_24, %get3A_29 : vector<1008x136xf32>
    %slice3A = vector.extract_strided_slice %add3A {offsets = [0, 128], sizes = [10000, 1], strides = [1, 1]} : vector<10016x136xf32> to vector<10000x1xf32>
    %squeeze3A = vector.shape_cast %slice3A : vector<10000x1xf32> to vector<10000xf32>
    %max3A = arith.constant 1.000000e+00 : f32
    %max3A_31 = vector.broadcast %max3A : f32 to vector<10000xf32>
    %max3A_32 = arith.maximumf %squeeze3A, %max3A_31 : vector<10000xf32>
    %slice3A_33 = vector.extract_strided_slice %add3A_19 {offsets = [0, 128], sizes = [1000, 1], strides = [1, 1]} : vector<1008x136xf32> to vector<1000x1xf32>
    %squeeze3A_34 = vector.shape_cast %slice3A_33 : vector<1000x1xf32> to vector<1000xf32>
    %max3A_35 = arith.constant 1.000000e+00 : f32
    %max3A_36 = vector.broadcast %max3A_35 : f32 to vector<1000xf32>
    %max3A_37 = arith.maximumf %squeeze3A_34, %max3A_36 : vector<1000xf32>
    %slice3A_38 = vector.extract_strided_slice %add3A_30 {offsets = [0, 128], sizes = [1000, 1], strides = [1, 1]} : vector<1008x136xf32> to vector<1000x1xf32>
    %squeeze3A_39 = vector.shape_cast %slice3A_38 : vector<1000x1xf32> to vector<1000xf32>
    %max3A_40 = arith.constant 1.000000e+00 : f32
    %max3A_41 = vector.broadcast %max3A_40 : f32 to vector<1000xf32>
    %max3A_42 = arith.maximumf %squeeze3A_39, %max3A_41 : vector<1000xf32>
    %slice3A_43 = vector.extract_strided_slice %add3A {offsets = [0, 0], sizes = [10000, 128], strides = [1, 1]} : vector<10016x136xf32> to vector<10000x128xf32>
    %broadcast_in_dim3A = vector.shape_cast %max3A_32 : vector<10000xf32> to vector<10000x1xf32>
    %div3A = vector.broadcast %broadcast_in_dim3A : vector<10000x1xf32> to vector<10000x128xf32>
    %div3A_44 = arith.divf %slice3A_43, %div3A : vector<10000x128xf32>
    %slice3A_45 = vector.extract_strided_slice %add3A_19 {offsets = [0, 0], sizes = [1000, 128], strides = [1, 1]} : vector<1008x136xf32> to vector<1000x128xf32>
    %broadcast_in_dim3A_46 = vector.shape_cast %max3A_37 : vector<1000xf32> to vector<1000x1xf32>
    %div3A_47 = vector.broadcast %broadcast_in_dim3A_46 : vector<1000x1xf32> to vector<1000x128xf32>
    %div3A_48 = arith.divf %slice3A_45, %div3A_47 : vector<1000x128xf32>
    %slice3A_49 = vector.extract_strided_slice %add3A_30 {offsets = [0, 0], sizes = [1000, 128], strides = [1, 1]} : vector<1008x136xf32> to vector<1000x128xf32>
    %broadcast_in_dim3A_50 = vector.shape_cast %max3A_42 : vector<1000xf32> to vector<1000x1xf32>
    %div3A_51 = vector.broadcast %broadcast_in_dim3A_50 : vector<1000x1xf32> to vector<1000x128xf32>
    %div3A_52 = arith.divf %slice3A_49, %div3A_51 : vector<1000x128xf32>
    %broadcast_in_dim3A_53 = arith.constant 0.000000e+00 : f32
    %broadcast_in_dim3A_54 = vector.broadcast %broadcast_in_dim3A_53 : f32 to vector<9000x128xf32>
    %concatenate3A = tpu.concatenate %div3A_48, %broadcast_in_dim3A_54 in 0 : vector<1000x128xf32>, vector<9000x128xf32> -> vector<10000x128xf32>
    %add3A_55 = arith.addf %div3A_44, %concatenate3A : vector<10000x128xf32>
    %get3A_56 = arith.constant 0 : index
    %get3A_57 = arith.constant 0 : index
    %get3A_58 = vector.load %arg3[%get3A_56, %get3A_57] : memref<10000x128xf32, #tpu.memory_space<vmem>>, vector<10000x128xf32>
    %add3A_59 = arith.addf %add3A_55, %get3A_58 : vector<10000x128xf32>
    %get3A_60 = arith.constant 0 : index
    %get3A_61 = arith.constant 0 : index
    %get3A_62 = vector.load %arg6[%get3A_60, %get3A_61] : memref<5x128xf32, #tpu.memory_space<vmem>>, vector<1x128xf32>
    %get3A_63 = vector.shape_cast %get3A_62 : vector<1x128xf32> to vector<128xf32>
    %broadcast_in_dim3A_64 = vector.shape_cast %get3A_63 : vector<128xf32> to vector<1x128xf32>
    %add3A_65 = vector.broadcast %broadcast_in_dim3A_64 : vector<1x128xf32> to vector<10000x128xf32>
    %add3A_66 = arith.addf %add3A_59, %add3A_65 : vector<10000x128xf32>
    %swap3A = arith.constant 0 : index
    %swap3A_67 = arith.constant 0 : index
    %swap3A_68 = vector.load %arg8[%swap3A, %swap3A_67] : memref<10000x128xf32, #tpu.memory_space<vmem>>, vector<10000x128xf32>
    tpu.vector_store %arg8[%swap3A, %swap3A_67], %add3A_66 {strides = array<i32>} : memref<10000x128xf32, #tpu.memory_space<vmem>>, vector<10000x128xf32>,
    %get3A_69 = arith.constant 0 : index
    %get3A_70 = arith.constant 0 : index
    %get3A_71 = vector.load %arg4[%get3A_69, %get3A_70] : memref<1000x128xf32, #tpu.memory_space<vmem>>, vector<1000x128xf32>
    %add3A_72 = arith.addf %div3A_52, %get3A_71 : vector<1000x128xf32>
    %get3A_73 = arith.constant 1 : index
    %get3A_74 = arith.constant 0 : index
    %get3A_75 = vector.load %arg6[%get3A_73, %get3A_74] : memref<5x128xf32, #tpu.memory_space<vmem>>, vector<1x128xf32>
    %get3A_76 = vector.shape_cast %get3A_75 : vector<1x128xf32> to vector<128xf32>
    %broadcast_in_dim3A_77 = vector.shape_cast %get3A_76 : vector<128xf32> to vector<1x128xf32>
    %add3A_78 = vector.broadcast %broadcast_in_dim3A_77 : vector<1x128xf32> to vector<1000x128xf32>
    %add3A_79 = arith.addf %add3A_72, %add3A_78 : vector<1000x128xf32>
    %get3A_80 = arith.constant 2 : index
    %get3A_81 = arith.constant 0 : index
    %get3A_82 = vector.load %arg5[%get3A_80, %get3A_81] : memref<6x128xf32, #tpu.memory_space<vmem>>, vector<1x128xf32>
    %get3A_83 = vector.shape_cast %get3A_82 : vector<1x128xf32> to vector<128xf32>
    %get3A_84 = arith.constant 3 : index
    %get3A_85 = arith.constant 0 : index
    %get3A_86 = vector.load %arg5[%get3A_84, %get3A_85] : memref<6x128xf32, #tpu.memory_space<vmem>>, vector<1x128xf32>
    %get3A_87 = vector.shape_cast %get3A_86 : vector<1x128xf32> to vector<128xf32>
    %reduce_sum3A = vector.shape_cast %add3A_79 : vector<1000x128xf32> to vector<1x1000x128xf32>
    %reduce_sum3A_88 = arith.constant dense<0.000000e+00> : vector<1xf32>
    %reduce_sum3A_89 = vector.multi_reduction <add>, %reduce_sum3A, %reduce_sum3A_88 [1, 2] : vector<1x1000x128xf32> to vector<1xf32>
    %reduce_sum3A_90 = vector.shape_cast %reduce_sum3A_89 : vector<1xf32> to vector<1x1x1xf32>
    %reduce_sum3A_91 = vector.extract %reduce_sum3A_90[0, 0, 0] : f32 from vector<1x1x1xf32>
    %div3A_92 = arith.constant 1.280000e+05 : f32
    %div3A_93 = arith.divf %reduce_sum3A_91, %div3A_92 : f32
    %jit3A = arith.constant 0 : i32
    %reduce_sum3A_94 = vector.shape_cast %add3A_79 : vector<1000x128xf32> to vector<1x1000x128xf32>
    %reduce_sum3A_95 = arith.constant dense<0.000000e+00> : vector<1xf32>
    %reduce_sum3A_96 = vector.multi_reduction <add>, %reduce_sum3A_94, %reduce_sum3A_95 [1, 2] : vector<1x1000x128xf32> to vector<1xf32>
    %reduce_sum3A_97 = vector.shape_cast %reduce_sum3A_96 : vector<1xf32> to vector<1x1x1xf32>
    %reduce_sum3A_98 = vector.extract %reduce_sum3A_97[0, 0, 0] : f32 from vector<1x1x1xf32>
    %broadcast_in_dim3A_99 = vector.broadcast %reduce_sum3A_98 : f32 to vector<1x1xf32>
    %div3A_100 = arith.constant 1.280000e+05 : f32
    %div3A_101 = vector.broadcast %div3A_100 : f32 to vector<1x1xf32>
    %div3A_102 = arith.divf %broadcast_in_dim3A_99, %div3A_101 : vector<1x1xf32>
    %sub3A = vector.broadcast %div3A_102 : vector<1x1xf32> to vector<1000x128xf32>
    %sub3A_103 = arith.subf %add3A_79, %sub3A : vector<1000x128xf32>
    %square3A = arith.mulf %sub3A_103, %sub3A_103 : vector<1000x128xf32>
    %convert_element_type3A = arith.sitofp %jit3A : i32 to f32
    %sub3A_104 = arith.constant 1.280000e+05 : f32
    %sub3A_105 = arith.subf %sub3A_104, %convert_element_type3A : f32
    %reduce_sum3A_106 = vector.shape_cast %square3A : vector<1000x128xf32> to vector<1x1000x128xf32>
    %reduce_sum3A_107 = arith.constant dense<0.000000e+00> : vector<1xf32>
    %reduce_sum3A_108 = vector.multi_reduction <add>, %reduce_sum3A_106, %reduce_sum3A_107 [1, 2] : vector<1x1000x128xf32> to vector<1xf32>
    %reduce_sum3A_109 = vector.shape_cast %reduce_sum3A_108 : vector<1xf32> to vector<1x1x1xf32>
    %reduce_sum3A_110 = vector.extract %reduce_sum3A_109[0, 0, 0] : f32 from vector<1x1x1xf32>
    %div3A_111 = arith.divf %reduce_sum3A_110, %sub3A_105 : f32
    %gt3A = arith.constant 0.000000e+00 : f32
    %gt3A_112 = arith.cmpf ogt, %sub3A_105, %gt3A : f32
    %jit3A_113 = arith.constant 0x7FC00000 : f32
    %select_n3A = arith.select %gt3A_112, %div3A_111, %jit3A_113 : f32
    %sqrt3A = math.sqrt %select_n3A : f32
    %add3A_114 = arith.constant 9.99999974E-6 : f32
    %add3A_115 = arith.addf %sqrt3A, %add3A_114 : f32
    %sub3A_116 = vector.broadcast %div3A_93 : f32 to vector<1000x128xf32>
    %sub3A_117 = arith.subf %add3A_79, %sub3A_116 : vector<1000x128xf32>
    %div3A_118 = vector.broadcast %add3A_115 : f32 to vector<1000x128xf32>
    %div3A_119 = arith.divf %sub3A_117, %div3A_118 : vector<1000x128xf32>
    %broadcast_in_dim3A_120 = vector.shape_cast %get3A_83 : vector<128xf32> to vector<1x128xf32>
    %mul3A = vector.broadcast %broadcast_in_dim3A_120 : vector<1x128xf32> to vector<1000x128xf32>
    %mul3A_121 = arith.mulf %div3A_119, %mul3A : vector<1000x128xf32>
    %broadcast_in_dim3A_122 = vector.shape_cast %get3A_87 : vector<128xf32> to vector<1x128xf32>
    %add3A_123 = vector.broadcast %broadcast_in_dim3A_122 : vector<1x128xf32> to vector<1000x128xf32>
    %add3A_124 = arith.addf %mul3A_121, %add3A_123 : vector<1000x128xf32>
    %max3A_125 = arith.constant 0.000000e+00 : f32
    %max3A_126 = vector.broadcast %max3A_125 : f32 to vector<1000x128xf32>
    %max3A_127 = arith.maximumf %add3A_124, %max3A_126 : vector<1000x128xf32>
    %swap3A_128 = arith.constant 0 : index
    %swap3A_129 = arith.constant 0 : index
    %swap3A_130 = vector.load %arg9[%swap3A_128, %swap3A_129] : memref<1000x128xf32, #tpu.memory_space<vmem>>, vector<1000x128xf32>
    tpu.vector_store %arg9[%swap3A_128, %swap3A_129], %max3A_127 {strides = array<i32>} : memref<1000x128xf32, #tpu.memory_space<vmem>>, vector<1000x128xf32>,
    %get3A_131 = arith.constant 0 : index
    %get3A_132 = arith.constant 0 : index
    %get3A_133 = vector.load %arg7[%get3A_131, %get3A_132] : memref<128x256xf32, #tpu.memory_space<vmem>>, vector<128x256xf32>
    %dot_general3A = arith.constant dense<0.000000e+00> : vector<1000x256xf32>
    %dot_general3A_134 = tpu.matmul %max3A_127, %get3A_133, %dot_general3A {dimension_numbers = #tpu.dot_dimension_numbers<[1], [0], [0], [1], [0, 0, 1, 1], [], []>, transpose_lhs_hint = false} : vector<1000x128xf32>, vector<128x256xf32>, vector<1000x256xf32> -> vector<1000x256xf32>
    %slice3A_135 = vector.extract_strided_slice %dot_general3A_134 {offsets = [0, 0], sizes = [1000, 128], strides = [1, 1]} : vector<1000x256xf32> to vector<1000x128xf32>
    %swap3A_136 = arith.constant 0 : index
    %swap3A_137 = arith.constant 0 : index
    %swap3A_138 = vector.load %arg10[%swap3A_136, %swap3A_137] : memref<1000x128xf32, #tpu.memory_space<vmem>>, vector<1000x128xf32>
    tpu.vector_store %arg10[%swap3A_136, %swap3A_137], %slice3A_135 {strides = array<i32>} : memref<1000x128xf32, #tpu.memory_space<vmem>>, vector<1000x128xf32>,
    %slice3A_139 = vector.extract_strided_slice %dot_general3A_134 {offsets = [0, 128], sizes = [1000, 128], strides = [1, 1]} : vector<1000x256xf32> to vector<1000x128xf32>
    %get3A_140 = arith.constant 4 : index
    %get3A_141 = arith.constant 0 : index
    %get3A_142 = vector.load %arg6[%get3A_140, %get3A_141] : memref<5x128xf32, #tpu.memory_space<vmem>>, vector<1x128xf32>
    %get3A_143 = vector.shape_cast %get3A_142 : vector<1x128xf32> to vector<128xf32>
    %broadcast_in_dim3A_144 = vector.shape_cast %get3A_143 : vector<128xf32> to vector<1x128xf32>
    %add3A_145 = vector.broadcast %broadcast_in_dim3A_144 : vector<1x128xf32> to vector<1000x128xf32>
    %add3A_146 = arith.addf %slice3A_139, %add3A_145 : vector<1000x128xf32>
    %swap3A_147 = arith.constant 0 : index
    %swap3A_148 = arith.constant 0 : index
    %swap3A_149 = vector.load %arg11[%swap3A_147, %swap3A_148] : memref<1000x128xf32, #tpu.memory_space<vmem>>, vector<1000x128xf32>
    tpu.vector_store %arg11[%swap3A_147, %swap3A_148], %add3A_146 {strides = array<i32>} : memref<1000x128xf32, #tpu.memory_space<vmem>>, vector<1000x128xf32>,
    %broadcast_in_dim3A_150 = vector.shape_cast %max3A_32 : vector<10000xf32> to vector<10000x1xf32>
    %swap3A_151 = arith.constant 0 : index
    %swap3A_152 = arith.constant 0 : index
    %swap3A_153 = vector.load %arg12[%swap3A_151, %swap3A_152] : memref<10000x1xf32, #tpu.memory_space<vmem>>, vector<10000x1xf32>
    tpu.vector_store %arg12[%swap3A_151, %swap3A_152], %broadcast_in_dim3A_150 {strides = array<i32>} : memref<10000x1xf32, #tpu.memory_space<vmem>>, vector<10000x1xf32>,
    %broadcast_in_dim3A_154 = vector.shape_cast %max3A_37 : vector<1000xf32> to vector<1000x1xf32>
    %swap3A_155 = arith.constant 0 : index
    %swap3A_156 = arith.constant 0 : index
    %swap3A_157 = vector.load %arg13[%swap3A_155, %swap3A_156] : memref<1000x1xf32, #tpu.memory_space<vmem>>, vector<1000x1xf32>
    tpu.vector_store %arg13[%swap3A_155, %swap3A_156], %broadcast_in_dim3A_154 {strides = array<i32>} : memref<1000x1xf32, #tpu.memory_space<vmem>>, vector<1000x1xf32>,
    %broadcast_in_dim3A_158 = vector.shape_cast %max3A_42 : vector<1000xf32> to vector<1000x1xf32>
    %swap3A_159 = arith.constant 0 : index
    %swap3A_160 = arith.constant 0 : index
    %swap3A_161 = vector.load %arg14[%swap3A_159, %swap3A_160] : memref<1000x1xf32, #tpu.memory_space<vmem>>, vector<1000x1xf32>
    tpu.vector_store %arg14[%swap3A_159, %swap3A_160], %broadcast_in_dim3A_158 {strides = array<i32>} : memref<1000x1xf32, #tpu.memory_space<vmem>>, vector<1000x1xf32>,
    return
  }
}

module attributes {stable_mosaic.version = 14 : i64} {
  func.func @body(%arg0: memref<10000x128xf32, #tpu.memory_space<vmem>>, %arg1: memref<6x128xf32, #tpu.memory_space<vmem>>, %arg2: memref<5x128xf32, #tpu.memory_space<vmem>>, %arg3: memref<128x128xf32, #tpu.memory_space<vmem>>, %arg4: memref<10000x128xf32, #tpu.memory_space<vmem>>) attributes {dimension_semantics = [], scalar_prefetch = 0 : i64, scratch_operands = 0 : i64, tpu.core_type = #tpu.core_type<tc>} {
    %get3A = arith.constant 0 : index
    %get3A_0 = arith.constant 0 : index
    %get3A_1 = vector.load %arg0[%get3A, %get3A_0] : memref<10000x128xf32, #tpu.memory_space<vmem>>, vector<10000x128xf32>
    %get3A_2 = arith.constant 0 : index
    %get3A_3 = arith.constant 0 : index
    %get3A_4 = vector.load %arg1[%get3A_2, %get3A_3] : memref<6x128xf32, #tpu.memory_space<vmem>>, vector<1x128xf32>
    %get3A_5 = vector.shape_cast %get3A_4 : vector<1x128xf32> to vector<128xf32>
    %get3A_6 = arith.constant 1 : index
    %get3A_7 = arith.constant 0 : index
    %get3A_8 = vector.load %arg1[%get3A_6, %get3A_7] : memref<6x128xf32, #tpu.memory_space<vmem>>, vector<1x128xf32>
    %get3A_9 = vector.shape_cast %get3A_8 : vector<1x128xf32> to vector<128xf32>
    %reduce_sum3A = vector.shape_cast %get3A_1 : vector<10000x128xf32> to vector<1x10000x128xf32>
    %reduce_sum3A_10 = arith.constant dense<0.000000e+00> : vector<1xf32>
    %reduce_sum3A_11 = vector.multi_reduction <add>, %reduce_sum3A, %reduce_sum3A_10 [1, 2] : vector<1x10000x128xf32> to vector<1xf32>
    %reduce_sum3A_12 = vector.shape_cast %reduce_sum3A_11 : vector<1xf32> to vector<1x1x1xf32>
    %reduce_sum3A_13 = vector.extract %reduce_sum3A_12[0, 0, 0] : f32 from vector<1x1x1xf32>
    %div3A = arith.constant 1.280000e+06 : f32
    %div3A_14 = arith.divf %reduce_sum3A_13, %div3A : f32
    %jit3A = arith.constant 0 : i32
    %reduce_sum3A_15 = vector.shape_cast %get3A_1 : vector<10000x128xf32> to vector<1x10000x128xf32>
    %reduce_sum3A_16 = arith.constant dense<0.000000e+00> : vector<1xf32>
    %reduce_sum3A_17 = vector.multi_reduction <add>, %reduce_sum3A_15, %reduce_sum3A_16 [1, 2] : vector<1x10000x128xf32> to vector<1xf32>
    %reduce_sum3A_18 = vector.shape_cast %reduce_sum3A_17 : vector<1xf32> to vector<1x1x1xf32>
    %reduce_sum3A_19 = vector.extract %reduce_sum3A_18[0, 0, 0] : f32 from vector<1x1x1xf32>
    %broadcast_in_dim3A = vector.broadcast %reduce_sum3A_19 : f32 to vector<1x1xf32>
    %div3A_20 = arith.constant 1.280000e+06 : f32
    %div3A_21 = vector.broadcast %div3A_20 : f32 to vector<1x1xf32>
    %div3A_22 = arith.divf %broadcast_in_dim3A, %div3A_21 : vector<1x1xf32>
    %sub3A = vector.broadcast %div3A_22 : vector<1x1xf32> to vector<10000x128xf32>
    %sub3A_23 = arith.subf %get3A_1, %sub3A : vector<10000x128xf32>
    %square3A = arith.mulf %sub3A_23, %sub3A_23 : vector<10000x128xf32>
    %convert_element_type3A = arith.sitofp %jit3A : i32 to f32
    %sub3A_24 = arith.constant 1.280000e+06 : f32
    %sub3A_25 = arith.subf %sub3A_24, %convert_element_type3A : f32
    %reduce_sum3A_26 = vector.shape_cast %square3A : vector<10000x128xf32> to vector<1x10000x128xf32>
    %reduce_sum3A_27 = arith.constant dense<0.000000e+00> : vector<1xf32>
    %reduce_sum3A_28 = vector.multi_reduction <add>, %reduce_sum3A_26, %reduce_sum3A_27 [1, 2] : vector<1x10000x128xf32> to vector<1xf32>
    %reduce_sum3A_29 = vector.shape_cast %reduce_sum3A_28 : vector<1xf32> to vector<1x1x1xf32>
    %reduce_sum3A_30 = vector.extract %reduce_sum3A_29[0, 0, 0] : f32 from vector<1x1x1xf32>
    %div3A_31 = arith.divf %reduce_sum3A_30, %sub3A_25 : f32
    %gt3A = arith.constant 0.000000e+00 : f32
    %gt3A_32 = arith.cmpf ogt, %sub3A_25, %gt3A : f32
    %jit3A_33 = arith.constant 0x7FC00000 : f32
    %select_n3A = arith.select %gt3A_32, %div3A_31, %jit3A_33 : f32
    %sqrt3A = math.sqrt %select_n3A : f32
    %add3A = arith.constant 9.99999974E-6 : f32
    %add3A_34 = arith.addf %sqrt3A, %add3A : f32
    %sub3A_35 = vector.broadcast %div3A_14 : f32 to vector<10000x128xf32>
    %sub3A_36 = arith.subf %get3A_1, %sub3A_35 : vector<10000x128xf32>
    %div3A_37 = vector.broadcast %add3A_34 : f32 to vector<10000x128xf32>
    %div3A_38 = arith.divf %sub3A_36, %div3A_37 : vector<10000x128xf32>
    %broadcast_in_dim3A_39 = vector.shape_cast %get3A_5 : vector<128xf32> to vector<1x128xf32>
    %mul3A = vector.broadcast %broadcast_in_dim3A_39 : vector<1x128xf32> to vector<10000x128xf32>
    %mul3A_40 = arith.mulf %div3A_38, %mul3A : vector<10000x128xf32>
    %broadcast_in_dim3A_41 = vector.shape_cast %get3A_9 : vector<128xf32> to vector<1x128xf32>
    %add3A_42 = vector.broadcast %broadcast_in_dim3A_41 : vector<1x128xf32> to vector<10000x128xf32>
    %add3A_43 = arith.addf %mul3A_40, %add3A_42 : vector<10000x128xf32>
    %max3A = arith.constant 0.000000e+00 : f32
    %max3A_44 = vector.broadcast %max3A : f32 to vector<10000x128xf32>
    %max3A_45 = arith.maximumf %add3A_43, %max3A_44 : vector<10000x128xf32>
    %get3A_46 = arith.constant 0 : index
    %get3A_47 = arith.constant 0 : index
    %get3A_48 = vector.load %arg3[%get3A_46, %get3A_47] : memref<128x128xf32, #tpu.memory_space<vmem>>, vector<128x128xf32>
    %dot_general3A = arith.constant dense<0.000000e+00> : vector<10000x128xf32>
    %dot_general3A_49 = tpu.matmul %max3A_45, %get3A_48, %dot_general3A {dimension_numbers = #tpu.dot_dimension_numbers<[1], [0], [0], [1], [0, 0, 1, 1], [], []>, transpose_lhs_hint = false} : vector<10000x128xf32>, vector<128x128xf32>, vector<10000x128xf32> -> vector<10000x128xf32>
    %get3A_50 = arith.constant 2 : index
    %get3A_51 = arith.constant 0 : index
    %get3A_52 = vector.load %arg2[%get3A_50, %get3A_51] : memref<5x128xf32, #tpu.memory_space<vmem>>, vector<1x128xf32>
    %get3A_53 = vector.shape_cast %get3A_52 : vector<1x128xf32> to vector<128xf32>
    %broadcast_in_dim3A_54 = vector.shape_cast %get3A_53 : vector<128xf32> to vector<1x128xf32>
    %add3A_55 = vector.broadcast %broadcast_in_dim3A_54 : vector<1x128xf32> to vector<10000x128xf32>
    %add3A_56 = arith.addf %dot_general3A_49, %add3A_55 : vector<10000x128xf32>
    %get3A_57 = arith.constant 4 : index
    %get3A_58 = arith.constant 0 : index
    %get3A_59 = vector.load %arg1[%get3A_57, %get3A_58] : memref<6x128xf32, #tpu.memory_space<vmem>>, vector<1x128xf32>
    %get3A_60 = vector.shape_cast %get3A_59 : vector<1x128xf32> to vector<128xf32>
    %get3A_61 = arith.constant 5 : index
    %get3A_62 = arith.constant 0 : index
    %get3A_63 = vector.load %arg1[%get3A_61, %get3A_62] : memref<6x128xf32, #tpu.memory_space<vmem>>, vector<1x128xf32>
    %get3A_64 = vector.shape_cast %get3A_63 : vector<1x128xf32> to vector<128xf32>
    %reduce_sum3A_65 = vector.shape_cast %add3A_56 : vector<10000x128xf32> to vector<1x10000x128xf32>
    %reduce_sum3A_66 = arith.constant dense<0.000000e+00> : vector<1xf32>
    %reduce_sum3A_67 = vector.multi_reduction <add>, %reduce_sum3A_65, %reduce_sum3A_66 [1, 2] : vector<1x10000x128xf32> to vector<1xf32>
    %reduce_sum3A_68 = vector.shape_cast %reduce_sum3A_67 : vector<1xf32> to vector<1x1x1xf32>
    %reduce_sum3A_69 = vector.extract %reduce_sum3A_68[0, 0, 0] : f32 from vector<1x1x1xf32>
    %div3A_70 = arith.constant 1.280000e+06 : f32
    %div3A_71 = arith.divf %reduce_sum3A_69, %div3A_70 : f32
    %jit3A_72 = arith.constant 0 : i32
    %reduce_sum3A_73 = vector.shape_cast %add3A_56 : vector<10000x128xf32> to vector<1x10000x128xf32>
    %reduce_sum3A_74 = arith.constant dense<0.000000e+00> : vector<1xf32>
    %reduce_sum3A_75 = vector.multi_reduction <add>, %reduce_sum3A_73, %reduce_sum3A_74 [1, 2] : vector<1x10000x128xf32> to vector<1xf32>
    %reduce_sum3A_76 = vector.shape_cast %reduce_sum3A_75 : vector<1xf32> to vector<1x1x1xf32>
    %reduce_sum3A_77 = vector.extract %reduce_sum3A_76[0, 0, 0] : f32 from vector<1x1x1xf32>
    %broadcast_in_dim3A_78 = vector.broadcast %reduce_sum3A_77 : f32 to vector<1x1xf32>
    %div3A_79 = arith.constant 1.280000e+06 : f32
    %div3A_80 = vector.broadcast %div3A_79 : f32 to vector<1x1xf32>
    %div3A_81 = arith.divf %broadcast_in_dim3A_78, %div3A_80 : vector<1x1xf32>
    %sub3A_82 = vector.broadcast %div3A_81 : vector<1x1xf32> to vector<10000x128xf32>
    %sub3A_83 = arith.subf %add3A_56, %sub3A_82 : vector<10000x128xf32>
    %square3A_84 = arith.mulf %sub3A_83, %sub3A_83 : vector<10000x128xf32>
    %convert_element_type3A_85 = arith.sitofp %jit3A_72 : i32 to f32
    %sub3A_86 = arith.constant 1.280000e+06 : f32
    %sub3A_87 = arith.subf %sub3A_86, %convert_element_type3A_85 : f32
    %reduce_sum3A_88 = vector.shape_cast %square3A_84 : vector<10000x128xf32> to vector<1x10000x128xf32>
    %reduce_sum3A_89 = arith.constant dense<0.000000e+00> : vector<1xf32>
    %reduce_sum3A_90 = vector.multi_reduction <add>, %reduce_sum3A_88, %reduce_sum3A_89 [1, 2] : vector<1x10000x128xf32> to vector<1xf32>
    %reduce_sum3A_91 = vector.shape_cast %reduce_sum3A_90 : vector<1xf32> to vector<1x1x1xf32>
    %reduce_sum3A_92 = vector.extract %reduce_sum3A_91[0, 0, 0] : f32 from vector<1x1x1xf32>
    %div3A_93 = arith.divf %reduce_sum3A_92, %sub3A_87 : f32
    %gt3A_94 = arith.constant 0.000000e+00 : f32
    %gt3A_95 = arith.cmpf ogt, %sub3A_87, %gt3A_94 : f32
    %jit3A_96 = arith.constant 0x7FC00000 : f32
    %select_n3A_97 = arith.select %gt3A_95, %div3A_93, %jit3A_96 : f32
    %sqrt3A_98 = math.sqrt %select_n3A_97 : f32
    %add3A_99 = arith.constant 9.99999974E-6 : f32
    %add3A_100 = arith.addf %sqrt3A_98, %add3A_99 : f32
    %sub3A_101 = vector.broadcast %div3A_71 : f32 to vector<10000x128xf32>
    %sub3A_102 = arith.subf %add3A_56, %sub3A_101 : vector<10000x128xf32>
    %div3A_103 = vector.broadcast %add3A_100 : f32 to vector<10000x128xf32>
    %div3A_104 = arith.divf %sub3A_102, %div3A_103 : vector<10000x128xf32>
    %broadcast_in_dim3A_105 = vector.shape_cast %get3A_60 : vector<128xf32> to vector<1x128xf32>
    %mul3A_106 = vector.broadcast %broadcast_in_dim3A_105 : vector<1x128xf32> to vector<10000x128xf32>
    %mul3A_107 = arith.mulf %div3A_104, %mul3A_106 : vector<10000x128xf32>
    %broadcast_in_dim3A_108 = vector.shape_cast %get3A_64 : vector<128xf32> to vector<1x128xf32>
    %add3A_109 = vector.broadcast %broadcast_in_dim3A_108 : vector<1x128xf32> to vector<10000x128xf32>
    %add3A_110 = arith.addf %mul3A_107, %add3A_109 : vector<10000x128xf32>
    %max3A_111 = arith.constant 0.000000e+00 : f32
    %max3A_112 = vector.broadcast %max3A_111 : f32 to vector<10000x128xf32>
    %max3A_113 = arith.maximumf %add3A_110, %max3A_112 : vector<10000x128xf32>
    %swap3A = arith.constant 0 : index
    %swap3A_114 = arith.constant 0 : index
    %swap3A_115 = vector.load %arg4[%swap3A, %swap3A_114] : memref<10000x128xf32, #tpu.memory_space<vmem>>, vector<10000x128xf32>
    tpu.vector_store %arg4[%swap3A, %swap3A_114], %max3A_113 {strides = array<i32>} : memref<10000x128xf32, #tpu.memory_space<vmem>>, vector<10000x128xf32>,
    return
  }
}

module attributes {stable_mosaic.version = 14 : i64} {
  func.func @body(%arg0: i32, %arg1: memref<2000x128xf32, #tpu.memory_space<vmem>>, %arg2: memref<128x384xf32, #tpu.memory_space<vmem>>, %arg3: memref<5x128xf32, #tpu.memory_space<vmem>>, %arg4: memref<2000x128xf32, #tpu.memory_space<vmem>>, %arg5: memref<2000x128xf32, #tpu.memory_space<vmem>>, %arg6: memref<2000x128xf32, #tpu.memory_space<vmem>>) attributes {dimension_semantics = [#tpu.dimension_semantics<arbitrary>], iteration_bounds = array<i64: 5>, scalar_prefetch = 0 : i64, scratch_operands = 0 : i64, tpu.core_type = #tpu.core_type<tc>, window_params = [{transform_indices = @transform_0, window_bounds = array<i64: 2000, 128>}, {pipeline_mode = #tpu.pipeline_mode<synchronous>, transform_indices = @transform_1, window_bounds = array<i64: 128, 384>}, {pipeline_mode = #tpu.pipeline_mode<synchronous>, transform_indices = @transform_2, window_bounds = array<i64: 5, 128>}, {transform_indices = @transform_3, window_bounds = array<i64: 2000, 128>}, {transform_indices = @transform_4, window_bounds = array<i64: 2000, 128>}, {transform_indices = @transform_5, window_bounds = array<i64: 2000, 128>}]} {
    %get3A = arith.constant 0 : index
    %get3A_0 = arith.constant 0 : index
    %get3A_1 = vector.load %arg1[%get3A, %get3A_0] : memref<2000x128xf32, #tpu.memory_space<vmem>>, vector<2000x128xf32>
    %get3A_2 = arith.constant 0 : index
    %get3A_3 = arith.constant 0 : index
    %get3A_4 = vector.load %arg2[%get3A_2, %get3A_3] : memref<128x384xf32, #tpu.memory_space<vmem>>, vector<128x384xf32>
    %dot_general3A = arith.constant dense<0.000000e+00> : vector<2000x384xf32>
    %dot_general3A_5 = tpu.matmul %get3A_1, %get3A_4, %dot_general3A {dimension_numbers = #tpu.dot_dimension_numbers<[1], [0], [0], [1], [0, 0, 1, 1], [], []>, transpose_lhs_hint = false} : vector<2000x128xf32>, vector<128x384xf32>, vector<2000x384xf32> -> vector<2000x384xf32>
    %slice3A = vector.extract_strided_slice %dot_general3A_5 {offsets = [0, 0], sizes = [2000, 128], strides = [1, 1]} : vector<2000x384xf32> to vector<2000x128xf32>
    %swap3A = arith.constant 0 : index
    %swap3A_6 = arith.constant 0 : index
    %swap3A_7 = vector.load %arg4[%swap3A, %swap3A_6] : memref<2000x128xf32, #tpu.memory_space<vmem>>, vector<2000x128xf32>
    tpu.vector_store %arg4[%swap3A, %swap3A_6], %slice3A {strides = array<i32>} : memref<2000x128xf32, #tpu.memory_space<vmem>>, vector<2000x128xf32>,
    %slice3A_8 = vector.extract_strided_slice %dot_general3A_5 {offsets = [0, 128], sizes = [2000, 128], strides = [1, 1]} : vector<2000x384xf32> to vector<2000x128xf32>
    %swap3A_9 = arith.constant 0 : index
    %swap3A_10 = arith.constant 0 : index
    %swap3A_11 = vector.load %arg5[%swap3A_9, %swap3A_10] : memref<2000x128xf32, #tpu.memory_space<vmem>>, vector<2000x128xf32>
    tpu.vector_store %arg5[%swap3A_9, %swap3A_10], %slice3A_8 {strides = array<i32>} : memref<2000x128xf32, #tpu.memory_space<vmem>>, vector<2000x128xf32>,
    %slice3A_12 = vector.extract_strided_slice %dot_general3A_5 {offsets = [0, 256], sizes = [2000, 128], strides = [1, 1]} : vector<2000x384xf32> to vector<2000x128xf32>
    %get3A_13 = arith.constant 3 : index
    %get3A_14 = arith.constant 0 : index
    %get3A_15 = vector.load %arg3[%get3A_13, %get3A_14] : memref<5x128xf32, #tpu.memory_space<vmem>>, vector<1x128xf32>
    %get3A_16 = vector.shape_cast %get3A_15 : vector<1x128xf32> to vector<128xf32>
    %broadcast_in_dim3A = vector.shape_cast %get3A_16 : vector<128xf32> to vector<1x128xf32>
    %add3A = vector.broadcast %broadcast_in_dim3A : vector<1x128xf32> to vector<2000x128xf32>
    %add3A_17 = arith.addf %slice3A_12, %add3A : vector<2000x128xf32>
    %swap3A_18 = arith.constant 0 : index
    %swap3A_19 = arith.constant 0 : index
    %swap3A_20 = vector.load %arg6[%swap3A_18, %swap3A_19] : memref<2000x128xf32, #tpu.memory_space<vmem>>, vector<2000x128xf32>
    tpu.vector_store %arg6[%swap3A_18, %swap3A_19], %add3A_17 {strides = array<i32>} : memref<2000x128xf32, #tpu.memory_space<vmem>>, vector<2000x128xf32>,
    return
  }
  func.func @transform_0(%arg0: i32) -> (i32, i32) {
    %c0_i32 = arith.constant 0 : i32
    %c0_i32_0 = arith.constant 0 : i32
    return %arg0, %c0_i32 : i32, i32
  }
  func.func @transform_1(%arg0: i32) -> (i32, i32) {
    %c0_i32 = arith.constant 0 : i32
    %c0_i32_0 = arith.constant 0 : i32
    %c0_i32_1 = arith.constant 0 : i32
    return %c0_i32, %c0_i32_0 : i32, i32
  }
  func.func @transform_2(%arg0: i32) -> (i32, i32) {
    %c0_i32 = arith.constant 0 : i32
    %c0_i32_0 = arith.constant 0 : i32
    %c0_i32_1 = arith.constant 0 : i32
    return %c0_i32, %c0_i32_0 : i32, i32
  }
  func.func @transform_3(%arg0: i32) -> (i32, i32) {
    %c0_i32 = arith.constant 0 : i32
    %c0_i32_0 = arith.constant 0 : i32
    return %arg0, %c0_i32 : i32, i32
  }
  func.func @transform_4(%arg0: i32) -> (i32, i32) {
    %c0_i32 = arith.constant 0 : i32
    %c0_i32_0 = arith.constant 0 : i32
    return %arg0, %c0_i32 : i32, i32
  }
  func.func @transform_5(%arg0: i32) -> (i32, i32) {
    %c0_i32 = arith.constant 0 : i32
    %c0_i32_0 = arith.constant 0 : i32
    return %arg0, %c0_i32 : i32, i32
  }
}

module attributes {stable_mosaic.version = 14 : i64} {
  func.func @body(%arg0: memref<2x10016x128xf32, #tpu.memory_space<vmem>>, %arg1: memref<2x1008x128xf32, #tpu.memory_space<vmem>>, %arg2: memref<2x1008x128xf32, #tpu.memory_space<vmem>>, %arg3: memref<10000x1xf32, #tpu.memory_space<vmem>>, %arg4: memref<1000x1xf32, #tpu.memory_space<vmem>>, %arg5: memref<1000x1xf32, #tpu.memory_space<vmem>>, %arg6: memref<10000x128xf32, #tpu.memory_space<vmem>>, %arg7: memref<1000x128xf32, #tpu.memory_space<vmem>>, %arg8: memref<10000x128xf32, #tpu.memory_space<vmem>>, %arg9: memref<1000x128xf32, #tpu.memory_space<vmem>>, %arg10: memref<128x128xf32, #tpu.memory_space<vmem>>, %arg11: memref<5x128xf32, #tpu.memory_space<vmem>>, %arg12: memref<10000x128xf32, #tpu.memory_space<vmem>>, %arg13: memref<1000x128xf32, #tpu.memory_space<vmem>>) attributes {dimension_semantics = [], scalar_prefetch = 0 : i64, scratch_operands = 0 : i64, tpu.core_type = #tpu.core_type<tc>} {
    %get3A = arith.constant 0 : index
    %get3A_0 = arith.constant 0 : index
    %get3A_1 = arith.constant 0 : index
    %get3A_2 = vector.load %arg0[%get3A, %get3A_0, %get3A_1] : memref<2x10016x128xf32, #tpu.memory_space<vmem>>, vector<1x10016x128xf32>
    %get3A_3 = vector.shape_cast %get3A_2 : vector<1x10016x128xf32> to vector<10016x128xf32>
    %get3A_4 = arith.constant 1 : index
    %get3A_5 = arith.constant 0 : index
    %get3A_6 = arith.constant 0 : index
    %get3A_7 = vector.load %arg0[%get3A_4, %get3A_5, %get3A_6] : memref<2x10016x128xf32, #tpu.memory_space<vmem>>, vector<1x10016x128xf32>
    %get3A_8 = vector.shape_cast %get3A_7 : vector<1x10016x128xf32> to vector<10016x128xf32>
    %add3A = arith.addf %get3A_3, %get3A_8 : vector<10016x128xf32>
    %slice3A = vector.extract_strided_slice %add3A {offsets = [0, 0], sizes = [10000, 128], strides = [1, 1]} : vector<10016x128xf32> to vector<10000x128xf32>
    %get3A_9 = arith.constant 0 : index
    %get3A_10 = arith.constant 0 : index
    %get3A_11 = vector.load %arg3[%get3A_9, %get3A_10] : memref<10000x1xf32, #tpu.memory_space<vmem>>, vector<10000x1xf32>
    %div3A = vector.broadcast %get3A_11 : vector<10000x1xf32> to vector<10000x128xf32>
    %div3A_12 = arith.divf %slice3A, %div3A : vector<10000x128xf32>
    %get3A_13 = arith.constant 0 : index
    %get3A_14 = arith.constant 0 : index
    %get3A_15 = arith.constant 0 : index
    %get3A_16 = vector.load %arg1[%get3A_13, %get3A_14, %get3A_15] : memref<2x1008x128xf32, #tpu.memory_space<vmem>>, vector<1x1008x128xf32>
    %get3A_17 = vector.shape_cast %get3A_16 : vector<1x1008x128xf32> to vector<1008x128xf32>
    %get3A_18 = arith.constant 1 : index
    %get3A_19 = arith.constant 0 : index
    %get3A_20 = arith.constant 0 : index
    %get3A_21 = vector.load %arg1[%get3A_18, %get3A_19, %get3A_20] : memref<2x1008x128xf32, #tpu.memory_space<vmem>>, vector<1x1008x128xf32>
    %get3A_22 = vector.shape_cast %get3A_21 : vector<1x1008x128xf32> to vector<1008x128xf32>
    %add3A_23 = arith.addf %get3A_17, %get3A_22 : vector<1008x128xf32>
    %slice3A_24 = vector.extract_strided_slice %add3A_23 {offsets = [0, 0], sizes = [1000, 128], strides = [1, 1]} : vector<1008x128xf32> to vector<1000x128xf32>
    %get3A_25 = arith.constant 0 : index
    %get3A_26 = arith.constant 0 : index
    %get3A_27 = vector.load %arg4[%get3A_25, %get3A_26] : memref<1000x1xf32, #tpu.memory_space<vmem>>, vector<1000x1xf32>
    %div3A_28 = vector.broadcast %get3A_27 : vector<1000x1xf32> to vector<1000x128xf32>
    %div3A_29 = arith.divf %slice3A_24, %div3A_28 : vector<1000x128xf32>
    %get3A_30 = arith.constant 0 : index
    %get3A_31 = arith.constant 0 : index
    %get3A_32 = arith.constant 0 : index
    %get3A_33 = vector.load %arg2[%get3A_30, %get3A_31, %get3A_32] : memref<2x1008x128xf32, #tpu.memory_space<vmem>>, vector<1x1008x128xf32>
    %get3A_34 = vector.shape_cast %get3A_33 : vector<1x1008x128xf32> to vector<1008x128xf32>
    %get3A_35 = arith.constant 1 : index
    %get3A_36 = arith.constant 0 : index
    %get3A_37 = arith.constant 0 : index
    %get3A_38 = vector.load %arg2[%get3A_35, %get3A_36, %get3A_37] : memref<2x1008x128xf32, #tpu.memory_space<vmem>>, vector<1x1008x128xf32>
    %get3A_39 = vector.shape_cast %get3A_38 : vector<1x1008x128xf32> to vector<1008x128xf32>
    %add3A_40 = arith.addf %get3A_34, %get3A_39 : vector<1008x128xf32>
    %slice3A_41 = vector.extract_strided_slice %add3A_40 {offsets = [0, 0], sizes = [1000, 128], strides = [1, 1]} : vector<1008x128xf32> to vector<1000x128xf32>
    %get3A_42 = arith.constant 0 : index
    %get3A_43 = arith.constant 0 : index
    %get3A_44 = vector.load %arg5[%get3A_42, %get3A_43] : memref<1000x1xf32, #tpu.memory_space<vmem>>, vector<1000x1xf32>
    %div3A_45 = vector.broadcast %get3A_44 : vector<1000x1xf32> to vector<1000x128xf32>
    %div3A_46 = arith.divf %slice3A_41, %div3A_45 : vector<1000x128xf32>
    %broadcast_in_dim3A = arith.constant 0.000000e+00 : f32
    %broadcast_in_dim3A_47 = vector.broadcast %broadcast_in_dim3A : f32 to vector<9000x128xf32>
    %concatenate3A = tpu.concatenate %div3A_29, %broadcast_in_dim3A_47 in 0 : vector<1000x128xf32>, vector<9000x128xf32> -> vector<10000x128xf32>
    %add3A_48 = arith.addf %div3A_12, %concatenate3A : vector<10000x128xf32>
    %get3A_49 = arith.constant 0 : index
    %get3A_50 = arith.constant 0 : index
    %get3A_51 = vector.load %arg6[%get3A_49, %get3A_50] : memref<10000x128xf32, #tpu.memory_space<vmem>>, vector<10000x128xf32>
    %add3A_52 = arith.addf %add3A_48, %get3A_51 : vector<10000x128xf32>
    %get3A_53 = arith.constant 0 : index
    %get3A_54 = arith.constant 0 : index
    %get3A_55 = vector.load %arg7[%get3A_53, %get3A_54] : memref<1000x128xf32, #tpu.memory_space<vmem>>, vector<1000x128xf32>
    %add3A_56 = arith.addf %div3A_46, %get3A_55 : vector<1000x128xf32>
    %get3A_57 = arith.constant 0 : index
    %get3A_58 = arith.constant 0 : index
    %get3A_59 = vector.load %arg9[%get3A_57, %get3A_58] : memref<1000x128xf32, #tpu.memory_space<vmem>>, vector<1000x128xf32>
    %add3A_60 = arith.addf %add3A_56, %get3A_59 : vector<1000x128xf32>
    %swap3A = arith.constant 0 : index
    %swap3A_61 = arith.constant 0 : index
    %swap3A_62 = vector.load %arg13[%swap3A, %swap3A_61] : memref<1000x128xf32, #tpu.memory_space<vmem>>, vector<1000x128xf32>
    tpu.vector_store %arg13[%swap3A, %swap3A_61], %add3A_60 {strides = array<i32>} : memref<1000x128xf32, #tpu.memory_space<vmem>>, vector<1000x128xf32>,
    %get3A_63 = arith.constant 0 : index
    %get3A_64 = arith.constant 0 : index
    %get3A_65 = vector.load %arg11[%get3A_63, %get3A_64] : memref<5x128xf32, #tpu.memory_space<vmem>>, vector<1x128xf32>
    %get3A_66 = vector.shape_cast %get3A_65 : vector<1x128xf32> to vector<128xf32>
    %get3A_67 = arith.constant 1 : index
    %get3A_68 = arith.constant 0 : index
    %get3A_69 = vector.load %arg11[%get3A_67, %get3A_68] : memref<5x128xf32, #tpu.memory_space<vmem>>, vector<1x128xf32>
    %get3A_70 = vector.shape_cast %get3A_69 : vector<1x128xf32> to vector<128xf32>
    %reduce_sum3A = vector.shape_cast %add3A_52 : vector<10000x128xf32> to vector<1x10000x128xf32>
    %reduce_sum3A_71 = arith.constant dense<0.000000e+00> : vector<1xf32>
    %reduce_sum3A_72 = vector.multi_reduction <add>, %reduce_sum3A, %reduce_sum3A_71 [1, 2] : vector<1x10000x128xf32> to vector<1xf32>
    %reduce_sum3A_73 = vector.shape_cast %reduce_sum3A_72 : vector<1xf32> to vector<1x1x1xf32>
    %reduce_sum3A_74 = vector.extract %reduce_sum3A_73[0, 0, 0] : f32 from vector<1x1x1xf32>
    %div3A_75 = arith.constant 1.280000e+06 : f32
    %div3A_76 = arith.divf %reduce_sum3A_74, %div3A_75 : f32
    %jit3A = arith.constant 0 : i32
    %reduce_sum3A_77 = vector.shape_cast %add3A_52 : vector<10000x128xf32> to vector<1x10000x128xf32>
    %reduce_sum3A_78 = arith.constant dense<0.000000e+00> : vector<1xf32>
    %reduce_sum3A_79 = vector.multi_reduction <add>, %reduce_sum3A_77, %reduce_sum3A_78 [1, 2] : vector<1x10000x128xf32> to vector<1xf32>
    %reduce_sum3A_80 = vector.shape_cast %reduce_sum3A_79 : vector<1xf32> to vector<1x1x1xf32>
    %reduce_sum3A_81 = vector.extract %reduce_sum3A_80[0, 0, 0] : f32 from vector<1x1x1xf32>
    %broadcast_in_dim3A_82 = vector.broadcast %reduce_sum3A_81 : f32 to vector<1x1xf32>
    %div3A_83 = arith.constant 1.280000e+06 : f32
    %div3A_84 = vector.broadcast %div3A_83 : f32 to vector<1x1xf32>
    %div3A_85 = arith.divf %broadcast_in_dim3A_82, %div3A_84 : vector<1x1xf32>
    %sub3A = vector.broadcast %div3A_85 : vector<1x1xf32> to vector<10000x128xf32>
    %sub3A_86 = arith.subf %add3A_52, %sub3A : vector<10000x128xf32>
    %square3A = arith.mulf %sub3A_86, %sub3A_86 : vector<10000x128xf32>
    %convert_element_type3A = arith.sitofp %jit3A : i32 to f32
    %sub3A_87 = arith.constant 1.280000e+06 : f32
    %sub3A_88 = arith.subf %sub3A_87, %convert_element_type3A : f32
    %reduce_sum3A_89 = vector.shape_cast %square3A : vector<10000x128xf32> to vector<1x10000x128xf32>
    %reduce_sum3A_90 = arith.constant dense<0.000000e+00> : vector<1xf32>
    %reduce_sum3A_91 = vector.multi_reduction <add>, %reduce_sum3A_89, %reduce_sum3A_90 [1, 2] : vector<1x10000x128xf32> to vector<1xf32>
    %reduce_sum3A_92 = vector.shape_cast %reduce_sum3A_91 : vector<1xf32> to vector<1x1x1xf32>
    %reduce_sum3A_93 = vector.extract %reduce_sum3A_92[0, 0, 0] : f32 from vector<1x1x1xf32>
    %div3A_94 = arith.divf %reduce_sum3A_93, %sub3A_88 : f32
    %gt3A = arith.constant 0.000000e+00 : f32
    %gt3A_95 = arith.cmpf ogt, %sub3A_88, %gt3A : f32
    %jit3A_96 = arith.constant 0x7FC00000 : f32
    %select_n3A = arith.select %gt3A_95, %div3A_94, %jit3A_96 : f32
    %sqrt3A = math.sqrt %select_n3A : f32
    %add3A_97 = arith.constant 9.99999974E-6 : f32
    %add3A_98 = arith.addf %sqrt3A, %add3A_97 : f32
    %sub3A_99 = vector.broadcast %div3A_76 : f32 to vector<10000x128xf32>
    %sub3A_100 = arith.subf %add3A_52, %sub3A_99 : vector<10000x128xf32>
    %div3A_101 = vector.broadcast %add3A_98 : f32 to vector<10000x128xf32>
    %div3A_102 = arith.divf %sub3A_100, %div3A_101 : vector<10000x128xf32>
    %broadcast_in_dim3A_103 = vector.shape_cast %get3A_66 : vector<128xf32> to vector<1x128xf32>
    %mul3A = vector.broadcast %broadcast_in_dim3A_103 : vector<1x128xf32> to vector<10000x128xf32>
    %mul3A_104 = arith.mulf %div3A_102, %mul3A : vector<10000x128xf32>
    %broadcast_in_dim3A_105 = vector.shape_cast %get3A_70 : vector<128xf32> to vector<1x128xf32>
    %add3A_106 = vector.broadcast %broadcast_in_dim3A_105 : vector<1x128xf32> to vector<10000x128xf32>
    %add3A_107 = arith.addf %mul3A_104, %add3A_106 : vector<10000x128xf32>
    %max3A = arith.constant 0.000000e+00 : f32
    %max3A_108 = vector.broadcast %max3A : f32 to vector<10000x128xf32>
    %max3A_109 = arith.maximumf %add3A_107, %max3A_108 : vector<10000x128xf32>
    %get3A_110 = arith.constant 0 : index
    %get3A_111 = arith.constant 0 : index
    %get3A_112 = vector.load %arg10[%get3A_110, %get3A_111] : memref<128x128xf32, #tpu.memory_space<vmem>>, vector<128x128xf32>
    %dot_general3A = arith.constant dense<0.000000e+00> : vector<10000x128xf32>
    %dot_general3A_113 = tpu.matmul %max3A_109, %get3A_112, %dot_general3A {dimension_numbers = #tpu.dot_dimension_numbers<[1], [0], [0], [1], [0, 0, 1, 1], [], []>, transpose_lhs_hint = false} : vector<10000x128xf32>, vector<128x128xf32>, vector<10000x128xf32> -> vector<10000x128xf32>
    %get3A_114 = arith.constant 4 : index
    %get3A_115 = arith.constant 0 : index
    %get3A_116 = vector.load %arg11[%get3A_114, %get3A_115] : memref<5x128xf32, #tpu.memory_space<vmem>>, vector<1x128xf32>
    %get3A_117 = vector.shape_cast %get3A_116 : vector<1x128xf32> to vector<128xf32>
    %broadcast_in_dim3A_118 = vector.shape_cast %get3A_117 : vector<128xf32> to vector<1x128xf32>
    %add3A_119 = vector.broadcast %broadcast_in_dim3A_118 : vector<1x128xf32> to vector<10000x128xf32>
    %add3A_120 = arith.addf %dot_general3A_113, %add3A_119 : vector<10000x128xf32>
    %get3A_121 = arith.constant 2 : index
    %get3A_122 = arith.constant 0 : index
    %get3A_123 = vector.load %arg11[%get3A_121, %get3A_122] : memref<5x128xf32, #tpu.memory_space<vmem>>, vector<1x128xf32>
    %get3A_124 = vector.shape_cast %get3A_123 : vector<1x128xf32> to vector<128xf32>
    %get3A_125 = arith.constant 3 : index
    %get3A_126 = arith.constant 0 : index
    %get3A_127 = vector.load %arg11[%get3A_125, %get3A_126] : memref<5x128xf32, #tpu.memory_space<vmem>>, vector<1x128xf32>
    %get3A_128 = vector.shape_cast %get3A_127 : vector<1x128xf32> to vector<128xf32>
    %reduce_sum3A_129 = vector.shape_cast %add3A_120 : vector<10000x128xf32> to vector<1x10000x128xf32>
    %reduce_sum3A_130 = arith.constant dense<0.000000e+00> : vector<1xf32>
    %reduce_sum3A_131 = vector.multi_reduction <add>, %reduce_sum3A_129, %reduce_sum3A_130 [1, 2] : vector<1x10000x128xf32> to vector<1xf32>
    %reduce_sum3A_132 = vector.shape_cast %reduce_sum3A_131 : vector<1xf32> to vector<1x1x1xf32>
    %reduce_sum3A_133 = vector.extract %reduce_sum3A_132[0, 0, 0] : f32 from vector<1x1x1xf32>
    %div3A_134 = arith.constant 1.280000e+06 : f32
    %div3A_135 = arith.divf %reduce_sum3A_133, %div3A_134 : f32
    %jit3A_136 = arith.constant 0 : i32
    %reduce_sum3A_137 = vector.shape_cast %add3A_120 : vector<10000x128xf32> to vector<1x10000x128xf32>
    %reduce_sum3A_138 = arith.constant dense<0.000000e+00> : vector<1xf32>
    %reduce_sum3A_139 = vector.multi_reduction <add>, %reduce_sum3A_137, %reduce_sum3A_138 [1, 2] : vector<1x10000x128xf32> to vector<1xf32>
    %reduce_sum3A_140 = vector.shape_cast %reduce_sum3A_139 : vector<1xf32> to vector<1x1x1xf32>
    %reduce_sum3A_141 = vector.extract %reduce_sum3A_140[0, 0, 0] : f32 from vector<1x1x1xf32>
    %broadcast_in_dim3A_142 = vector.broadcast %reduce_sum3A_141 : f32 to vector<1x1xf32>
    %div3A_143 = arith.constant 1.280000e+06 : f32
    %div3A_144 = vector.broadcast %div3A_143 : f32 to vector<1x1xf32>
    %div3A_145 = arith.divf %broadcast_in_dim3A_142, %div3A_144 : vector<1x1xf32>
    %sub3A_146 = vector.broadcast %div3A_145 : vector<1x1xf32> to vector<10000x128xf32>
    %sub3A_147 = arith.subf %add3A_120, %sub3A_146 : vector<10000x128xf32>
    %square3A_148 = arith.mulf %sub3A_147, %sub3A_147 : vector<10000x128xf32>
    %convert_element_type3A_149 = arith.sitofp %jit3A_136 : i32 to f32
    %sub3A_150 = arith.constant 1.280000e+06 : f32
    %sub3A_151 = arith.subf %sub3A_150, %convert_element_type3A_149 : f32
    %reduce_sum3A_152 = vector.shape_cast %square3A_148 : vector<10000x128xf32> to vector<1x10000x128xf32>
    %reduce_sum3A_153 = arith.constant dense<0.000000e+00> : vector<1xf32>
    %reduce_sum3A_154 = vector.multi_reduction <add>, %reduce_sum3A_152, %reduce_sum3A_153 [1, 2] : vector<1x10000x128xf32> to vector<1xf32>
    %reduce_sum3A_155 = vector.shape_cast %reduce_sum3A_154 : vector<1xf32> to vector<1x1x1xf32>
    %reduce_sum3A_156 = vector.extract %reduce_sum3A_155[0, 0, 0] : f32 from vector<1x1x1xf32>
    %div3A_157 = arith.divf %reduce_sum3A_156, %sub3A_151 : f32
    %gt3A_158 = arith.constant 0.000000e+00 : f32
    %gt3A_159 = arith.cmpf ogt, %sub3A_151, %gt3A_158 : f32
    %jit3A_160 = arith.constant 0x7FC00000 : f32
    %select_n3A_161 = arith.select %gt3A_159, %div3A_157, %jit3A_160 : f32
    %sqrt3A_162 = math.sqrt %select_n3A_161 : f32
    %add3A_163 = arith.constant 9.99999974E-6 : f32
    %add3A_164 = arith.addf %sqrt3A_162, %add3A_163 : f32
    %sub3A_165 = vector.broadcast %div3A_135 : f32 to vector<10000x128xf32>
    %sub3A_166 = arith.subf %add3A_120, %sub3A_165 : vector<10000x128xf32>
    %div3A_167 = vector.broadcast %add3A_164 : f32 to vector<10000x128xf32>
    %div3A_168 = arith.divf %sub3A_166, %div3A_167 : vector<10000x128xf32>
    %broadcast_in_dim3A_169 = vector.shape_cast %get3A_124 : vector<128xf32> to vector<1x128xf32>
    %mul3A_170 = vector.broadcast %broadcast_in_dim3A_169 : vector<1x128xf32> to vector<10000x128xf32>
    %mul3A_171 = arith.mulf %div3A_168, %mul3A_170 : vector<10000x128xf32>
    %broadcast_in_dim3A_172 = vector.shape_cast %get3A_128 : vector<128xf32> to vector<1x128xf32>
    %add3A_173 = vector.broadcast %broadcast_in_dim3A_172 : vector<1x128xf32> to vector<10000x128xf32>
    %add3A_174 = arith.addf %mul3A_171, %add3A_173 : vector<10000x128xf32>
    %max3A_175 = arith.constant 0.000000e+00 : f32
    %max3A_176 = vector.broadcast %max3A_175 : f32 to vector<10000x128xf32>
    %max3A_177 = arith.maximumf %add3A_174, %max3A_176 : vector<10000x128xf32>
    %get3A_178 = arith.constant 0 : index
    %get3A_179 = arith.constant 0 : index
    %get3A_180 = vector.load %arg8[%get3A_178, %get3A_179] : memref<10000x128xf32, #tpu.memory_space<vmem>>, vector<10000x128xf32>
    %add3A_181 = arith.addf %max3A_177, %get3A_180 : vector<10000x128xf32>
    %swap3A_182 = arith.constant 0 : index
    %swap3A_183 = arith.constant 0 : index
    %swap3A_184 = vector.load %arg12[%swap3A_182, %swap3A_183] : memref<10000x128xf32, #tpu.memory_space<vmem>>, vector<10000x128xf32>
    tpu.vector_store %arg12[%swap3A_182, %swap3A_183], %add3A_181 {strides = array<i32>} : memref<10000x128xf32, #tpu.memory_space<vmem>>, vector<10000x128xf32>,
    return
  }
}

</mosaic_0001>

<sc_bundles>
// kernel: kernel.11.cloned.1.call-start
scs
__scs_entry_jumppad:
0x0: {  	(pc) =	sbr.rel $0x88, $3  }
0x1: {  	(tag) =	ssettag $0x0;
	lr =	simm.s32 $0x1  }
0x2: {  	[smem:$0x3F7C] =	sst lr;
	_ =	strace $0xD0000000  }
0x3: {  	_ = 	snop  }
0x4: {  	_ = 	snop  }
0x5: {  	_ = 	snop  }
0x6: {  	_ = 	snop  }
0x7: {  	_ = 	snop  }
__scs_overlays_trampoline_lowered:
0x8: {  	[smem:$0x3F8B] =	sst s0  }
0x9: {  	[smem:$0x3F8C] =	sst s1  }
0xa: {  	[smem:$0x3F8D] =	sst s2  }
0xb: {  	[smem:$0x3F8E] =	sst s3  }
0xc: {  	[smem:$0x3F8F] =	sst s4  }
0xd: {  	[smem:$0x3F90] =	sst s5  }
0xe: {  	[smem:$0x3F91] =	sst s6  }
0xf: {  	[smem:$0x3F92] =	sst s7  }
0x10: {  	[smem:$0x3F93] =	sst s8  }
0x11: {  	[smem:$0x3F94] =	sst s9;
	s0 =	simm.s32 @!p0 $0x0  }
0x12: {  	s1 =	sld [smem:$0x3F7A];
	s0 =	simm.s32 @p0 $0x1  }
0x13: {  	[smem:$0x3F95] =	sst s0;
	s0 =	simm.s32 @!p1 $0x0  }
0x14: {  	s2 =	sld [smem:$0x3F79];
	s0 =	simm.s32 @p1 $0x1  }
0x15: {  	[smem:$0x3F96] =	sst s0;
	s0 =	simm.s32 @!p2 $0x0  }
0x16: {  	s3 =	sld [smem:$0x3FDB];
	s0 =	simm.s32 @p2 $0x1  }
0x17: {  	s4 =	simm.s32 $0x1BF5;
	[smem:$0x3F98] =	sst s0  }
0x18: {  	s0 =	sld [smem:$0x3F7B];
	_ =	swait.ge [sflag:s4], $0x0  }
0x19: {  	s7 =	sld [smem:$0x3F7C]  }
0x1a: {  	s8 =	sadd.s32 $0xFFFFE003, lr  }
0x1b: {  	s9 =	sadd.s32 $0xFFFFFEF7, lr;
	s5 =	simm.s32 $0xFFFFFFFF;
	p2 =	slt.u32 s8, $0xFFFFF086  }
0x1c: {  	p1 =	slt.u32 s9, $0xF7A;
	s5 =	simm.s32 @!p2 $0x0  }
0x1d: {  	s5 =	simm.s32 @p1 $0x1;
	p0 =	seq.s32 s7, s2  }
0x1e: {  	s7 =	smul.u32 @!p0 $0xF7A, s2;
	p2 =	seq.s32 @!p0 s5, $0x0  }
0x1f: {  	s9 =	smul.u32 $0xF7A, s1;
	s8 =	simm.s32 @!p0 $0x1BF5;
	p2 =	por !p2, p0  }
0x20: {  	[sflag:s8] =	ssyncset.s32 @!p0 $0xFFFFF086;
	s6 =	sadd.s32 @!p0 s3, s7;
	s7 =	simm.s32 @!p0 $0x108  }
0x21: {  	s3 =	sadd.s32 s3, s9;
	s6 =	sadd.s32 @!p0 $0x88, s6;
	s7 =	simm.s32 @p2 $0x1082  }
0x22: {  	[simem:s7], [sflag:s8] =	dma.local @!p0 [hbm:s6], $0xF7A  }
0x23: {  	s9 =	sor.u32 $0xD0000000, s2;
	s6 =	simm.s32 $0x108;
	_ =	swait.ge @!p0 [sflag:s8], $0x0  }
0x24: {  	s3 =	sadd.s32 $0x88, s3;
	s6 =	simm.s32 @!p1 $0x1082;
	[sflag:s4] =	ssyncset.s32 $0xFFFFF086  }
0x25: {  	[simem:s6], [sflag:s4] =	dma.local [hbm:s3], $0xF7A  }
0x26: {  	[smem:$0x3F7C] =	sst s1;
	(tag) =	ssettag s2;
	_ =	strace s9  }
0x27: {  	s1 =	sld [smem:$0x3F8C]  }
0x28: {  	s2 =	sld [smem:$0x3F8D]  }
0x29: {  	s4 =	sld [smem:$0x3F8F]  }
0x2a: {  	p0 =	seq.s32 s5, $0x0;
	s5 =	sld [smem:$0x3F90]  }
0x2b: {  	s6 =	sld [smem:$0x3F91]  }
0x2c: {  	s7 =	sld [smem:$0x3F92]  }
0x2d: {  	s3 =	simm.s32 $0x108;
	s8 =	sld [smem:$0x3F93]  }
0x2e: {  	s3 =	simm.s32 @!p0 $0x1082;
	s9 =	sld [smem:$0x3F94]  }
0x2f: {  	lr =	sadd.s32 s0, s3;
	s0 =	sld [smem:$0x3F8B]  }
0x30: {  	s3 =	sld [smem:$0x3F8E]  }
0x31: {  	[smem:$0x3F97] =	sst s10  }
0x32: {  	s10 =	sld [smem:$0x3F95];
	_ =	sdelay $0x3  }
0x33: {  	p0 =	seq.s32 s10, $0x1;
	s10 =	sld [smem:$0x3F97];
	_ =	sdelay $0x3  }
0x34: {  	[smem:$0x3F97] =	sst s10  }
0x35: {  	s10 =	sld [smem:$0x3F96];
	_ =	sdelay $0x3  }
0x36: {  	p1 =	seq.s32 s10, $0x1;
	s10 =	sld [smem:$0x3F97];
	_ =	sdelay $0x3  }
0x37: {  	[smem:$0x3F97] =	sst s10  }
0x38: {  	s10 =	sld [smem:$0x3F98]  }
0x39: {  	_ = 	snop;
	(pc) =	sbr.ind lr, $3  }
0x3a: {  	_ = 	snop  }
0x3b: {  	_ = 	snop  }
0x3c: {  	p2 =	seq.s32 s10, $0x1;
	s10 =	sld [smem:$0x3F97]  }
0x3d: {  	_ =	shalt  }
0x3e: {  	_ =	shalt  }
0x3f: {  	_ =	shalt  }
0x40: {  	_ =	shalt  }
0x41: {  	_ =	shalt  }
0x42: {  	_ =	shalt  }
0x43: {  	_ =	shalt  }
0x44: {  	_ =	shalt  }
0x45: {  	_ =	shalt  }
0x46: {  	_ =	shalt  }
0x47: {  	_ =	shalt  }
0x48: {  	_ =	shalt  }
0x49: {  	_ =	shalt  }
0x4a: {  	_ =	shalt  }
0x4b: {  	_ =	shalt  }
0x4c: {  	_ =	shalt  }
0x4d: {  	_ =	shalt  }
0x4e: {  	_ =	shalt  }
0x4f: {  	_ =	shalt  }
0x50: {  	_ =	shalt  }
0x51: {  	_ =	shalt  }
0x52: {  	_ =	shalt  }
0x53: {  	_ =	shalt  }
0x54: {  	_ =	shalt  }
0x55: {  	_ =	shalt  }
0x56: {  	_ =	shalt  }
0x57: {  	_ =	shalt  }
0x58: {  	_ =	shalt  }
0x59: {  	_ =	shalt  }
0x5a: {  	_ =	shalt  }
0x5b: {  	_ =	shalt  }
0x5c: {  	_ =	shalt  }
0x5d: {  	_ =	shalt  }
0x5e: {  	_ =	shalt  }
0x5f: {  	_ =	shalt  }
0x60: {  	_ =	shalt  }
0x61: {  	_ =	shalt  }
0x62: {  	_ =	shalt  }
0x63: {  	_ =	shalt  }
0x64: {  	_ =	shalt  }
0x65: {  	_ =	shalt  }
0x66: {  	_ =	shalt  }
0x67: {  	_ =	shalt  }
0x68: {  	_ =	shalt  }
0x69: {  	_ =	shalt  }
0x6a: {  	_ =	shalt  }
0x6b: {  	_ =	shalt  }
0x6c: {  	_ =	shalt  }
0x6d: {  	_ =	shalt  }
0x6e: {  	_ =	shalt  }
0x6f: {  	_ =	shalt  }
0x70: {  	_ =	shalt  }
0x71: {  	_ =	shalt  }
0x72: {  	_ =	shalt  }
0x73: {  	_ =	shalt  }
0x74: {  	_ =	shalt  }
0x75: {  	_ =	shalt  }
0x76: {  	_ =	shalt  }
0x77: {  	_ =	shalt  }
0x78: {  	_ =	shalt  }
0x79: {  	_ =	shalt  }
0x7a: {  	_ =	shalt  }
0x7b: {  	_ =	shalt  }
0x7c: {  	_ =	shalt  }
0x7d: {  	_ =	shalt  }
0x7e: {  	_ =	shalt  }
0x7f: {  	_ =	shalt  }
0x80: {  	_ =	shalt  }
0x81: {  	_ =	shalt  }
0x82: {  	_ =	shalt  }
0x83: {  	_ =	shalt  }
0x84: {  	_ =	shalt  }
0x85: {  	_ =	shalt  }
0x86: {  	_ =	shalt  }
0x87: {  	_ =	shalt  }
.Lfunc_end0:
.L_simem_size_0:
called_computation_lowered:
.L_overlay_start_0:
0x88: {  	s2 =	sld [smem:$0x3FD9]  }
0x89: {  	s3 =	sld [smem:$0x3FFE];
	_ =	sdelay $0x1  }
0x8a: {  	s1 =	srdreg.scid  }
0x8b: {  	s0 =	sand.u32 $0x1, s1  }
0x8c: {  	s15 =	sshll.u32 s0, $0xA;
	s2 =	sadd.s32 s3, s2  }
0x8d: {  	s2 =	sadd.s32 s2, s15  }
0x8e: {  	[smem:$0x3FA3] =	sst s2  }
0x8f: {  	_ = 	snop  }
0x90: {  	s2 =	sld [smem:$0x3FD0];
	_ =	sdelay $0x2  }
0x91: {  	s16 =	simm.s32 $0xB;
	s4 =	simm.s32 $0x10  }
0x92: {  	[smem:s4], [sflag:s16] =	dma.local [hbm:s2], $0x1  }
0x93: {  	_ =	swait.eq [sflag:s16], $0x1  }
0x94: {  	[sflag:s16] =	ssyncset.done $0x0  }
0x95: {  	[sflag:s16] =	ssyncadd.s32 $0xFFFFFFFF  }
0x96: {  	s17 =	sld [smem:$0x11];
	(tm) =	ssettm $0x1  }
0x97: {  	s18 =	sld [smem:$0x3FFB];
	_ =	sdelay $0x3  }
0x98: {  	_ =	strace s18  }
0x99: {  	s2 =	sld [smem:$0x3FFC];
	_ =	sdelay $0x3  }
0x9a: {  	_ =	strace s2  }
0x9b: {  	s2 =	sld [smem:$0x3FFD];
	_ =	sdelay $0x3  }
0x9c: {  	_ =	strace s2  }
0x9d: {  	_ =	strace $0x8FFFFFFF  }
0x9e: {  	s19 =	sld [smem:$0x3FDB];
	_ =	sdelay $0x1  }
0x9f: {  	s20 =	simm.s32 $_scs_section_size  }
0xa0: {  	s5 =	simm.s32 $_size__tile_overlayer_lowered;
	s6 =	simm.s32 $_tile_overlayer_lowered  }
0xa1: {  	s7 =	simm.s32 $0x1BFF;
	s21 =	sshll.u32 s6, $0x1;
	s4 =	sadd.s32 s20, s19  }
0xa2: {  	s22 =	simm.s32 $0x0;
	s5 =	sshll.u32 s5, $0x1;
	s6 =	sadd.s32 s21, s4  }
0xa3: {  	[timem:s22], [sflag:s7] =	dma.local [hbm:s6], s5  }
0xa4: {  	_ =	swait.ge [sflag:s7], s5  }
0xa5: {  	s5 =	ssub.s32 $0x0, s5;
	[sflag:s7] =	ssyncset.done $0x0  }
0xa6: {  	[sflag:s7] =	ssyncadd.s32 s5;
	_ =	sdelay $0x1  }
0xa7: {  	s23 =	simm.s32 $0x1B8B  }
0xa8: {  	_ =	swait.ge [sflag:s23], $0x1  }
0xa9: {  	[sflag:s23] =	ssyncset.done $0x0  }
0xaa: {  	[sflag:s23] =	ssyncadd.s32 $0xFFFFFFFF  }
0xab: {  	s5 =	sld [smem:$0x0]  }
0xac: {  	s6 =	sand.u32 $0xFFFFFFFE, s1  }
0xad: {  	p0 =	sne.s32 s1, s6  }
0xae: {  	s6 =	sshll.u32 @p0 s6, $0xE  }
0xaf: {  	s6 =	sadd.s32 @p0 $0x11B8D, s6;
	s7 =	sshll.u32 @p0 s5, $0x11  }
0xb0: {  	s6 =	sor.u32 @p0 s7, s6  }
0xb1: {  	[sflag:s6] =	ssyncadd.remote.s32 @p0 $0x1;
	_ =	sdelay $0x1  }
0xb2: {  	s6 =	simm.s32 @p0 $0x1B8D  }
0xb3: {  	_ =	swait.eq @p0 [sflag:s6], $0x1  }
0xb4: {  	[sflag:s6] =	ssyncadd.s32 @p0 $0xFFFFFFFF  }
0xb5: {  	s7 =	sshll.u32 @!p0 s1, $0xE  }
0xb6: {  	s7 =	sor.u32 @!p0 $0x4000, s7;
	s6 =	simm.s32 @!p0 $0x1B8D  }
0xb7: {  	s5 =	sshll.u32 @!p0 s5, $0x11;
	s7 =	sadd.s32 @!p0 $0x11B8D, s7;
	_ =	swait.eq @!p0 [sflag:s6], $0x1  }
0xb8: {  	s5 =	sor.u32 @!p0 s5, s7;
	[sflag:s6] =	ssyncadd.s32 @!p0 $0xFFFFFFFF  }
0xb9: {  	s25 =	simm.s32 $0x1B8E;
	s24 =	sld [smem:$0x3FFE];
	[sflag:s5] =	ssyncadd.remote.s32 @!p0 $0x1  }
0xba: {  	s26 =	simm.s32 $execute0_lowered;
	[smem:$0x3FD2] =	sst s25  }
0xbb: {  	s6 =	sshll.u32 s26, $0x1;
	_ =	strace $0x80000049;
	[dreg:$0x1] =	wrdreg $0xFFFFFFFF  }
0xbc: {  	s28 =	simm.s32 $_size_execute0_lowered;
	s4 =	sadd.s32 s4, s6;
	[dreg:$0x0] =	wrdreg $0x0  }
0xbd: {  	s6 =	sshll.u32 s28, $0x1;
	[dreg:$0x2] =	wrdreg s4  }
0xbe: {  	[dreg:$0x3] =	wrdreg s6  }
0xbf: {  	[dreg:$0x4] =	wrdreg $0xC0  }
0xc0: {  	_ =	task [dreg:s22], $0x5FFFF  }
0xc1: {  	[dreg:$0x1] =	wrdreg $0xFFFFFFFF  }
0xc2: {  	[dreg:$0x0] =	wrdreg $0x60  }
0xc3: {  	[dreg:$0x2] =	wrdreg s17  }
0xc4: {  	[dreg:$0x3] =	wrdreg s24  }
0xc5: {  	[dreg:$0x4] =	wrdreg $0x0  }
0xc6: {  	[dreg:$0x5] =	wrdreg $0x9  }
0xc7: {  	_ =	task.clear_ibuf [dreg:s22], $0x6FFFF;
	_ =	strace $0x90000049  }
0xc8: {  	s29 =	simm.s32 $0x9;
	_ =	strace $0x8000004B  }
0xc9: {  	_ =	swait.ge [sflag:s29], $0x1  }
0xca: {  	[sflag:s29] =	ssyncadd.s32 $0xFFFFFFFF  }
0xcb: {  	_ =	strace $0x9000004B  }
0xcc: {  	_ =	sfence  }
0xcd: {  	s30 =	sld [smem:$0x0];
	_ =	sdelay $0x2  }
0xce: {  	s31 =	sshll.u32 s1, $0xD;
	s1 =	sshrl.u32 s1, $0x2  }
0xcf: {  	s4 =	sand.u32 $0x4000, s31;
	s1 =	sadd.s32 s1, s30  }
0xd0: {  	s0 =	sor.u32 s4, s0;
	s1 =	sshll.u32 s1, $0x11  }
0xd1: {  	s0 =	sor.u32 s1, s0  }
0xd2: {  	s0 =	sadd.s32 $0x8F2B, s0  }
0xd3: {  	[sflag:s0] =	ssyncadd.remote.s32 $0x1  }
0xd4: {  	_ =	sfence.sel $0xFFFF  }
0xd5: {  	[dreg:$0x0] =	wrdreg $0xFFFFFFFF;
	(pc) =	sbr.abs _section_cstart, $3  }
0xd6: {  	[dreg:$0x1] =	wrdreg $0xFFFFFFFF  }
0xd7: {  	_ =	task.clear_ibuf [dreg:s22], $0x2FFFF;
	_ =	strace $0x9FFFFFFF  }
0xd8: {  	(tm) =	ssettm $0x7FFFFFFF  }
0xd9: {  	_ =	shalt  }
tec
execute0_lowered:
.L_overlay_start_1:
0x0: {  	(tag) =	ssettag $0x1  }
0x1: {  	s1 =	rddreg [dreg:$0x0]  }
0x2: {  	s0 =	rddreg [dreg:$0x1];
	s2 =	srdreg.scid  }
0x3: {  	s14 =	stileid.u32;
	s3 =	rddreg [dreg:$0x2];
	s5 =	simm.s32 $0x0  }
0x4: {  	s28 =	simm.s32 $0x80;
	s29 =	simm.s32 $0x14C90;
	s30 =	simm.s32 $0x1  }
0x5: {  	s31 =	simm.s32 $0x19090;
	s2 =	sand.u32 $0x1, s2;
	s13 =	smul.u32 $0x14C90, s14  }
0x6: {  	s4 =	sshll.u32 s14, $0x1;
	[smem:$0x7FF] =	sst s5;
	s10 =	smul.u32 $0x272, s14  }
0x7: {  	s5 =	sadd.s32 $0x13A00, s0;
	s22 =	sshll.u32 s14, $0x6;
	s14 =	smul.u32 $0x53240, s14  }
0x8: {  	s4 =	sor.u32 s2, s4;
	s6 =	ssub.s32 $0x2, s2;
	s2 =	smul.u32 $0x14C900, s2  }
0x9: {  	_ =	strace $0x8000004A;
	s4 =	smul.u32 $0x280, s4;
	s7 =	sshrl.u32 s6, $0x1  }
0xa: {  	s8 =	sadd.s32 $0x11000, s13;
	s15 =	sadd.s32 $0x80, s10;
	s17 =	sadd.s32 $0x22000, s14  }
0xb: {  	s21 =	sadd.s32 $0xCC00, s13;
	s12 =	ssub.s32 s6, s7;
	s6 =	sor.u32 $0x1C03, s22  }
0xc: {  	s23 =	sadd.s32 s8, s3;
	s11 =	sadd.s32 s2, s8;
	s26 =	sadd.s32 s2, s13  }
0xd: {  	s16 =	smul.u32 $0x220, s15;
	s8 =	sshrl.u32 s14, $0x2;
	s17 =	sshrl.u32 s17, $0x2  }
0xe: {  	s14 =	sadd.s32 $0x33000, s14;
	s15 =	smul.u32 $0x88, s15;
	s22 =	sadd.s32 s13, s3  }
0xf: {  	s4 =	sadd.s32 s4, s0;
	s0 =	sadd.s32 $0x7C400, s0;
	[dreg:$0x4] =	wrdreg s23  }
0x10: {  	s25 =	sshrl.u32 s11, $0x3;
	s7 =	sshrl.u32 s26, $0x3;
	s12 =	smax.u32 s12, $0x1  }
0x11: {  	s19 =	sadd.s32 s17, s3;
	s14 =	sshrl.u32 s14, $0x2;
	s17 =	sadd.s32 $0x8800, s13  }
0x12: {  	s26 =	sadd.s32 s21, s3;
	s22 =	sshrl.u32 s22, $0x3;
	s24 =	sadd.s32 $0x42400, s4  }
0x13: {  	s9 =	sadd.s32 $0x3D400, s4;
	s10 =	sadd.s32 s0, s25;
	s11 =	sadd.s32 s0, s7  }
0x14: {  	s4 =	sadd.s32 s8, s3;
	s16 =	sshrl.u32 s16, $0x2;
	s20 =	sadd.s32 s14, s3  }
0x15: {  	s25 =	sadd.s32 s2, s17;
	s23 =	sadd.s32 s15, s3;
	s19 =	sshrl.u32 s19, $0x3  }
0x16: {  	[dreg:$0x5] =	wrdreg s24;
	s18 =	sadd.s32 s16, s3;
	s16 =	sadd.s32 s2, s15  }
0x17: {  	s2 =	sadd.s32 s2, s21;
	s24 =	sadd.s32 s17, s3;
	s17 =	simm.s32 $0x3  }
0x18: {  	s20 =	sshrl.u32 s20, $0x3;
	s21 =	simm.s32 $0x1D490;
	s23 =	sshrl.u32 s23, $0x3  }
0x19: {  	s14 =	sshrl.u32 s16, $0x3;
	s2 =	sshrl.u32 s2, $0x3;
	s16 =	sshrl.u32 s4, $0x3  }
0x1a: {  	s18 =	sshrl.u32 s18, $0x3;
	s24 =	sshrl.u32 s24, $0x3;
	s13 =	sadd.s32 s0, s14  }
0x1b: {  	s14 =	sshrl.u32 s25, $0x3;
	s15 =	sadd.s32 s0, s2;
	s25 =	sshrl.u32 s26, $0x3  }
0x1c: {  	s2 =	simm.s32 $0x2;
	s26 =	simm.s32 $0x0;
	s14 =	sadd.s32 s0, s14  }
.LBB2_1:
0x1d: {  	[spmem:s16], [sflag:s6] =	dma.local [hbm:s1], $0x880  }
0x1e: {  	_ =	swait.ge [sflag:s17], $0x880  }
0x1f: {  	[sflag:s17] =	ssyncset.done $0x0  }
0x20: {  	[sflag:s17] =	ssyncadd.s32 $0xFFFFF780  }
0x21: {  	[spmem:s18], [sflag:s6] =	dma.local [hbm:s1], $0x880  }
0x22: {  	_ =	swait.ge [sflag:s17], $0x880  }
0x23: {  	[sflag:s17] =	ssyncset.done $0x0  }
0x24: {  	[sflag:s17] =	ssyncadd.s32 $0xFFFFF780  }
0x25: {  	[spmem:s19], [sflag:s6] =	dma.local [hbm:s1], $0x880  }
0x26: {  	_ =	swait.ge [sflag:s17], $0x880  }
0x27: {  	[sflag:s17] =	ssyncset.done $0x0  }
0x28: {  	[sflag:s17] =	ssyncadd.s32 $0xFFFFF780  }
0x29: {  	[spmem:s20], [sflag:s6] =	dma.local [hbm:s1], $0x880  }
0x2a: {  	_ =	swait.ge [sflag:s17], $0x880  }
0x2b: {  	[sflag:s17] =	ssyncset.done $0x0;
	s0 =	rddreg [dreg:$0x4]  }
0x2c: {  	[sflag:s17] =	ssyncadd.s32 $0xFFFFF780;
	s0 =	sshrl.u32 s0, $0x3  }
0x2d: {  	[spmem:s0], [sflag:s6] =	dma.local [hbm:s1], $0x792  }
0x2e: {  	_ =	swait.ge [sflag:s17], $0x792  }
0x2f: {  	[sflag:s17] =	ssyncset.done $0x0  }
0x30: {  	[sflag:s17] =	ssyncadd.s32 $0xFFFFF86E  }
0x31: {  	[bflag:$0x0] =	sbarrier.arrive $0xFFFF  }
0x32: {  	s4 =	simm.s32 $0x0;
	s7 =	rddreg [dreg:$0x5]  }
0x33: {  	[tilespmem:s21], [sflag:$0x3] =	stream.linear.gather [hbm4b:s7+s4], $0x1400, $0x38;
	[tilespmem:$0x1FC90] =	vst v63  }
0x34: {  	_ =	swait.ge [sflag:s17], $0x1400  }
0x35: {  	[sflag:s17] =	ssyncset.done $0x0  }
0x36: {  	s8 =	simm.s32 $0x1E890;
	[sflag:s17] =	ssyncadd.s32 $0xFFFFEC00  }
0x37: {  	[tilespmem:s8], [sflag:$0x3] =	stream.linear.gather [hbm4b:s9+s4], $0x1400, $0x38;
	[tilespmem:$0x1FC90] =	vst v63  }
0x38: {  	_ =	swait.ge [sflag:s17], $0x1400  }
0x39: {  	[sflag:s17] =	ssyncset.done $0x0  }
0x3a: {  	[sflag:s17] =	ssyncadd.s32 $0xFFFFEC00  }
0x3b: {  	[tilespmem:s29], [sflag:$0x1] =	stream.indirect.gather [hbm4b:s5+s28], $0x88, s21, s28, $0xb8;
	[tilespmem:$0x1FC90] =	vst v63  }
0x3c: {  	_ =	swait.ge [sflag:s30], $0x4400  }
0x3d: {  	[sflag:s30] =	ssyncset.done $0x0  }
0x3e: {  	s7 =	simm.s32 $0x1D510;
	[sflag:s30] =	ssyncadd.s32 $0xFFFFBC00  }
0x3f: {  	[tilespmem:s31], [sflag:$0x2] =	stream.indirect.gather [hbm4b:s5+s28], $0x88, s7, s28, $0xb8;
	[tilespmem:$0x1FC90] =	vst v63  }
0x40: {  	s8 =	simm.s32 $0x1E890  }
0x41: {  	[spmem:s3] =	stream.indirect.scatter.add.f32 [tilespmem:s29], [sflag:$0x3], $0x88, s8, s28, $0xb8;
	[tilespmem:$0x1FC90] =	vst v63  }
0x42: {  	_ =	swait.ge [sflag:s17], $0x4400  }
0x43: {  	[sflag:s17] =	ssyncset.done $0x0  }
0x44: {  	[sflag:s17] =	ssyncadd.s32 $0xFFFFBC00  }
0x45: {  	_ =	swait.ge [sflag:s2], $0x4400  }
0x46: {  	[sflag:s2] =	ssyncset.done $0x0  }
0x47: {  	s7 =	simm.s32 $0x1D590;
	[sflag:s2] =	ssyncadd.s32 $0xFFFFBC00  }
0x48: {  	[tilespmem:s29], [sflag:$0x1] =	stream.indirect.gather [hbm4b:s5+s28], $0x88, s7, s28, $0xb8;
	[tilespmem:$0x1FC90] =	vst v63  }
0x49: {  	s8 =	simm.s32 $0x1E910  }
0x4a: {  	[spmem:s3] =	stream.indirect.scatter.add.f32 [tilespmem:s31], [sflag:$0x3], $0x88, s8, s28, $0xb8;
	[tilespmem:$0x1FC90] =	vst v63  }
0x4b: {  	_ =	swait.ge [sflag:s17], $0x4400  }
0x4c: {  	s4 =	simm.s32 $0x400;
	[sflag:s17] =	ssyncset.done $0x0  }
.LBB2_2:
0x4d: {  	p0 =	sne.s32 s4, $0x4800  }
0x4e: {  	[sflag:s17] =	ssyncadd.s32 $0xFFFFBC00;
	s7 =	smov.u32 s4;
	s4 =	sadd.s32 $0x400, s4  }
0x4f: {  	_ = 	snop  }
0x50: {  	_ =	swait.ge [sflag:s30], $0x4400  }
0x51: {  	s7 =	sshra.s32 s7, $0x2;
	[sflag:s30] =	ssyncset.done $0x0  }
0x52: {  	s8 =	sadd.s32 $0x1D510, s7;
	[sflag:s30] =	ssyncadd.s32 $0xFFFFBC00  }
0x53: {  	[tilespmem:s31], [sflag:$0x2] =	stream.indirect.gather [hbm4b:s5+s28], $0x88, s8, s28, $0xb8;
	[tilespmem:$0x1FC90] =	vst v63  }
0x54: {  	s8 =	sadd.s32 $0x1E890, s7  }
0x55: {  	[spmem:s3] =	stream.indirect.scatter.add.f32 [tilespmem:s29], [sflag:$0x3], $0x88, s8, s28, $0xb8;
	[tilespmem:$0x1FC90] =	vst v63  }
0x56: {  	_ =	swait.ge [sflag:s17], $0x4400  }
0x57: {  	[sflag:s17] =	ssyncset.done $0x0  }
0x58: {  	[sflag:s17] =	ssyncadd.s32 $0xFFFFBC00  }
0x59: {  	_ =	swait.ge [sflag:s2], $0x4400  }
0x5a: {  	[sflag:s2] =	ssyncset.done $0x0  }
0x5b: {  	s8 =	sadd.s32 $0x1D590, s7;
	[sflag:s2] =	ssyncadd.s32 $0xFFFFBC00  }
0x5c: {  	[tilespmem:s29], [sflag:$0x1] =	stream.indirect.gather [hbm4b:s5+s28], $0x88, s8, s28, $0xb8;
	[tilespmem:$0x1FC90] =	vst v63  }
.Ltmp0:
0x5d: {  	_ = 	snop;
	(pc) =	sbr.rel @p0 .LBB2_2-.Ltmp0, $4  }
0x5e: {  	s7 =	sadd.s32 $0x1E910, s7  }
0x5f: {  	[spmem:s3] =	stream.indirect.scatter.add.f32 [tilespmem:s31], [sflag:$0x3], $0x88, s7, s28, $0xb8;
	[tilespmem:$0x1FC90] =	vst v63  }
0x60: {  	_ =	swait.ge [sflag:s17], $0x4400  }
0x61: {  	[sflag:s17] =	ssyncset.done $0x0  }
0x62: {  	[sflag:s17] =	ssyncadd.s32 $0xFFFFBC00  }
0x63: {  	_ =	swait.ge [sflag:s30], $0x4400  }
0x64: {  	[sflag:s30] =	ssyncset.done $0x0  }
0x65: {  	s4 =	simm.s32 $0x1E810;
	[sflag:s30] =	ssyncadd.s32 $0xFFFFBC00  }
0x66: {  	[tilespmem:s31], [sflag:$0x2] =	stream.indirect.gather [hbm4b:s5+s28], $0x88, s4, s28, $0xb8;
	[tilespmem:$0x1FC90] =	vst v63  }
0x67: {  	s7 =	simm.s32 $0x1FB90  }
0x68: {  	[spmem:s3] =	stream.indirect.scatter.add.f32 [tilespmem:s29], [sflag:$0x3], $0x88, s7, s28, $0xb8;
	[tilespmem:$0x1FC90] =	vst v63  }
0x69: {  	_ =	swait.ge [sflag:s17], $0x4400  }
0x6a: {  	[sflag:s17] =	ssyncset.done $0x0  }
0x6b: {  	[sflag:s17] =	ssyncadd.s32 $0xFFFFBC00  }
0x6c: {  	_ =	swait.ge [sflag:s2], $0x4400  }
0x6d: {  	[sflag:s2] =	ssyncset.done $0x0  }
0x6e: {  	s8 =	simm.s32 $0x1FC10;
	[sflag:s2] =	ssyncadd.s32 $0xFFFFBC00  }
0x6f: {  	[spmem:s3] =	stream.indirect.scatter.add.f32 [tilespmem:s31], [sflag:$0x3], $0x88, s8, s28, $0xb8;
	[tilespmem:$0x1FC90] =	vst v63  }
0x70: {  	_ =	swait.ge [sflag:s17], $0x4400  }
0x71: {  	[sflag:s17] =	ssyncset.done $0x0  }
0x72: {  	[sflag:s17] =	ssyncadd.s32 $0xFFFFBC00  }
0x73: {  	[bflag:$0x0] =	sbarrier.arrive $0xFFFF  }
0x74: {  	[hbm:s11], [sflag:s6] =	dma.local [spmem:s22], $0x880  }
0x75: {  	_ =	swait.ge [sflag:s17], $0x880  }
0x76: {  	[sflag:s17] =	ssyncset.done $0x0  }
0x77: {  	[sflag:s17] =	ssyncadd.s32 $0xFFFFF780  }
0x78: {  	[hbm:s13], [sflag:s6] =	dma.local [spmem:s23], $0x880  }
0x79: {  	_ =	swait.ge [sflag:s17], $0x880  }
0x7a: {  	[sflag:s17] =	ssyncset.done $0x0  }
0x7b: {  	[sflag:s17] =	ssyncadd.s32 $0xFFFFF780  }
0x7c: {  	[hbm:s14], [sflag:s6] =	dma.local [spmem:s24], $0x880  }
0x7d: {  	_ =	swait.ge [sflag:s17], $0x880  }
0x7e: {  	[sflag:s17] =	ssyncset.done $0x0  }
0x7f: {  	[sflag:s17] =	ssyncadd.s32 $0xFFFFF780  }
0x80: {  	[hbm:s15], [sflag:s6] =	dma.local [spmem:s25], $0x880  }
0x81: {  	s26 =	sadd.s32 $0x1, s26;
	_ =	swait.ge [sflag:s17], $0x880  }
0x82: {  	p0 =	sne.s32 s26, s12;
	[sflag:s17] =	ssyncset.done $0x0  }
.Ltmp1:
0x83: {  	[sflag:s17] =	ssyncadd.s32 $0xFFFFF780;
	(pc) =	sbr.rel @p0 .LBB2_1-.Ltmp1, $4  }
0x84: {  	[hbm:s10], [sflag:s6] =	dma.local [spmem:s0], $0x792  }
0x85: {  	_ =	swait.ge [sflag:s17], $0x792  }
0x86: {  	[sflag:s17] =	ssyncset.done $0x0  }
0x87: {  	[sflag:s17] =	ssyncadd.s32 $0xFFFFF86E  }
0x88: {  	_ =	sfence.sel $0x180000  }
0x89: {  	[bflag:$0x0] =	sbarrier.arrive $0xFFFF  }
0x8a: {  	_ =	strace $0x9000004A  }
0x8b: {  	s0 =	stileid.u32;
	[bflag:$0x2] =	sbarrier.arrive $0xFFFF  }
0x8c: {  	p0 =	sne.s32 s0, $0x0;
	s0 =	rddreg [dreg:$0x3]  }
0x8d: {  	s0 =	sadd.s32 @!p0 $0x100000, s0  }
0x8e: {  	[sflag:s0] =	ssyncadd.tile.s32 @!p0 $0x1;
	_ =	shalt  }
.Lfunc_end2:
_tile_overlayer_lowered:
.L_overlay_start_2:
0x8f: {  	(tag) =	ssettag $0x2  }
0x90: {  	s0 =	rddreg [dreg:$0x0];
	s2 =	stileid.u32  }
0x91: {  	s1 =	rddreg [dreg:$0x1];
	p0 =	sne.s32 s2, $0x0  }
0x92: {  	s3 =	rddreg [dreg:$0x2];
	[bflag:$0x3] =	sbarrier.arrive $0xFFFF;
	s2 =	simm.s32 @!p0 $0x1C03  }
0x93: {  	[timem:s3], [sflag:s2] =	dma.local @!p0 [hbm:s0], s1  }
0x94: {  	s0 =	simm.s32 @!p0 $0x3  }
0x95: {  	_ =	swait.ge @!p0 [sflag:s0], s1  }
0x96: {  	s1 =	ssub.s32 @!p0 $0x0, s1;
	[sflag:s0] =	ssyncset.done @!p0 $0x0  }
0x97: {  	[sflag:s0] =	ssyncadd.s32 @!p0 s1  }
0x98: {  	[bflag:$0x3] =	sbarrier.arrive $0xFFFF  }
0x99: {  	_ =	shalt  }

// kernel: kernel.14.cloned.1.call-start
scs
__scs_entry_jumppad:
0x0: {  	(pc) =	sbr.rel $0x88, $3  }
0x1: {  	(tag) =	ssettag $0x0;
	lr =	simm.s32 $0x1  }
0x2: {  	[smem:$0x3F7C] =	sst lr;
	_ =	strace $0xD0000000  }
0x3: {  	_ = 	snop  }
0x4: {  	_ = 	snop  }
0x5: {  	_ = 	snop  }
0x6: {  	_ = 	snop  }
0x7: {  	_ = 	snop  }
__scs_overlays_trampoline_lowered:
0x8: {  	[smem:$0x3F8B] =	sst s0  }
0x9: {  	[smem:$0x3F8C] =	sst s1  }
0xa: {  	[smem:$0x3F8D] =	sst s2  }
0xb: {  	[smem:$0x3F8E] =	sst s3  }
0xc: {  	[smem:$0x3F8F] =	sst s4  }
0xd: {  	[smem:$0x3F90] =	sst s5  }
0xe: {  	[smem:$0x3F91] =	sst s6  }
0xf: {  	[smem:$0x3F92] =	sst s7  }
0x10: {  	[smem:$0x3F93] =	sst s8  }
0x11: {  	[smem:$0x3F94] =	sst s9;
	s0 =	simm.s32 @!p0 $0x0  }
0x12: {  	s1 =	sld [smem:$0x3F7A];
	s0 =	simm.s32 @p0 $0x1  }
0x13: {  	[smem:$0x3F95] =	sst s0;
	s0 =	simm.s32 @!p1 $0x0  }
0x14: {  	s2 =	sld [smem:$0x3F79];
	s0 =	simm.s32 @p1 $0x1  }
0x15: {  	[smem:$0x3F96] =	sst s0;
	s0 =	simm.s32 @!p2 $0x0  }
0x16: {  	s3 =	sld [smem:$0x3FDB];
	s0 =	simm.s32 @p2 $0x1  }
0x17: {  	s4 =	simm.s32 $0x1BF5;
	[smem:$0x3F98] =	sst s0  }
0x18: {  	s0 =	sld [smem:$0x3F7B];
	_ =	swait.ge [sflag:s4], $0x0  }
0x19: {  	s7 =	sld [smem:$0x3F7C]  }
0x1a: {  	s8 =	sadd.s32 $0xFFFFE003, lr  }
0x1b: {  	s9 =	sadd.s32 $0xFFFFFEF7, lr;
	s5 =	simm.s32 $0xFFFFFFFF;
	p2 =	slt.u32 s8, $0xFFFFF086  }
0x1c: {  	p1 =	slt.u32 s9, $0xF7A;
	s5 =	simm.s32 @!p2 $0x0  }
0x1d: {  	s5 =	simm.s32 @p1 $0x1;
	p0 =	seq.s32 s7, s2  }
0x1e: {  	s7 =	smul.u32 @!p0 $0xF7A, s2;
	p2 =	seq.s32 @!p0 s5, $0x0  }
0x1f: {  	s9 =	smul.u32 $0xF7A, s1;
	s8 =	simm.s32 @!p0 $0x1BF5;
	p2 =	por !p2, p0  }
0x20: {  	[sflag:s8] =	ssyncset.s32 @!p0 $0xFFFFF086;
	s6 =	sadd.s32 @!p0 s3, s7;
	s7 =	simm.s32 @!p0 $0x108  }
0x21: {  	s3 =	sadd.s32 s3, s9;
	s6 =	sadd.s32 @!p0 $0x88, s6;
	s7 =	simm.s32 @p2 $0x1082  }
0x22: {  	[simem:s7], [sflag:s8] =	dma.local @!p0 [hbm:s6], $0xF7A  }
0x23: {  	s9 =	sor.u32 $0xD0000000, s2;
	s6 =	simm.s32 $0x108;
	_ =	swait.ge @!p0 [sflag:s8], $0x0  }
0x24: {  	s3 =	sadd.s32 $0x88, s3;
	s6 =	simm.s32 @!p1 $0x1082;
	[sflag:s4] =	ssyncset.s32 $0xFFFFF086  }
0x25: {  	[simem:s6], [sflag:s4] =	dma.local [hbm:s3], $0xF7A  }
0x26: {  	[smem:$0x3F7C] =	sst s1;
	(tag) =	ssettag s2;
	_ =	strace s9  }
0x27: {  	s1 =	sld [smem:$0x3F8C]  }
0x28: {  	s2 =	sld [smem:$0x3F8D]  }
0x29: {  	s4 =	sld [smem:$0x3F8F]  }
0x2a: {  	p0 =	seq.s32 s5, $0x0;
	s5 =	sld [smem:$0x3F90]  }
0x2b: {  	s6 =	sld [smem:$0x3F91]  }
0x2c: {  	s7 =	sld [smem:$0x3F92]  }
0x2d: {  	s3 =	simm.s32 $0x108;
	s8 =	sld [smem:$0x3F93]  }
0x2e: {  	s3 =	simm.s32 @!p0 $0x1082;
	s9 =	sld [smem:$0x3F94]  }
0x2f: {  	lr =	sadd.s32 s0, s3;
	s0 =	sld [smem:$0x3F8B]  }
0x30: {  	s3 =	sld [smem:$0x3F8E]  }
0x31: {  	[smem:$0x3F97] =	sst s10  }
0x32: {  	s10 =	sld [smem:$0x3F95];
	_ =	sdelay $0x3  }
0x33: {  	p0 =	seq.s32 s10, $0x1;
	s10 =	sld [smem:$0x3F97];
	_ =	sdelay $0x3  }
0x34: {  	[smem:$0x3F97] =	sst s10  }
0x35: {  	s10 =	sld [smem:$0x3F96];
	_ =	sdelay $0x3  }
0x36: {  	p1 =	seq.s32 s10, $0x1;
	s10 =	sld [smem:$0x3F97];
	_ =	sdelay $0x3  }
0x37: {  	[smem:$0x3F97] =	sst s10  }
0x38: {  	s10 =	sld [smem:$0x3F98]  }
0x39: {  	_ = 	snop;
	(pc) =	sbr.ind lr, $3  }
0x3a: {  	_ = 	snop  }
0x3b: {  	_ = 	snop  }
0x3c: {  	p2 =	seq.s32 s10, $0x1;
	s10 =	sld [smem:$0x3F97]  }
0x3d: {  	_ =	shalt  }
0x3e: {  	_ =	shalt  }
0x3f: {  	_ =	shalt  }
0x40: {  	_ =	shalt  }
0x41: {  	_ =	shalt  }
0x42: {  	_ =	shalt  }
0x43: {  	_ =	shalt  }
0x44: {  	_ =	shalt  }
0x45: {  	_ =	shalt  }
0x46: {  	_ =	shalt  }
0x47: {  	_ =	shalt  }
0x48: {  	_ =	shalt  }
0x49: {  	_ =	shalt  }
0x4a: {  	_ =	shalt  }
0x4b: {  	_ =	shalt  }
0x4c: {  	_ =	shalt  }
0x4d: {  	_ =	shalt  }
0x4e: {  	_ =	shalt  }
0x4f: {  	_ =	shalt  }
0x50: {  	_ =	shalt  }
0x51: {  	_ =	shalt  }
0x52: {  	_ =	shalt  }
0x53: {  	_ =	shalt  }
0x54: {  	_ =	shalt  }
0x55: {  	_ =	shalt  }
0x56: {  	_ =	shalt  }
0x57: {  	_ =	shalt  }
0x58: {  	_ =	shalt  }
0x59: {  	_ =	shalt  }
0x5a: {  	_ =	shalt  }
0x5b: {  	_ =	shalt  }
0x5c: {  	_ =	shalt  }
0x5d: {  	_ =	shalt  }
0x5e: {  	_ =	shalt  }
0x5f: {  	_ =	shalt  }
0x60: {  	_ =	shalt  }
0x61: {  	_ =	shalt  }
0x62: {  	_ =	shalt  }
0x63: {  	_ =	shalt  }
0x64: {  	_ =	shalt  }
0x65: {  	_ =	shalt  }
0x66: {  	_ =	shalt  }
0x67: {  	_ =	shalt  }
0x68: {  	_ =	shalt  }
0x69: {  	_ =	shalt  }
0x6a: {  	_ =	shalt  }
0x6b: {  	_ =	shalt  }
0x6c: {  	_ =	shalt  }
0x6d: {  	_ =	shalt  }
0x6e: {  	_ =	shalt  }
0x6f: {  	_ =	shalt  }
0x70: {  	_ =	shalt  }
0x71: {  	_ =	shalt  }
0x72: {  	_ =	shalt  }
0x73: {  	_ =	shalt  }
0x74: {  	_ =	shalt  }
0x75: {  	_ =	shalt  }
0x76: {  	_ =	shalt  }
0x77: {  	_ =	shalt  }
0x78: {  	_ =	shalt  }
0x79: {  	_ =	shalt  }
0x7a: {  	_ =	shalt  }
0x7b: {  	_ =	shalt  }
0x7c: {  	_ =	shalt  }
0x7d: {  	_ =	shalt  }
0x7e: {  	_ =	shalt  }
0x7f: {  	_ =	shalt  }
0x80: {  	_ =	shalt  }
0x81: {  	_ =	shalt  }
0x82: {  	_ =	shalt  }
0x83: {  	_ =	shalt  }
0x84: {  	_ =	shalt  }
0x85: {  	_ =	shalt  }
0x86: {  	_ =	shalt  }
0x87: {  	_ =	shalt  }
.Lfunc_end0:
.L_simem_size_0:
called_computation.1_lowered:
.L_overlay_start_0:
0x88: {  	s2 =	sld [smem:$0x3FD9]  }
0x89: {  	s3 =	sld [smem:$0x3FFE];
	_ =	sdelay $0x1  }
0x8a: {  	s1 =	srdreg.scid  }
0x8b: {  	s0 =	sand.u32 $0x1, s1  }
0x8c: {  	s14 =	sshll.u32 s0, $0xA;
	s2 =	sadd.s32 s3, s2  }
0x8d: {  	s2 =	sadd.s32 s2, s14  }
0x8e: {  	[smem:$0x3FA3] =	sst s2  }
0x8f: {  	_ = 	snop  }
0x90: {  	s2 =	sld [smem:$0x3FD0];
	_ =	sdelay $0x2  }
0x91: {  	s15 =	simm.s32 $0xB;
	s4 =	simm.s32 $0x10  }
0x92: {  	[smem:s4], [sflag:s15] =	dma.local [hbm:s2], $0x1  }
0x93: {  	_ =	swait.eq [sflag:s15], $0x1  }
0x94: {  	[sflag:s15] =	ssyncset.done $0x0  }
0x95: {  	s16 =	sld [smem:$0x10];
	[sflag:s15] =	ssyncadd.s32 $0xFFFFFFFF  }
0x96: {  	s17 =	sld [smem:$0x11];
	(tm) =	ssettm $0x1  }
0x97: {  	s18 =	sld [smem:$0x3FFB];
	_ =	sdelay $0x3  }
0x98: {  	_ =	strace s18  }
0x99: {  	s4 =	sld [smem:$0x3FFC];
	_ =	sdelay $0x3  }
0x9a: {  	_ =	strace s4  }
0x9b: {  	s4 =	sld [smem:$0x3FFD];
	_ =	sdelay $0x3  }
0x9c: {  	_ =	strace s4  }
0x9d: {  	_ =	strace $0x8FFFFFFF  }
0x9e: {  	s19 =	sld [smem:$0x3FDB];
	_ =	sdelay $0x1  }
0x9f: {  	s5 =	simm.s32 $_scs_section_size  }
0xa0: {  	s6 =	simm.s32 $_size__tile_overlayer_lowered;
	s7 =	simm.s32 $_tile_overlayer_lowered  }
0xa1: {  	s22 =	simm.s32 $0x1BFF;
	s21 =	sshll.u32 s7, $0x1;
	s4 =	sadd.s32 s5, s19  }
0xa2: {  	s8 =	simm.s32 $0x0;
	s20 =	sshll.u32 s6, $0x1;
	s6 =	sadd.s32 s21, s4  }
0xa3: {  	[timem:s8], [sflag:s22] =	dma.local [hbm:s6], s20  }
0xa4: {  	_ =	swait.ge [sflag:s22], s20  }
0xa5: {  	s5 =	ssub.s32 $0x0, s20;
	[sflag:s22] =	ssyncset.done $0x0  }
0xa6: {  	[sflag:s22] =	ssyncadd.s32 s5;
	_ =	sdelay $0x1  }
0xa7: {  	s23 =	simm.s32 $0x1B8B  }
0xa8: {  	_ =	swait.ge [sflag:s23], $0x1  }
0xa9: {  	[sflag:s23] =	ssyncset.done $0x0  }
0xaa: {  	s25 =	simm.s32 $0x1B8E;
	s24 =	sld [smem:$0x3FFE];
	[sflag:s23] =	ssyncadd.s32 $0xFFFFFFFF  }
0xab: {  	s26 =	simm.s32 $execute0_lowered;
	[smem:$0x3FD2] =	sst s25  }
0xac: {  	s6 =	sshll.u32 s26, $0x1;
	_ =	strace $0x80000046;
	[dreg:$0x1] =	wrdreg $0xFFFFFFFF  }
0xad: {  	s28 =	simm.s32 $_size_execute0_lowered;
	s4 =	sadd.s32 s4, s6;
	[dreg:$0x0] =	wrdreg $0x0  }
0xae: {  	s6 =	sshll.u32 s28, $0x1;
	[dreg:$0x2] =	wrdreg s4  }
0xaf: {  	[dreg:$0x3] =	wrdreg s6  }
0xb0: {  	[dreg:$0x4] =	wrdreg $0xC0  }
0xb1: {  	_ =	task [dreg:s8], $0x5FFFF  }
0xb2: {  	[dreg:$0x1] =	wrdreg $0xFFFFFFFF  }
0xb3: {  	[dreg:$0x0] =	wrdreg $0x60  }
0xb4: {  	[dreg:$0x2] =	wrdreg s17  }
0xb5: {  	[dreg:$0x3] =	wrdreg s24  }
0xb6: {  	[dreg:$0x4] =	wrdreg s16  }
0xb7: {  	[dreg:$0x5] =	wrdreg $0x0  }
0xb8: {  	[dreg:$0x6] =	wrdreg $0x21780  }
0xb9: {  	[dreg:$0x7] =	wrdreg $0xA  }
0xba: {  	_ =	task.clear_ibuf [dreg:s8], $0x8FFFF;
	_ =	strace $0x90000046  }
0xbb: {  	s29 =	simm.s32 $0xA;
	_ =	strace $0x80000048  }
0xbc: {  	_ =	swait.ge [sflag:s29], $0x1  }
0xbd: {  	[sflag:s29] =	ssyncadd.s32 $0xFFFFFFFF  }
0xbe: {  	_ =	strace $0x90000048  }
0xbf: {  	_ =	sfence  }
0xc0: {  	s30 =	sld [smem:$0x0];
	_ =	sdelay $0x2  }
0xc1: {  	s31 =	sshll.u32 s1, $0xD;
	s1 =	sshrl.u32 s1, $0x2  }
0xc2: {  	s3 =	sand.u32 $0x4000, s31;
	s1 =	sadd.s32 s1, s30  }
0xc3: {  	s0 =	sor.u32 s3, s0;
	s1 =	sshll.u32 s1, $0x11  }
0xc4: {  	s0 =	sor.u32 s1, s0  }
0xc5: {  	s0 =	sadd.s32 $0x8F2B, s0  }
0xc6: {  	[sflag:s0] =	ssyncadd.remote.s32 $0x1  }
0xc7: {  	_ =	sfence.sel $0xFFFF  }
0xc8: {  	[dreg:$0x0] =	wrdreg $0xFFFFFFFF;
	(pc) =	sbr.abs _section_cstart, $3  }
0xc9: {  	[dreg:$0x1] =	wrdreg $0xFFFFFFFF  }
0xca: {  	_ =	task.clear_ibuf [dreg:s8], $0x2FFFF;
	_ =	strace $0x9FFFFFFF  }
0xcb: {  	(tm) =	ssettm $0x7FFFFFFF  }
tec
execute0_lowered:
.L_overlay_start_1:
0x0: {  	(tag) =	ssettag $0x1  }
0x1: {  	s1 =	rddreg [dreg:$0x0]  }
0x2: {  	s21 =	rddreg [dreg:$0x1]  }
0x3: {  	s2 =	srdreg.scid;
	s0 =	stileid.u32  }
0x4: {  	s6 =	rddreg [dreg:$0x2];
	s2 =	sand.u32 $0x1, s2;
	s4 =	sshll.u32 s0, $0x1  }
0x5: {  	s3 =	rddreg [dreg:$0x3];
	s5 =	sor.u32 s2, s4  }
0x6: {  	s4 =	rddreg [dreg:$0x4];
	s7 =	smul.u32 $0x50, s5;
	s5 =	simm.s32 $0x0  }
0x7: {  	s14 =	simm.s32 $0xCB70;
	[smem:$0x7FF] =	sst s5  }
0x8: {  	s15 =	simm.s32 $0xCBF0;
	_ =	strace $0x80000047;
	[dreg:$0xc] =	wrdreg s14  }
0x9: {  	s16 =	simm.s32 $0xCDF0;
	[dreg:$0xd] =	wrdreg s15  }
0xa: {  	s18 =	simm.s32 $0xCC70;
	s20 =	simm.s32 $0xCE70;
	[dreg:$0xe] =	wrdreg s16  }
0xb: {  	s22 =	simm.s32 $0xCCF0;
	s9 =	smul.u32 $0x2178, s0;
	[dreg:$0xf] =	wrdreg s18  }
0xc: {  	s19 =	sshll.u32 s0, $0x6;
	s7 =	sadd.s32 s7, s21;
	[dreg:$0x10] =	wrdreg s20  }
0xd: {  	s8 =	smul.u32 $0x21780, s2;
	[dreg:$0x11] =	wrdreg s22;
	s10 =	sadd.s32 $0xAA00, s7  }
0xe: {  	s17 =	sadd.s32 s9, s3;
	s26 =	sadd.s32 $0xA000, s7;
	[dreg:$0x6] =	wrdreg s10  }
0xf: {  	s8 =	sadd.s32 s9, s8;
	s11 =	sadd.s32 $0x9600, s7;
	[dreg:$0x7] =	wrdreg s26  }
0x10: {  	s8 =	sshrl.u32 s8, $0x3;
	s7 =	sadd.s32 $0x8C00, s7;
	[dreg:$0x8] =	wrdreg s11  }
0x11: {  	s12 =	sadd.s32 s8, s21;
	s6 =	sadd.s32 s6, s8;
	[dreg:$0x9] =	wrdreg s7  }
0x12: {  	s8 =	sshrl.u32 s17, $0x3;
	[dreg:$0xa] =	wrdreg s6;
	s13 =	sadd.s32 $0xB400, s12  }
0x13: {  	s6 =	sor.u32 $0x1C03, s19;
	s7 =	simm.s32 $0x3;
	[dreg:$0xb] =	wrdreg s13  }
0x14: {  	[spmem:s8], [sflag:s6] =	dma.local [hbm:s1], $0x42F  }
0x15: {  	_ =	swait.ge [sflag:s7], $0x42F  }
0x16: {  	s9 =	sadd.s32 s9, s4;
	[sflag:s7] =	ssyncset.done $0x0  }
0x17: {  	s9 =	sshrl.u32 s9, $0x3;
	[sflag:s7] =	ssyncadd.s32 $0xFFFFFBD1  }
0x18: {  	[spmem:s9], [sflag:s6] =	dma.local [hbm:s1], $0x42F  }
0x19: {  	_ =	swait.ge [sflag:s7], $0x42F  }
0x1a: {  	[sflag:s7] =	ssyncset.done $0x0  }
0x1b: {  	[sflag:s7] =	ssyncadd.s32 $0xFFFFFBD1  }
0x1c: {  	[bflag:$0x0] =	sbarrier.arrive $0xFFFF  }
0x1d: {  	s10 =	simm.s32 $0xCAF0;
	s11 =	rddreg [dreg:$0x6]  }
0x1e: {  	[tilespmem:s10], [sflag:$0x3] =	stream.linear.gather [hbm4b:s11+s5], $0x280, $0x38;
	[tilespmem:$0xD4F0] =	vst v63  }
0x1f: {  	_ =	swait.ge [sflag:s7], $0x280  }
0x20: {  	[sflag:s7] =	ssyncset.done $0x0  }
0x21: {  	s11 =	simm.s32 $0xCD70;
	s12 =	rddreg [dreg:$0x7];
	[sflag:s7] =	ssyncadd.s32 $0xFFFFFD80  }
0x22: {  	[tilespmem:s11], [sflag:$0x3] =	stream.linear.gather [hbm4b:s12+s5], $0x280, $0x38;
	[tilespmem:$0xD4F0] =	vst v63  }
0x23: {  	_ =	swait.ge [sflag:s7], $0x280  }
0x24: {  	[sflag:s7] =	ssyncset.done $0x0  }
0x25: {  	s12 =	simm.s32 $0xCFF0;
	s13 =	rddreg [dreg:$0x8];
	[sflag:s7] =	ssyncadd.s32 $0xFFFFFD80  }
0x26: {  	[tilespmem:s12], [sflag:$0x3] =	stream.linear.gather [hbm4b:s13+s5], $0x280, $0x38;
	[tilespmem:$0xD4F0] =	vst v63  }
0x27: {  	_ =	swait.ge [sflag:s7], $0x280  }
0x28: {  	[sflag:s7] =	ssyncset.done $0x0  }
0x29: {  	s13 =	simm.s32 $0xD270;
	s14 =	rddreg [dreg:$0x9];
	[sflag:s7] =	ssyncadd.s32 $0xFFFFFD80  }
0x2a: {  	[tilespmem:s13], [sflag:$0x3] =	stream.linear.gather [hbm4b:s14+s5], $0x280, $0x38;
	[tilespmem:$0xD4F0] =	vst v63  }
0x2b: {  	_ =	swait.ge [sflag:s7], $0x280  }
0x2c: {  	s15 =	simm.s32 $0x80;
	s16 =	simm.s32 $0x42F0;
	[sflag:s7] =	ssyncset.done $0x0  }
0x2d: {  	s17 =	simm.s32 $0x1;
	s14 =	sadd.s32 $0x4800, s21;
	[sflag:s7] =	ssyncadd.s32 $0xFFFFFD80  }
0x2e: {  	[tilespmem:s16], [sflag:$0x1] =	stream.indirect.gather [hbm4b:s14+s15], $0x88, s10, s15, $0xb8;
	[tilespmem:$0xD4F0] =	vst v63  }
0x2f: {  	_ =	swait.ge [sflag:s17], $0x4400  }
0x30: {  	[sflag:s17] =	ssyncset.done $0x0  }
0x31: {  	s18 =	simm.s32 $0x86F0;
	s19 =	rddreg [dreg:$0xc];
	[sflag:s17] =	ssyncadd.s32 $0xFFFFBC00  }
0x32: {  	[tilespmem:s18], [sflag:$0x2] =	stream.indirect.gather [hbm4b:s14+s15], $0x88, s19, s15, $0xb8;
	[tilespmem:$0xD4F0] =	vst v63  }
0x33: {  	_ = 	snop  }
0x34: {  	[spmem:s3] =	stream.indirect.scatter.add.f32 [tilespmem:s16], [sflag:$0x3], $0x88, s11, s15, $0xb8;
	[tilespmem:$0xD4F0] =	vst v63  }
0x35: {  	_ =	swait.ge [sflag:s7], $0x4400  }
0x36: {  	[sflag:s7] =	ssyncset.done $0x0  }
0x37: {  	s19 =	simm.s32 $0x2;
	[sflag:s7] =	ssyncadd.s32 $0xFFFFBC00  }
0x38: {  	_ =	swait.ge [sflag:s19], $0x4400  }
0x39: {  	[sflag:s19] =	ssyncset.done $0x0  }
0x3a: {  	s20 =	rddreg [dreg:$0xd];
	[sflag:s19] =	ssyncadd.s32 $0xFFFFBC00  }
0x3b: {  	[tilespmem:s16], [sflag:$0x1] =	stream.indirect.gather [hbm4b:s14+s15], $0x88, s20, s15, $0xb8;
	[tilespmem:$0xD4F0] =	vst v63  }
0x3c: {  	s22 =	rddreg [dreg:$0xe]  }
0x3d: {  	[spmem:s3] =	stream.indirect.scatter.add.f32 [tilespmem:s18], [sflag:$0x3], $0x88, s22, s15, $0xb8;
	[tilespmem:$0xD4F0] =	vst v63  }
0x3e: {  	_ =	swait.ge [sflag:s7], $0x4400  }
0x3f: {  	[sflag:s7] =	ssyncset.done $0x0  }
0x40: {  	[sflag:s7] =	ssyncadd.s32 $0xFFFFBC00  }
0x41: {  	_ =	swait.ge [sflag:s17], $0x4400  }
0x42: {  	[sflag:s17] =	ssyncset.done $0x0  }
0x43: {  	s23 =	rddreg [dreg:$0xf];
	[sflag:s17] =	ssyncadd.s32 $0xFFFFBC00  }
0x44: {  	[tilespmem:s18], [sflag:$0x2] =	stream.indirect.gather [hbm4b:s14+s15], $0x88, s23, s15, $0xb8;
	[tilespmem:$0xD4F0] =	vst v63  }
0x45: {  	s24 =	rddreg [dreg:$0x10]  }
0x46: {  	[spmem:s3] =	stream.indirect.scatter.add.f32 [tilespmem:s16], [sflag:$0x3], $0x88, s24, s15, $0xb8;
	[tilespmem:$0xD4F0] =	vst v63  }
0x47: {  	_ =	swait.ge [sflag:s7], $0x4400  }
0x48: {  	[sflag:s7] =	ssyncset.done $0x0  }
0x49: {  	[sflag:s7] =	ssyncadd.s32 $0xFFFFBC00  }
0x4a: {  	_ =	swait.ge [sflag:s19], $0x4400  }
0x4b: {  	[sflag:s19] =	ssyncset.done $0x0  }
0x4c: {  	s25 =	rddreg [dreg:$0x11];
	[sflag:s19] =	ssyncadd.s32 $0xFFFFBC00  }
0x4d: {  	[tilespmem:s16], [sflag:$0x1] =	stream.indirect.gather [hbm4b:s14+s15], $0x88, s25, s15, $0xb8;
	[tilespmem:$0xD4F0] =	vst v63  }
0x4e: {  	s26 =	simm.s32 $0xCEF0  }
0x4f: {  	[spmem:s3] =	stream.indirect.scatter.add.f32 [tilespmem:s18], [sflag:$0x3], $0x88, s26, s15, $0xb8;
	[tilespmem:$0xD4F0] =	vst v63  }
0x50: {  	_ =	swait.ge [sflag:s7], $0x4400  }
0x51: {  	[sflag:s7] =	ssyncset.done $0x0  }
0x52: {  	[sflag:s7] =	ssyncadd.s32 $0xFFFFBC00  }
0x53: {  	_ =	swait.ge [sflag:s17], $0x4400  }
0x54: {  	[sflag:s17] =	ssyncset.done $0x0  }
0x55: {  	s21 =	sadd.s32 $0x52A00, s21;
	[sflag:s17] =	ssyncadd.s32 $0xFFFFBC00  }
0x56: {  	[tilespmem:s18], [sflag:$0x2] =	stream.indirect.gather [hbm4b:s21+s15], $0x88, s12, s15, $0xb8;
	[tilespmem:$0xD4F0] =	vst v63  }
0x57: {  	s22 =	simm.s32 $0xCF70  }
0x58: {  	[spmem:s3] =	stream.indirect.scatter.add.f32 [tilespmem:s16], [sflag:$0x3], $0x88, s22, s15, $0xb8;
	[tilespmem:$0xD4F0] =	vst v63  }
0x59: {  	_ =	swait.ge [sflag:s7], $0x4400  }
0x5a: {  	[sflag:s7] =	ssyncset.done $0x0  }
0x5b: {  	[sflag:s7] =	ssyncadd.s32 $0xFFFFBC00  }
0x5c: {  	_ =	swait.ge [sflag:s19], $0x4400  }
0x5d: {  	[sflag:s19] =	ssyncset.done $0x0  }
0x5e: {  	s23 =	simm.s32 $0xD070;
	[sflag:s19] =	ssyncadd.s32 $0xFFFFBC00  }
0x5f: {  	[tilespmem:s16], [sflag:$0x1] =	stream.indirect.gather [hbm4b:s21+s15], $0x88, s23, s15, $0xb8;
	[tilespmem:$0xD4F0] =	vst v63  }
0x60: {  	_ = 	snop  }
0x61: {  	[spmem:s4] =	stream.indirect.scatter.add.f32 [tilespmem:s18], [sflag:$0x3], $0x88, s13, s15, $0xb8;
	[tilespmem:$0xD4F0] =	vst v63  }
0x62: {  	_ =	swait.ge [sflag:s7], $0x4400  }
0x63: {  	[sflag:s7] =	ssyncset.done $0x0  }
0x64: {  	[sflag:s7] =	ssyncadd.s32 $0xFFFFBC00  }
0x65: {  	_ =	swait.ge [sflag:s17], $0x4400  }
0x66: {  	[sflag:s17] =	ssyncset.done $0x0  }
0x67: {  	s24 =	simm.s32 $0xD0F0;
	[sflag:s17] =	ssyncadd.s32 $0xFFFFBC00  }
0x68: {  	[tilespmem:s18], [sflag:$0x2] =	stream.indirect.gather [hbm4b:s21+s15], $0x88, s24, s15, $0xb8;
	[tilespmem:$0xD4F0] =	vst v63  }
0x69: {  	s25 =	simm.s32 $0xD2F0  }
0x6a: {  	[spmem:s4] =	stream.indirect.scatter.add.f32 [tilespmem:s16], [sflag:$0x3], $0x88, s25, s15, $0xb8;
	[tilespmem:$0xD4F0] =	vst v63  }
0x6b: {  	_ =	swait.ge [sflag:s7], $0x4400  }
0x6c: {  	[sflag:s7] =	ssyncset.done $0x0  }
0x6d: {  	[sflag:s7] =	ssyncadd.s32 $0xFFFFBC00  }
0x6e: {  	_ =	swait.ge [sflag:s19], $0x4400  }
0x6f: {  	[sflag:s19] =	ssyncset.done $0x0  }
0x70: {  	s26 =	simm.s32 $0xD170;
	[sflag:s19] =	ssyncadd.s32 $0xFFFFBC00  }
0x71: {  	[tilespmem:s16], [sflag:$0x1] =	stream.indirect.gather [hbm4b:s21+s15], $0x88, s26, s15, $0xb8;
	[tilespmem:$0xD4F0] =	vst v63  }
0x72: {  	s28 =	simm.s32 $0xD370  }
0x73: {  	[spmem:s4] =	stream.indirect.scatter.add.f32 [tilespmem:s18], [sflag:$0x3], $0x88, s28, s15, $0xb8;
	[tilespmem:$0xD4F0] =	vst v63  }
0x74: {  	_ =	swait.ge [sflag:s7], $0x4400  }
0x75: {  	[sflag:s7] =	ssyncset.done $0x0  }
0x76: {  	[sflag:s7] =	ssyncadd.s32 $0xFFFFBC00  }
0x77: {  	_ =	swait.ge [sflag:s17], $0x4400  }
0x78: {  	[sflag:s17] =	ssyncset.done $0x0  }
0x79: {  	s29 =	simm.s32 $0xD1F0;
	[sflag:s17] =	ssyncadd.s32 $0xFFFFBC00  }
0x7a: {  	[tilespmem:s18], [sflag:$0x2] =	stream.indirect.gather [hbm4b:s21+s15], $0x88, s29, s15, $0xb8;
	[tilespmem:$0xD4F0] =	vst v63  }
0x7b: {  	s30 =	simm.s32 $0xD3F0  }
0x7c: {  	[spmem:s4] =	stream.indirect.scatter.add.f32 [tilespmem:s16], [sflag:$0x3], $0x88, s30, s15, $0xb8;
	[tilespmem:$0xD4F0] =	vst v63  }
0x7d: {  	_ =	swait.ge [sflag:s7], $0x4400  }
0x7e: {  	[sflag:s7] =	ssyncset.done $0x0  }
0x7f: {  	[sflag:s7] =	ssyncadd.s32 $0xFFFFBC00  }
0x80: {  	_ =	swait.ge [sflag:s19], $0x4400  }
0x81: {  	[sflag:s19] =	ssyncset.done $0x0  }
0x82: {  	s31 =	simm.s32 $0xD470;
	[sflag:s19] =	ssyncadd.s32 $0xFFFFBC00  }
0x83: {  	[spmem:s4] =	stream.indirect.scatter.add.f32 [tilespmem:s18], [sflag:$0x3], $0x88, s31, s15, $0xb8;
	[tilespmem:$0xD4F0] =	vst v63  }
0x84: {  	_ =	swait.ge [sflag:s7], $0x4400  }
0x85: {  	s0 =	ssub.s32 $0x2, s2;
	[sflag:s7] =	ssyncset.done $0x0  }
0x86: {  	s2 =	sshrl.u32 s0, $0x1;
	[sflag:s7] =	ssyncadd.s32 $0xFFFFBC00  }
0x87: {  	s0 =	ssub.s32 s0, s2;
	[bflag:$0x0] =	sbarrier.arrive $0xFFFF  }
0x88: {  	s0 =	smax.u32 s0, $0x1;
	s20 =	rddreg [dreg:$0xa]  }
0x89: {  	[hbm:s20], [sflag:s6] =	dma.local [spmem:s8], $0x42F  }
0x8a: {  	p0 =	sne.s32 s0, $0x1;
	_ =	swait.ge [sflag:s7], $0x42F  }
.Ltmp0:
0x8b: {  	[sflag:s7] =	ssyncset.done $0x0;
	(pc) =	sbr.rel @!p0 .LBB2_2-.Ltmp0, $4  }
0x8c: {  	s20 =	rddreg [dreg:$0xb];
	[sflag:s7] =	ssyncadd.s32 $0xFFFFFBD1  }
0x8d: {  	[hbm:s20], [sflag:s6] =	dma.local [spmem:s9], $0x42F  }
0x8e: {  	_ =	swait.ge [sflag:s7], $0x42F  }
0x8f: {  	s2 =	sadd.s32 $0xFFFFFFFF, s0;
	[sflag:s7] =	ssyncset.done $0x0  }
.LBB2_1:
0x90: {  	[sflag:s7] =	ssyncadd.s32 $0xFFFFFBD1  }
0x91: {  	[spmem:s8], [sflag:s6] =	dma.local [hbm:s1], $0x42F  }
0x92: {  	_ =	swait.ge [sflag:s7], $0x42F  }
0x93: {  	[sflag:s7] =	ssyncset.done $0x0  }
0x94: {  	[sflag:s7] =	ssyncadd.s32 $0xFFFFFBD1  }
0x95: {  	[spmem:s9], [sflag:s6] =	dma.local [hbm:s1], $0x42F  }
0x96: {  	_ =	swait.ge [sflag:s7], $0x42F  }
0x97: {  	[sflag:s7] =	ssyncset.done $0x0  }
0x98: {  	[sflag:s7] =	ssyncadd.s32 $0xFFFFFBD1  }
0x99: {  	[bflag:$0x0] =	sbarrier.arrive $0xFFFF  }
0x9a: {  	s0 =	rddreg [dreg:$0x6]  }
0x9b: {  	[tilespmem:s10], [sflag:$0x3] =	stream.linear.gather [hbm4b:s0+s5], $0x280, $0x38;
	[tilespmem:$0xD4F0] =	vst v63  }
0x9c: {  	_ =	swait.ge [sflag:s7], $0x280  }
0x9d: {  	[sflag:s7] =	ssyncset.done $0x0  }
0x9e: {  	s20 =	rddreg [dreg:$0x7];
	[sflag:s7] =	ssyncadd.s32 $0xFFFFFD80  }
0x9f: {  	[tilespmem:s11], [sflag:$0x3] =	stream.linear.gather [hbm4b:s20+s5], $0x280, $0x38;
	[tilespmem:$0xD4F0] =	vst v63  }
0xa0: {  	_ =	swait.ge [sflag:s7], $0x280  }
0xa1: {  	[sflag:s7] =	ssyncset.done $0x0  }
0xa2: {  	s20 =	rddreg [dreg:$0x8];
	[sflag:s7] =	ssyncadd.s32 $0xFFFFFD80  }
0xa3: {  	[tilespmem:s12], [sflag:$0x3] =	stream.linear.gather [hbm4b:s20+s5], $0x280, $0x38;
	[tilespmem:$0xD4F0] =	vst v63  }
0xa4: {  	_ =	swait.ge [sflag:s7], $0x280  }
0xa5: {  	[sflag:s7] =	ssyncset.done $0x0  }
0xa6: {  	s20 =	rddreg [dreg:$0x9];
	[sflag:s7] =	ssyncadd.s32 $0xFFFFFD80  }
0xa7: {  	[tilespmem:s13], [sflag:$0x3] =	stream.linear.gather [hbm4b:s20+s5], $0x280, $0x38;
	[tilespmem:$0xD4F0] =	vst v63  }
0xa8: {  	_ =	swait.ge [sflag:s7], $0x280  }
0xa9: {  	[sflag:s7] =	ssyncset.done $0x0  }
0xaa: {  	[sflag:s7] =	ssyncadd.s32 $0xFFFFFD80  }
0xab: {  	[tilespmem:s16], [sflag:$0x1] =	stream.indirect.gather [hbm4b:s14+s15], $0x88, s10, s15, $0xb8;
	[tilespmem:$0xD4F0] =	vst v63  }
0xac: {  	_ =	swait.ge [sflag:s17], $0x4400  }
0xad: {  	[sflag:s17] =	ssyncset.done $0x0  }
0xae: {  	s20 =	rddreg [dreg:$0xc];
	[sflag:s17] =	ssyncadd.s32 $0xFFFFBC00  }
0xaf: {  	[tilespmem:s18], [sflag:$0x2] =	stream.indirect.gather [hbm4b:s14+s15], $0x88, s20, s15, $0xb8;
	[tilespmem:$0xD4F0] =	vst v63  }
0xb0: {  	_ = 	snop  }
0xb1: {  	[spmem:s3] =	stream.indirect.scatter.add.f32 [tilespmem:s16], [sflag:$0x3], $0x88, s11, s15, $0xb8;
	[tilespmem:$0xD4F0] =	vst v63  }
0xb2: {  	_ =	swait.ge [sflag:s7], $0x4400  }
0xb3: {  	[sflag:s7] =	ssyncset.done $0x0  }
0xb4: {  	[sflag:s7] =	ssyncadd.s32 $0xFFFFBC00  }
0xb5: {  	_ =	swait.ge [sflag:s19], $0x4400  }
0xb6: {  	[sflag:s19] =	ssyncset.done $0x0  }
0xb7: {  	s0 =	rddreg [dreg:$0xd];
	[sflag:s19] =	ssyncadd.s32 $0xFFFFBC00  }
0xb8: {  	[tilespmem:s16], [sflag:$0x1] =	stream.indirect.gather [hbm4b:s14+s15], $0x88, s0, s15, $0xb8;
	[tilespmem:$0xD4F0] =	vst v63  }
0xb9: {  	s20 =	rddreg [dreg:$0xe]  }
0xba: {  	[spmem:s3] =	stream.indirect.scatter.add.f32 [tilespmem:s18], [sflag:$0x3], $0x88, s20, s15, $0xb8;
	[tilespmem:$0xD4F0] =	vst v63  }
0xbb: {  	_ =	swait.ge [sflag:s7], $0x4400  }
0xbc: {  	[sflag:s7] =	ssyncset.done $0x0  }
0xbd: {  	[sflag:s7] =	ssyncadd.s32 $0xFFFFBC00  }
0xbe: {  	_ =	swait.ge [sflag:s17], $0x4400  }
0xbf: {  	[sflag:s17] =	ssyncset.done $0x0  }
0xc0: {  	s0 =	rddreg [dreg:$0xf];
	[sflag:s17] =	ssyncadd.s32 $0xFFFFBC00  }
0xc1: {  	[tilespmem:s18], [sflag:$0x2] =	stream.indirect.gather [hbm4b:s14+s15], $0x88, s0, s15, $0xb8;
	[tilespmem:$0xD4F0] =	vst v63  }
0xc2: {  	s20 =	rddreg [dreg:$0x10]  }
0xc3: {  	[spmem:s3] =	stream.indirect.scatter.add.f32 [tilespmem:s16], [sflag:$0x3], $0x88, s20, s15, $0xb8;
	[tilespmem:$0xD4F0] =	vst v63  }
0xc4: {  	_ =	swait.ge [sflag:s7], $0x4400  }
0xc5: {  	[sflag:s7] =	ssyncset.done $0x0  }
0xc6: {  	[sflag:s7] =	ssyncadd.s32 $0xFFFFBC00  }
0xc7: {  	_ =	swait.ge [sflag:s19], $0x4400  }
0xc8: {  	[sflag:s19] =	ssyncset.done $0x0  }
0xc9: {  	s20 =	rddreg [dreg:$0x11];
	[sflag:s19] =	ssyncadd.s32 $0xFFFFBC00  }
0xca: {  	[tilespmem:s16], [sflag:$0x1] =	stream.indirect.gather [hbm4b:s14+s15], $0x88, s20, s15, $0xb8;
	[tilespmem:$0xD4F0] =	vst v63  }
0xcb: {  	s20 =	simm.s32 $0xCEF0  }
0xcc: {  	[spmem:s3] =	stream.indirect.scatter.add.f32 [tilespmem:s18], [sflag:$0x3], $0x88, s20, s15, $0xb8;
	[tilespmem:$0xD4F0] =	vst v63  }
0xcd: {  	_ =	swait.ge [sflag:s7], $0x4400  }
0xce: {  	[sflag:s7] =	ssyncset.done $0x0  }
0xcf: {  	[sflag:s7] =	ssyncadd.s32 $0xFFFFBC00  }
0xd0: {  	_ =	swait.ge [sflag:s17], $0x4400  }
0xd1: {  	[sflag:s17] =	ssyncset.done $0x0  }
0xd2: {  	[sflag:s17] =	ssyncadd.s32 $0xFFFFBC00  }
0xd3: {  	[tilespmem:s18], [sflag:$0x2] =	stream.indirect.gather [hbm4b:s21+s15], $0x88, s12, s15, $0xb8;
	[tilespmem:$0xD4F0] =	vst v63  }
0xd4: {  	_ = 	snop  }
0xd5: {  	[spmem:s3] =	stream.indirect.scatter.add.f32 [tilespmem:s16], [sflag:$0x3], $0x88, s22, s15, $0xb8;
	[tilespmem:$0xD4F0] =	vst v63  }
0xd6: {  	_ =	swait.ge [sflag:s7], $0x4400  }
0xd7: {  	[sflag:s7] =	ssyncset.done $0x0  }
0xd8: {  	[sflag:s7] =	ssyncadd.s32 $0xFFFFBC00  }
0xd9: {  	_ =	swait.ge [sflag:s19], $0x4400  }
0xda: {  	[sflag:s19] =	ssyncset.done $0x0  }
0xdb: {  	[sflag:s19] =	ssyncadd.s32 $0xFFFFBC00  }
0xdc: {  	[tilespmem:s16], [sflag:$0x1] =	stream.indirect.gather [hbm4b:s21+s15], $0x88, s23, s15, $0xb8;
	[tilespmem:$0xD4F0] =	vst v63  }
0xdd: {  	_ = 	snop  }
0xde: {  	[spmem:s4] =	stream.indirect.scatter.add.f32 [tilespmem:s18], [sflag:$0x3], $0x88, s13, s15, $0xb8;
	[tilespmem:$0xD4F0] =	vst v63  }
0xdf: {  	_ =	swait.ge [sflag:s7], $0x4400  }
0xe0: {  	[sflag:s7] =	ssyncset.done $0x0  }
0xe1: {  	[sflag:s7] =	ssyncadd.s32 $0xFFFFBC00  }
0xe2: {  	_ =	swait.ge [sflag:s17], $0x4400  }
0xe3: {  	[sflag:s17] =	ssyncset.done $0x0  }
0xe4: {  	[sflag:s17] =	ssyncadd.s32 $0xFFFFBC00  }
0xe5: {  	[tilespmem:s18], [sflag:$0x2] =	stream.indirect.gather [hbm4b:s21+s15], $0x88, s24, s15, $0xb8;
	[tilespmem:$0xD4F0] =	vst v63  }
0xe6: {  	_ = 	snop  }
0xe7: {  	[spmem:s4] =	stream.indirect.scatter.add.f32 [tilespmem:s16], [sflag:$0x3], $0x88, s25, s15, $0xb8;
	[tilespmem:$0xD4F0] =	vst v63  }
0xe8: {  	_ =	swait.ge [sflag:s7], $0x4400  }
0xe9: {  	[sflag:s7] =	ssyncset.done $0x0  }
0xea: {  	[sflag:s7] =	ssyncadd.s32 $0xFFFFBC00  }
0xeb: {  	_ =	swait.ge [sflag:s19], $0x4400  }
0xec: {  	[sflag:s19] =	ssyncset.done $0x0  }
0xed: {  	[sflag:s19] =	ssyncadd.s32 $0xFFFFBC00  }
0xee: {  	[tilespmem:s16], [sflag:$0x1] =	stream.indirect.gather [hbm4b:s21+s15], $0x88, s26, s15, $0xb8;
	[tilespmem:$0xD4F0] =	vst v63  }
0xef: {  	_ = 	snop  }
0xf0: {  	[spmem:s4] =	stream.indirect.scatter.add.f32 [tilespmem:s18], [sflag:$0x3], $0x88, s28, s15, $0xb8;
	[tilespmem:$0xD4F0] =	vst v63  }
0xf1: {  	_ =	swait.ge [sflag:s7], $0x4400  }
0xf2: {  	[sflag:s7] =	ssyncset.done $0x0  }
0xf3: {  	[sflag:s7] =	ssyncadd.s32 $0xFFFFBC00  }
0xf4: {  	_ =	swait.ge [sflag:s17], $0x4400  }
0xf5: {  	[sflag:s17] =	ssyncset.done $0x0  }
0xf6: {  	[sflag:s17] =	ssyncadd.s32 $0xFFFFBC00  }
0xf7: {  	[tilespmem:s18], [sflag:$0x2] =	stream.indirect.gather [hbm4b:s21+s15], $0x88, s29, s15, $0xb8;
	[tilespmem:$0xD4F0] =	vst v63  }
0xf8: {  	_ = 	snop  }
0xf9: {  	[spmem:s4] =	stream.indirect.scatter.add.f32 [tilespmem:s16], [sflag:$0x3], $0x88, s30, s15, $0xb8;
	[tilespmem:$0xD4F0] =	vst v63  }
0xfa: {  	_ =	swait.ge [sflag:s7], $0x4400  }
0xfb: {  	[sflag:s7] =	ssyncset.done $0x0  }
0xfc: {  	[sflag:s7] =	ssyncadd.s32 $0xFFFFBC00  }
0xfd: {  	_ =	swait.ge [sflag:s19], $0x4400  }
0xfe: {  	[sflag:s19] =	ssyncset.done $0x0  }
0xff: {  	[sflag:s19] =	ssyncadd.s32 $0xFFFFBC00  }
0x100: {  	[spmem:s4] =	stream.indirect.scatter.add.f32 [tilespmem:s18], [sflag:$0x3], $0x88, s31, s15, $0xb8;
	[tilespmem:$0xD4F0] =	vst v63  }
0x101: {  	_ =	swait.ge [sflag:s7], $0x4400  }
0x102: {  	[sflag:s7] =	ssyncset.done $0x0  }
0x103: {  	[sflag:s7] =	ssyncadd.s32 $0xFFFFBC00  }
0x104: {  	[bflag:$0x0] =	sbarrier.arrive $0xFFFF  }
0x105: {  	s20 =	rddreg [dreg:$0xa]  }
0x106: {  	[hbm:s20], [sflag:s6] =	dma.local [spmem:s8], $0x42F  }
0x107: {  	p0 =	sne.s32 s2, $0x1;
	_ =	swait.ge [sflag:s7], $0x42F  }
.Ltmp1:
0x108: {  	[sflag:s7] =	ssyncset.done $0x0;
	(pc) =	sbr.rel @p0 .LBB2_1-.Ltmp1, $4  }
0x109: {  	s20 =	rddreg [dreg:$0xb];
	[sflag:s7] =	ssyncadd.s32 $0xFFFFFBD1  }
0x10a: {  	[hbm:s20], [sflag:s6] =	dma.local [spmem:s9], $0x42F  }
0x10b: {  	_ =	swait.ge [sflag:s7], $0x42F  }
0x10c: {  	s2 =	sadd.s32 $0xFFFFFFFF, s2;
	[sflag:s7] =	ssyncset.done $0x0  }
.LBB2_2:
0x10d: {  	[sflag:s7] =	ssyncadd.s32 $0xFFFFFBD1  }
0x10e: {  	_ =	sfence.sel $0x180000  }
0x10f: {  	[bflag:$0x0] =	sbarrier.arrive $0xFFFF  }
0x110: {  	_ =	strace $0x90000047  }
0x111: {  	s0 =	stileid.u32;
	[bflag:$0x2] =	sbarrier.arrive $0xFFFF  }
0x112: {  	p0 =	sne.s32 s0, $0x0;
	s0 =	rddreg [dreg:$0x5]  }
0x113: {  	s0 =	sadd.s32 @!p0 $0x100000, s0  }
0x114: {  	[sflag:s0] =	ssyncadd.tile.s32 @!p0 $0x1;
	_ =	shalt  }
.Lfunc_end2:
_tile_overlayer_lowered:
.L_overlay_start_2:
0x115: {  	(tag) =	ssettag $0x2  }
0x116: {  	s0 =	rddreg [dreg:$0x0];
	s2 =	stileid.u32  }
0x117: {  	s1 =	rddreg [dreg:$0x1];
	p0 =	sne.s32 s2, $0x0  }
0x118: {  	s3 =	rddreg [dreg:$0x2];
	[bflag:$0x3] =	sbarrier.arrive $0xFFFF;
	s2 =	simm.s32 @!p0 $0x1C03  }
0x119: {  	[timem:s3], [sflag:s2] =	dma.local @!p0 [hbm:s0], s1  }
0x11a: {  	s0 =	simm.s32 @!p0 $0x3  }
0x11b: {  	_ =	swait.ge @!p0 [sflag:s0], s1  }
0x11c: {  	s1 =	ssub.s32 @!p0 $0x0, s1;
	[sflag:s0] =	ssyncset.done @!p0 $0x0  }
0x11d: {  	[sflag:s0] =	ssyncadd.s32 @!p0 s1  }
0x11e: {  	[bflag:$0x3] =	sbarrier.arrive $0xFFFF  }
0x11f: {  	_ =	shalt  }

// kernel: kernel.17.cloned.1.call-start
scs
__scs_entry_jumppad:
0x0: {  	(pc) =	sbr.rel $0x88, $3  }
0x1: {  	(tag) =	ssettag $0x0;
	lr =	simm.s32 $0x1  }
0x2: {  	[smem:$0x3F7C] =	sst lr;
	_ =	strace $0xD0000000  }
0x3: {  	_ = 	snop  }
0x4: {  	_ = 	snop  }
0x5: {  	_ = 	snop  }
0x6: {  	_ = 	snop  }
0x7: {  	_ = 	snop  }
__scs_overlays_trampoline_lowered:
0x8: {  	[smem:$0x3F8B] =	sst s0  }
0x9: {  	[smem:$0x3F8C] =	sst s1  }
0xa: {  	[smem:$0x3F8D] =	sst s2  }
0xb: {  	[smem:$0x3F8E] =	sst s3  }
0xc: {  	[smem:$0x3F8F] =	sst s4  }
0xd: {  	[smem:$0x3F90] =	sst s5  }
0xe: {  	[smem:$0x3F91] =	sst s6  }
0xf: {  	[smem:$0x3F92] =	sst s7  }
0x10: {  	[smem:$0x3F93] =	sst s8  }
0x11: {  	[smem:$0x3F94] =	sst s9;
	s0 =	simm.s32 @!p0 $0x0  }
0x12: {  	s1 =	sld [smem:$0x3F7A];
	s0 =	simm.s32 @p0 $0x1  }
0x13: {  	[smem:$0x3F95] =	sst s0;
	s0 =	simm.s32 @!p1 $0x0  }
0x14: {  	s2 =	sld [smem:$0x3F79];
	s0 =	simm.s32 @p1 $0x1  }
0x15: {  	[smem:$0x3F96] =	sst s0;
	s0 =	simm.s32 @!p2 $0x0  }
0x16: {  	s3 =	sld [smem:$0x3FDB];
	s0 =	simm.s32 @p2 $0x1  }
0x17: {  	s4 =	simm.s32 $0x1BF5;
	[smem:$0x3F98] =	sst s0  }
0x18: {  	s0 =	sld [smem:$0x3F7B];
	_ =	swait.ge [sflag:s4], $0x0  }
0x19: {  	s7 =	sld [smem:$0x3F7C]  }
0x1a: {  	s8 =	sadd.s32 $0xFFFFE003, lr  }
0x1b: {  	s9 =	sadd.s32 $0xFFFFFEF7, lr;
	s5 =	simm.s32 $0xFFFFFFFF;
	p2 =	slt.u32 s8, $0xFFFFF086  }
0x1c: {  	p1 =	slt.u32 s9, $0xF7A;
	s5 =	simm.s32 @!p2 $0x0  }
0x1d: {  	s5 =	simm.s32 @p1 $0x1;
	p0 =	seq.s32 s7, s2  }
0x1e: {  	s7 =	smul.u32 @!p0 $0xF7A, s2;
	p2 =	seq.s32 @!p0 s5, $0x0  }
0x1f: {  	s9 =	smul.u32 $0xF7A, s1;
	s8 =	simm.s32 @!p0 $0x1BF5;
	p2 =	por !p2, p0  }
0x20: {  	[sflag:s8] =	ssyncset.s32 @!p0 $0xFFFFF086;
	s6 =	sadd.s32 @!p0 s3, s7;
	s7 =	simm.s32 @!p0 $0x108  }
0x21: {  	s3 =	sadd.s32 s3, s9;
	s6 =	sadd.s32 @!p0 $0x88, s6;
	s7 =	simm.s32 @p2 $0x1082  }
0x22: {  	[simem:s7], [sflag:s8] =	dma.local @!p0 [hbm:s6], $0xF7A  }
0x23: {  	s9 =	sor.u32 $0xD0000000, s2;
	s6 =	simm.s32 $0x108;
	_ =	swait.ge @!p0 [sflag:s8], $0x0  }
0x24: {  	s3 =	sadd.s32 $0x88, s3;
	s6 =	simm.s32 @!p1 $0x1082;
	[sflag:s4] =	ssyncset.s32 $0xFFFFF086  }
0x25: {  	[simem:s6], [sflag:s4] =	dma.local [hbm:s3], $0xF7A  }
0x26: {  	[smem:$0x3F7C] =	sst s1;
	(tag) =	ssettag s2;
	_ =	strace s9  }
0x27: {  	s1 =	sld [smem:$0x3F8C]  }
0x28: {  	s2 =	sld [smem:$0x3F8D]  }
0x29: {  	s4 =	sld [smem:$0x3F8F]  }
0x2a: {  	p0 =	seq.s32 s5, $0x0;
	s5 =	sld [smem:$0x3F90]  }
0x2b: {  	s6 =	sld [smem:$0x3F91]  }
0x2c: {  	s7 =	sld [smem:$0x3F92]  }
0x2d: {  	s3 =	simm.s32 $0x108;
	s8 =	sld [smem:$0x3F93]  }
0x2e: {  	s3 =	simm.s32 @!p0 $0x1082;
	s9 =	sld [smem:$0x3F94]  }
0x2f: {  	lr =	sadd.s32 s0, s3;
	s0 =	sld [smem:$0x3F8B]  }
0x30: {  	s3 =	sld [smem:$0x3F8E]  }
0x31: {  	[smem:$0x3F97] =	sst s10  }
0x32: {  	s10 =	sld [smem:$0x3F95];
	_ =	sdelay $0x3  }
0x33: {  	p0 =	seq.s32 s10, $0x1;
	s10 =	sld [smem:$0x3F97];
	_ =	sdelay $0x3  }
0x34: {  	[smem:$0x3F97] =	sst s10  }
0x35: {  	s10 =	sld [smem:$0x3F96];
	_ =	sdelay $0x3  }
0x36: {  	p1 =	seq.s32 s10, $0x1;
	s10 =	sld [smem:$0x3F97];
	_ =	sdelay $0x3  }
0x37: {  	[smem:$0x3F97] =	sst s10  }
0x38: {  	s10 =	sld [smem:$0x3F98]  }
0x39: {  	_ = 	snop;
	(pc) =	sbr.ind lr, $3  }
0x3a: {  	_ = 	snop  }
0x3b: {  	_ = 	snop  }
0x3c: {  	p2 =	seq.s32 s10, $0x1;
	s10 =	sld [smem:$0x3F97]  }
0x3d: {  	_ =	shalt  }
0x3e: {  	_ =	shalt  }
0x3f: {  	_ =	shalt  }
0x40: {  	_ =	shalt  }
0x41: {  	_ =	shalt  }
0x42: {  	_ =	shalt  }
0x43: {  	_ =	shalt  }
0x44: {  	_ =	shalt  }
0x45: {  	_ =	shalt  }
0x46: {  	_ =	shalt  }
0x47: {  	_ =	shalt  }
0x48: {  	_ =	shalt  }
0x49: {  	_ =	shalt  }
0x4a: {  	_ =	shalt  }
0x4b: {  	_ =	shalt  }
0x4c: {  	_ =	shalt  }
0x4d: {  	_ =	shalt  }
0x4e: {  	_ =	shalt  }
0x4f: {  	_ =	shalt  }
0x50: {  	_ =	shalt  }
0x51: {  	_ =	shalt  }
0x52: {  	_ =	shalt  }
0x53: {  	_ =	shalt  }
0x54: {  	_ =	shalt  }
0x55: {  	_ =	shalt  }
0x56: {  	_ =	shalt  }
0x57: {  	_ =	shalt  }
0x58: {  	_ =	shalt  }
0x59: {  	_ =	shalt  }
0x5a: {  	_ =	shalt  }
0x5b: {  	_ =	shalt  }
0x5c: {  	_ =	shalt  }
0x5d: {  	_ =	shalt  }
0x5e: {  	_ =	shalt  }
0x5f: {  	_ =	shalt  }
0x60: {  	_ =	shalt  }
0x61: {  	_ =	shalt  }
0x62: {  	_ =	shalt  }
0x63: {  	_ =	shalt  }
0x64: {  	_ =	shalt  }
0x65: {  	_ =	shalt  }
0x66: {  	_ =	shalt  }
0x67: {  	_ =	shalt  }
0x68: {  	_ =	shalt  }
0x69: {  	_ =	shalt  }
0x6a: {  	_ =	shalt  }
0x6b: {  	_ =	shalt  }
0x6c: {  	_ =	shalt  }
0x6d: {  	_ =	shalt  }
0x6e: {  	_ =	shalt  }
0x6f: {  	_ =	shalt  }
0x70: {  	_ =	shalt  }
0x71: {  	_ =	shalt  }
0x72: {  	_ =	shalt  }
0x73: {  	_ =	shalt  }
0x74: {  	_ =	shalt  }
0x75: {  	_ =	shalt  }
0x76: {  	_ =	shalt  }
0x77: {  	_ =	shalt  }
0x78: {  	_ =	shalt  }
0x79: {  	_ =	shalt  }
0x7a: {  	_ =	shalt  }
0x7b: {  	_ =	shalt  }
0x7c: {  	_ =	shalt  }
0x7d: {  	_ =	shalt  }
0x7e: {  	_ =	shalt  }
0x7f: {  	_ =	shalt  }
0x80: {  	_ =	shalt  }
0x81: {  	_ =	shalt  }
0x82: {  	_ =	shalt  }
0x83: {  	_ =	shalt  }
0x84: {  	_ =	shalt  }
0x85: {  	_ =	shalt  }
0x86: {  	_ =	shalt  }
0x87: {  	_ =	shalt  }
.Lfunc_end0:
.L_simem_size_0:
called_computation.2_lowered:
.L_overlay_start_0:
0x88: {  	s2 =	sld [smem:$0x3FD9]  }
0x89: {  	s3 =	sld [smem:$0x3FFE];
	_ =	sdelay $0x1  }
0x8a: {  	s1 =	srdreg.scid  }
0x8b: {  	s0 =	sand.u32 $0x1, s1  }
0x8c: {  	s15 =	sshll.u32 s0, $0xA;
	s2 =	sadd.s32 s3, s2  }
0x8d: {  	s2 =	sadd.s32 s2, s15  }
0x8e: {  	[smem:$0x3FA3] =	sst s2  }
0x8f: {  	_ = 	snop  }
0x90: {  	s2 =	sld [smem:$0x3FD0];
	_ =	sdelay $0x2  }
0x91: {  	s16 =	simm.s32 $0xB;
	s4 =	simm.s32 $0x10  }
0x92: {  	[smem:s4], [sflag:s16] =	dma.local [hbm:s2], $0x1  }
0x93: {  	_ =	swait.eq [sflag:s16], $0x1  }
0x94: {  	[sflag:s16] =	ssyncset.done $0x0  }
0x95: {  	[sflag:s16] =	ssyncadd.s32 $0xFFFFFFFF  }
0x96: {  	s17 =	sld [smem:$0x10];
	(tm) =	ssettm $0x1  }
0x97: {  	s18 =	sld [smem:$0x3FFB];
	_ =	sdelay $0x3  }
0x98: {  	_ =	strace s18  }
0x99: {  	s2 =	sld [smem:$0x3FFC];
	_ =	sdelay $0x3  }
0x9a: {  	_ =	strace s2  }
0x9b: {  	s2 =	sld [smem:$0x3FFD];
	_ =	sdelay $0x3  }
0x9c: {  	_ =	strace s2  }
0x9d: {  	_ =	strace $0x8FFFFFFF  }
0x9e: {  	s19 =	sld [smem:$0x3FDB];
	_ =	sdelay $0x1  }
0x9f: {  	s20 =	simm.s32 $_scs_section_size  }
0xa0: {  	s5 =	simm.s32 $_size__tile_overlayer_lowered;
	s6 =	simm.s32 $_tile_overlayer_lowered  }
0xa1: {  	s7 =	simm.s32 $0x1BFF;
	s21 =	sshll.u32 s6, $0x1;
	s4 =	sadd.s32 s20, s19  }
0xa2: {  	s22 =	simm.s32 $0x0;
	s5 =	sshll.u32 s5, $0x1;
	s6 =	sadd.s32 s21, s4  }
0xa3: {  	[timem:s22], [sflag:s7] =	dma.local [hbm:s6], s5  }
0xa4: {  	_ =	swait.ge [sflag:s7], s5  }
0xa5: {  	s5 =	ssub.s32 $0x0, s5;
	[sflag:s7] =	ssyncset.done $0x0  }
0xa6: {  	[sflag:s7] =	ssyncadd.s32 s5;
	_ =	sdelay $0x1  }
0xa7: {  	s23 =	simm.s32 $0x1B8B  }
0xa8: {  	_ =	swait.ge [sflag:s23], $0x1  }
0xa9: {  	[sflag:s23] =	ssyncset.done $0x0  }
0xaa: {  	[sflag:s23] =	ssyncadd.s32 $0xFFFFFFFF  }
0xab: {  	s5 =	sld [smem:$0x0]  }
0xac: {  	s6 =	sand.u32 $0xFFFFFFFE, s1  }
0xad: {  	p0 =	sne.s32 s1, s6  }
0xae: {  	s6 =	sshll.u32 @p0 s6, $0xE  }
0xaf: {  	s6 =	sadd.s32 @p0 $0x11B8D, s6;
	s7 =	sshll.u32 @p0 s5, $0x11  }
0xb0: {  	s6 =	sor.u32 @p0 s7, s6  }
0xb1: {  	[sflag:s6] =	ssyncadd.remote.s32 @p0 $0x1;
	_ =	sdelay $0x1  }
0xb2: {  	s6 =	simm.s32 @p0 $0x1B8D  }
0xb3: {  	_ =	swait.eq @p0 [sflag:s6], $0x1  }
0xb4: {  	[sflag:s6] =	ssyncadd.s32 @p0 $0xFFFFFFFF  }
0xb5: {  	s7 =	sshll.u32 @!p0 s1, $0xE  }
0xb6: {  	s7 =	sor.u32 @!p0 $0x4000, s7;
	s6 =	simm.s32 @!p0 $0x1B8D  }
0xb7: {  	s5 =	sshll.u32 @!p0 s5, $0x11;
	s7 =	sadd.s32 @!p0 $0x11B8D, s7;
	_ =	swait.eq @!p0 [sflag:s6], $0x1  }
0xb8: {  	s5 =	sor.u32 @!p0 s5, s7;
	[sflag:s6] =	ssyncadd.s32 @!p0 $0xFFFFFFFF  }
0xb9: {  	s25 =	simm.s32 $0x1B8E;
	s24 =	sld [smem:$0x3FFE];
	[sflag:s5] =	ssyncadd.remote.s32 @!p0 $0x1  }
0xba: {  	s26 =	simm.s32 $execute0_lowered;
	[smem:$0x3FD2] =	sst s25  }
0xbb: {  	s6 =	sshll.u32 s26, $0x1;
	_ =	strace $0x8000004F;
	[dreg:$0x1] =	wrdreg $0xFFFFFFFF  }
0xbc: {  	s28 =	simm.s32 $_size_execute0_lowered;
	s4 =	sadd.s32 s4, s6;
	[dreg:$0x0] =	wrdreg $0x0  }
0xbd: {  	s6 =	sshll.u32 s28, $0x1;
	[dreg:$0x2] =	wrdreg s4  }
0xbe: {  	[dreg:$0x3] =	wrdreg s6  }
0xbf: {  	[dreg:$0x4] =	wrdreg $0xC0  }
0xc0: {  	_ =	task [dreg:s22], $0x5FFFF  }
0xc1: {  	[dreg:$0x1] =	wrdreg $0xFFFFFFFF  }
0xc2: {  	[dreg:$0x0] =	wrdreg $0x60  }
0xc3: {  	[dreg:$0x2] =	wrdreg s24  }
0xc4: {  	[dreg:$0x3] =	wrdreg s17  }
0xc5: {  	[dreg:$0x4] =	wrdreg $0x0  }
0xc6: {  	[dreg:$0x5] =	wrdreg $0x9  }
0xc7: {  	_ =	task.clear_ibuf [dreg:s22], $0x6FFFF;
	_ =	strace $0x9000004F  }
0xc8: {  	s29 =	simm.s32 $0x9;
	_ =	strace $0x80000051  }
0xc9: {  	_ =	swait.ge [sflag:s29], $0x1  }
0xca: {  	[sflag:s29] =	ssyncadd.s32 $0xFFFFFFFF  }
0xcb: {  	_ =	strace $0x90000051  }
0xcc: {  	_ =	sfence  }
0xcd: {  	s30 =	sld [smem:$0x0];
	_ =	sdelay $0x2  }
0xce: {  	s31 =	sshll.u32 s1, $0xD;
	s1 =	sshrl.u32 s1, $0x2  }
0xcf: {  	s4 =	sand.u32 $0x4000, s31;
	s1 =	sadd.s32 s1, s30  }
0xd0: {  	s0 =	sor.u32 s4, s0;
	s1 =	sshll.u32 s1, $0x11  }
0xd1: {  	s0 =	sor.u32 s1, s0  }
0xd2: {  	s0 =	sadd.s32 $0x8F2B, s0  }
0xd3: {  	[sflag:s0] =	ssyncadd.remote.s32 $0x1  }
0xd4: {  	_ =	sfence.sel $0xFFFF  }
0xd5: {  	[dreg:$0x0] =	wrdreg $0xFFFFFFFF;
	(pc) =	sbr.abs _section_cstart, $3  }
0xd6: {  	[dreg:$0x1] =	wrdreg $0xFFFFFFFF  }
0xd7: {  	_ =	task.clear_ibuf [dreg:s22], $0x2FFFF;
	_ =	strace $0x9FFFFFFF  }
0xd8: {  	(tm) =	ssettm $0x7FFFFFFF  }
0xd9: {  	_ =	shalt  }
tec
execute0_lowered:
.L_overlay_start_1:
0x0: {  	(tag) =	ssettag $0x1  }
0x1: {  	s0 =	rddreg [dreg:$0x0]  }
0x2: {  	s2 =	rddreg [dreg:$0x1];
	s1 =	srdreg.scid  }
0x3: {  	s9 =	stileid.u32;
	s3 =	rddreg [dreg:$0x2];
	s5 =	simm.s32 $0x0  }
0x4: {  	s28 =	simm.s32 $0x80;
	s29 =	simm.s32 $0x13900;
	s30 =	simm.s32 $0x1  }
0x5: {  	s31 =	simm.s32 $0x17900;
	s1 =	sand.u32 $0x1, s1;
	s4 =	sshll.u32 s9, $0x1  }
0x6: {  	[smem:$0x7FF] =	sst s5;
	s5 =	sadd.s32 $0x4800, s0;
	s8 =	smul.u32 $0x4E400, s9  }
0x7: {  	s15 =	smul.u32 $0x13900, s9;
	s23 =	sshll.u32 s9, $0x6;
	s4 =	sor.u32 s1, s4  }
0x8: {  	_ =	strace $0x80000050;
	s6 =	ssub.s32 $0x2, s1;
	s1 =	smul.u32 $0x139000, s1  }
0x9: {  	s4 =	smul.u32 $0x280, s4;
	s7 =	sshrl.u32 s6, $0x1;
	s22 =	sshrl.u32 s8, $0x2  }
0xa: {  	s24 =	sadd.s32 $0x10000, s15;
	s16 =	sadd.s32 $0x4000, s15;
	s17 =	sadd.s32 $0x8000, s15  }
0xb: {  	s21 =	sadd.s32 $0xC000, s15;
	s13 =	ssub.s32 s6, s7;
	s6 =	sadd.s32 s22, s3  }
0xc: {  	s7 =	sor.u32 $0x1C03, s23;
	s25 =	sadd.s32 s24, s3;
	s10 =	sadd.s32 s1, s24  }
0xd: {  	s11 =	sadd.s32 s1, s15;
	s24 =	sadd.s32 s1, s16;
	s22 =	sadd.s32 s15, s3  }
0xe: {  	s18 =	sadd.s32 s1, s17;
	s23 =	sadd.s32 s16, s3;
	s1 =	sadd.s32 s1, s21  }
0xf: {  	s4 =	sadd.s32 s4, s0;
	s0 =	sadd.s32 $0x4F200, s0;
	[dreg:$0x4] =	wrdreg s25  }
0x10: {  	s12 =	sshrl.u32 s10, $0x3;
	s14 =	sshrl.u32 s11, $0x3;
	s13 =	smax.u32 s13, $0x1  }
0x11: {  	s9 =	sadd.s32 $0x4000, s6;
	s19 =	sadd.s32 $0x8000, s6;
	s20 =	sadd.s32 $0xC000, s6  }
0x12: {  	s25 =	sshrl.u32 s18, $0x3;
	s1 =	sshrl.u32 s1, $0x3;
	s22 =	sshrl.u32 s22, $0x3  }
0x13: {  	s23 =	sshrl.u32 s23, $0x3;
	s26 =	sadd.s32 $0x42400, s4;
	s10 =	sadd.s32 $0x3D400, s4  }
0x14: {  	s11 =	sadd.s32 s0, s12;
	s12 =	sadd.s32 s0, s14;
	s14 =	sshrl.u32 s24, $0x3  }
0x15: {  	s15 =	sadd.s32 s0, s25;
	s24 =	sadd.s32 s17, s3;
	s16 =	sadd.s32 s0, s1  }
0x16: {  	s17 =	simm.s32 $0x3;
	s18 =	sshrl.u32 s9, $0x3;
	s19 =	sshrl.u32 s19, $0x3  }
0x17: {  	s20 =	sshrl.u32 s20, $0x3;
	s1 =	simm.s32 $0x2;
	[dreg:$0x5] =	wrdreg s26  }
0x18: {  	s14 =	sadd.s32 s0, s14;
	s26 =	sadd.s32 s21, s3;
	s21 =	simm.s32 $0x1B900  }
0x19: {  	s24 =	sshrl.u32 s24, $0x3;
	s25 =	sshrl.u32 s26, $0x3;
	s26 =	simm.s32 $0x0  }
.LBB2_1:
0x1a: {  	s0 =	sshrl.u32 s6, $0x3  }
0x1b: {  	[spmem:s0], [sflag:s7] =	dma.local [hbm:s5], $0x800  }
0x1c: {  	_ =	swait.ge [sflag:s17], $0x800  }
0x1d: {  	[sflag:s17] =	ssyncset.done $0x0  }
0x1e: {  	[sflag:s17] =	ssyncadd.s32 $0xFFFFF800  }
0x1f: {  	[spmem:s18], [sflag:s7] =	dma.local [hbm:s5], $0x800  }
0x20: {  	_ =	swait.ge [sflag:s17], $0x800  }
0x21: {  	[sflag:s17] =	ssyncset.done $0x0  }
0x22: {  	[sflag:s17] =	ssyncadd.s32 $0xFFFFF800  }
0x23: {  	[spmem:s19], [sflag:s7] =	dma.local [hbm:s5], $0x800  }
0x24: {  	_ =	swait.ge [sflag:s17], $0x800  }
0x25: {  	[sflag:s17] =	ssyncset.done $0x0  }
0x26: {  	[sflag:s17] =	ssyncadd.s32 $0xFFFFF800  }
0x27: {  	[spmem:s20], [sflag:s7] =	dma.local [hbm:s5], $0x800  }
0x28: {  	_ =	swait.ge [sflag:s17], $0x800  }
0x29: {  	[sflag:s17] =	ssyncset.done $0x0;
	s8 =	rddreg [dreg:$0x4]  }
0x2a: {  	[sflag:s17] =	ssyncadd.s32 $0xFFFFF800;
	s0 =	sshrl.u32 s8, $0x3  }
0x2b: {  	[spmem:s0], [sflag:s7] =	dma.local [hbm:s5], $0x720  }
0x2c: {  	_ =	swait.ge [sflag:s17], $0x720  }
0x2d: {  	[sflag:s17] =	ssyncset.done $0x0  }
0x2e: {  	[sflag:s17] =	ssyncadd.s32 $0xFFFFF8E0  }
0x2f: {  	[bflag:$0x0] =	sbarrier.arrive $0xFFFF  }
0x30: {  	s4 =	simm.s32 $0x0;
	s8 =	rddreg [dreg:$0x5]  }
0x31: {  	[tilespmem:s21], [sflag:$0x3] =	stream.linear.gather [hbm4b:s8+s4], $0x1400, $0x38;
	[tilespmem:$0x1E100] =	vst v63  }
0x32: {  	_ =	swait.ge [sflag:s17], $0x1400  }
0x33: {  	[sflag:s17] =	ssyncset.done $0x0  }
0x34: {  	s9 =	simm.s32 $0x1CD00;
	[sflag:s17] =	ssyncadd.s32 $0xFFFFEC00  }
0x35: {  	[tilespmem:s9], [sflag:$0x3] =	stream.linear.gather [hbm4b:s10+s4], $0x1400, $0x38;
	[tilespmem:$0x1E100] =	vst v63  }
0x36: {  	_ =	swait.ge [sflag:s17], $0x1400  }
0x37: {  	[sflag:s17] =	ssyncset.done $0x0  }
0x38: {  	[sflag:s17] =	ssyncadd.s32 $0xFFFFEC00  }
0x39: {  	[tilespmem:s29], [sflag:$0x1] =	stream.indirect.gather [hbm4b:s2+s28], $0x80, s21, s28, $0xb8;
	[tilespmem:$0x1E100] =	vst v63  }
0x3a: {  	_ =	swait.ge [sflag:s30], $0x4000  }
0x3b: {  	[sflag:s30] =	ssyncset.done $0x0  }
0x3c: {  	s8 =	simm.s32 $0x1B980;
	[sflag:s30] =	ssyncadd.s32 $0xFFFFC000  }
0x3d: {  	[tilespmem:s31], [sflag:$0x2] =	stream.indirect.gather [hbm4b:s2+s28], $0x80, s8, s28, $0xb8;
	[tilespmem:$0x1E100] =	vst v63  }
0x3e: {  	s9 =	simm.s32 $0x1CD00  }
0x3f: {  	[spmem:s3] =	stream.indirect.scatter.add.f32 [tilespmem:s29], [sflag:$0x3], $0x80, s9, s28, $0xb8;
	[tilespmem:$0x1E100] =	vst v63  }
0x40: {  	_ =	swait.ge [sflag:s17], $0x4000  }
0x41: {  	[sflag:s17] =	ssyncset.done $0x0  }
0x42: {  	[sflag:s17] =	ssyncadd.s32 $0xFFFFC000  }
0x43: {  	_ =	swait.ge [sflag:s1], $0x4000  }
0x44: {  	[sflag:s1] =	ssyncset.done $0x0  }
0x45: {  	s8 =	simm.s32 $0x1BA00;
	[sflag:s1] =	ssyncadd.s32 $0xFFFFC000  }
0x46: {  	[tilespmem:s29], [sflag:$0x1] =	stream.indirect.gather [hbm4b:s2+s28], $0x80, s8, s28, $0xb8;
	[tilespmem:$0x1E100] =	vst v63  }
0x47: {  	s9 =	simm.s32 $0x1CD80  }
0x48: {  	[spmem:s3] =	stream.indirect.scatter.add.f32 [tilespmem:s31], [sflag:$0x3], $0x80, s9, s28, $0xb8;
	[tilespmem:$0x1E100] =	vst v63  }
0x49: {  	_ =	swait.ge [sflag:s17], $0x4000  }
0x4a: {  	s4 =	simm.s32 $0x400;
	[sflag:s17] =	ssyncset.done $0x0  }
.LBB2_2:
0x4b: {  	p0 =	sne.s32 s4, $0x4800  }
0x4c: {  	[sflag:s17] =	ssyncadd.s32 $0xFFFFC000;
	s8 =	smov.u32 s4;
	s4 =	sadd.s32 $0x400, s4  }
0x4d: {  	_ = 	snop  }
0x4e: {  	_ =	swait.ge [sflag:s30], $0x4000  }
0x4f: {  	s8 =	sshra.s32 s8, $0x2;
	[sflag:s30] =	ssyncset.done $0x0  }
0x50: {  	s9 =	sadd.s32 $0x1B980, s8;
	[sflag:s30] =	ssyncadd.s32 $0xFFFFC000  }
0x51: {  	[tilespmem:s31], [sflag:$0x2] =	stream.indirect.gather [hbm4b:s2+s28], $0x80, s9, s28, $0xb8;
	[tilespmem:$0x1E100] =	vst v63  }
0x52: {  	s9 =	sadd.s32 $0x1CD00, s8  }
0x53: {  	[spmem:s3] =	stream.indirect.scatter.add.f32 [tilespmem:s29], [sflag:$0x3], $0x80, s9, s28, $0xb8;
	[tilespmem:$0x1E100] =	vst v63  }
0x54: {  	_ =	swait.ge [sflag:s17], $0x4000  }
0x55: {  	[sflag:s17] =	ssyncset.done $0x0  }
0x56: {  	[sflag:s17] =	ssyncadd.s32 $0xFFFFC000  }
0x57: {  	_ =	swait.ge [sflag:s1], $0x4000  }
0x58: {  	[sflag:s1] =	ssyncset.done $0x0  }
0x59: {  	s9 =	sadd.s32 $0x1BA00, s8;
	[sflag:s1] =	ssyncadd.s32 $0xFFFFC000  }
0x5a: {  	[tilespmem:s29], [sflag:$0x1] =	stream.indirect.gather [hbm4b:s2+s28], $0x80, s9, s28, $0xb8;
	[tilespmem:$0x1E100] =	vst v63  }
.Ltmp0:
0x5b: {  	_ = 	snop;
	(pc) =	sbr.rel @p0 .LBB2_2-.Ltmp0, $4  }
0x5c: {  	s8 =	sadd.s32 $0x1CD80, s8  }
0x5d: {  	[spmem:s3] =	stream.indirect.scatter.add.f32 [tilespmem:s31], [sflag:$0x3], $0x80, s8, s28, $0xb8;
	[tilespmem:$0x1E100] =	vst v63  }
0x5e: {  	_ =	swait.ge [sflag:s17], $0x4000  }
0x5f: {  	[sflag:s17] =	ssyncset.done $0x0  }
0x60: {  	[sflag:s17] =	ssyncadd.s32 $0xFFFFC000  }
0x61: {  	_ =	swait.ge [sflag:s30], $0x4000  }
0x62: {  	[sflag:s30] =	ssyncset.done $0x0  }
0x63: {  	s4 =	simm.s32 $0x1CC80;
	[sflag:s30] =	ssyncadd.s32 $0xFFFFC000  }
0x64: {  	[tilespmem:s31], [sflag:$0x2] =	stream.indirect.gather [hbm4b:s2+s28], $0x80, s4, s28, $0xb8;
	[tilespmem:$0x1E100] =	vst v63  }
0x65: {  	s8 =	simm.s32 $0x1E000  }
0x66: {  	[spmem:s3] =	stream.indirect.scatter.add.f32 [tilespmem:s29], [sflag:$0x3], $0x80, s8, s28, $0xb8;
	[tilespmem:$0x1E100] =	vst v63  }
0x67: {  	_ =	swait.ge [sflag:s17], $0x4000  }
0x68: {  	[sflag:s17] =	ssyncset.done $0x0  }
0x69: {  	[sflag:s17] =	ssyncadd.s32 $0xFFFFC000  }
0x6a: {  	_ =	swait.ge [sflag:s1], $0x4000  }
0x6b: {  	[sflag:s1] =	ssyncset.done $0x0  }
0x6c: {  	s9 =	simm.s32 $0x1E080;
	[sflag:s1] =	ssyncadd.s32 $0xFFFFC000  }
0x6d: {  	[spmem:s3] =	stream.indirect.scatter.add.f32 [tilespmem:s31], [sflag:$0x3], $0x80, s9, s28, $0xb8;
	[tilespmem:$0x1E100] =	vst v63  }
0x6e: {  	_ =	swait.ge [sflag:s17], $0x4000  }
0x6f: {  	[sflag:s17] =	ssyncset.done $0x0  }
0x70: {  	[sflag:s17] =	ssyncadd.s32 $0xFFFFC000  }
0x71: {  	[bflag:$0x0] =	sbarrier.arrive $0xFFFF  }
0x72: {  	[hbm:s12], [sflag:s7] =	dma.local [spmem:s22], $0x800  }
0x73: {  	_ =	swait.ge [sflag:s17], $0x800  }
0x74: {  	[sflag:s17] =	ssyncset.done $0x0  }
0x75: {  	[sflag:s17] =	ssyncadd.s32 $0xFFFFF800  }
0x76: {  	[hbm:s14], [sflag:s7] =	dma.local [spmem:s23], $0x800  }
0x77: {  	_ =	swait.ge [sflag:s17], $0x800  }
0x78: {  	[sflag:s17] =	ssyncset.done $0x0  }
0x79: {  	[sflag:s17] =	ssyncadd.s32 $0xFFFFF800  }
0x7a: {  	[hbm:s15], [sflag:s7] =	dma.local [spmem:s24], $0x800  }
0x7b: {  	_ =	swait.ge [sflag:s17], $0x800  }
0x7c: {  	[sflag:s17] =	ssyncset.done $0x0  }
0x7d: {  	[sflag:s17] =	ssyncadd.s32 $0xFFFFF800  }
0x7e: {  	[hbm:s16], [sflag:s7] =	dma.local [spmem:s25], $0x800  }
0x7f: {  	s26 =	sadd.s32 $0x1, s26;
	_ =	swait.ge [sflag:s17], $0x800  }
0x80: {  	p0 =	sne.s32 s26, s13;
	[sflag:s17] =	ssyncset.done $0x0  }
.Ltmp1:
0x81: {  	[sflag:s17] =	ssyncadd.s32 $0xFFFFF800;
	(pc) =	sbr.rel @p0 .LBB2_1-.Ltmp1, $4  }
0x82: {  	[hbm:s11], [sflag:s7] =	dma.local [spmem:s0], $0x720  }
0x83: {  	_ =	swait.ge [sflag:s17], $0x720  }
0x84: {  	[sflag:s17] =	ssyncset.done $0x0  }
0x85: {  	[sflag:s17] =	ssyncadd.s32 $0xFFFFF8E0  }
0x86: {  	_ =	sfence.sel $0x180000  }
0x87: {  	[bflag:$0x0] =	sbarrier.arrive $0xFFFF  }
0x88: {  	_ =	strace $0x90000050  }
0x89: {  	s0 =	stileid.u32;
	[bflag:$0x2] =	sbarrier.arrive $0xFFFF  }
0x8a: {  	p0 =	sne.s32 s0, $0x0;
	s0 =	rddreg [dreg:$0x3]  }
0x8b: {  	s0 =	sadd.s32 @!p0 $0x100000, s0  }
0x8c: {  	[sflag:s0] =	ssyncadd.tile.s32 @!p0 $0x1;
	_ =	shalt  }
.Lfunc_end2:
_tile_overlayer_lowered:
.L_overlay_start_2:
0x8d: {  	(tag) =	ssettag $0x2  }
0x8e: {  	s0 =	rddreg [dreg:$0x0];
	s2 =	stileid.u32  }
0x8f: {  	s1 =	rddreg [dreg:$0x1];
	p0 =	sne.s32 s2, $0x0  }
0x90: {  	s3 =	rddreg [dreg:$0x2];
	[bflag:$0x3] =	sbarrier.arrive $0xFFFF;
	s2 =	simm.s32 @!p0 $0x1C03  }
0x91: {  	[timem:s3], [sflag:s2] =	dma.local @!p0 [hbm:s0], s1  }
0x92: {  	s0 =	simm.s32 @!p0 $0x3  }
0x93: {  	_ =	swait.ge @!p0 [sflag:s0], s1  }
0x94: {  	s1 =	ssub.s32 @!p0 $0x0, s1;
	[sflag:s0] =	ssyncset.done @!p0 $0x0  }
0x95: {  	[sflag:s0] =	ssyncadd.s32 @!p0 s1  }
0x96: {  	[bflag:$0x3] =	sbarrier.arrive $0xFFFF  }
0x97: {  	_ =	shalt  }

// kernel: kernel.20.cloned.1.call-start
scs
__scs_entry_jumppad:
0x0: {  	(pc) =	sbr.rel $0x88, $3  }
0x1: {  	(tag) =	ssettag $0x0;
	lr =	simm.s32 $0x1  }
0x2: {  	[smem:$0x3F7C] =	sst lr;
	_ =	strace $0xD0000000  }
0x3: {  	_ = 	snop  }
0x4: {  	_ = 	snop  }
0x5: {  	_ = 	snop  }
0x6: {  	_ = 	snop  }
0x7: {  	_ = 	snop  }
__scs_overlays_trampoline_lowered:
0x8: {  	[smem:$0x3F8B] =	sst s0  }
0x9: {  	[smem:$0x3F8C] =	sst s1  }
0xa: {  	[smem:$0x3F8D] =	sst s2  }
0xb: {  	[smem:$0x3F8E] =	sst s3  }
0xc: {  	[smem:$0x3F8F] =	sst s4  }
0xd: {  	[smem:$0x3F90] =	sst s5  }
0xe: {  	[smem:$0x3F91] =	sst s6  }
0xf: {  	[smem:$0x3F92] =	sst s7  }
0x10: {  	[smem:$0x3F93] =	sst s8  }
0x11: {  	[smem:$0x3F94] =	sst s9;
	s0 =	simm.s32 @!p0 $0x0  }
0x12: {  	s1 =	sld [smem:$0x3F7A];
	s0 =	simm.s32 @p0 $0x1  }
0x13: {  	[smem:$0x3F95] =	sst s0;
	s0 =	simm.s32 @!p1 $0x0  }
0x14: {  	s2 =	sld [smem:$0x3F79];
	s0 =	simm.s32 @p1 $0x1  }
0x15: {  	[smem:$0x3F96] =	sst s0;
	s0 =	simm.s32 @!p2 $0x0  }
0x16: {  	s3 =	sld [smem:$0x3FDB];
	s0 =	simm.s32 @p2 $0x1  }
0x17: {  	s4 =	simm.s32 $0x1BF5;
	[smem:$0x3F98] =	sst s0  }
0x18: {  	s0 =	sld [smem:$0x3F7B];
	_ =	swait.ge [sflag:s4], $0x0  }
0x19: {  	s7 =	sld [smem:$0x3F7C]  }
0x1a: {  	s8 =	sadd.s32 $0xFFFFE003, lr  }
0x1b: {  	s9 =	sadd.s32 $0xFFFFFEF7, lr;
	s5 =	simm.s32 $0xFFFFFFFF;
	p2 =	slt.u32 s8, $0xFFFFF086  }
0x1c: {  	p1 =	slt.u32 s9, $0xF7A;
	s5 =	simm.s32 @!p2 $0x0  }
0x1d: {  	s5 =	simm.s32 @p1 $0x1;
	p0 =	seq.s32 s7, s2  }
0x1e: {  	s7 =	smul.u32 @!p0 $0xF7A, s2;
	p2 =	seq.s32 @!p0 s5, $0x0  }
0x1f: {  	s9 =	smul.u32 $0xF7A, s1;
	s8 =	simm.s32 @!p0 $0x1BF5;
	p2 =	por !p2, p0  }
0x20: {  	[sflag:s8] =	ssyncset.s32 @!p0 $0xFFFFF086;
	s6 =	sadd.s32 @!p0 s3, s7;
	s7 =	simm.s32 @!p0 $0x108  }
0x21: {  	s3 =	sadd.s32 s3, s9;
	s6 =	sadd.s32 @!p0 $0x88, s6;
	s7 =	simm.s32 @p2 $0x1082  }
0x22: {  	[simem:s7], [sflag:s8] =	dma.local @!p0 [hbm:s6], $0xF7A  }
0x23: {  	s9 =	sor.u32 $0xD0000000, s2;
	s6 =	simm.s32 $0x108;
	_ =	swait.ge @!p0 [sflag:s8], $0x0  }
0x24: {  	s3 =	sadd.s32 $0x88, s3;
	s6 =	simm.s32 @!p1 $0x1082;
	[sflag:s4] =	ssyncset.s32 $0xFFFFF086  }
0x25: {  	[simem:s6], [sflag:s4] =	dma.local [hbm:s3], $0xF7A  }
0x26: {  	[smem:$0x3F7C] =	sst s1;
	(tag) =	ssettag s2;
	_ =	strace s9  }
0x27: {  	s1 =	sld [smem:$0x3F8C]  }
0x28: {  	s2 =	sld [smem:$0x3F8D]  }
0x29: {  	s4 =	sld [smem:$0x3F8F]  }
0x2a: {  	p0 =	seq.s32 s5, $0x0;
	s5 =	sld [smem:$0x3F90]  }
0x2b: {  	s6 =	sld [smem:$0x3F91]  }
0x2c: {  	s7 =	sld [smem:$0x3F92]  }
0x2d: {  	s3 =	simm.s32 $0x108;
	s8 =	sld [smem:$0x3F93]  }
0x2e: {  	s3 =	simm.s32 @!p0 $0x1082;
	s9 =	sld [smem:$0x3F94]  }
0x2f: {  	lr =	sadd.s32 s0, s3;
	s0 =	sld [smem:$0x3F8B]  }
0x30: {  	s3 =	sld [smem:$0x3F8E]  }
0x31: {  	[smem:$0x3F97] =	sst s10  }
0x32: {  	s10 =	sld [smem:$0x3F95];
	_ =	sdelay $0x3  }
0x33: {  	p0 =	seq.s32 s10, $0x1;
	s10 =	sld [smem:$0x3F97];
	_ =	sdelay $0x3  }
0x34: {  	[smem:$0x3F97] =	sst s10  }
0x35: {  	s10 =	sld [smem:$0x3F96];
	_ =	sdelay $0x3  }
0x36: {  	p1 =	seq.s32 s10, $0x1;
	s10 =	sld [smem:$0x3F97];
	_ =	sdelay $0x3  }
0x37: {  	[smem:$0x3F97] =	sst s10  }
0x38: {  	s10 =	sld [smem:$0x3F98]  }
0x39: {  	_ = 	snop;
	(pc) =	sbr.ind lr, $3  }
0x3a: {  	_ = 	snop  }
0x3b: {  	_ = 	snop  }
0x3c: {  	p2 =	seq.s32 s10, $0x1;
	s10 =	sld [smem:$0x3F97]  }
0x3d: {  	_ =	shalt  }
0x3e: {  	_ =	shalt  }
0x3f: {  	_ =	shalt  }
0x40: {  	_ =	shalt  }
0x41: {  	_ =	shalt  }
0x42: {  	_ =	shalt  }
0x43: {  	_ =	shalt  }
0x44: {  	_ =	shalt  }
0x45: {  	_ =	shalt  }
0x46: {  	_ =	shalt  }
0x47: {  	_ =	shalt  }
0x48: {  	_ =	shalt  }
0x49: {  	_ =	shalt  }
0x4a: {  	_ =	shalt  }
0x4b: {  	_ =	shalt  }
0x4c: {  	_ =	shalt  }
0x4d: {  	_ =	shalt  }
0x4e: {  	_ =	shalt  }
0x4f: {  	_ =	shalt  }
0x50: {  	_ =	shalt  }
0x51: {  	_ =	shalt  }
0x52: {  	_ =	shalt  }
0x53: {  	_ =	shalt  }
0x54: {  	_ =	shalt  }
0x55: {  	_ =	shalt  }
0x56: {  	_ =	shalt  }
0x57: {  	_ =	shalt  }
0x58: {  	_ =	shalt  }
0x59: {  	_ =	shalt  }
0x5a: {  	_ =	shalt  }
0x5b: {  	_ =	shalt  }
0x5c: {  	_ =	shalt  }
0x5d: {  	_ =	shalt  }
0x5e: {  	_ =	shalt  }
0x5f: {  	_ =	shalt  }
0x60: {  	_ =	shalt  }
0x61: {  	_ =	shalt  }
0x62: {  	_ =	shalt  }
0x63: {  	_ =	shalt  }
0x64: {  	_ =	shalt  }
0x65: {  	_ =	shalt  }
0x66: {  	_ =	shalt  }
0x67: {  	_ =	shalt  }
0x68: {  	_ =	shalt  }
0x69: {  	_ =	shalt  }
0x6a: {  	_ =	shalt  }
0x6b: {  	_ =	shalt  }
0x6c: {  	_ =	shalt  }
0x6d: {  	_ =	shalt  }
0x6e: {  	_ =	shalt  }
0x6f: {  	_ =	shalt  }
0x70: {  	_ =	shalt  }
0x71: {  	_ =	shalt  }
0x72: {  	_ =	shalt  }
0x73: {  	_ =	shalt  }
0x74: {  	_ =	shalt  }
0x75: {  	_ =	shalt  }
0x76: {  	_ =	shalt  }
0x77: {  	_ =	shalt  }
0x78: {  	_ =	shalt  }
0x79: {  	_ =	shalt  }
0x7a: {  	_ =	shalt  }
0x7b: {  	_ =	shalt  }
0x7c: {  	_ =	shalt  }
0x7d: {  	_ =	shalt  }
0x7e: {  	_ =	shalt  }
0x7f: {  	_ =	shalt  }
0x80: {  	_ =	shalt  }
0x81: {  	_ =	shalt  }
0x82: {  	_ =	shalt  }
0x83: {  	_ =	shalt  }
0x84: {  	_ =	shalt  }
0x85: {  	_ =	shalt  }
0x86: {  	_ =	shalt  }
0x87: {  	_ =	shalt  }
.Lfunc_end0:
.L_simem_size_0:
called_computation.3_lowered:
.L_overlay_start_0:
0x88: {  	s2 =	sld [smem:$0x3FD9]  }
0x89: {  	s3 =	sld [smem:$0x3FFE];
	_ =	sdelay $0x1  }
0x8a: {  	s1 =	srdreg.scid  }
0x8b: {  	s0 =	sand.u32 $0x1, s1  }
0x8c: {  	s14 =	sshll.u32 s0, $0xA;
	s2 =	sadd.s32 s3, s2  }
0x8d: {  	s2 =	sadd.s32 s2, s14  }
0x8e: {  	[smem:$0x3FA3] =	sst s2  }
0x8f: {  	_ = 	snop  }
0x90: {  	s2 =	sld [smem:$0x3FD0];
	_ =	sdelay $0x2  }
0x91: {  	s15 =	simm.s32 $0xB;
	s4 =	simm.s32 $0x10  }
0x92: {  	[smem:s4], [sflag:s15] =	dma.local [hbm:s2], $0x1  }
0x93: {  	_ =	swait.eq [sflag:s15], $0x1  }
0x94: {  	[sflag:s15] =	ssyncset.done $0x0  }
0x95: {  	[sflag:s15] =	ssyncadd.s32 $0xFFFFFFFF  }
0x96: {  	s16 =	sld [smem:$0x11];
	(tm) =	ssettm $0x1  }
0x97: {  	s17 =	sld [smem:$0x3FFB];
	_ =	sdelay $0x3  }
0x98: {  	_ =	strace s17  }
0x99: {  	s3 =	sld [smem:$0x3FFC];
	_ =	sdelay $0x3  }
0x9a: {  	_ =	strace s3  }
0x9b: {  	s3 =	sld [smem:$0x3FFD];
	_ =	sdelay $0x3  }
0x9c: {  	_ =	strace s3  }
0x9d: {  	_ =	strace $0x8FFFFFFF  }
0x9e: {  	s18 =	sld [smem:$0x3FDB];
	_ =	sdelay $0x1  }
0x9f: {  	s19 =	simm.s32 $_scs_section_size  }
0xa0: {  	s5 =	simm.s32 $_size__tile_overlayer_lowered;
	s6 =	simm.s32 $_tile_overlayer_lowered  }
0xa1: {  	s22 =	simm.s32 $0x1BFF;
	s21 =	sshll.u32 s6, $0x1;
	s3 =	sadd.s32 s19, s18  }
0xa2: {  	s7 =	simm.s32 $0x0;
	s20 =	sshll.u32 s5, $0x1;
	s5 =	sadd.s32 s21, s3  }
0xa3: {  	[timem:s7], [sflag:s22] =	dma.local [hbm:s5], s20  }
0xa4: {  	_ =	swait.ge [sflag:s22], s20  }
0xa5: {  	s4 =	ssub.s32 $0x0, s20;
	[sflag:s22] =	ssyncset.done $0x0  }
0xa6: {  	[sflag:s22] =	ssyncadd.s32 s4;
	_ =	sdelay $0x1  }
0xa7: {  	s23 =	simm.s32 $0x1B8B  }
0xa8: {  	_ =	swait.ge [sflag:s23], $0x1  }
0xa9: {  	[sflag:s23] =	ssyncset.done $0x0  }
0xaa: {  	s25 =	simm.s32 $0x1B8E;
	s24 =	sld [smem:$0x3FFE];
	[sflag:s23] =	ssyncadd.s32 $0xFFFFFFFF  }
0xab: {  	s26 =	simm.s32 $execute0_lowered;
	[smem:$0x3FD2] =	sst s25  }
0xac: {  	s5 =	sshll.u32 s26, $0x1;
	_ =	strace $0x8000004C;
	[dreg:$0x1] =	wrdreg $0xFFFFFFFF  }
0xad: {  	s28 =	simm.s32 $_size_execute0_lowered;
	s3 =	sadd.s32 s3, s5;
	[dreg:$0x0] =	wrdreg $0x0  }
0xae: {  	s5 =	sshll.u32 s28, $0x1;
	[dreg:$0x2] =	wrdreg s3  }
0xaf: {  	[dreg:$0x3] =	wrdreg s5  }
0xb0: {  	[dreg:$0x4] =	wrdreg $0xC0  }
0xb1: {  	_ =	task [dreg:s7], $0x5FFFF  }
0xb2: {  	[dreg:$0x1] =	wrdreg $0xFFFFFFFF  }
0xb3: {  	[dreg:$0x0] =	wrdreg $0x60  }
0xb4: {  	[dreg:$0x2] =	wrdreg s24  }
0xb5: {  	[dreg:$0x3] =	wrdreg s16  }
0xb6: {  	[dreg:$0x4] =	wrdreg $0x0  }
0xb7: {  	[dreg:$0x5] =	wrdreg $0x1F800  }
0xb8: {  	[dreg:$0x6] =	wrdreg $0xA  }
0xb9: {  	_ =	task.clear_ibuf [dreg:s7], $0x7FFFF;
	_ =	strace $0x9000004C  }
0xba: {  	s29 =	simm.s32 $0xA;
	_ =	strace $0x8000004E  }
0xbb: {  	_ =	swait.ge [sflag:s29], $0x1  }
0xbc: {  	[sflag:s29] =	ssyncadd.s32 $0xFFFFFFFF  }
0xbd: {  	_ =	strace $0x9000004E  }
0xbe: {  	_ =	sfence  }
0xbf: {  	s30 =	sld [smem:$0x0];
	_ =	sdelay $0x2  }
0xc0: {  	s31 =	sshll.u32 s1, $0xD;
	s1 =	sshrl.u32 s1, $0x2  }
0xc1: {  	s3 =	sand.u32 $0x4000, s31;
	s1 =	sadd.s32 s1, s30  }
0xc2: {  	s0 =	sor.u32 s3, s0;
	s1 =	sshll.u32 s1, $0x11  }
0xc3: {  	s0 =	sor.u32 s1, s0  }
0xc4: {  	s0 =	sadd.s32 $0x8F2B, s0  }
0xc5: {  	[sflag:s0] =	ssyncadd.remote.s32 $0x1  }
0xc6: {  	_ =	sfence.sel $0xFFFF  }
0xc7: {  	[dreg:$0x0] =	wrdreg $0xFFFFFFFF;
	(pc) =	sbr.abs _section_cstart, $3  }
0xc8: {  	[dreg:$0x1] =	wrdreg $0xFFFFFFFF  }
0xc9: {  	_ =	task.clear_ibuf [dreg:s7], $0x2FFFF;
	_ =	strace $0x9FFFFFFF  }
0xca: {  	(tm) =	ssettm $0x7FFFFFFF  }
0xcb: {  	_ =	shalt  }
tec
execute0_lowered:
.L_overlay_start_1:
0x0: {  	(tag) =	ssettag $0x1  }
0x1: {  	s21 =	rddreg [dreg:$0x0]  }
0x2: {  	s1 =	srdreg.scid;
	s0 =	stileid.u32  }
0x3: {  	s2 =	rddreg [dreg:$0x1];
	s1 =	sand.u32 $0x1, s1;
	s4 =	sshll.u32 s0, $0x1  }
0x4: {  	s3 =	rddreg [dreg:$0x2];
	s5 =	sor.u32 s1, s4  }
0x5: {  	s4 =	rddreg [dreg:$0x3];
	s6 =	smul.u32 $0x50, s5;
	s5 =	simm.s32 $0x0  }
0x6: {  	s16 =	simm.s32 $0xBF80;
	[smem:$0x7FF] =	sst s5  }
0x7: {  	s17 =	simm.s32 $0xC000;
	_ =	strace $0x8000004D;
	[dreg:$0xb] =	wrdreg s16  }
0x8: {  	s18 =	simm.s32 $0xC200;
	s20 =	simm.s32 $0xC080;
	[dreg:$0xc] =	wrdreg s17  }
0x9: {  	s11 =	simm.s32 $0xC280;
	s22 =	simm.s32 $0xC100;
	[dreg:$0xd] =	wrdreg s18  }
0xa: {  	s10 =	smul.u32 $0x1F80, s0;
	s9 =	sshll.u32 s0, $0x6;
	[dreg:$0xe] =	wrdreg s20  }
0xb: {  	s7 =	smul.u32 $0x1F800, s1;
	s6 =	sadd.s32 s6, s21;
	[dreg:$0xf] =	wrdreg s11  }
0xc: {  	s19 =	sadd.s32 s10, s3;
	[dreg:$0x10] =	wrdreg s22;
	s8 =	sadd.s32 $0xAA00, s6  }
0xd: {  	s7 =	sadd.s32 s10, s7;
	s12 =	sadd.s32 $0xA000, s6;
	[dreg:$0x5] =	wrdreg s8  }
0xe: {  	s7 =	sshrl.u32 s7, $0x3;
	s13 =	sadd.s32 $0x9600, s6;
	[dreg:$0x6] =	wrdreg s12  }
0xf: {  	s7 =	sadd.s32 s7, s21;
	s6 =	sadd.s32 $0x8C00, s6;
	[dreg:$0x7] =	wrdreg s13  }
0x10: {  	[dreg:$0x8] =	wrdreg s6;
	s14 =	sadd.s32 $0x32600, s7;
	s15 =	sadd.s32 $0x47400, s7  }
0x11: {  	s6 =	sadd.s32 $0x4800, s21;
	s7 =	sor.u32 $0x1C03, s9;
	[dreg:$0x9] =	wrdreg s14  }
0x12: {  	s9 =	sshrl.u32 s19, $0x3;
	s8 =	simm.s32 $0x3;
	[dreg:$0xa] =	wrdreg s15  }
0x13: {  	[spmem:s9], [sflag:s7] =	dma.local [hbm:s6], $0x3F0  }
0x14: {  	_ =	swait.ge [sflag:s8], $0x3F0  }
0x15: {  	s10 =	sadd.s32 s10, s4;
	[sflag:s8] =	ssyncset.done $0x0  }
0x16: {  	s10 =	sshrl.u32 s10, $0x3;
	[sflag:s8] =	ssyncadd.s32 $0xFFFFFC10  }
0x17: {  	[spmem:s10], [sflag:s7] =	dma.local [hbm:s6], $0x3F0  }
0x18: {  	_ =	swait.ge [sflag:s8], $0x3F0  }
0x19: {  	[sflag:s8] =	ssyncset.done $0x0  }
0x1a: {  	[sflag:s8] =	ssyncadd.s32 $0xFFFFFC10  }
0x1b: {  	[bflag:$0x0] =	sbarrier.arrive $0xFFFF  }
0x1c: {  	s11 =	simm.s32 $0xBF00;
	s12 =	rddreg [dreg:$0x5]  }
0x1d: {  	[tilespmem:s11], [sflag:$0x3] =	stream.linear.gather [hbm4b:s12+s5], $0x280, $0x38;
	[tilespmem:$0xC900] =	vst v63  }
0x1e: {  	_ =	swait.ge [sflag:s8], $0x280  }
0x1f: {  	[sflag:s8] =	ssyncset.done $0x0  }
0x20: {  	s12 =	simm.s32 $0xC180;
	s13 =	rddreg [dreg:$0x6];
	[sflag:s8] =	ssyncadd.s32 $0xFFFFFD80  }
0x21: {  	[tilespmem:s12], [sflag:$0x3] =	stream.linear.gather [hbm4b:s13+s5], $0x280, $0x38;
	[tilespmem:$0xC900] =	vst v63  }
0x22: {  	_ =	swait.ge [sflag:s8], $0x280  }
0x23: {  	[sflag:s8] =	ssyncset.done $0x0  }
0x24: {  	s13 =	simm.s32 $0xC400;
	s14 =	rddreg [dreg:$0x7];
	[sflag:s8] =	ssyncadd.s32 $0xFFFFFD80  }
0x25: {  	[tilespmem:s13], [sflag:$0x3] =	stream.linear.gather [hbm4b:s14+s5], $0x280, $0x38;
	[tilespmem:$0xC900] =	vst v63  }
0x26: {  	_ =	swait.ge [sflag:s8], $0x280  }
0x27: {  	[sflag:s8] =	ssyncset.done $0x0  }
0x28: {  	s14 =	simm.s32 $0xC680;
	s15 =	rddreg [dreg:$0x8];
	[sflag:s8] =	ssyncadd.s32 $0xFFFFFD80  }
0x29: {  	[tilespmem:s14], [sflag:$0x3] =	stream.linear.gather [hbm4b:s15+s5], $0x280, $0x38;
	[tilespmem:$0xC900] =	vst v63  }
0x2a: {  	_ =	swait.ge [sflag:s8], $0x280  }
0x2b: {  	s16 =	simm.s32 $0x3F00;
	[sflag:s8] =	ssyncset.done $0x0  }
0x2c: {  	s17 =	simm.s32 $0x1;
	s15 =	simm.s32 $0x80;
	[sflag:s8] =	ssyncadd.s32 $0xFFFFFD80  }
0x2d: {  	[tilespmem:s16], [sflag:$0x1] =	stream.indirect.gather [hbm4b:s2+s15], $0x80, s11, s15, $0xb8;
	[tilespmem:$0xC900] =	vst v63  }
0x2e: {  	_ =	swait.ge [sflag:s17], $0x4000  }
0x2f: {  	[sflag:s17] =	ssyncset.done $0x0  }
0x30: {  	s18 =	simm.s32 $0x7F00;
	s19 =	rddreg [dreg:$0xb];
	[sflag:s17] =	ssyncadd.s32 $0xFFFFC000  }
0x31: {  	[tilespmem:s18], [sflag:$0x2] =	stream.indirect.gather [hbm4b:s2+s15], $0x80, s19, s15, $0xb8;
	[tilespmem:$0xC900] =	vst v63  }
0x32: {  	_ = 	snop  }
0x33: {  	[spmem:s3] =	stream.indirect.scatter.add.f32 [tilespmem:s16], [sflag:$0x3], $0x80, s12, s15, $0xb8;
	[tilespmem:$0xC900] =	vst v63  }
0x34: {  	_ =	swait.ge [sflag:s8], $0x4000  }
0x35: {  	[sflag:s8] =	ssyncset.done $0x0  }
0x36: {  	s19 =	simm.s32 $0x2;
	[sflag:s8] =	ssyncadd.s32 $0xFFFFC000  }
0x37: {  	_ =	swait.ge [sflag:s19], $0x4000  }
0x38: {  	[sflag:s19] =	ssyncset.done $0x0  }
0x39: {  	s20 =	rddreg [dreg:$0xc];
	[sflag:s19] =	ssyncadd.s32 $0xFFFFC000  }
0x3a: {  	[tilespmem:s16], [sflag:$0x1] =	stream.indirect.gather [hbm4b:s2+s15], $0x80, s20, s15, $0xb8;
	[tilespmem:$0xC900] =	vst v63  }
0x3b: {  	s22 =	rddreg [dreg:$0xd]  }
0x3c: {  	[spmem:s3] =	stream.indirect.scatter.add.f32 [tilespmem:s18], [sflag:$0x3], $0x80, s22, s15, $0xb8;
	[tilespmem:$0xC900] =	vst v63  }
0x3d: {  	_ =	swait.ge [sflag:s8], $0x4000  }
0x3e: {  	[sflag:s8] =	ssyncset.done $0x0  }
0x3f: {  	[sflag:s8] =	ssyncadd.s32 $0xFFFFC000  }
0x40: {  	_ =	swait.ge [sflag:s17], $0x4000  }
0x41: {  	[sflag:s17] =	ssyncset.done $0x0  }
0x42: {  	s23 =	rddreg [dreg:$0xe];
	[sflag:s17] =	ssyncadd.s32 $0xFFFFC000  }
0x43: {  	[tilespmem:s18], [sflag:$0x2] =	stream.indirect.gather [hbm4b:s2+s15], $0x80, s23, s15, $0xb8;
	[tilespmem:$0xC900] =	vst v63  }
0x44: {  	s24 =	rddreg [dreg:$0xf]  }
0x45: {  	[spmem:s3] =	stream.indirect.scatter.add.f32 [tilespmem:s16], [sflag:$0x3], $0x80, s24, s15, $0xb8;
	[tilespmem:$0xC900] =	vst v63  }
0x46: {  	_ =	swait.ge [sflag:s8], $0x4000  }
0x47: {  	[sflag:s8] =	ssyncset.done $0x0  }
0x48: {  	[sflag:s8] =	ssyncadd.s32 $0xFFFFC000  }
0x49: {  	_ =	swait.ge [sflag:s19], $0x4000  }
0x4a: {  	[sflag:s19] =	ssyncset.done $0x0  }
0x4b: {  	s25 =	rddreg [dreg:$0x10];
	[sflag:s19] =	ssyncadd.s32 $0xFFFFC000  }
0x4c: {  	[tilespmem:s16], [sflag:$0x1] =	stream.indirect.gather [hbm4b:s2+s15], $0x80, s25, s15, $0xb8;
	[tilespmem:$0xC900] =	vst v63  }
0x4d: {  	s26 =	simm.s32 $0xC300  }
0x4e: {  	[spmem:s3] =	stream.indirect.scatter.add.f32 [tilespmem:s18], [sflag:$0x3], $0x80, s26, s15, $0xb8;
	[tilespmem:$0xC900] =	vst v63  }
0x4f: {  	_ =	swait.ge [sflag:s8], $0x4000  }
0x50: {  	[sflag:s8] =	ssyncset.done $0x0  }
0x51: {  	[sflag:s8] =	ssyncadd.s32 $0xFFFFC000  }
0x52: {  	_ =	swait.ge [sflag:s17], $0x4000  }
0x53: {  	[sflag:s17] =	ssyncset.done $0x0  }
0x54: {  	s21 =	sadd.s32 $0xB400, s21;
	[sflag:s17] =	ssyncadd.s32 $0xFFFFC000  }
0x55: {  	[tilespmem:s18], [sflag:$0x2] =	stream.indirect.gather [hbm4b:s21+s15], $0x80, s13, s15, $0xb8;
	[tilespmem:$0xC900] =	vst v63  }
0x56: {  	s22 =	simm.s32 $0xC380  }
0x57: {  	[spmem:s3] =	stream.indirect.scatter.add.f32 [tilespmem:s16], [sflag:$0x3], $0x80, s22, s15, $0xb8;
	[tilespmem:$0xC900] =	vst v63  }
0x58: {  	_ =	swait.ge [sflag:s8], $0x4000  }
0x59: {  	[sflag:s8] =	ssyncset.done $0x0  }
0x5a: {  	[sflag:s8] =	ssyncadd.s32 $0xFFFFC000  }
0x5b: {  	_ =	swait.ge [sflag:s19], $0x4000  }
0x5c: {  	[sflag:s19] =	ssyncset.done $0x0  }
0x5d: {  	s23 =	simm.s32 $0xC480;
	[sflag:s19] =	ssyncadd.s32 $0xFFFFC000  }
0x5e: {  	[tilespmem:s16], [sflag:$0x1] =	stream.indirect.gather [hbm4b:s21+s15], $0x80, s23, s15, $0xb8;
	[tilespmem:$0xC900] =	vst v63  }
0x5f: {  	_ = 	snop  }
0x60: {  	[spmem:s4] =	stream.indirect.scatter.add.f32 [tilespmem:s18], [sflag:$0x3], $0x80, s14, s15, $0xb8;
	[tilespmem:$0xC900] =	vst v63  }
0x61: {  	_ =	swait.ge [sflag:s8], $0x4000  }
0x62: {  	[sflag:s8] =	ssyncset.done $0x0  }
0x63: {  	[sflag:s8] =	ssyncadd.s32 $0xFFFFC000  }
0x64: {  	_ =	swait.ge [sflag:s17], $0x4000  }
0x65: {  	[sflag:s17] =	ssyncset.done $0x0  }
0x66: {  	s24 =	simm.s32 $0xC500;
	[sflag:s17] =	ssyncadd.s32 $0xFFFFC000  }
0x67: {  	[tilespmem:s18], [sflag:$0x2] =	stream.indirect.gather [hbm4b:s21+s15], $0x80, s24, s15, $0xb8;
	[tilespmem:$0xC900] =	vst v63  }
0x68: {  	s25 =	simm.s32 $0xC700  }
0x69: {  	[spmem:s4] =	stream.indirect.scatter.add.f32 [tilespmem:s16], [sflag:$0x3], $0x80, s25, s15, $0xb8;
	[tilespmem:$0xC900] =	vst v63  }
0x6a: {  	_ =	swait.ge [sflag:s8], $0x4000  }
0x6b: {  	[sflag:s8] =	ssyncset.done $0x0  }
0x6c: {  	[sflag:s8] =	ssyncadd.s32 $0xFFFFC000  }
0x6d: {  	_ =	swait.ge [sflag:s19], $0x4000  }
0x6e: {  	[sflag:s19] =	ssyncset.done $0x0  }
0x6f: {  	s26 =	simm.s32 $0xC580;
	[sflag:s19] =	ssyncadd.s32 $0xFFFFC000  }
0x70: {  	[tilespmem:s16], [sflag:$0x1] =	stream.indirect.gather [hbm4b:s21+s15], $0x80, s26, s15, $0xb8;
	[tilespmem:$0xC900] =	vst v63  }
0x71: {  	s28 =	simm.s32 $0xC780  }
0x72: {  	[spmem:s4] =	stream.indirect.scatter.add.f32 [tilespmem:s18], [sflag:$0x3], $0x80, s28, s15, $0xb8;
	[tilespmem:$0xC900] =	vst v63  }
0x73: {  	_ =	swait.ge [sflag:s8], $0x4000  }
0x74: {  	[sflag:s8] =	ssyncset.done $0x0  }
0x75: {  	[sflag:s8] =	ssyncadd.s32 $0xFFFFC000  }
0x76: {  	_ =	swait.ge [sflag:s17], $0x4000  }
0x77: {  	[sflag:s17] =	ssyncset.done $0x0  }
0x78: {  	s29 =	simm.s32 $0xC600;
	[sflag:s17] =	ssyncadd.s32 $0xFFFFC000  }
0x79: {  	[tilespmem:s18], [sflag:$0x2] =	stream.indirect.gather [hbm4b:s21+s15], $0x80, s29, s15, $0xb8;
	[tilespmem:$0xC900] =	vst v63  }
0x7a: {  	s30 =	simm.s32 $0xC800  }
0x7b: {  	[spmem:s4] =	stream.indirect.scatter.add.f32 [tilespmem:s16], [sflag:$0x3], $0x80, s30, s15, $0xb8;
	[tilespmem:$0xC900] =	vst v63  }
0x7c: {  	_ =	swait.ge [sflag:s8], $0x4000  }
0x7d: {  	[sflag:s8] =	ssyncset.done $0x0  }
0x7e: {  	[sflag:s8] =	ssyncadd.s32 $0xFFFFC000  }
0x7f: {  	_ =	swait.ge [sflag:s19], $0x4000  }
0x80: {  	[sflag:s19] =	ssyncset.done $0x0  }
0x81: {  	s31 =	simm.s32 $0xC880;
	[sflag:s19] =	ssyncadd.s32 $0xFFFFC000  }
0x82: {  	[spmem:s4] =	stream.indirect.scatter.add.f32 [tilespmem:s18], [sflag:$0x3], $0x80, s31, s15, $0xb8;
	[tilespmem:$0xC900] =	vst v63  }
0x83: {  	_ =	swait.ge [sflag:s8], $0x4000  }
0x84: {  	s0 =	ssub.s32 $0x2, s1;
	[sflag:s8] =	ssyncset.done $0x0  }
0x85: {  	s1 =	sshrl.u32 s0, $0x1;
	[sflag:s8] =	ssyncadd.s32 $0xFFFFC000  }
0x86: {  	s0 =	ssub.s32 s0, s1;
	[bflag:$0x0] =	sbarrier.arrive $0xFFFF  }
0x87: {  	s0 =	smax.u32 s0, $0x1;
	s20 =	rddreg [dreg:$0x9]  }
0x88: {  	[hbm:s20], [sflag:s7] =	dma.local [spmem:s9], $0x3F0  }
0x89: {  	p0 =	sne.s32 s0, $0x1;
	_ =	swait.ge [sflag:s8], $0x3F0  }
.Ltmp0:
0x8a: {  	[sflag:s8] =	ssyncset.done $0x0;
	(pc) =	sbr.rel @!p0 .LBB2_2-.Ltmp0, $4  }
0x8b: {  	s20 =	rddreg [dreg:$0xa];
	[sflag:s8] =	ssyncadd.s32 $0xFFFFFC10  }
0x8c: {  	[hbm:s20], [sflag:s7] =	dma.local [spmem:s10], $0x3F0  }
0x8d: {  	_ =	swait.ge [sflag:s8], $0x3F0  }
0x8e: {  	s1 =	sadd.s32 $0xFFFFFFFF, s0;
	[sflag:s8] =	ssyncset.done $0x0  }
.LBB2_1:
0x8f: {  	[sflag:s8] =	ssyncadd.s32 $0xFFFFFC10  }
0x90: {  	[spmem:s9], [sflag:s7] =	dma.local [hbm:s6], $0x3F0  }
0x91: {  	_ =	swait.ge [sflag:s8], $0x3F0  }
0x92: {  	[sflag:s8] =	ssyncset.done $0x0  }
0x93: {  	[sflag:s8] =	ssyncadd.s32 $0xFFFFFC10  }
0x94: {  	[spmem:s10], [sflag:s7] =	dma.local [hbm:s6], $0x3F0  }
0x95: {  	_ =	swait.ge [sflag:s8], $0x3F0  }
0x96: {  	[sflag:s8] =	ssyncset.done $0x0  }
0x97: {  	[sflag:s8] =	ssyncadd.s32 $0xFFFFFC10  }
0x98: {  	[bflag:$0x0] =	sbarrier.arrive $0xFFFF  }
0x99: {  	s0 =	rddreg [dreg:$0x5]  }
0x9a: {  	[tilespmem:s11], [sflag:$0x3] =	stream.linear.gather [hbm4b:s0+s5], $0x280, $0x38;
	[tilespmem:$0xC900] =	vst v63  }
0x9b: {  	_ =	swait.ge [sflag:s8], $0x280  }
0x9c: {  	[sflag:s8] =	ssyncset.done $0x0  }
0x9d: {  	s20 =	rddreg [dreg:$0x6];
	[sflag:s8] =	ssyncadd.s32 $0xFFFFFD80  }
0x9e: {  	[tilespmem:s12], [sflag:$0x3] =	stream.linear.gather [hbm4b:s20+s5], $0x280, $0x38;
	[tilespmem:$0xC900] =	vst v63  }
0x9f: {  	_ =	swait.ge [sflag:s8], $0x280  }
0xa0: {  	[sflag:s8] =	ssyncset.done $0x0  }
0xa1: {  	s20 =	rddreg [dreg:$0x7];
	[sflag:s8] =	ssyncadd.s32 $0xFFFFFD80  }
0xa2: {  	[tilespmem:s13], [sflag:$0x3] =	stream.linear.gather [hbm4b:s20+s5], $0x280, $0x38;
	[tilespmem:$0xC900] =	vst v63  }
0xa3: {  	_ =	swait.ge [sflag:s8], $0x280  }
0xa4: {  	[sflag:s8] =	ssyncset.done $0x0  }
0xa5: {  	s20 =	rddreg [dreg:$0x8];
	[sflag:s8] =	ssyncadd.s32 $0xFFFFFD80  }
0xa6: {  	[tilespmem:s14], [sflag:$0x3] =	stream.linear.gather [hbm4b:s20+s5], $0x280, $0x38;
	[tilespmem:$0xC900] =	vst v63  }
0xa7: {  	_ =	swait.ge [sflag:s8], $0x280  }
0xa8: {  	[sflag:s8] =	ssyncset.done $0x0  }
0xa9: {  	[sflag:s8] =	ssyncadd.s32 $0xFFFFFD80  }
0xaa: {  	[tilespmem:s16], [sflag:$0x1] =	stream.indirect.gather [hbm4b:s2+s15], $0x80, s11, s15, $0xb8;
	[tilespmem:$0xC900] =	vst v63  }
0xab: {  	_ =	swait.ge [sflag:s17], $0x4000  }
0xac: {  	[sflag:s17] =	ssyncset.done $0x0  }
0xad: {  	s20 =	rddreg [dreg:$0xb];
	[sflag:s17] =	ssyncadd.s32 $0xFFFFC000  }
0xae: {  	[tilespmem:s18], [sflag:$0x2] =	stream.indirect.gather [hbm4b:s2+s15], $0x80, s20, s15, $0xb8;
	[tilespmem:$0xC900] =	vst v63  }
0xaf: {  	_ = 	snop  }
0xb0: {  	[spmem:s3] =	stream.indirect.scatter.add.f32 [tilespmem:s16], [sflag:$0x3], $0x80, s12, s15, $0xb8;
	[tilespmem:$0xC900] =	vst v63  }
0xb1: {  	_ =	swait.ge [sflag:s8], $0x4000  }
0xb2: {  	[sflag:s8] =	ssyncset.done $0x0  }
0xb3: {  	[sflag:s8] =	ssyncadd.s32 $0xFFFFC000  }
0xb4: {  	_ =	swait.ge [sflag:s19], $0x4000  }
0xb5: {  	[sflag:s19] =	ssyncset.done $0x0  }
0xb6: {  	s0 =	rddreg [dreg:$0xc];
	[sflag:s19] =	ssyncadd.s32 $0xFFFFC000  }
0xb7: {  	[tilespmem:s16], [sflag:$0x1] =	stream.indirect.gather [hbm4b:s2+s15], $0x80, s0, s15, $0xb8;
	[tilespmem:$0xC900] =	vst v63  }
0xb8: {  	s20 =	rddreg [dreg:$0xd]  }
0xb9: {  	[spmem:s3] =	stream.indirect.scatter.add.f32 [tilespmem:s18], [sflag:$0x3], $0x80, s20, s15, $0xb8;
	[tilespmem:$0xC900] =	vst v63  }
0xba: {  	_ =	swait.ge [sflag:s8], $0x4000  }
0xbb: {  	[sflag:s8] =	ssyncset.done $0x0  }
0xbc: {  	[sflag:s8] =	ssyncadd.s32 $0xFFFFC000  }
0xbd: {  	_ =	swait.ge [sflag:s17], $0x4000  }
0xbe: {  	[sflag:s17] =	ssyncset.done $0x0  }
0xbf: {  	s0 =	rddreg [dreg:$0xe];
	[sflag:s17] =	ssyncadd.s32 $0xFFFFC000  }
0xc0: {  	[tilespmem:s18], [sflag:$0x2] =	stream.indirect.gather [hbm4b:s2+s15], $0x80, s0, s15, $0xb8;
	[tilespmem:$0xC900] =	vst v63  }
0xc1: {  	s20 =	rddreg [dreg:$0xf]  }
0xc2: {  	[spmem:s3] =	stream.indirect.scatter.add.f32 [tilespmem:s16], [sflag:$0x3], $0x80, s20, s15, $0xb8;
	[tilespmem:$0xC900] =	vst v63  }
0xc3: {  	_ =	swait.ge [sflag:s8], $0x4000  }
0xc4: {  	[sflag:s8] =	ssyncset.done $0x0  }
0xc5: {  	[sflag:s8] =	ssyncadd.s32 $0xFFFFC000  }
0xc6: {  	_ =	swait.ge [sflag:s19], $0x4000  }
0xc7: {  	[sflag:s19] =	ssyncset.done $0x0  }
0xc8: {  	s20 =	rddreg [dreg:$0x10];
	[sflag:s19] =	ssyncadd.s32 $0xFFFFC000  }
0xc9: {  	[tilespmem:s16], [sflag:$0x1] =	stream.indirect.gather [hbm4b:s2+s15], $0x80, s20, s15, $0xb8;
	[tilespmem:$0xC900] =	vst v63  }
0xca: {  	s20 =	simm.s32 $0xC300  }
0xcb: {  	[spmem:s3] =	stream.indirect.scatter.add.f32 [tilespmem:s18], [sflag:$0x3], $0x80, s20, s15, $0xb8;
	[tilespmem:$0xC900] =	vst v63  }
0xcc: {  	_ =	swait.ge [sflag:s8], $0x4000  }
0xcd: {  	[sflag:s8] =	ssyncset.done $0x0  }
0xce: {  	[sflag:s8] =	ssyncadd.s32 $0xFFFFC000  }
0xcf: {  	_ =	swait.ge [sflag:s17], $0x4000  }
0xd0: {  	[sflag:s17] =	ssyncset.done $0x0  }
0xd1: {  	[sflag:s17] =	ssyncadd.s32 $0xFFFFC000  }
0xd2: {  	[tilespmem:s18], [sflag:$0x2] =	stream.indirect.gather [hbm4b:s21+s15], $0x80, s13, s15, $0xb8;
	[tilespmem:$0xC900] =	vst v63  }
0xd3: {  	_ = 	snop  }
0xd4: {  	[spmem:s3] =	stream.indirect.scatter.add.f32 [tilespmem:s16], [sflag:$0x3], $0x80, s22, s15, $0xb8;
	[tilespmem:$0xC900] =	vst v63  }
0xd5: {  	_ =	swait.ge [sflag:s8], $0x4000  }
0xd6: {  	[sflag:s8] =	ssyncset.done $0x0  }
0xd7: {  	[sflag:s8] =	ssyncadd.s32 $0xFFFFC000  }
0xd8: {  	_ =	swait.ge [sflag:s19], $0x4000  }
0xd9: {  	[sflag:s19] =	ssyncset.done $0x0  }
0xda: {  	[sflag:s19] =	ssyncadd.s32 $0xFFFFC000  }
0xdb: {  	[tilespmem:s16], [sflag:$0x1] =	stream.indirect.gather [hbm4b:s21+s15], $0x80, s23, s15, $0xb8;
	[tilespmem:$0xC900] =	vst v63  }
0xdc: {  	_ = 	snop  }
0xdd: {  	[spmem:s4] =	stream.indirect.scatter.add.f32 [tilespmem:s18], [sflag:$0x3], $0x80, s14, s15, $0xb8;
	[tilespmem:$0xC900] =	vst v63  }
0xde: {  	_ =	swait.ge [sflag:s8], $0x4000  }
0xdf: {  	[sflag:s8] =	ssyncset.done $0x0  }
0xe0: {  	[sflag:s8] =	ssyncadd.s32 $0xFFFFC000  }
0xe1: {  	_ =	swait.ge [sflag:s17], $0x4000  }
0xe2: {  	[sflag:s17] =	ssyncset.done $0x0  }
0xe3: {  	[sflag:s17] =	ssyncadd.s32 $0xFFFFC000  }
0xe4: {  	[tilespmem:s18], [sflag:$0x2] =	stream.indirect.gather [hbm4b:s21+s15], $0x80, s24, s15, $0xb8;
	[tilespmem:$0xC900] =	vst v63  }
0xe5: {  	_ = 	snop  }
0xe6: {  	[spmem:s4] =	stream.indirect.scatter.add.f32 [tilespmem:s16], [sflag:$0x3], $0x80, s25, s15, $0xb8;
	[tilespmem:$0xC900] =	vst v63  }
0xe7: {  	_ =	swait.ge [sflag:s8], $0x4000  }
0xe8: {  	[sflag:s8] =	ssyncset.done $0x0  }
0xe9: {  	[sflag:s8] =	ssyncadd.s32 $0xFFFFC000  }
0xea: {  	_ =	swait.ge [sflag:s19], $0x4000  }
0xeb: {  	[sflag:s19] =	ssyncset.done $0x0  }
0xec: {  	[sflag:s19] =	ssyncadd.s32 $0xFFFFC000  }
0xed: {  	[tilespmem:s16], [sflag:$0x1] =	stream.indirect.gather [hbm4b:s21+s15], $0x80, s26, s15, $0xb8;
	[tilespmem:$0xC900] =	vst v63  }
0xee: {  	_ = 	snop  }
0xef: {  	[spmem:s4] =	stream.indirect.scatter.add.f32 [tilespmem:s18], [sflag:$0x3], $0x80, s28, s15, $0xb8;
	[tilespmem:$0xC900] =	vst v63  }
0xf0: {  	_ =	swait.ge [sflag:s8], $0x4000  }
0xf1: {  	[sflag:s8] =	ssyncset.done $0x0  }
0xf2: {  	[sflag:s8] =	ssyncadd.s32 $0xFFFFC000  }
0xf3: {  	_ =	swait.ge [sflag:s17], $0x4000  }
0xf4: {  	[sflag:s17] =	ssyncset.done $0x0  }
0xf5: {  	[sflag:s17] =	ssyncadd.s32 $0xFFFFC000  }
0xf6: {  	[tilespmem:s18], [sflag:$0x2] =	stream.indirect.gather [hbm4b:s21+s15], $0x80, s29, s15, $0xb8;
	[tilespmem:$0xC900] =	vst v63  }
0xf7: {  	_ = 	snop  }
0xf8: {  	[spmem:s4] =	stream.indirect.scatter.add.f32 [tilespmem:s16], [sflag:$0x3], $0x80, s30, s15, $0xb8;
	[tilespmem:$0xC900] =	vst v63  }
0xf9: {  	_ =	swait.ge [sflag:s8], $0x4000  }
0xfa: {  	[sflag:s8] =	ssyncset.done $0x0  }
0xfb: {  	[sflag:s8] =	ssyncadd.s32 $0xFFFFC000  }
0xfc: {  	_ =	swait.ge [sflag:s19], $0x4000  }
0xfd: {  	[sflag:s19] =	ssyncset.done $0x0  }
0xfe: {  	[sflag:s19] =	ssyncadd.s32 $0xFFFFC000  }
0xff: {  	[spmem:s4] =	stream.indirect.scatter.add.f32 [tilespmem:s18], [sflag:$0x3], $0x80, s31, s15, $0xb8;
	[tilespmem:$0xC900] =	vst v63  }
0x100: {  	_ =	swait.ge [sflag:s8], $0x4000  }
0x101: {  	[sflag:s8] =	ssyncset.done $0x0  }
0x102: {  	[sflag:s8] =	ssyncadd.s32 $0xFFFFC000  }
0x103: {  	[bflag:$0x0] =	sbarrier.arrive $0xFFFF  }
0x104: {  	s20 =	rddreg [dreg:$0x9]  }
0x105: {  	[hbm:s20], [sflag:s7] =	dma.local [spmem:s9], $0x3F0  }
0x106: {  	p0 =	sne.s32 s1, $0x1;
	_ =	swait.ge [sflag:s8], $0x3F0  }
.Ltmp1:
0x107: {  	[sflag:s8] =	ssyncset.done $0x0;
	(pc) =	sbr.rel @p0 .LBB2_1-.Ltmp1, $4  }
0x108: {  	s20 =	rddreg [dreg:$0xa];
	[sflag:s8] =	ssyncadd.s32 $0xFFFFFC10  }
0x109: {  	[hbm:s20], [sflag:s7] =	dma.local [spmem:s10], $0x3F0  }
0x10a: {  	_ =	swait.ge [sflag:s8], $0x3F0  }
0x10b: {  	s1 =	sadd.s32 $0xFFFFFFFF, s1;
	[sflag:s8] =	ssyncset.done $0x0  }
.LBB2_2:
0x10c: {  	[sflag:s8] =	ssyncadd.s32 $0xFFFFFC10  }
0x10d: {  	_ =	sfence.sel $0x180000  }
0x10e: {  	[bflag:$0x0] =	sbarrier.arrive $0xFFFF  }
0x10f: {  	_ =	strace $0x9000004D  }
0x110: {  	s0 =	stileid.u32;
	[bflag:$0x2] =	sbarrier.arrive $0xFFFF  }
0x111: {  	p0 =	sne.s32 s0, $0x0;
	s0 =	rddreg [dreg:$0x4]  }
0x112: {  	s0 =	sadd.s32 @!p0 $0x100000, s0  }
0x113: {  	[sflag:s0] =	ssyncadd.tile.s32 @!p0 $0x1;
	_ =	shalt  }
.Lfunc_end2:
_tile_overlayer_lowered:
.L_overlay_start_2:
0x114: {  	(tag) =	ssettag $0x2  }
0x115: {  	s0 =	rddreg [dreg:$0x0];
	s2 =	stileid.u32  }
0x116: {  	s1 =	rddreg [dreg:$0x1];
	p0 =	sne.s32 s2, $0x0  }
0x117: {  	s3 =	rddreg [dreg:$0x2];
	[bflag:$0x3] =	sbarrier.arrive $0xFFFF;
	s2 =	simm.s32 @!p0 $0x1C03  }
0x118: {  	[timem:s3], [sflag:s2] =	dma.local @!p0 [hbm:s0], s1  }
0x119: {  	s0 =	simm.s32 @!p0 $0x3  }
0x11a: {  	_ =	swait.ge @!p0 [sflag:s0], s1  }
0x11b: {  	s1 =	ssub.s32 @!p0 $0x0, s1;
	[sflag:s0] =	ssyncset.done @!p0 $0x0  }
0x11c: {  	[sflag:s0] =	ssyncadd.s32 @!p0 s1  }
0x11d: {  	[bflag:$0x3] =	sbarrier.arrive $0xFFFF  }
0x11e: {  	_ =	shalt  }

</sc_bundles>
